<compile_context>
chip_gen: v7x
topology: tpu7x:2x2x1
jax: 0.10.2.dev20260603
libtpu: 0.0.44.dev20260713+nightly
codegen_flags: <defaults>
</compile_context>

<pallas_src>
import jax
import jax.numpy as jnp
from jax import lax
from jax.experimental import pallas as pl
from jax.experimental.pallas import tpu as pltpu
from jax.experimental.pallas import tpu_sc as plsc

N = 100000
E = 1600000
C = 40
ALPHA = 0.9
BETA = 1.0 - ALPHA

NC = 2
NS = 16
NG = 4
CPG = 10
W = 16

NPAD = 100352
TPN = NPAD // NS
NB = 224
NCH = TPN // NB
HALF = NPAD // 2
FPT = HALF // NS
FCH = FPT // NB

RPAD = 12544
EPAD = RPAD * 128
RT = RPAD // NS
AKK = 16
BKK = 4

_f32 = jnp.float32
_i32 = jnp.int32


def _rsqrt16(d):
    i = lax.bitcast_convert_type(d, _i32)
    i = jnp.int32(0x5F3759DF) - jnp.right_shift(i, 1)
    z = lax.bitcast_convert_type(i, _f32)
    for _ in range(3):
        z = z * (1.5 - 0.5 * d * z * z)
    return z


def _deg_body(dst2d, labels, maskv, fa, fb, fc, h0,
              deg, didx, ones, dbuf, lb, mb, fab, fbb, fcb, ob, ssem):
    cid = lax.axis_index("c")
    sid = lax.axis_index("s")
    zero16 = jnp.zeros((16,), _f32)
    one16 = jnp.ones((16,), _f32)
    iota16 = lax.iota(_i32, 16)
    for i in range(8):
        ones[pl.ds(16 * i, 16)] = one16
    for i in range(NB // 16):
        dbuf[pl.ds(16 * i, 16)] = zero16
    def _zero(u, c):
        pltpu.sync_copy(dbuf, deg.at[pl.ds(sid * TPN + u * NB, NB)])
        return c

    lax.fori_loop(0, NCH, _zero, 0)
    plsc.subcore_barrier()

    def _edge(g, carry):
        base = sid * RT + g * AKK
        pltpu.sync_copy(dst2d.at[pl.ds(base, AKK)],
                        didx.at[pl.ds(0, AKK)])
        ds = [pltpu.async_copy(ones, deg.at[didx.at[j]], ssem, add=True)
              for j in range(AKK)]
        for d in ds:
            d.wait()
        return carry

    lax.fori_loop(0, RT // AKK, _edge, 0)
    plsc.subcore_barrier()

    def _fchunk(u, c):
        nb = cid * HALF + sid * FPT + u * NB
        pltpu.sync_copy(deg.at[pl.ds(nb, NB)], dbuf)

        def _fac(v, cc):
            d16 = jnp.maximum(dbuf[pl.ds(16 * v, 16)], 1.0)
            r16 = _rsqrt16(d16)
            fab[pl.ds(16 * v, 16)] = ALPHA / d16
            fbb[pl.ds(16 * v, 16)] = ALPHA * r16
            fcb[pl.ds(16 * v, 16)] = BETA * d16 * r16
            return cc

        lax.fori_loop(0, NB // 16, _fac, 0)
        pltpu.sync_copy(fab, fa.at[pl.ds(nb, NB)])
        pltpu.sync_copy(fbb, fb.at[pl.ds(nb, NB)])
        pltpu.sync_copy(fcb, fc.at[pl.ds(nb, NB)])
        return c

    lax.fori_loop(0, FCH, _fchunk, 0)

    def _hpass(gp, c):
        gabs = 2 * cid + gp

        def _hchunk(u, cc):
            nb = sid * TPN + u * NB
            pltpu.sync_copy(deg.at[pl.ds(nb, NB)], dbuf)
            pltpu.sync_copy(labels.at[pl.ds(nb, NB)], lb)
            pltpu.sync_copy(maskv.at[pl.ds(nb, NB)], mb)

            def _zrow(r, ccc):
                ob[r] = zero16
                return ccc

            lax.fori_loop(0, NB, _zrow, 0)

            def _h0(v, ccc):
                l16 = lb[pl.ds(16 * v, 16)]
                m16 = mb[pl.ds(16 * v, 16)]
                d16 = jnp.maximum(dbuf[pl.ds(16 * v, 16)], 1.0)
                r16 = _rsqrt16(d16)
                col = l16 - CPG * gabs
                valid = (m16 != 0) & (col >= 0) & (col < CPG)
                row = iota16 + 16 * v
                plsc.store_scatter(ob, [row, col], r16, mask=valid)
                return ccc

            lax.fori_loop(0, NB // 16, _h0, 0)
            pltpu.sync_copy(ob, h0.at[pl.ds(gabs * NPAD + nb, NB)])
            return cc

        lax.fori_loop(0, NCH, _hchunk, 0)
        return c

    lax.fori_loop(0, 2, _hpass, 0)


def _prop_body(src4, dst2d, h0, fa, fb, fc, zin, y4, hs,
               agg, sidx, didx, gbuf, ub, hb, f1v, f2v, gsem, ssem):
    cid = lax.axis_index("c")
    sid = lax.axis_index("s")

    for layer in range(3):
        hsrc = h0 if layer == 0 else hs
        last = layer == 2
        dref = y4 if last else hs

        def _pass(gp, carry):
            gabs = 2 * cid + gp
            pltpu.sync_copy(zin, ub)

            def _zero(u, c):
                pltpu.sync_copy(ub, agg.at[pl.ds(sid * TPN + u * NB, NB)])
                return c

            lax.fori_loop(0, NCH, _zero, 0)
            plsc.subcore_barrier()

            NBATCH = RT // BKK

            def _ldidx(b, slot):
                base = sid * RT + b * BKK
                pltpu.sync_copy(dst2d.at[pl.ds(base, BKK)],
                                didx.at[pl.ds(slot * BKK, BKK)])
                pltpu.sync_copy(src4.at[pl.ds(gabs * RPAD + base, BKK)],
                                sidx.at[pl.ds(slot * BKK, BKK)])

            def _fire_gather(slot, par):
                for j in range(BKK):
                    pltpu.async_copy(hsrc.at[sidx.at[slot * BKK + j]],
                                     gbuf.at[par * BKK + j], gsem)

            _ldidx(0, 0)
            _fire_gather(0, 0)
            _ldidx(1, 1)

            def _edge(g, c):
                p = g % 2
                s = g % 3

                @pl.when(g > 0)
                def _():
                    for j in range(BKK):
                        pltpu.make_async_copy(
                            gbuf.at[j], agg.at[didx.at[s * BKK + j]],
                            ssem).wait()

                for j in range(BKK):
                    pltpu.make_async_copy(
                        hsrc.at[sidx.at[s * BKK + j]],
                        gbuf.at[p * BKK + j], gsem).wait()
                    pltpu.async_copy(gbuf.at[p * BKK + j],
                                     agg.at[didx.at[s * BKK + j]],
                                     ssem, add=True)

                @pl.when(g < NBATCH - 1)
                def _():
                    _fire_gather((g + 1) % 3, 1 - p)

                @pl.when(g < NBATCH - 2)
                def _():
                    _ldidx(g + 2, (g + 2) % 3)

                return c

            lax.fori_loop(0, NBATCH, _edge, 0)
            for j in range(BKK):
                pltpu.make_async_copy(
                    gbuf.at[j], agg.at[didx.at[j]], ssem).wait()
            plsc.subcore_barrier()

            def _chunk(u, c):
                nb = sid * TPN + u * NB
                cps = [(hsrc.at[pl.ds(gabs * NPAD + nb, NB)], hb)]
                if not last:
                    cps.append((fa.at[pl.ds(nb, NB)], f1v))
                else:
                    cps.append((fb.at[pl.ds(nb, NB)], f1v))
                    cps.append((fc.at[pl.ds(nb, NB)], f2v))
                ds = [pltpu.async_copy(s, d, gsem) for s, d in cps]
                pltpu.sync_copy(agg.at[pl.ds(nb, NB)], ub)
                for d in ds:
                    d.wait()

                def _upd(i, cc):
                    f16 = f1v[pl.ds(16 * i, 16)]
                    if last:
                        g16 = f2v[pl.ds(16 * i, 16)]
                    for j in range(16):
                        r = 16 * i + j
                        av = ub[r]
                        hv = hb[r]
                        if not last:
                            res = f16[j] * av + BETA * hv
                        else:
                            res = f16[j] * av + g16[j] * hv
                        ub[r] = res
                    return cc

                lax.fori_loop(0, NB // 16, _upd, 0)
                pltpu.sync_copy(ub, dref.at[pl.ds(gabs * NPAD + nb, NB)])
                return c

            lax.fori_loop(0, NCH, _chunk, 0)
            plsc.subcore_barrier()
            return carry

        lax.fori_loop(0, 2, _pass, 0)


_MESH = plsc.VectorSubcoreMesh(core_axis_name="c", subcore_axis_name="s")
_CPARAMS = pltpu.CompilerParams(needs_layout_passes=False,
                                use_tc_tiling_on_sc=False)

_deg_kernel = pl.kernel(
    _deg_body,
    compiler_params=_CPARAMS,
    out_type=(
        jax.ShapeDtypeStruct((NPAD,), _f32),
        jax.ShapeDtypeStruct((NPAD,), _f32),
        jax.ShapeDtypeStruct((NPAD,), _f32),
        jax.ShapeDtypeStruct((NG * NPAD, W), _f32),
    ),
    mesh=_MESH,
    scratch_types=(
        pltpu.VMEM_SHARED((NPAD,), _f32),
        pltpu.VMEM((AKK, 128), _i32),
        pltpu.VMEM((128,), _f32),
        pltpu.VMEM((NB,), _f32),
        pltpu.VMEM((NB,), _i32),
        pltpu.VMEM((NB,), _i32),
        pltpu.VMEM((NB,), _f32),
        pltpu.VMEM((NB,), _f32),
        pltpu.VMEM((NB,), _f32),
        pltpu.VMEM((NB, W), _f32),
        pltpu.SemaphoreType.DMA,
    ),
)

_prop_kernel = pl.kernel(
    _prop_body,
    compiler_params=_CPARAMS,
    out_type=(
        jax.ShapeDtypeStruct((NG * NPAD, W), _f32),
        jax.ShapeDtypeStruct((NG * NPAD, W), _f32),
    ),
    mesh=_MESH,
    scratch_types=(
        pltpu.VMEM_SHARED((NPAD, W), _f32),
        pltpu.VMEM((3 * BKK, 128), _i32),
        pltpu.VMEM((3 * BKK, 128), _i32),
        pltpu.VMEM((2 * BKK, 128, W), _f32),
        pltpu.VMEM((NB, W), _f32),
        pltpu.VMEM((NB, W), _f32),
        pltpu.VMEM((NB,), _f32),
        pltpu.VMEM((NB,), _f32),
        pltpu.SemaphoreType.DMA,
        pltpu.SemaphoreType.DMA,
    ),
)


def kernel(labels, edge_index, mask):
    src = edge_index[0]
    dst = edge_index[1]
    src_p = jnp.concatenate([src, jnp.zeros((EPAD - E,), _i32)])
    dst_p = jnp.concatenate([dst, jnp.full((EPAD - E,), NPAD - 1, _i32)])
    src4 = jnp.concatenate(
        [src_p + g * NPAD for g in range(NG)]).reshape(NG * RPAD, 128)
    dst2d = dst_p.reshape(RPAD, 128)
    labels_p = jnp.concatenate([labels, jnp.zeros((NPAD - N,), _i32)])
    maskv = jnp.concatenate(
        [mask.astype(_i32), jnp.zeros((NPAD - N,), _i32)])
    zin = jnp.zeros((NB, W), _f32)

    fa, fb, fc, h0 = _deg_kernel(dst2d, labels_p, maskv)
    y4, _ = _prop_kernel(src4, dst2d, h0, fa, fb, fc, zin)
    return jnp.concatenate(
        [y4[g * NPAD:g * NPAD + N, :CPG] for g in range(NG)], axis=1)

# --- scband reference (transcript-rebuilt; emitter-appended) ---
"""Pipeline reference for scband-label-propagation-20684562497645 (READ-ONLY COPY).

The authoritative reference and input builder live on the scoring server;
editing this copy changes nothing except your own understanding.
"""

import jax, jax.numpy as jnp
import numpy as np

N = 100000
E = 1600000
C = 40
NUM_LAYERS = 3
ALPHA = 0.9


def setup_inputs(seed: int = 0) -> dict:
    key = jax.random.key(seed)
    k1, k2, k3 = jax.random.split(key, 3)
    labels = jax.random.randint(k1, (N,), 0, C, dtype=jnp.int32)
    edge_index = jax.random.randint(k2, (2, E), 0, N, dtype=jnp.int32)
    mask = jax.random.randint(k3, (N,), 0, 2, dtype=jnp.int32).astype(bool)
    return {"labels": labels, "edge_index": edge_index, "mask": mask}


def reference(labels, edge_index, mask):
    # one-hot labels, zero out unlabeled nodes
    y = jax.nn.one_hot(labels, C, dtype=jnp.float32)
    y = jnp.where(mask[:, None], y, 0.0)
    src = edge_index[0]
    dst = edge_index[1]
    # in-degrees (messages aggregated at dst)
    deg = jnp.bincount(dst, length=N)
    deg = jnp.clip(deg, 1, None).astype(jnp.float32)
    norm = jnp.power(deg, -0.5)[:, None]
    for _ in range(NUM_LAYERS):
        h = norm * y
        # copy_u + sum: gather from src, scatter-add to dst
        agg = jax.ops.segment_sum(h[src], dst, num_segments=N)
        y = ALPHA * norm * agg + (1.0 - ALPHA) * y
    return y

if __name__ == "__main__":
    import jax
    _d = setup_inputs()
    print(jax.jit(kernel)(*tuple(_d.values())))

</pallas_src>

<mosaic_0001>
#map = affine_map<(d0, d1) -> (0, 0)>
#map1 = affine_map<(d0, d1) -> (0)>
module attributes {stable_mosaic.version = 14 : i64} {
  func.func @_deg_body(%arg0: i32, %arg1: i32, %arg2: memref<12544x128xi32, #tpu.memory_space<hbm>>, %arg3: memref<100352xi32, #tpu.memory_space<hbm>>, %arg4: memref<100352xi32, #tpu.memory_space<hbm>>, %arg5: memref<100352xf32, #tpu.memory_space<hbm>>, %arg6: memref<100352xf32, #tpu.memory_space<hbm>>, %arg7: memref<100352xf32, #tpu.memory_space<hbm>>, %arg8: memref<401408x16xf32, #tpu.memory_space<hbm>>, %arg9: memref<100352xf32, #tpu.memory_space<vmem_shared>>, %arg10: memref<16x128xi32, #tpu.memory_space<vmem>>, %arg11: memref<128xf32, #tpu.memory_space<vmem>>, %arg12: memref<224xf32, #tpu.memory_space<vmem>>, %arg13: memref<224xi32, #tpu.memory_space<vmem>>, %arg14: memref<224xi32, #tpu.memory_space<vmem>>, %arg15: memref<224xf32, #tpu.memory_space<vmem>>, %arg16: memref<224xf32, #tpu.memory_space<vmem>>, %arg17: memref<224xf32, #tpu.memory_space<vmem>>, %arg18: memref<224x16xf32, #tpu.memory_space<vmem>>, %arg19: memref<!tpu.dma_semaphore, #tpu.memory_space<semaphore_mem>>) attributes {dimension_semantics = [#tpu.dimension_semantics<core_parallel>, #tpu.dimension_semantics<subcore_parallel>], iteration_bounds = array<i64: 2, 16>, scalar_prefetch = 0 : i64, scratch_operands = 11 : i64, tpu.core_type = #tpu.core_type<sc_vector_subcore>, window_params = [{transform_indices = #map}, {transform_indices = #map1}, {transform_indices = #map1}, {transform_indices = #map1}, {transform_indices = #map1}, {transform_indices = #map1}, {transform_indices = #map}]} {
    %broadcast_in_dim3A = arith.constant 0.000000e+00 : f32
    %broadcast_in_dim3A_0 = vector.broadcast %broadcast_in_dim3A : f32 to vector<16xf32>
    %broadcast_in_dim3A_1 = arith.constant 1.000000e+00 : f32
    %broadcast_in_dim3A_2 = vector.broadcast %broadcast_in_dim3A_1 : f32 to vector<16xf32>
    %iota3A = tpu.iota {dimensions = array<i32: 0>} : vector<16xi32>
    %swap3A = arith.constant 0 : index
    %swap3A_3 = tpu.vector_load %arg11[%swap3A] {strides = array<i32>} : memref<128xf32, #tpu.memory_space<vmem>>, vector<16xf32>,
    tpu.vector_store %arg11[%swap3A], %broadcast_in_dim3A_2 {strides = array<i32>} : memref<128xf32, #tpu.memory_space<vmem>>, vector<16xf32>,
    %swap3A_4 = arith.constant 16 : index
    %swap3A_5 = tpu.vector_load %arg11[%swap3A_4] {strides = array<i32>} : memref<128xf32, #tpu.memory_space<vmem>>, vector<16xf32>,
    tpu.vector_store %arg11[%swap3A_4], %broadcast_in_dim3A_2 {strides = array<i32>} : memref<128xf32, #tpu.memory_space<vmem>>, vector<16xf32>,
    %swap3A_6 = arith.constant 32 : index
    %swap3A_7 = tpu.vector_load %arg11[%swap3A_6] {strides = array<i32>} : memref<128xf32, #tpu.memory_space<vmem>>, vector<16xf32>,
    tpu.vector_store %arg11[%swap3A_6], %broadcast_in_dim3A_2 {strides = array<i32>} : memref<128xf32, #tpu.memory_space<vmem>>, vector<16xf32>,
    %swap3A_8 = arith.constant 48 : index
    %swap3A_9 = tpu.vector_load %arg11[%swap3A_8] {strides = array<i32>} : memref<128xf32, #tpu.memory_space<vmem>>, vector<16xf32>,
    tpu.vector_store %arg11[%swap3A_8], %broadcast_in_dim3A_2 {strides = array<i32>} : memref<128xf32, #tpu.memory_space<vmem>>, vector<16xf32>,
    %swap3A_10 = arith.constant 64 : index
    %swap3A_11 = tpu.vector_load %arg11[%swap3A_10] {strides = array<i32>} : memref<128xf32, #tpu.memory_space<vmem>>, vector<16xf32>,
    tpu.vector_store %arg11[%swap3A_10], %broadcast_in_dim3A_2 {strides = array<i32>} : memref<128xf32, #tpu.memory_space<vmem>>, vector<16xf32>,
    %swap3A_12 = arith.constant 80 : index
    %swap3A_13 = tpu.vector_load %arg11[%swap3A_12] {strides = array<i32>} : memref<128xf32, #tpu.memory_space<vmem>>, vector<16xf32>,
    tpu.vector_store %arg11[%swap3A_12], %broadcast_in_dim3A_2 {strides = array<i32>} : memref<128xf32, #tpu.memory_space<vmem>>, vector<16xf32>,
    %swap3A_14 = arith.constant 96 : index
    %swap3A_15 = tpu.vector_load %arg11[%swap3A_14] {strides = array<i32>} : memref<128xf32, #tpu.memory_space<vmem>>, vector<16xf32>,
    tpu.vector_store %arg11[%swap3A_14], %broadcast_in_dim3A_2 {strides = array<i32>} : memref<128xf32, #tpu.memory_space<vmem>>, vector<16xf32>,
    %swap3A_16 = arith.constant 112 : index
    %swap3A_17 = tpu.vector_load %arg11[%swap3A_16] {strides = array<i32>} : memref<128xf32, #tpu.memory_space<vmem>>, vector<16xf32>,
    tpu.vector_store %arg11[%swap3A_16], %broadcast_in_dim3A_2 {strides = array<i32>} : memref<128xf32, #tpu.memory_space<vmem>>, vector<16xf32>,
    %swap3A_18 = arith.constant 0 : index
    %swap3A_19 = tpu.vector_load %arg12[%swap3A_18] {strides = array<i32>} : memref<224xf32, #tpu.memory_space<vmem>>, vector<16xf32>,
    tpu.vector_store %arg12[%swap3A_18], %broadcast_in_dim3A_0 {strides = array<i32>} : memref<224xf32, #tpu.memory_space<vmem>>, vector<16xf32>,
    %swap3A_20 = arith.constant 16 : index
    %swap3A_21 = tpu.vector_load %arg12[%swap3A_20] {strides = array<i32>} : memref<224xf32, #tpu.memory_space<vmem>>, vector<16xf32>,
    tpu.vector_store %arg12[%swap3A_20], %broadcast_in_dim3A_0 {strides = array<i32>} : memref<224xf32, #tpu.memory_space<vmem>>, vector<16xf32>,
    %swap3A_22 = arith.constant 32 : index
    %swap3A_23 = tpu.vector_load %arg12[%swap3A_22] {strides = array<i32>} : memref<224xf32, #tpu.memory_space<vmem>>, vector<16xf32>,
    tpu.vector_store %arg12[%swap3A_22], %broadcast_in_dim3A_0 {strides = array<i32>} : memref<224xf32, #tpu.memory_space<vmem>>, vector<16xf32>,
    %swap3A_24 = arith.constant 48 : index
    %swap3A_25 = tpu.vector_load %arg12[%swap3A_24] {strides = array<i32>} : memref<224xf32, #tpu.memory_space<vmem>>, vector<16xf32>,
    tpu.vector_store %arg12[%swap3A_24], %broadcast_in_dim3A_0 {strides = array<i32>} : memref<224xf32, #tpu.memory_space<vmem>>, vector<16xf32>,
    %swap3A_26 = arith.constant 64 : index
    %swap3A_27 = tpu.vector_load %arg12[%swap3A_26] {strides = array<i32>} : memref<224xf32, #tpu.memory_space<vmem>>, vector<16xf32>,
    tpu.vector_store %arg12[%swap3A_26], %broadcast_in_dim3A_0 {strides = array<i32>} : memref<224xf32, #tpu.memory_space<vmem>>, vector<16xf32>,
    %swap3A_28 = arith.constant 80 : index
    %swap3A_29 = tpu.vector_load %arg12[%swap3A_28] {strides = array<i32>} : memref<224xf32, #tpu.memory_space<vmem>>, vector<16xf32>,
    tpu.vector_store %arg12[%swap3A_28], %broadcast_in_dim3A_0 {strides = array<i32>} : memref<224xf32, #tpu.memory_space<vmem>>, vector<16xf32>,
    %swap3A_30 = arith.constant 96 : index
    %swap3A_31 = tpu.vector_load %arg12[%swap3A_30] {strides = array<i32>} : memref<224xf32, #tpu.memory_space<vmem>>, vector<16xf32>,
    tpu.vector_store %arg12[%swap3A_30], %broadcast_in_dim3A_0 {strides = array<i32>} : memref<224xf32, #tpu.memory_space<vmem>>, vector<16xf32>,
    %swap3A_32 = arith.constant 112 : index
    %swap3A_33 = tpu.vector_load %arg12[%swap3A_32] {strides = array<i32>} : memref<224xf32, #tpu.memory_space<vmem>>, vector<16xf32>,
    tpu.vector_store %arg12[%swap3A_32], %broadcast_in_dim3A_0 {strides = array<i32>} : memref<224xf32, #tpu.memory_space<vmem>>, vector<16xf32>,
    %swap3A_34 = arith.constant 128 : index
    %swap3A_35 = tpu.vector_load %arg12[%swap3A_34] {strides = array<i32>} : memref<224xf32, #tpu.memory_space<vmem>>, vector<16xf32>,
    tpu.vector_store %arg12[%swap3A_34], %broadcast_in_dim3A_0 {strides = array<i32>} : memref<224xf32, #tpu.memory_space<vmem>>, vector<16xf32>,
    %swap3A_36 = arith.constant 144 : index
    %swap3A_37 = tpu.vector_load %arg12[%swap3A_36] {strides = array<i32>} : memref<224xf32, #tpu.memory_space<vmem>>, vector<16xf32>,
    tpu.vector_store %arg12[%swap3A_36], %broadcast_in_dim3A_0 {strides = array<i32>} : memref<224xf32, #tpu.memory_space<vmem>>, vector<16xf32>,
    %swap3A_38 = arith.constant 160 : index
    %swap3A_39 = tpu.vector_load %arg12[%swap3A_38] {strides = array<i32>} : memref<224xf32, #tpu.memory_space<vmem>>, vector<16xf32>,
    tpu.vector_store %arg12[%swap3A_38], %broadcast_in_dim3A_0 {strides = array<i32>} : memref<224xf32, #tpu.memory_space<vmem>>, vector<16xf32>,
    %swap3A_40 = arith.constant 176 : index
    %swap3A_41 = tpu.vector_load %arg12[%swap3A_40] {strides = array<i32>} : memref<224xf32, #tpu.memory_space<vmem>>, vector<16xf32>,
    tpu.vector_store %arg12[%swap3A_40], %broadcast_in_dim3A_0 {strides = array<i32>} : memref<224xf32, #tpu.memory_space<vmem>>, vector<16xf32>,
    %swap3A_42 = arith.constant 192 : index
    %swap3A_43 = tpu.vector_load %arg12[%swap3A_42] {strides = array<i32>} : memref<224xf32, #tpu.memory_space<vmem>>, vector<16xf32>,
    tpu.vector_store %arg12[%swap3A_42], %broadcast_in_dim3A_0 {strides = array<i32>} : memref<224xf32, #tpu.memory_space<vmem>>, vector<16xf32>,
    %swap3A_44 = arith.constant 208 : index
    %swap3A_45 = tpu.vector_load %arg12[%swap3A_44] {strides = array<i32>} : memref<224xf32, #tpu.memory_space<vmem>>, vector<16xf32>,
    tpu.vector_store %arg12[%swap3A_44], %broadcast_in_dim3A_0 {strides = array<i32>} : memref<224xf32, #tpu.memory_space<vmem>>, vector<16xf32>,
    %scan3A = arith.constant 0 : i32
    %scan3A_46 = arith.constant 0 : i32
    %scan3A_47 = arith.constant 28 : i32
    %scan3A_48 = arith.addi %scan3A_46, %scan3A_47 : i32
    %scan3A_49 = arith.constant 1 : i32
    scf.for %scan3A_70 = %scan3A_46 to %scan3A_48 step %scan3A_49  : i32 {
      %mul3A = arith.constant 6272 : i32
      %mul3A_71 = arith.muli %arg1, %mul3A : i32
      %mul3A_72 = arith.constant 224 : i32
      %mul3A_73 = arith.muli %scan3A_70, %mul3A_72 : i32
      %add3A = arith.addi %mul3A_71, %mul3A_73 : i32
      "tpu.region"() ({
        %run_scoped3A = tpu.sem_alloc : memref<!tpu.dma_semaphore, #tpu.memory_space<semaphore_mem>>
        %dma_start3A = tpu.memref_slice %arg9[%add3A] : memref<100352xf32, #tpu.memory_space<vmem_shared>> -> memref<224xf32, #tpu.memory_space<vmem_shared>>
        %dma_start3A_74 = tpu.memref_slice %arg9[%add3A] : memref<100352xf32, #tpu.memory_space<vmem_shared>> -> memref<224xf32, #tpu.memory_space<vmem_shared>>
        tpu.enqueue_dma source(%arg12 : memref<224xf32, #tpu.memory_space<vmem>>) target(%dma_start3A_74 : memref<224xf32, #tpu.memory_space<vmem_shared>>) target_semaphore(%run_scoped3A : memref<!tpu.dma_semaphore, #tpu.memory_space<semaphore_mem>>)
        %dma_wait3A = tpu.memref_slice %arg9[%add3A] : memref<100352xf32, #tpu.memory_space<vmem_shared>> -> memref<224xf32, #tpu.memory_space<vmem_shared>>
        %dma_wait3A_75 = tpu.memref_slice %arg9[%add3A] : memref<100352xf32, #tpu.memory_space<vmem_shared>> -> memref<224xf32, #tpu.memory_space<vmem_shared>>
        tpu.wait_dma2 semaphore(%run_scoped3A : memref<!tpu.dma_semaphore, #tpu.memory_space<semaphore_mem>>) src(%arg12 : memref<224xf32, #tpu.memory_space<vmem>>) dst(%dma_wait3A_75 : memref<224xf32, #tpu.memory_space<vmem_shared>>)
        tpu.yield
      }) : () -> ()
    }
    %scan3A_50 = arith.constant 28 : i32
    %barrier3A = arith.constant 0 : index
    tpu.barrier barrier_id(%barrier3A)
    %scan3A_51 = arith.constant 0 : i32
    %scan3A_52 = arith.constant 0 : i32
    %scan3A_53 = arith.constant 49 : i32
    %scan3A_54 = arith.addi %scan3A_52, %scan3A_53 : i32
    %scan3A_55 = arith.constant 1 : i32
    scf.for %scan3A_70 = %scan3A_52 to %scan3A_54 step %scan3A_55  : i32 {
      %mul3A = arith.constant 784 : i32
      %mul3A_71 = arith.muli %arg1, %mul3A : i32
      %mul3A_72 = arith.constant 16 : i32
      %mul3A_73 = arith.muli %scan3A_70, %mul3A_72 : i32
      %add3A = arith.addi %mul3A_71, %mul3A_73 : i32
      "tpu.region"() ({
        %run_scoped3A = tpu.sem_alloc : memref<!tpu.dma_semaphore, #tpu.memory_space<semaphore_mem>>
        %dma_start3A_264 = arith.constant 0 : i32
        %dma_start3A_265 = arith.constant 0 : i32
        %dma_start3A_266 = tpu.memref_slice %arg10[%dma_start3A_264, %dma_start3A_265] : memref<16x128xi32, #tpu.memory_space<vmem>> -> memref<16x128xi32, #tpu.memory_space<vmem>>
        %dma_start3A_267 = arith.constant 0 : i32
        %dma_start3A_268 = tpu.memref_slice %arg2[%add3A, %dma_start3A_267] : memref<12544x128xi32, #tpu.memory_space<hbm>> -> memref<16x128xi32, #tpu.memory_space<hbm>>
        %dma_start3A_269 = arith.constant 0 : i32
        %dma_start3A_270 = arith.constant 0 : i32
        %dma_start3A_271 = tpu.memref_slice %arg10[%dma_start3A_269, %dma_start3A_270] : memref<16x128xi32, #tpu.memory_space<vmem>> -> memref<16x128xi32, #tpu.memory_space<vmem>>
        %dma_start3A_272 = arith.constant 0 : i32
        %dma_start3A_273 = tpu.memref_slice %arg2[%add3A, %dma_start3A_272] : memref<12544x128xi32, #tpu.memory_space<hbm>> -> memref<16x128xi32, #tpu.memory_space<hbm>>
        tpu.enqueue_dma source(%dma_start3A_273 : memref<16x128xi32, #tpu.memory_space<hbm>>) target(%dma_start3A_271 : memref<16x128xi32, #tpu.memory_space<vmem>>) target_semaphore(%run_scoped3A : memref<!tpu.dma_semaphore, #tpu.memory_space<semaphore_mem>>)
        %dma_wait3A_274 = arith.constant 0 : i32
        %dma_wait3A_275 = arith.constant 0 : i32
        %dma_wait3A_276 = tpu.memref_slice %arg10[%dma_wait3A_274, %dma_wait3A_275] : memref<16x128xi32, #tpu.memory_space<vmem>> -> memref<16x128xi32, #tpu.memory_space<vmem>>
        %dma_wait3A_277 = arith.constant 0 : i32
        %dma_wait3A_278 = tpu.memref_slice %arg2[%add3A, %dma_wait3A_277] : memref<12544x128xi32, #tpu.memory_space<hbm>> -> memref<16x128xi32, #tpu.memory_space<hbm>>
        %dma_wait3A_279 = arith.constant 0 : i32
        %dma_wait3A_280 = arith.constant 0 : i32
        %dma_wait3A_281 = tpu.memref_slice %arg10[%dma_wait3A_279, %dma_wait3A_280] : memref<16x128xi32, #tpu.memory_space<vmem>> -> memref<16x128xi32, #tpu.memory_space<vmem>>
        %dma_wait3A_282 = arith.constant 0 : i32
        %dma_wait3A_283 = tpu.memref_slice %arg2[%add3A, %dma_wait3A_282] : memref<12544x128xi32, #tpu.memory_space<hbm>> -> memref<16x128xi32, #tpu.memory_space<hbm>>
        tpu.wait_dma2 semaphore(%run_scoped3A : memref<!tpu.dma_semaphore, #tpu.memory_space<semaphore_mem>>) src(%dma_wait3A_283 : memref<16x128xi32, #tpu.memory_space<hbm>>) dst(%dma_wait3A_281 : memref<16x128xi32, #tpu.memory_space<vmem>>)
        tpu.yield
      }) : () -> ()
      %dma_start3A = arith.constant 0 : i32
      %dma_start3A_74 = arith.constant 0 : i32
      %dma_start3A_75 = tpu.memref_slice %arg10[%dma_start3A, %dma_start3A_74] : memref<16x128xi32, #tpu.memory_space<vmem>> -> memref<1x128xi32, #tpu.memory_space<vmem>>
      %dma_start3A_76 = tpu.memref_squeeze %dma_start3A_75 : memref<1x128xi32, #tpu.memory_space<vmem>> -> memref<128xi32, #tpu.memory_space<vmem>>
      %dma_start3A_77 = arith.constant 0 : i32
      %dma_start3A_78 = tpu.memref_slice %arg9[%dma_start3A_77] : memref<100352xf32, #tpu.memory_space<vmem_shared>> -> memref<100352xf32, #tpu.memory_space<vmem_shared>>
      tpu.enqueue_indirect_dma source(%arg11 : memref<128xf32, #tpu.memory_space<vmem>>) target(%dma_start3A_78 : memref<100352xf32, #tpu.memory_space<vmem_shared>>) offsets(%dma_start3A_76 : memref<128xi32, #tpu.memory_space<vmem>>) semaphore(%arg19 : memref<!tpu.dma_semaphore, #tpu.memory_space<semaphore_mem>>) {add = true}
      %dma_start3A_79 = arith.constant 1 : i32
      %dma_start3A_80 = arith.constant 0 : i32
      %dma_start3A_81 = tpu.memref_slice %arg10[%dma_start3A_79, %dma_start3A_80] : memref<16x128xi32, #tpu.memory_space<vmem>> -> memref<1x128xi32, #tpu.memory_space<vmem>>
      %dma_start3A_82 = tpu.memref_squeeze %dma_start3A_81 : memref<1x128xi32, #tpu.memory_space<vmem>> -> memref<128xi32, #tpu.memory_space<vmem>>
      %dma_start3A_83 = arith.constant 0 : i32
      %dma_start3A_84 = tpu.memref_slice %arg9[%dma_start3A_83] : memref<100352xf32, #tpu.memory_space<vmem_shared>> -> memref<100352xf32, #tpu.memory_space<vmem_shared>>
      tpu.enqueue_indirect_dma source(%arg11 : memref<128xf32, #tpu.memory_space<vmem>>) target(%dma_start3A_84 : memref<100352xf32, #tpu.memory_space<vmem_shared>>) offsets(%dma_start3A_82 : memref<128xi32, #tpu.memory_space<vmem>>) semaphore(%arg19 : memref<!tpu.dma_semaphore, #tpu.memory_space<semaphore_mem>>) {add = true}
      %dma_start3A_85 = arith.constant 2 : i32
      %dma_start3A_86 = arith.constant 0 : i32
      %dma_start3A_87 = tpu.memref_slice %arg10[%dma_start3A_85, %dma_start3A_86] : memref<16x128xi32, #tpu.memory_space<vmem>> -> memref<1x128xi32, #tpu.memory_space<vmem>>
      %dma_start3A_88 = tpu.memref_squeeze %dma_start3A_87 : memref<1x128xi32, #tpu.memory_space<vmem>> -> memref<128xi32, #tpu.memory_space<vmem>>
      %dma_start3A_89 = arith.constant 0 : i32
      %dma_start3A_90 = tpu.memref_slice %arg9[%dma_start3A_89] : memref<100352xf32, #tpu.memory_space<vmem_shared>> -> memref<100352xf32, #tpu.memory_space<vmem_shared>>
      tpu.enqueue_indirect_dma source(%arg11 : memref<128xf32, #tpu.memory_space<vmem>>) target(%dma_start3A_90 : memref<100352xf32, #tpu.memory_space<vmem_shared>>) offsets(%dma_start3A_88 : memref<128xi32, #tpu.memory_space<vmem>>) semaphore(%arg19 : memref<!tpu.dma_semaphore, #tpu.memory_space<semaphore_mem>>) {add = true}
      %dma_start3A_91 = arith.constant 3 : i32
      %dma_start3A_92 = arith.constant 0 : i32
      %dma_start3A_93 = tpu.memref_slice %arg10[%dma_start3A_91, %dma_start3A_92] : memref<16x128xi32, #tpu.memory_space<vmem>> -> memref<1x128xi32, #tpu.memory_space<vmem>>
      %dma_start3A_94 = tpu.memref_squeeze %dma_start3A_93 : memref<1x128xi32, #tpu.memory_space<vmem>> -> memref<128xi32, #tpu.memory_space<vmem>>
      %dma_start3A_95 = arith.constant 0 : i32
      %dma_start3A_96 = tpu.memref_slice %arg9[%dma_start3A_95] : memref<100352xf32, #tpu.memory_space<vmem_shared>> -> memref<100352xf32, #tpu.memory_space<vmem_shared>>
      tpu.enqueue_indirect_dma source(%arg11 : memref<128xf32, #tpu.memory_space<vmem>>) target(%dma_start3A_96 : memref<100352xf32, #tpu.memory_space<vmem_shared>>) offsets(%dma_start3A_94 : memref<128xi32, #tpu.memory_space<vmem>>) semaphore(%arg19 : memref<!tpu.dma_semaphore, #tpu.memory_space<semaphore_mem>>) {add = true}
      %dma_start3A_97 = arith.constant 4 : i32
      %dma_start3A_98 = arith.constant 0 : i32
      %dma_start3A_99 = tpu.memref_slice %arg10[%dma_start3A_97, %dma_start3A_98] : memref<16x128xi32, #tpu.memory_space<vmem>> -> memref<1x128xi32, #tpu.memory_space<vmem>>
      %dma_start3A_100 = tpu.memref_squeeze %dma_start3A_99 : memref<1x128xi32, #tpu.memory_space<vmem>> -> memref<128xi32, #tpu.memory_space<vmem>>
      %dma_start3A_101 = arith.constant 0 : i32
      %dma_start3A_102 = tpu.memref_slice %arg9[%dma_start3A_101] : memref<100352xf32, #tpu.memory_space<vmem_shared>> -> memref<100352xf32, #tpu.memory_space<vmem_shared>>
      tpu.enqueue_indirect_dma source(%arg11 : memref<128xf32, #tpu.memory_space<vmem>>) target(%dma_start3A_102 : memref<100352xf32, #tpu.memory_space<vmem_shared>>) offsets(%dma_start3A_100 : memref<128xi32, #tpu.memory_space<vmem>>) semaphore(%arg19 : memref<!tpu.dma_semaphore, #tpu.memory_space<semaphore_mem>>) {add = true}
      %dma_start3A_103 = arith.constant 5 : i32
      %dma_start3A_104 = arith.constant 0 : i32
      %dma_start3A_105 = tpu.memref_slice %arg10[%dma_start3A_103, %dma_start3A_104] : memref<16x128xi32, #tpu.memory_space<vmem>> -> memref<1x128xi32, #tpu.memory_space<vmem>>
      %dma_start3A_106 = tpu.memref_squeeze %dma_start3A_105 : memref<1x128xi32, #tpu.memory_space<vmem>> -> memref<128xi32, #tpu.memory_space<vmem>>
      %dma_start3A_107 = arith.constant 0 : i32
      %dma_start3A_108 = tpu.memref_slice %arg9[%dma_start3A_107] : memref<100352xf32, #tpu.memory_space<vmem_shared>> -> memref<100352xf32, #tpu.memory_space<vmem_shared>>
      tpu.enqueue_indirect_dma source(%arg11 : memref<128xf32, #tpu.memory_space<vmem>>) target(%dma_start3A_108 : memref<100352xf32, #tpu.memory_space<vmem_shared>>) offsets(%dma_start3A_106 : memref<128xi32, #tpu.memory_space<vmem>>) semaphore(%arg19 : memref<!tpu.dma_semaphore, #tpu.memory_space<semaphore_mem>>) {add = true}
      %dma_start3A_109 = arith.constant 6 : i32
      %dma_start3A_110 = arith.constant 0 : i32
      %dma_start3A_111 = tpu.memref_slice %arg10[%dma_start3A_109, %dma_start3A_110] : memref<16x128xi32, #tpu.memory_space<vmem>> -> memref<1x128xi32, #tpu.memory_space<vmem>>
      %dma_start3A_112 = tpu.memref_squeeze %dma_start3A_111 : memref<1x128xi32, #tpu.memory_space<vmem>> -> memref<128xi32, #tpu.memory_space<vmem>>
      %dma_start3A_113 = arith.constant 0 : i32
      %dma_start3A_114 = tpu.memref_slice %arg9[%dma_start3A_113] : memref<100352xf32, #tpu.memory_space<vmem_shared>> -> memref<100352xf32, #tpu.memory_space<vmem_shared>>
      tpu.enqueue_indirect_dma source(%arg11 : memref<128xf32, #tpu.memory_space<vmem>>) target(%dma_start3A_114 : memref<100352xf32, #tpu.memory_space<vmem_shared>>) offsets(%dma_start3A_112 : memref<128xi32, #tpu.memory_space<vmem>>) semaphore(%arg19 : memref<!tpu.dma_semaphore, #tpu.memory_space<semaphore_mem>>) {add = true}
      %dma_start3A_115 = arith.constant 7 : i32
      %dma_start3A_116 = arith.constant 0 : i32
      %dma_start3A_117 = tpu.memref_slice %arg10[%dma_start3A_115, %dma_start3A_116] : memref<16x128xi32, #tpu.memory_space<vmem>> -> memref<1x128xi32, #tpu.memory_space<vmem>>
      %dma_start3A_118 = tpu.memref_squeeze %dma_start3A_117 : memref<1x128xi32, #tpu.memory_space<vmem>> -> memref<128xi32, #tpu.memory_space<vmem>>
      %dma_start3A_119 = arith.constant 0 : i32
      %dma_start3A_120 = tpu.memref_slice %arg9[%dma_start3A_119] : memref<100352xf32, #tpu.memory_space<vmem_shared>> -> memref<100352xf32, #tpu.memory_space<vmem_shared>>
      tpu.enqueue_indirect_dma source(%arg11 : memref<128xf32, #tpu.memory_space<vmem>>) target(%dma_start3A_120 : memref<100352xf32, #tpu.memory_space<vmem_shared>>) offsets(%dma_start3A_118 : memref<128xi32, #tpu.memory_space<vmem>>) semaphore(%arg19 : memref<!tpu.dma_semaphore, #tpu.memory_space<semaphore_mem>>) {add = true}
      %dma_start3A_121 = arith.constant 8 : i32
      %dma_start3A_122 = arith.constant 0 : i32
      %dma_start3A_123 = tpu.memref_slice %arg10[%dma_start3A_121, %dma_start3A_122] : memref<16x128xi32, #tpu.memory_space<vmem>> -> memref<1x128xi32, #tpu.memory_space<vmem>>
      %dma_start3A_124 = tpu.memref_squeeze %dma_start3A_123 : memref<1x128xi32, #tpu.memory_space<vmem>> -> memref<128xi32, #tpu.memory_space<vmem>>
      %dma_start3A_125 = arith.constant 0 : i32
      %dma_start3A_126 = tpu.memref_slice %arg9[%dma_start3A_125] : memref<100352xf32, #tpu.memory_space<vmem_shared>> -> memref<100352xf32, #tpu.memory_space<vmem_shared>>
      tpu.enqueue_indirect_dma source(%arg11 : memref<128xf32, #tpu.memory_space<vmem>>) target(%dma_start3A_126 : memref<100352xf32, #tpu.memory_space<vmem_shared>>) offsets(%dma_start3A_124 : memref<128xi32, #tpu.memory_space<vmem>>) semaphore(%arg19 : memref<!tpu.dma_semaphore, #tpu.memory_space<semaphore_mem>>) {add = true}
      %dma_start3A_127 = arith.constant 9 : i32
      %dma_start3A_128 = arith.constant 0 : i32
      %dma_start3A_129 = tpu.memref_slice %arg10[%dma_start3A_127, %dma_start3A_128] : memref<16x128xi32, #tpu.memory_space<vmem>> -> memref<1x128xi32, #tpu.memory_space<vmem>>
      %dma_start3A_130 = tpu.memref_squeeze %dma_start3A_129 : memref<1x128xi32, #tpu.memory_space<vmem>> -> memref<128xi32, #tpu.memory_space<vmem>>
      %dma_start3A_131 = arith.constant 0 : i32
      %dma_start3A_132 = tpu.memref_slice %arg9[%dma_start3A_131] : memref<100352xf32, #tpu.memory_space<vmem_shared>> -> memref<100352xf32, #tpu.memory_space<vmem_shared>>
      tpu.enqueue_indirect_dma source(%arg11 : memref<128xf32, #tpu.memory_space<vmem>>) target(%dma_start3A_132 : memref<100352xf32, #tpu.memory_space<vmem_shared>>) offsets(%dma_start3A_130 : memref<128xi32, #tpu.memory_space<vmem>>) semaphore(%arg19 : memref<!tpu.dma_semaphore, #tpu.memory_space<semaphore_mem>>) {add = true}
      %dma_start3A_133 = arith.constant 10 : i32
      %dma_start3A_134 = arith.constant 0 : i32
      %dma_start3A_135 = tpu.memref_slice %arg10[%dma_start3A_133, %dma_start3A_134] : memref<16x128xi32, #tpu.memory_space<vmem>> -> memref<1x128xi32, #tpu.memory_space<vmem>>
      %dma_start3A_136 = tpu.memref_squeeze %dma_start3A_135 : memref<1x128xi32, #tpu.memory_space<vmem>> -> memref<128xi32, #tpu.memory_space<vmem>>
      %dma_start3A_137 = arith.constant 0 : i32
      %dma_start3A_138 = tpu.memref_slice %arg9[%dma_start3A_137] : memref<100352xf32, #tpu.memory_space<vmem_shared>> -> memref<100352xf32, #tpu.memory_space<vmem_shared>>
      tpu.enqueue_indirect_dma source(%arg11 : memref<128xf32, #tpu.memory_space<vmem>>) target(%dma_start3A_138 : memref<100352xf32, #tpu.memory_space<vmem_shared>>) offsets(%dma_start3A_136 : memref<128xi32, #tpu.memory_space<vmem>>) semaphore(%arg19 : memref<!tpu.dma_semaphore, #tpu.memory_space<semaphore_mem>>) {add = true}
      %dma_start3A_139 = arith.constant 11 : i32
      %dma_start3A_140 = arith.constant 0 : i32
      %dma_start3A_141 = tpu.memref_slice %arg10[%dma_start3A_139, %dma_start3A_140] : memref<16x128xi32, #tpu.memory_space<vmem>> -> memref<1x128xi32, #tpu.memory_space<vmem>>
      %dma_start3A_142 = tpu.memref_squeeze %dma_start3A_141 : memref<1x128xi32, #tpu.memory_space<vmem>> -> memref<128xi32, #tpu.memory_space<vmem>>
      %dma_start3A_143 = arith.constant 0 : i32
      %dma_start3A_144 = tpu.memref_slice %arg9[%dma_start3A_143] : memref<100352xf32, #tpu.memory_space<vmem_shared>> -> memref<100352xf32, #tpu.memory_space<vmem_shared>>
      tpu.enqueue_indirect_dma source(%arg11 : memref<128xf32, #tpu.memory_space<vmem>>) target(%dma_start3A_144 : memref<100352xf32, #tpu.memory_space<vmem_shared>>) offsets(%dma_start3A_142 : memref<128xi32, #tpu.memory_space<vmem>>) semaphore(%arg19 : memref<!tpu.dma_semaphore, #tpu.memory_space<semaphore_mem>>) {add = true}
      %dma_start3A_145 = arith.constant 12 : i32
      %dma_start3A_146 = arith.constant 0 : i32
      %dma_start3A_147 = tpu.memref_slice %arg10[%dma_start3A_145, %dma_start3A_146] : memref<16x128xi32, #tpu.memory_space<vmem>> -> memref<1x128xi32, #tpu.memory_space<vmem>>
      %dma_start3A_148 = tpu.memref_squeeze %dma_start3A_147 : memref<1x128xi32, #tpu.memory_space<vmem>> -> memref<128xi32, #tpu.memory_space<vmem>>
      %dma_start3A_149 = arith.constant 0 : i32
      %dma_start3A_150 = tpu.memref_slice %arg9[%dma_start3A_149] : memref<100352xf32, #tpu.memory_space<vmem_shared>> -> memref<100352xf32, #tpu.memory_space<vmem_shared>>
      tpu.enqueue_indirect_dma source(%arg11 : memref<128xf32, #tpu.memory_space<vmem>>) target(%dma_start3A_150 : memref<100352xf32, #tpu.memory_space<vmem_shared>>) offsets(%dma_start3A_148 : memref<128xi32, #tpu.memory_space<vmem>>) semaphore(%arg19 : memref<!tpu.dma_semaphore, #tpu.memory_space<semaphore_mem>>) {add = true}
      %dma_start3A_151 = arith.constant 13 : i32
      %dma_start3A_152 = arith.constant 0 : i32
      %dma_start3A_153 = tpu.memref_slice %arg10[%dma_start3A_151, %dma_start3A_152] : memref<16x128xi32, #tpu.memory_space<vmem>> -> memref<1x128xi32, #tpu.memory_space<vmem>>
      %dma_start3A_154 = tpu.memref_squeeze %dma_start3A_153 : memref<1x128xi32, #tpu.memory_space<vmem>> -> memref<128xi32, #tpu.memory_space<vmem>>
      %dma_start3A_155 = arith.constant 0 : i32
      %dma_start3A_156 = tpu.memref_slice %arg9[%dma_start3A_155] : memref<100352xf32, #tpu.memory_space<vmem_shared>> -> memref<100352xf32, #tpu.memory_space<vmem_shared>>
      tpu.enqueue_indirect_dma source(%arg11 : memref<128xf32, #tpu.memory_space<vmem>>) target(%dma_start3A_156 : memref<100352xf32, #tpu.memory_space<vmem_shared>>) offsets(%dma_start3A_154 : memref<128xi32, #tpu.memory_space<vmem>>) semaphore(%arg19 : memref<!tpu.dma_semaphore, #tpu.memory_space<semaphore_mem>>) {add = true}
      %dma_start3A_157 = arith.constant 14 : i32
      %dma_start3A_158 = arith.constant 0 : i32
      %dma_start3A_159 = tpu.memref_slice %arg10[%dma_start3A_157, %dma_start3A_158] : memref<16x128xi32, #tpu.memory_space<vmem>> -> memref<1x128xi32, #tpu.memory_space<vmem>>
      %dma_start3A_160 = tpu.memref_squeeze %dma_start3A_159 : memref<1x128xi32, #tpu.memory_space<vmem>> -> memref<128xi32, #tpu.memory_space<vmem>>
      %dma_start3A_161 = arith.constant 0 : i32
      %dma_start3A_162 = tpu.memref_slice %arg9[%dma_start3A_161] : memref<100352xf32, #tpu.memory_space<vmem_shared>> -> memref<100352xf32, #tpu.memory_space<vmem_shared>>
      tpu.enqueue_indirect_dma source(%arg11 : memref<128xf32, #tpu.memory_space<vmem>>) target(%dma_start3A_162 : memref<100352xf32, #tpu.memory_space<vmem_shared>>) offsets(%dma_start3A_160 : memref<128xi32, #tpu.memory_space<vmem>>) semaphore(%arg19 : memref<!tpu.dma_semaphore, #tpu.memory_space<semaphore_mem>>) {add = true}
      %dma_start3A_163 = arith.constant 15 : i32
      %dma_start3A_164 = arith.constant 0 : i32
      %dma_start3A_165 = tpu.memref_slice %arg10[%dma_start3A_163, %dma_start3A_164] : memref<16x128xi32, #tpu.memory_space<vmem>> -> memref<1x128xi32, #tpu.memory_space<vmem>>
      %dma_start3A_166 = tpu.memref_squeeze %dma_start3A_165 : memref<1x128xi32, #tpu.memory_space<vmem>> -> memref<128xi32, #tpu.memory_space<vmem>>
      %dma_start3A_167 = arith.constant 0 : i32
      %dma_start3A_168 = tpu.memref_slice %arg9[%dma_start3A_167] : memref<100352xf32, #tpu.memory_space<vmem_shared>> -> memref<100352xf32, #tpu.memory_space<vmem_shared>>
      tpu.enqueue_indirect_dma source(%arg11 : memref<128xf32, #tpu.memory_space<vmem>>) target(%dma_start3A_168 : memref<100352xf32, #tpu.memory_space<vmem_shared>>) offsets(%dma_start3A_166 : memref<128xi32, #tpu.memory_space<vmem>>) semaphore(%arg19 : memref<!tpu.dma_semaphore, #tpu.memory_space<semaphore_mem>>) {add = true}
      %dma_wait3A = arith.constant 0 : i32
      %dma_wait3A_169 = arith.constant 0 : i32
      %dma_wait3A_170 = tpu.memref_slice %arg10[%dma_wait3A, %dma_wait3A_169] : memref<16x128xi32, #tpu.memory_space<vmem>> -> memref<1x128xi32, #tpu.memory_space<vmem>>
      %dma_wait3A_171 = tpu.memref_squeeze %dma_wait3A_170 : memref<1x128xi32, #tpu.memory_space<vmem>> -> memref<128xi32, #tpu.memory_space<vmem>>
      %dma_wait3A_172 = arith.constant 0 : i32
      %dma_wait3A_173 = tpu.memref_slice %arg9[%dma_wait3A_172] : memref<100352xf32, #tpu.memory_space<vmem_shared>> -> memref<100352xf32, #tpu.memory_space<vmem_shared>>
      tpu.wait_indirect_dma semaphore(%arg19 : memref<!tpu.dma_semaphore, #tpu.memory_space<semaphore_mem>>) src(%arg11 : memref<128xf32, #tpu.memory_space<vmem>>) dst(%dma_wait3A_173 : memref<100352xf32, #tpu.memory_space<vmem_shared>>)
      %dma_wait3A_174 = arith.constant 1 : i32
      %dma_wait3A_175 = arith.constant 0 : i32
      %dma_wait3A_176 = tpu.memref_slice %arg10[%dma_wait3A_174, %dma_wait3A_175] : memref<16x128xi32, #tpu.memory_space<vmem>> -> memref<1x128xi32, #tpu.memory_space<vmem>>
      %dma_wait3A_177 = tpu.memref_squeeze %dma_wait3A_176 : memref<1x128xi32, #tpu.memory_space<vmem>> -> memref<128xi32, #tpu.memory_space<vmem>>
      %dma_wait3A_178 = arith.constant 0 : i32
      %dma_wait3A_179 = tpu.memref_slice %arg9[%dma_wait3A_178] : memref<100352xf32, #tpu.memory_space<vmem_shared>> -> memref<100352xf32, #tpu.memory_space<vmem_shared>>
      tpu.wait_indirect_dma semaphore(%arg19 : memref<!tpu.dma_semaphore, #tpu.memory_space<semaphore_mem>>) src(%arg11 : memref<128xf32, #tpu.memory_space<vmem>>) dst(%dma_wait3A_179 : memref<100352xf32, #tpu.memory_space<vmem_shared>>)
      %dma_wait3A_180 = arith.constant 2 : i32
      %dma_wait3A_181 = arith.constant 0 : i32
      %dma_wait3A_182 = tpu.memref_slice %arg10[%dma_wait3A_180, %dma_wait3A_181] : memref<16x128xi32, #tpu.memory_space<vmem>> -> memref<1x128xi32, #tpu.memory_space<vmem>>
      %dma_wait3A_183 = tpu.memref_squeeze %dma_wait3A_182 : memref<1x128xi32, #tpu.memory_space<vmem>> -> memref<128xi32, #tpu.memory_space<vmem>>
      %dma_wait3A_184 = arith.constant 0 : i32
      %dma_wait3A_185 = tpu.memref_slice %arg9[%dma_wait3A_184] : memref<100352xf32, #tpu.memory_space<vmem_shared>> -> memref<100352xf32, #tpu.memory_space<vmem_shared>>
      tpu.wait_indirect_dma semaphore(%arg19 : memref<!tpu.dma_semaphore, #tpu.memory_space<semaphore_mem>>) src(%arg11 : memref<128xf32, #tpu.memory_space<vmem>>) dst(%dma_wait3A_185 : memref<100352xf32, #tpu.memory_space<vmem_shared>>)
      %dma_wait3A_186 = arith.constant 3 : i32
      %dma_wait3A_187 = arith.constant 0 : i32
      %dma_wait3A_188 = tpu.memref_slice %arg10[%dma_wait3A_186, %dma_wait3A_187] : memref<16x128xi32, #tpu.memory_space<vmem>> -> memref<1x128xi32, #tpu.memory_space<vmem>>
      %dma_wait3A_189 = tpu.memref_squeeze %dma_wait3A_188 : memref<1x128xi32, #tpu.memory_space<vmem>> -> memref<128xi32, #tpu.memory_space<vmem>>
      %dma_wait3A_190 = arith.constant 0 : i32
      %dma_wait3A_191 = tpu.memref_slice %arg9[%dma_wait3A_190] : memref<100352xf32, #tpu.memory_space<vmem_shared>> -> memref<100352xf32, #tpu.memory_space<vmem_shared>>
      tpu.wait_indirect_dma semaphore(%arg19 : memref<!tpu.dma_semaphore, #tpu.memory_space<semaphore_mem>>) src(%arg11 : memref<128xf32, #tpu.memory_space<vmem>>) dst(%dma_wait3A_191 : memref<100352xf32, #tpu.memory_space<vmem_shared>>)
      %dma_wait3A_192 = arith.constant 4 : i32
      %dma_wait3A_193 = arith.constant 0 : i32
      %dma_wait3A_194 = tpu.memref_slice %arg10[%dma_wait3A_192, %dma_wait3A_193] : memref<16x128xi32, #tpu.memory_space<vmem>> -> memref<1x128xi32, #tpu.memory_space<vmem>>
      %dma_wait3A_195 = tpu.memref_squeeze %dma_wait3A_194 : memref<1x128xi32, #tpu.memory_space<vmem>> -> memref<128xi32, #tpu.memory_space<vmem>>
      %dma_wait3A_196 = arith.constant 0 : i32
      %dma_wait3A_197 = tpu.memref_slice %arg9[%dma_wait3A_196] : memref<100352xf32, #tpu.memory_space<vmem_shared>> -> memref<100352xf32, #tpu.memory_space<vmem_shared>>
      tpu.wait_indirect_dma semaphore(%arg19 : memref<!tpu.dma_semaphore, #tpu.memory_space<semaphore_mem>>) src(%arg11 : memref<128xf32, #tpu.memory_space<vmem>>) dst(%dma_wait3A_197 : memref<100352xf32, #tpu.memory_space<vmem_shared>>)
      %dma_wait3A_198 = arith.constant 5 : i32
      %dma_wait3A_199 = arith.constant 0 : i32
      %dma_wait3A_200 = tpu.memref_slice %arg10[%dma_wait3A_198, %dma_wait3A_199] : memref<16x128xi32, #tpu.memory_space<vmem>> -> memref<1x128xi32, #tpu.memory_space<vmem>>
      %dma_wait3A_201 = tpu.memref_squeeze %dma_wait3A_200 : memref<1x128xi32, #tpu.memory_space<vmem>> -> memref<128xi32, #tpu.memory_space<vmem>>
      %dma_wait3A_202 = arith.constant 0 : i32
      %dma_wait3A_203 = tpu.memref_slice %arg9[%dma_wait3A_202] : memref<100352xf32, #tpu.memory_space<vmem_shared>> -> memref<100352xf32, #tpu.memory_space<vmem_shared>>
      tpu.wait_indirect_dma semaphore(%arg19 : memref<!tpu.dma_semaphore, #tpu.memory_space<semaphore_mem>>) src(%arg11 : memref<128xf32, #tpu.memory_space<vmem>>) dst(%dma_wait3A_203 : memref<100352xf32, #tpu.memory_space<vmem_shared>>)
      %dma_wait3A_204 = arith.constant 6 : i32
      %dma_wait3A_205 = arith.constant 0 : i32
      %dma_wait3A_206 = tpu.memref_slice %arg10[%dma_wait3A_204, %dma_wait3A_205] : memref<16x128xi32, #tpu.memory_space<vmem>> -> memref<1x128xi32, #tpu.memory_space<vmem>>
      %dma_wait3A_207 = tpu.memref_squeeze %dma_wait3A_206 : memref<1x128xi32, #tpu.memory_space<vmem>> -> memref<128xi32, #tpu.memory_space<vmem>>
      %dma_wait3A_208 = arith.constant 0 : i32
      %dma_wait3A_209 = tpu.memref_slice %arg9[%dma_wait3A_208] : memref<100352xf32, #tpu.memory_space<vmem_shared>> -> memref<100352xf32, #tpu.memory_space<vmem_shared>>
      tpu.wait_indirect_dma semaphore(%arg19 : memref<!tpu.dma_semaphore, #tpu.memory_space<semaphore_mem>>) src(%arg11 : memref<128xf32, #tpu.memory_space<vmem>>) dst(%dma_wait3A_209 : memref<100352xf32, #tpu.memory_space<vmem_shared>>)
      %dma_wait3A_210 = arith.constant 7 : i32
      %dma_wait3A_211 = arith.constant 0 : i32
      %dma_wait3A_212 = tpu.memref_slice %arg10[%dma_wait3A_210, %dma_wait3A_211] : memref<16x128xi32, #tpu.memory_space<vmem>> -> memref<1x128xi32, #tpu.memory_space<vmem>>
      %dma_wait3A_213 = tpu.memref_squeeze %dma_wait3A_212 : memref<1x128xi32, #tpu.memory_space<vmem>> -> memref<128xi32, #tpu.memory_space<vmem>>
      %dma_wait3A_214 = arith.constant 0 : i32
      %dma_wait3A_215 = tpu.memref_slice %arg9[%dma_wait3A_214] : memref<100352xf32, #tpu.memory_space<vmem_shared>> -> memref<100352xf32, #tpu.memory_space<vmem_shared>>
      tpu.wait_indirect_dma semaphore(%arg19 : memref<!tpu.dma_semaphore, #tpu.memory_space<semaphore_mem>>) src(%arg11 : memref<128xf32, #tpu.memory_space<vmem>>) dst(%dma_wait3A_215 : memref<100352xf32, #tpu.memory_space<vmem_shared>>)
      %dma_wait3A_216 = arith.constant 8 : i32
      %dma_wait3A_217 = arith.constant 0 : i32
      %dma_wait3A_218 = tpu.memref_slice %arg10[%dma_wait3A_216, %dma_wait3A_217] : memref<16x128xi32, #tpu.memory_space<vmem>> -> memref<1x128xi32, #tpu.memory_space<vmem>>
      %dma_wait3A_219 = tpu.memref_squeeze %dma_wait3A_218 : memref<1x128xi32, #tpu.memory_space<vmem>> -> memref<128xi32, #tpu.memory_space<vmem>>
      %dma_wait3A_220 = arith.constant 0 : i32
      %dma_wait3A_221 = tpu.memref_slice %arg9[%dma_wait3A_220] : memref<100352xf32, #tpu.memory_space<vmem_shared>> -> memref<100352xf32, #tpu.memory_space<vmem_shared>>
      tpu.wait_indirect_dma semaphore(%arg19 : memref<!tpu.dma_semaphore, #tpu.memory_space<semaphore_mem>>) src(%arg11 : memref<128xf32, #tpu.memory_space<vmem>>) dst(%dma_wait3A_221 : memref<100352xf32, #tpu.memory_space<vmem_shared>>)
      %dma_wait3A_222 = arith.constant 9 : i32
      %dma_wait3A_223 = arith.constant 0 : i32
      %dma_wait3A_224 = tpu.memref_slice %arg10[%dma_wait3A_222, %dma_wait3A_223] : memref<16x128xi32, #tpu.memory_space<vmem>> -> memref<1x128xi32, #tpu.memory_space<vmem>>
      %dma_wait3A_225 = tpu.memref_squeeze %dma_wait3A_224 : memref<1x128xi32, #tpu.memory_space<vmem>> -> memref<128xi32, #tpu.memory_space<vmem>>
      %dma_wait3A_226 = arith.constant 0 : i32
      %dma_wait3A_227 = tpu.memref_slice %arg9[%dma_wait3A_226] : memref<100352xf32, #tpu.memory_space<vmem_shared>> -> memref<100352xf32, #tpu.memory_space<vmem_shared>>
      tpu.wait_indirect_dma semaphore(%arg19 : memref<!tpu.dma_semaphore, #tpu.memory_space<semaphore_mem>>) src(%arg11 : memref<128xf32, #tpu.memory_space<vmem>>) dst(%dma_wait3A_227 : memref<100352xf32, #tpu.memory_space<vmem_shared>>)
      %dma_wait3A_228 = arith.constant 10 : i32
      %dma_wait3A_229 = arith.constant 0 : i32
      %dma_wait3A_230 = tpu.memref_slice %arg10[%dma_wait3A_228, %dma_wait3A_229] : memref<16x128xi32, #tpu.memory_space<vmem>> -> memref<1x128xi32, #tpu.memory_space<vmem>>
      %dma_wait3A_231 = tpu.memref_squeeze %dma_wait3A_230 : memref<1x128xi32, #tpu.memory_space<vmem>> -> memref<128xi32, #tpu.memory_space<vmem>>
      %dma_wait3A_232 = arith.constant 0 : i32
      %dma_wait3A_233 = tpu.memref_slice %arg9[%dma_wait3A_232] : memref<100352xf32, #tpu.memory_space<vmem_shared>> -> memref<100352xf32, #tpu.memory_space<vmem_shared>>
      tpu.wait_indirect_dma semaphore(%arg19 : memref<!tpu.dma_semaphore, #tpu.memory_space<semaphore_mem>>) src(%arg11 : memref<128xf32, #tpu.memory_space<vmem>>) dst(%dma_wait3A_233 : memref<100352xf32, #tpu.memory_space<vmem_shared>>)
      %dma_wait3A_234 = arith.constant 11 : i32
      %dma_wait3A_235 = arith.constant 0 : i32
      %dma_wait3A_236 = tpu.memref_slice %arg10[%dma_wait3A_234, %dma_wait3A_235] : memref<16x128xi32, #tpu.memory_space<vmem>> -> memref<1x128xi32, #tpu.memory_space<vmem>>
      %dma_wait3A_237 = tpu.memref_squeeze %dma_wait3A_236 : memref<1x128xi32, #tpu.memory_space<vmem>> -> memref<128xi32, #tpu.memory_space<vmem>>
      %dma_wait3A_238 = arith.constant 0 : i32
      %dma_wait3A_239 = tpu.memref_slice %arg9[%dma_wait3A_238] : memref<100352xf32, #tpu.memory_space<vmem_shared>> -> memref<100352xf32, #tpu.memory_space<vmem_shared>>
      tpu.wait_indirect_dma semaphore(%arg19 : memref<!tpu.dma_semaphore, #tpu.memory_space<semaphore_mem>>) src(%arg11 : memref<128xf32, #tpu.memory_space<vmem>>) dst(%dma_wait3A_239 : memref<100352xf32, #tpu.memory_space<vmem_shared>>)
      %dma_wait3A_240 = arith.constant 12 : i32
      %dma_wait3A_241 = arith.constant 0 : i32
      %dma_wait3A_242 = tpu.memref_slice %arg10[%dma_wait3A_240, %dma_wait3A_241] : memref<16x128xi32, #tpu.memory_space<vmem>> -> memref<1x128xi32, #tpu.memory_space<vmem>>
      %dma_wait3A_243 = tpu.memref_squeeze %dma_wait3A_242 : memref<1x128xi32, #tpu.memory_space<vmem>> -> memref<128xi32, #tpu.memory_space<vmem>>
      %dma_wait3A_244 = arith.constant 0 : i32
      %dma_wait3A_245 = tpu.memref_slice %arg9[%dma_wait3A_244] : memref<100352xf32, #tpu.memory_space<vmem_shared>> -> memref<100352xf32, #tpu.memory_space<vmem_shared>>
      tpu.wait_indirect_dma semaphore(%arg19 : memref<!tpu.dma_semaphore, #tpu.memory_space<semaphore_mem>>) src(%arg11 : memref<128xf32, #tpu.memory_space<vmem>>) dst(%dma_wait3A_245 : memref<100352xf32, #tpu.memory_space<vmem_shared>>)
      %dma_wait3A_246 = arith.constant 13 : i32
      %dma_wait3A_247 = arith.constant 0 : i32
      %dma_wait3A_248 = tpu.memref_slice %arg10[%dma_wait3A_246, %dma_wait3A_247] : memref<16x128xi32, #tpu.memory_space<vmem>> -> memref<1x128xi32, #tpu.memory_space<vmem>>
      %dma_wait3A_249 = tpu.memref_squeeze %dma_wait3A_248 : memref<1x128xi32, #tpu.memory_space<vmem>> -> memref<128xi32, #tpu.memory_space<vmem>>
      %dma_wait3A_250 = arith.constant 0 : i32
      %dma_wait3A_251 = tpu.memref_slice %arg9[%dma_wait3A_250] : memref<100352xf32, #tpu.memory_space<vmem_shared>> -> memref<100352xf32, #tpu.memory_space<vmem_shared>>
      tpu.wait_indirect_dma semaphore(%arg19 : memref<!tpu.dma_semaphore, #tpu.memory_space<semaphore_mem>>) src(%arg11 : memref<128xf32, #tpu.memory_space<vmem>>) dst(%dma_wait3A_251 : memref<100352xf32, #tpu.memory_space<vmem_shared>>)
      %dma_wait3A_252 = arith.constant 14 : i32
      %dma_wait3A_253 = arith.constant 0 : i32
      %dma_wait3A_254 = tpu.memref_slice %arg10[%dma_wait3A_252, %dma_wait3A_253] : memref<16x128xi32, #tpu.memory_space<vmem>> -> memref<1x128xi32, #tpu.memory_space<vmem>>
      %dma_wait3A_255 = tpu.memref_squeeze %dma_wait3A_254 : memref<1x128xi32, #tpu.memory_space<vmem>> -> memref<128xi32, #tpu.memory_space<vmem>>
      %dma_wait3A_256 = arith.constant 0 : i32
      %dma_wait3A_257 = tpu.memref_slice %arg9[%dma_wait3A_256] : memref<100352xf32, #tpu.memory_space<vmem_shared>> -> memref<100352xf32, #tpu.memory_space<vmem_shared>>
      tpu.wait_indirect_dma semaphore(%arg19 : memref<!tpu.dma_semaphore, #tpu.memory_space<semaphore_mem>>) src(%arg11 : memref<128xf32, #tpu.memory_space<vmem>>) dst(%dma_wait3A_257 : memref<100352xf32, #tpu.memory_space<vmem_shared>>)
      %dma_wait3A_258 = arith.constant 15 : i32
      %dma_wait3A_259 = arith.constant 0 : i32
      %dma_wait3A_260 = tpu.memref_slice %arg10[%dma_wait3A_258, %dma_wait3A_259] : memref<16x128xi32, #tpu.memory_space<vmem>> -> memref<1x128xi32, #tpu.memory_space<vmem>>
      %dma_wait3A_261 = tpu.memref_squeeze %dma_wait3A_260 : memref<1x128xi32, #tpu.memory_space<vmem>> -> memref<128xi32, #tpu.memory_space<vmem>>
      %dma_wait3A_262 = arith.constant 0 : i32
      %dma_wait3A_263 = tpu.memref_slice %arg9[%dma_wait3A_262] : memref<100352xf32, #tpu.memory_space<vmem_shared>> -> memref<100352xf32, #tpu.memory_space<vmem_shared>>
      tpu.wait_indirect_dma semaphore(%arg19 : memref<!tpu.dma_semaphore, #tpu.memory_space<semaphore_mem>>) src(%arg11 : memref<128xf32, #tpu.memory_space<vmem>>) dst(%dma_wait3A_263 : memref<100352xf32, #tpu.memory_space<vmem_shared>>)
    }
    %scan3A_56 = arith.constant 49 : i32
    %barrier3A_57 = arith.constant 0 : index
    tpu.barrier barrier_id(%barrier3A_57)
    %scan3A_58 = arith.constant 0 : i32
    %scan3A_59 = arith.constant 0 : i32
    %scan3A_60 = arith.constant 14 : i32
    %scan3A_61 = arith.addi %scan3A_59, %scan3A_60 : i32
    %scan3A_62 = arith.constant 1 : i32
    scf.for %scan3A_70 = %scan3A_59 to %scan3A_61 step %scan3A_62  : i32 {
      %mul3A = arith.constant 50176 : i32
      %mul3A_71 = arith.muli %arg0, %mul3A : i32
      %mul3A_72 = arith.constant 3136 : i32
      %mul3A_73 = arith.muli %arg1, %mul3A_72 : i32
      %add3A = arith.addi %mul3A_71, %mul3A_73 : i32
      %mul3A_74 = arith.constant 224 : i32
      %mul3A_75 = arith.muli %scan3A_70, %mul3A_74 : i32
      %add3A_76 = arith.addi %add3A, %mul3A_75 : i32
      "tpu.region"() ({
        %run_scoped3A = tpu.sem_alloc : memref<!tpu.dma_semaphore, #tpu.memory_space<semaphore_mem>>
        %dma_start3A = tpu.memref_slice %arg9[%add3A_76] : memref<100352xf32, #tpu.memory_space<vmem_shared>> -> memref<224xf32, #tpu.memory_space<vmem_shared>>
        %dma_start3A_83 = tpu.memref_slice %arg9[%add3A_76] : memref<100352xf32, #tpu.memory_space<vmem_shared>> -> memref<224xf32, #tpu.memory_space<vmem_shared>>
        tpu.enqueue_dma source(%dma_start3A_83 : memref<224xf32, #tpu.memory_space<vmem_shared>>) target(%arg12 : memref<224xf32, #tpu.memory_space<vmem>>) target_semaphore(%run_scoped3A : memref<!tpu.dma_semaphore, #tpu.memory_space<semaphore_mem>>)
        %dma_wait3A = tpu.memref_slice %arg9[%add3A_76] : memref<100352xf32, #tpu.memory_space<vmem_shared>> -> memref<224xf32, #tpu.memory_space<vmem_shared>>
        %dma_wait3A_84 = tpu.memref_slice %arg9[%add3A_76] : memref<100352xf32, #tpu.memory_space<vmem_shared>> -> memref<224xf32, #tpu.memory_space<vmem_shared>>
        tpu.wait_dma2 semaphore(%run_scoped3A : memref<!tpu.dma_semaphore, #tpu.memory_space<semaphore_mem>>) src(%dma_wait3A_84 : memref<224xf32, #tpu.memory_space<vmem_shared>>) dst(%arg12 : memref<224xf32, #tpu.memory_space<vmem>>)
        tpu.yield
      }) : () -> ()
      %scan3A_77 = arith.constant 0 : i32
      %scan3A_78 = arith.constant 0 : i32
      %scan3A_79 = arith.constant 14 : i32
      %scan3A_80 = arith.addi %scan3A_78, %scan3A_79 : i32
      %scan3A_81 = arith.constant 1 : i32
      scf.for %scan3A_83 = %scan3A_78 to %scan3A_80 step %scan3A_81  : i32 {
        %mul3A_84 = arith.constant 16 : i32
        %mul3A_85 = arith.muli %mul3A_84, %scan3A_83 : i32
        %get3A = arith.index_cast %mul3A_85 : i32 to index
        %get3A_86 = tpu.vector_load %arg12[%get3A] {strides = array<i32>} : memref<224xf32, #tpu.memory_space<vmem>>, vector<16xf32>,
        %max3A = arith.constant 1.000000e+00 : f32
        %max3A_87 = vector.broadcast %max3A : f32 to vector<16xf32>
        %max3A_88 = arith.maximumf %get3A_86, %max3A_87 : vector<16xf32>
        %bitcast_convert_type3A = tpu.bitcast %max3A_88 : vector<16xf32> -> vector<16xi32>
        %shift_right_arithmetic3A = arith.constant 1 : i32
        %shift_right_arithmetic3A_89 = vector.broadcast %shift_right_arithmetic3A : i32 to vector<16xi32>
        %shift_right_arithmetic3A_90 = arith.shrsi %bitcast_convert_type3A, %shift_right_arithmetic3A_89 : vector<16xi32>
        %sub3A = arith.constant 1597463007 : i32
        %sub3A_91 = vector.broadcast %sub3A : i32 to vector<16xi32>
        %sub3A_92 = arith.subi %sub3A_91, %shift_right_arithmetic3A_90 : vector<16xi32>
        %bitcast_convert_type3A_93 = tpu.bitcast %sub3A_92 : vector<16xi32> -> vector<16xf32>
        %mul3A_94 = arith.constant 5.000000e-01 : f32
        %mul3A_95 = vector.broadcast %mul3A_94 : f32 to vector<16xf32>
        %mul3A_96 = arith.mulf %mul3A_95, %max3A_88 : vector<16xf32>
        %mul3A_97 = arith.mulf %mul3A_96, %bitcast_convert_type3A_93 : vector<16xf32>
        %mul3A_98 = arith.mulf %mul3A_97, %bitcast_convert_type3A_93 : vector<16xf32>
        %sub3A_99 = arith.constant 1.500000e+00 : f32
        %sub3A_100 = vector.broadcast %sub3A_99 : f32 to vector<16xf32>
        %sub3A_101 = arith.subf %sub3A_100, %mul3A_98 : vector<16xf32>
        %mul3A_102 = arith.mulf %bitcast_convert_type3A_93, %sub3A_101 : vector<16xf32>
        %mul3A_103 = arith.constant 5.000000e-01 : f32
        %mul3A_104 = vector.broadcast %mul3A_103 : f32 to vector<16xf32>
        %mul3A_105 = arith.mulf %mul3A_104, %max3A_88 : vector<16xf32>
        %mul3A_106 = arith.mulf %mul3A_105, %mul3A_102 : vector<16xf32>
        %mul3A_107 = arith.mulf %mul3A_106, %mul3A_102 : vector<16xf32>
        %sub3A_108 = arith.constant 1.500000e+00 : f32
        %sub3A_109 = vector.broadcast %sub3A_108 : f32 to vector<16xf32>
        %sub3A_110 = arith.subf %sub3A_109, %mul3A_107 : vector<16xf32>
        %mul3A_111 = arith.mulf %mul3A_102, %sub3A_110 : vector<16xf32>
        %mul3A_112 = arith.constant 5.000000e-01 : f32
        %mul3A_113 = vector.broadcast %mul3A_112 : f32 to vector<16xf32>
        %mul3A_114 = arith.mulf %mul3A_113, %max3A_88 : vector<16xf32>
        %mul3A_115 = arith.mulf %mul3A_114, %mul3A_111 : vector<16xf32>
        %mul3A_116 = arith.mulf %mul3A_115, %mul3A_111 : vector<16xf32>
        %sub3A_117 = arith.constant 1.500000e+00 : f32
        %sub3A_118 = vector.broadcast %sub3A_117 : f32 to vector<16xf32>
        %sub3A_119 = arith.subf %sub3A_118, %mul3A_116 : vector<16xf32>
        %mul3A_120 = arith.mulf %mul3A_111, %sub3A_119 : vector<16xf32>
        %div3A = arith.constant 0.899999976 : f32
        %div3A_121 = vector.broadcast %div3A : f32 to vector<16xf32>
        %div3A_122 = arith.divf %div3A_121, %max3A_88 : vector<16xf32>
        %mul3A_123 = arith.constant 16 : i32
        %mul3A_124 = arith.muli %mul3A_123, %scan3A_83 : i32
        %swap3A_125 = arith.index_cast %mul3A_124 : i32 to index
        %swap3A_126 = tpu.vector_load %arg15[%swap3A_125] {strides = array<i32>} : memref<224xf32, #tpu.memory_space<vmem>>, vector<16xf32>,
        tpu.vector_store %arg15[%swap3A_125], %div3A_122 {strides = array<i32>} : memref<224xf32, #tpu.memory_space<vmem>>, vector<16xf32>,
        %mul3A_127 = arith.constant 0.899999976 : f32
        %mul3A_128 = vector.broadcast %mul3A_127 : f32 to vector<16xf32>
        %mul3A_129 = arith.mulf %mul3A_128, %mul3A_120 : vector<16xf32>
        %mul3A_130 = arith.constant 16 : i32
        %mul3A_131 = arith.muli %mul3A_130, %scan3A_83 : i32
        %swap3A_132 = arith.index_cast %mul3A_131 : i32 to index
        %swap3A_133 = tpu.vector_load %arg16[%swap3A_132] {strides = array<i32>} : memref<224xf32, #tpu.memory_space<vmem>>, vector<16xf32>,
        tpu.vector_store %arg16[%swap3A_132], %mul3A_129 {strides = array<i32>} : memref<224xf32, #tpu.memory_space<vmem>>, vector<16xf32>,
        %mul3A_134 = arith.constant 1.000000e-01 : f32
        %mul3A_135 = vector.broadcast %mul3A_134 : f32 to vector<16xf32>
        %mul3A_136 = arith.mulf %mul3A_135, %max3A_88 : vector<16xf32>
        %mul3A_137 = arith.mulf %mul3A_136, %mul3A_120 : vector<16xf32>
        %mul3A_138 = arith.constant 16 : i32
        %mul3A_139 = arith.muli %mul3A_138, %scan3A_83 : i32
        %swap3A_140 = arith.index_cast %mul3A_139 : i32 to index
        %swap3A_141 = tpu.vector_load %arg17[%swap3A_140] {strides = array<i32>} : memref<224xf32, #tpu.memory_space<vmem>>, vector<16xf32>,
        tpu.vector_store %arg17[%swap3A_140], %mul3A_137 {strides = array<i32>} : memref<224xf32, #tpu.memory_space<vmem>>, vector<16xf32>,
      }
      %scan3A_82 = arith.constant 14 : i32
      "tpu.region"() ({
        %run_scoped3A = tpu.sem_alloc : memref<!tpu.dma_semaphore, #tpu.memory_space<semaphore_mem>>
        %dma_start3A = tpu.memref_slice %arg5[%add3A_76] : memref<100352xf32, #tpu.memory_space<hbm>> -> memref<224xf32, #tpu.memory_space<hbm>>
        %dma_start3A_83 = tpu.memref_slice %arg5[%add3A_76] : memref<100352xf32, #tpu.memory_space<hbm>> -> memref<224xf32, #tpu.memory_space<hbm>>
        tpu.enqueue_dma source(%arg15 : memref<224xf32, #tpu.memory_space<vmem>>) target(%dma_start3A_83 : memref<224xf32, #tpu.memory_space<hbm>>) target_semaphore(%run_scoped3A : memref<!tpu.dma_semaphore, #tpu.memory_space<semaphore_mem>>)
        %dma_wait3A = tpu.memref_slice %arg5[%add3A_76] : memref<100352xf32, #tpu.memory_space<hbm>> -> memref<224xf32, #tpu.memory_space<hbm>>
        %dma_wait3A_84 = tpu.memref_slice %arg5[%add3A_76] : memref<100352xf32, #tpu.memory_space<hbm>> -> memref<224xf32, #tpu.memory_space<hbm>>
        tpu.wait_dma2 semaphore(%run_scoped3A : memref<!tpu.dma_semaphore, #tpu.memory_space<semaphore_mem>>) src(%arg15 : memref<224xf32, #tpu.memory_space<vmem>>) dst(%dma_wait3A_84 : memref<224xf32, #tpu.memory_space<hbm>>)
        tpu.yield
      }) : () -> ()
      "tpu.region"() ({
        %run_scoped3A = tpu.sem_alloc : memref<!tpu.dma_semaphore, #tpu.memory_space<semaphore_mem>>
        %dma_start3A = tpu.memref_slice %arg6[%add3A_76] : memref<100352xf32, #tpu.memory_space<hbm>> -> memref<224xf32, #tpu.memory_space<hbm>>
        %dma_start3A_83 = tpu.memref_slice %arg6[%add3A_76] : memref<100352xf32, #tpu.memory_space<hbm>> -> memref<224xf32, #tpu.memory_space<hbm>>
        tpu.enqueue_dma source(%arg16 : memref<224xf32, #tpu.memory_space<vmem>>) target(%dma_start3A_83 : memref<224xf32, #tpu.memory_space<hbm>>) target_semaphore(%run_scoped3A : memref<!tpu.dma_semaphore, #tpu.memory_space<semaphore_mem>>)
        %dma_wait3A = tpu.memref_slice %arg6[%add3A_76] : memref<100352xf32, #tpu.memory_space<hbm>> -> memref<224xf32, #tpu.memory_space<hbm>>
        %dma_wait3A_84 = tpu.memref_slice %arg6[%add3A_76] : memref<100352xf32, #tpu.memory_space<hbm>> -> memref<224xf32, #tpu.memory_space<hbm>>
        tpu.wait_dma2 semaphore(%run_scoped3A : memref<!tpu.dma_semaphore, #tpu.memory_space<semaphore_mem>>) src(%arg16 : memref<224xf32, #tpu.memory_space<vmem>>) dst(%dma_wait3A_84 : memref<224xf32, #tpu.memory_space<hbm>>)
        tpu.yield
      }) : () -> ()
      "tpu.region"() ({
        %run_scoped3A = tpu.sem_alloc : memref<!tpu.dma_semaphore, #tpu.memory_space<semaphore_mem>>
        %dma_start3A = tpu.memref_slice %arg7[%add3A_76] : memref<100352xf32, #tpu.memory_space<hbm>> -> memref<224xf32, #tpu.memory_space<hbm>>
        %dma_start3A_83 = tpu.memref_slice %arg7[%add3A_76] : memref<100352xf32, #tpu.memory_space<hbm>> -> memref<224xf32, #tpu.memory_space<hbm>>
        tpu.enqueue_dma source(%arg17 : memref<224xf32, #tpu.memory_space<vmem>>) target(%dma_start3A_83 : memref<224xf32, #tpu.memory_space<hbm>>) target_semaphore(%run_scoped3A : memref<!tpu.dma_semaphore, #tpu.memory_space<semaphore_mem>>)
        %dma_wait3A = tpu.memref_slice %arg7[%add3A_76] : memref<100352xf32, #tpu.memory_space<hbm>> -> memref<224xf32, #tpu.memory_space<hbm>>
        %dma_wait3A_84 = tpu.memref_slice %arg7[%add3A_76] : memref<100352xf32, #tpu.memory_space<hbm>> -> memref<224xf32, #tpu.memory_space<hbm>>
        tpu.wait_dma2 semaphore(%run_scoped3A : memref<!tpu.dma_semaphore, #tpu.memory_space<semaphore_mem>>) src(%arg17 : memref<224xf32, #tpu.memory_space<vmem>>) dst(%dma_wait3A_84 : memref<224xf32, #tpu.memory_space<hbm>>)
        tpu.yield
      }) : () -> ()
    }
    %scan3A_63 = arith.constant 14 : i32
    %scan3A_64 = arith.constant 0 : i32
    %scan3A_65 = arith.constant 0 : i32
    %scan3A_66 = arith.constant 2 : i32
    %scan3A_67 = arith.addi %scan3A_65, %scan3A_66 : i32
    %scan3A_68 = arith.constant 1 : i32
    scf.for %scan3A_70 = %scan3A_65 to %scan3A_67 step %scan3A_68  : i32 {
      %mul3A = arith.constant 2 : i32
      %mul3A_71 = arith.muli %mul3A, %arg0 : i32
      %add3A = arith.addi %mul3A_71, %scan3A_70 : i32
      %scan3A_72 = arith.constant 0 : i32
      %scan3A_73 = arith.constant 0 : i32
      %scan3A_74 = arith.constant 28 : i32
      %scan3A_75 = arith.addi %scan3A_73, %scan3A_74 : i32
      %scan3A_76 = arith.constant 1 : i32
      scf.for %scan3A_78 = %scan3A_73 to %scan3A_75 step %scan3A_76  : i32 {
        %mul3A_79 = arith.constant 6272 : i32
        %mul3A_80 = arith.muli %arg1, %mul3A_79 : i32
        %mul3A_81 = arith.constant 224 : i32
        %mul3A_82 = arith.muli %scan3A_78, %mul3A_81 : i32
        %add3A_83 = arith.addi %mul3A_80, %mul3A_82 : i32
        "tpu.region"() ({
          %run_scoped3A = tpu.sem_alloc : memref<!tpu.dma_semaphore, #tpu.memory_space<semaphore_mem>>
          %dma_start3A = tpu.memref_slice %arg9[%add3A_83] : memref<100352xf32, #tpu.memory_space<vmem_shared>> -> memref<224xf32, #tpu.memory_space<vmem_shared>>
          %dma_start3A_99 = tpu.memref_slice %arg9[%add3A_83] : memref<100352xf32, #tpu.memory_space<vmem_shared>> -> memref<224xf32, #tpu.memory_space<vmem_shared>>
          tpu.enqueue_dma source(%dma_start3A_99 : memref<224xf32, #tpu.memory_space<vmem_shared>>) target(%arg12 : memref<224xf32, #tpu.memory_space<vmem>>) target_semaphore(%run_scoped3A : memref<!tpu.dma_semaphore, #tpu.memory_space<semaphore_mem>>)
          %dma_wait3A = tpu.memref_slice %arg9[%add3A_83] : memref<100352xf32, #tpu.memory_space<vmem_shared>> -> memref<224xf32, #tpu.memory_space<vmem_shared>>
          %dma_wait3A_100 = tpu.memref_slice %arg9[%add3A_83] : memref<100352xf32, #tpu.memory_space<vmem_shared>> -> memref<224xf32, #tpu.memory_space<vmem_shared>>
          tpu.wait_dma2 semaphore(%run_scoped3A : memref<!tpu.dma_semaphore, #tpu.memory_space<semaphore_mem>>) src(%dma_wait3A_100 : memref<224xf32, #tpu.memory_space<vmem_shared>>) dst(%arg12 : memref<224xf32, #tpu.memory_space<vmem>>)
          tpu.yield
        }) : () -> ()
        "tpu.region"() ({
          %run_scoped3A = tpu.sem_alloc : memref<!tpu.dma_semaphore, #tpu.memory_space<semaphore_mem>>
          %dma_start3A = tpu.memref_slice %arg3[%add3A_83] : memref<100352xi32, #tpu.memory_space<hbm>> -> memref<224xi32, #tpu.memory_space<hbm>>
          %dma_start3A_99 = tpu.memref_slice %arg3[%add3A_83] : memref<100352xi32, #tpu.memory_space<hbm>> -> memref<224xi32, #tpu.memory_space<hbm>>
          tpu.enqueue_dma source(%dma_start3A_99 : memref<224xi32, #tpu.memory_space<hbm>>) target(%arg13 : memref<224xi32, #tpu.memory_space<vmem>>) target_semaphore(%run_scoped3A : memref<!tpu.dma_semaphore, #tpu.memory_space<semaphore_mem>>)
          %dma_wait3A = tpu.memref_slice %arg3[%add3A_83] : memref<100352xi32, #tpu.memory_space<hbm>> -> memref<224xi32, #tpu.memory_space<hbm>>
          %dma_wait3A_100 = tpu.memref_slice %arg3[%add3A_83] : memref<100352xi32, #tpu.memory_space<hbm>> -> memref<224xi32, #tpu.memory_space<hbm>>
          tpu.wait_dma2 semaphore(%run_scoped3A : memref<!tpu.dma_semaphore, #tpu.memory_space<semaphore_mem>>) src(%dma_wait3A_100 : memref<224xi32, #tpu.memory_space<hbm>>) dst(%arg13 : memref<224xi32, #tpu.memory_space<vmem>>)
          tpu.yield
        }) : () -> ()
        "tpu.region"() ({
          %run_scoped3A = tpu.sem_alloc : memref<!tpu.dma_semaphore, #tpu.memory_space<semaphore_mem>>
          %dma_start3A = tpu.memref_slice %arg4[%add3A_83] : memref<100352xi32, #tpu.memory_space<hbm>> -> memref<224xi32, #tpu.memory_space<hbm>>
          %dma_start3A_99 = tpu.memref_slice %arg4[%add3A_83] : memref<100352xi32, #tpu.memory_space<hbm>> -> memref<224xi32, #tpu.memory_space<hbm>>
          tpu.enqueue_dma source(%dma_start3A_99 : memref<224xi32, #tpu.memory_space<hbm>>) target(%arg14 : memref<224xi32, #tpu.memory_space<vmem>>) target_semaphore(%run_scoped3A : memref<!tpu.dma_semaphore, #tpu.memory_space<semaphore_mem>>)
          %dma_wait3A = tpu.memref_slice %arg4[%add3A_83] : memref<100352xi32, #tpu.memory_space<hbm>> -> memref<224xi32, #tpu.memory_space<hbm>>
          %dma_wait3A_100 = tpu.memref_slice %arg4[%add3A_83] : memref<100352xi32, #tpu.memory_space<hbm>> -> memref<224xi32, #tpu.memory_space<hbm>>
          tpu.wait_dma2 semaphore(%run_scoped3A : memref<!tpu.dma_semaphore, #tpu.memory_space<semaphore_mem>>) src(%dma_wait3A_100 : memref<224xi32, #tpu.memory_space<hbm>>) dst(%arg14 : memref<224xi32, #tpu.memory_space<vmem>>)
          tpu.yield
        }) : () -> ()
        %scan3A_84 = arith.constant 0 : i32
        %scan3A_85 = arith.constant 0 : i32
        %scan3A_86 = arith.constant 224 : i32
        %scan3A_87 = arith.addi %scan3A_85, %scan3A_86 : i32
        %scan3A_88 = arith.constant 1 : i32
        scf.for %scan3A_99 = %scan3A_85 to %scan3A_87 step %scan3A_88  : i32 {
          %swap3A_100 = arith.index_cast %scan3A_99 : i32 to index
          %swap3A_101 = arith.constant 0 : index
          %swap3A_102 = tpu.vector_load %arg18[%swap3A_100, %swap3A_101] {strides = array<i32>} : memref<224x16xf32, #tpu.memory_space<vmem>>, vector<16xf32>,
          tpu.vector_store %arg18[%swap3A_100, %swap3A_101], %broadcast_in_dim3A_0 {strides = array<i32>} : memref<224x16xf32, #tpu.memory_space<vmem>>, vector<16xf32>,
        }
        %scan3A_89 = arith.constant 224 : i32
        %scan3A_90 = arith.constant 0 : i32
        %scan3A_91 = arith.constant 0 : i32
        %scan3A_92 = arith.constant 14 : i32
        %scan3A_93 = arith.addi %scan3A_91, %scan3A_92 : i32
        %scan3A_94 = arith.constant 1 : i32
        scf.for %scan3A_99 = %scan3A_91 to %scan3A_93 step %scan3A_94  : i32 {
          %mul3A_100 = arith.constant 16 : i32
          %mul3A_101 = arith.muli %mul3A_100, %scan3A_99 : i32
          %get3A = arith.index_cast %mul3A_101 : i32 to index
          %get3A_102 = tpu.vector_load %arg13[%get3A] {strides = array<i32>} : memref<224xi32, #tpu.memory_space<vmem>>, vector<16xi32>,
          %mul3A_103 = arith.constant 16 : i32
          %mul3A_104 = arith.muli %mul3A_103, %scan3A_99 : i32
          %get3A_105 = arith.index_cast %mul3A_104 : i32 to index
          %get3A_106 = tpu.vector_load %arg14[%get3A_105] {strides = array<i32>} : memref<224xi32, #tpu.memory_space<vmem>>, vector<16xi32>,
          %mul3A_107 = arith.constant 16 : i32
          %mul3A_108 = arith.muli %mul3A_107, %scan3A_99 : i32
          %get3A_109 = arith.index_cast %mul3A_108 : i32 to index
          %get3A_110 = tpu.vector_load %arg12[%get3A_109] {strides = array<i32>} : memref<224xf32, #tpu.memory_space<vmem>>, vector<16xf32>,
          %max3A = arith.constant 1.000000e+00 : f32
          %max3A_111 = vector.broadcast %max3A : f32 to vector<16xf32>
          %max3A_112 = arith.maximumf %get3A_110, %max3A_111 : vector<16xf32>
          %bitcast_convert_type3A = tpu.bitcast %max3A_112 : vector<16xf32> -> vector<16xi32>
          %shift_right_arithmetic3A = arith.constant 1 : i32
          %shift_right_arithmetic3A_113 = vector.broadcast %shift_right_arithmetic3A : i32 to vector<16xi32>
          %shift_right_arithmetic3A_114 = arith.shrsi %bitcast_convert_type3A, %shift_right_arithmetic3A_113 : vector<16xi32>
          %sub3A = arith.constant 1597463007 : i32
          %sub3A_115 = vector.broadcast %sub3A : i32 to vector<16xi32>
          %sub3A_116 = arith.subi %sub3A_115, %shift_right_arithmetic3A_114 : vector<16xi32>
          %bitcast_convert_type3A_117 = tpu.bitcast %sub3A_116 : vector<16xi32> -> vector<16xf32>
          %mul3A_118 = arith.constant 5.000000e-01 : f32
          %mul3A_119 = vector.broadcast %mul3A_118 : f32 to vector<16xf32>
          %mul3A_120 = arith.mulf %mul3A_119, %max3A_112 : vector<16xf32>
          %mul3A_121 = arith.mulf %mul3A_120, %bitcast_convert_type3A_117 : vector<16xf32>
          %mul3A_122 = arith.mulf %mul3A_121, %bitcast_convert_type3A_117 : vector<16xf32>
          %sub3A_123 = arith.constant 1.500000e+00 : f32
          %sub3A_124 = vector.broadcast %sub3A_123 : f32 to vector<16xf32>
          %sub3A_125 = arith.subf %sub3A_124, %mul3A_122 : vector<16xf32>
          %mul3A_126 = arith.mulf %bitcast_convert_type3A_117, %sub3A_125 : vector<16xf32>
          %mul3A_127 = arith.constant 5.000000e-01 : f32
          %mul3A_128 = vector.broadcast %mul3A_127 : f32 to vector<16xf32>
          %mul3A_129 = arith.mulf %mul3A_128, %max3A_112 : vector<16xf32>
          %mul3A_130 = arith.mulf %mul3A_129, %mul3A_126 : vector<16xf32>
          %mul3A_131 = arith.mulf %mul3A_130, %mul3A_126 : vector<16xf32>
          %sub3A_132 = arith.constant 1.500000e+00 : f32
          %sub3A_133 = vector.broadcast %sub3A_132 : f32 to vector<16xf32>
          %sub3A_134 = arith.subf %sub3A_133, %mul3A_131 : vector<16xf32>
          %mul3A_135 = arith.mulf %mul3A_126, %sub3A_134 : vector<16xf32>
          %mul3A_136 = arith.constant 5.000000e-01 : f32
          %mul3A_137 = vector.broadcast %mul3A_136 : f32 to vector<16xf32>
          %mul3A_138 = arith.mulf %mul3A_137, %max3A_112 : vector<16xf32>
          %mul3A_139 = arith.mulf %mul3A_138, %mul3A_135 : vector<16xf32>
          %mul3A_140 = arith.mulf %mul3A_139, %mul3A_135 : vector<16xf32>
          %sub3A_141 = arith.constant 1.500000e+00 : f32
          %sub3A_142 = vector.broadcast %sub3A_141 : f32 to vector<16xf32>
          %sub3A_143 = arith.subf %sub3A_142, %mul3A_140 : vector<16xf32>
          %mul3A_144 = arith.mulf %mul3A_135, %sub3A_143 : vector<16xf32>
          %mul3A_145 = arith.constant 10 : i32
          %mul3A_146 = arith.muli %mul3A_145, %add3A : i32
          %sub3A_147 = vector.broadcast %mul3A_146 : i32 to vector<16xi32>
          %sub3A_148 = arith.subi %get3A_102, %sub3A_147 : vector<16xi32>
          %ne3A = arith.constant 0 : i32
          %ne3A_149 = vector.broadcast %ne3A : i32 to vector<16xi32>
          %ne3A_150 = arith.cmpi ne, %get3A_106, %ne3A_149 : vector<16xi32>
          %ge3A = arith.constant 0 : i32
          %ge3A_151 = vector.broadcast %ge3A : i32 to vector<16xi32>
          %ge3A_152 = arith.cmpi sge, %sub3A_148, %ge3A_151 : vector<16xi32>
          %and3A = arith.andi %ne3A_150, %ge3A_152 : vector<16xi1>
          %lt3A = arith.constant 10 : i32
          %lt3A_153 = vector.broadcast %lt3A : i32 to vector<16xi32>
          %lt3A_154 = arith.cmpi slt, %sub3A_148, %lt3A_153 : vector<16xi32>
          %and3A_155 = arith.andi %and3A, %lt3A_154 : vector<16xi1>
          %mul3A_156 = arith.constant 16 : i32
          %mul3A_157 = arith.muli %mul3A_156, %scan3A_99 : i32
          %add3A_158 = vector.broadcast %mul3A_157 : i32 to vector<16xi32>
          %add3A_159 = arith.addi %iota3A, %add3A_158 : vector<16xi32>
          tpu.vector_store_idx %arg18[%add3A_159, %sub3A_148], %mul3A_144 masked %and3A_155 : memref<224x16xf32, #tpu.memory_space<vmem>>[vector<16xi32>, vector<16xi32>], vector<16xf32>, vector<16xi1>
        }
        %scan3A_95 = arith.constant 14 : i32
        %mul3A_96 = arith.constant 100352 : i32
        %mul3A_97 = arith.muli %add3A, %mul3A_96 : i32
        %add3A_98 = arith.addi %mul3A_97, %add3A_83 : i32
        "tpu.region"() ({
          %run_scoped3A = tpu.sem_alloc : memref<!tpu.dma_semaphore, #tpu.memory_space<semaphore_mem>>
          %dma_start3A = arith.constant 0 : i32
          %dma_start3A_99 = tpu.memref_slice %arg8[%add3A_98, %dma_start3A] : memref<401408x16xf32, #tpu.memory_space<hbm>> -> memref<224x16xf32, #tpu.memory_space<hbm>>
          %dma_start3A_100 = arith.constant 0 : i32
          %dma_start3A_101 = tpu.memref_slice %arg8[%add3A_98, %dma_start3A_100] : memref<401408x16xf32, #tpu.memory_space<hbm>> -> memref<224x16xf32, #tpu.memory_space<hbm>>
          tpu.enqueue_dma source(%arg18 : memref<224x16xf32, #tpu.memory_space<vmem>>) target(%dma_start3A_101 : memref<224x16xf32, #tpu.memory_space<hbm>>) target_semaphore(%run_scoped3A : memref<!tpu.dma_semaphore, #tpu.memory_space<semaphore_mem>>)
          %dma_wait3A = arith.constant 0 : i32
          %dma_wait3A_102 = tpu.memref_slice %arg8[%add3A_98, %dma_wait3A] : memref<401408x16xf32, #tpu.memory_space<hbm>> -> memref<224x16xf32, #tpu.memory_space<hbm>>
          %dma_wait3A_103 = arith.constant 0 : i32
          %dma_wait3A_104 = tpu.memref_slice %arg8[%add3A_98, %dma_wait3A_103] : memref<401408x16xf32, #tpu.memory_space<hbm>> -> memref<224x16xf32, #tpu.memory_space<hbm>>
          tpu.wait_dma2 semaphore(%run_scoped3A : memref<!tpu.dma_semaphore, #tpu.memory_space<semaphore_mem>>) src(%arg18 : memref<224x16xf32, #tpu.memory_space<vmem>>) dst(%dma_wait3A_104 : memref<224x16xf32, #tpu.memory_space<hbm>>)
          tpu.yield
        }) : () -> ()
      }
      %scan3A_77 = arith.constant 28 : i32
    }
    %scan3A_69 = arith.constant 2 : i32
    return
  }
}

#map = affine_map<(d0, d1) -> (0, 0)>
#map1 = affine_map<(d0, d1) -> (0)>
module attributes {stable_mosaic.version = 14 : i64} {
  func.func @_prop_body(%arg0: i32, %arg1: i32, %arg2: memref<50176x128xi32, #tpu.memory_space<hbm>>, %arg3: memref<12544x128xi32, #tpu.memory_space<hbm>>, %arg4: memref<401408x16xf32, #tpu.memory_space<hbm>>, %arg5: memref<100352xf32, #tpu.memory_space<hbm>>, %arg6: memref<100352xf32, #tpu.memory_space<hbm>>, %arg7: memref<100352xf32, #tpu.memory_space<hbm>>, %arg8: memref<224x16xf32, #tpu.memory_space<hbm>>, %arg9: memref<401408x16xf32, #tpu.memory_space<hbm>>, %arg10: memref<401408x16xf32, #tpu.memory_space<hbm>>, %arg11: memref<100352x16xf32, #tpu.memory_space<vmem_shared>>, %arg12: memref<12x128xi32, #tpu.memory_space<vmem>>, %arg13: memref<12x128xi32, #tpu.memory_space<vmem>>, %arg14: memref<8x128x16xf32, #tpu.memory_space<vmem>>, %arg15: memref<224x16xf32, #tpu.memory_space<vmem>>, %arg16: memref<224x16xf32, #tpu.memory_space<vmem>>, %arg17: memref<224xf32, #tpu.memory_space<vmem>>, %arg18: memref<224xf32, #tpu.memory_space<vmem>>, %arg19: memref<!tpu.dma_semaphore, #tpu.memory_space<semaphore_mem>>, %arg20: memref<!tpu.dma_semaphore, #tpu.memory_space<semaphore_mem>>) attributes {dimension_semantics = [#tpu.dimension_semantics<core_parallel>, #tpu.dimension_semantics<subcore_parallel>], iteration_bounds = array<i64: 2, 16>, scalar_prefetch = 0 : i64, scratch_operands = 10 : i64, tpu.core_type = #tpu.core_type<sc_vector_subcore>, window_params = [{transform_indices = #map}, {transform_indices = #map}, {transform_indices = #map}, {transform_indices = #map1}, {transform_indices = #map1}, {transform_indices = #map1}, {transform_indices = #map}, {transform_indices = #map}, {transform_indices = #map}]} {
    %scan3A = arith.constant 0 : i32
    %scan3A_0 = arith.constant 0 : i32
    %scan3A_1 = arith.constant 2 : i32
    %scan3A_2 = arith.addi %scan3A_0, %scan3A_1 : i32
    %scan3A_3 = arith.constant 1 : i32
    scf.for %scan3A_17 = %scan3A_0 to %scan3A_2 step %scan3A_3  : i32 {
      %mul3A = arith.constant 2 : i32
      %mul3A_18 = arith.muli %mul3A, %arg0 : i32
      %add3A = arith.addi %mul3A_18, %scan3A_17 : i32
      "tpu.region"() ({
        %run_scoped3A = tpu.sem_alloc : memref<!tpu.dma_semaphore, #tpu.memory_space<semaphore_mem>>
        tpu.enqueue_dma source(%arg8 : memref<224x16xf32, #tpu.memory_space<hbm>>) target(%arg15 : memref<224x16xf32, #tpu.memory_space<vmem>>) target_semaphore(%run_scoped3A : memref<!tpu.dma_semaphore, #tpu.memory_space<semaphore_mem>>)
        tpu.wait_dma2 semaphore(%run_scoped3A : memref<!tpu.dma_semaphore, #tpu.memory_space<semaphore_mem>>) src(%arg8 : memref<224x16xf32, #tpu.memory_space<hbm>>) dst(%arg15 : memref<224x16xf32, #tpu.memory_space<vmem>>)
        tpu.yield
      }) : () -> ()
      %scan3A_19 = arith.constant 0 : i32
      %scan3A_20 = arith.constant 0 : i32
      %scan3A_21 = arith.constant 28 : i32
      %scan3A_22 = arith.addi %scan3A_20, %scan3A_21 : i32
      %scan3A_23 = arith.constant 1 : i32
      scf.for %scan3A_147 = %scan3A_20 to %scan3A_22 step %scan3A_23  : i32 {
        %mul3A_148 = arith.constant 6272 : i32
        %mul3A_149 = arith.muli %arg1, %mul3A_148 : i32
        %mul3A_150 = arith.constant 224 : i32
        %mul3A_151 = arith.muli %scan3A_147, %mul3A_150 : i32
        %add3A_152 = arith.addi %mul3A_149, %mul3A_151 : i32
        "tpu.region"() ({
          %run_scoped3A = tpu.sem_alloc : memref<!tpu.dma_semaphore, #tpu.memory_space<semaphore_mem>>
          %dma_start3A_153 = arith.constant 0 : i32
          %dma_start3A_154 = tpu.memref_slice %arg11[%add3A_152, %dma_start3A_153] : memref<100352x16xf32, #tpu.memory_space<vmem_shared>> -> memref<224x16xf32, #tpu.memory_space<vmem_shared>>
          %dma_start3A_155 = arith.constant 0 : i32
          %dma_start3A_156 = tpu.memref_slice %arg11[%add3A_152, %dma_start3A_155] : memref<100352x16xf32, #tpu.memory_space<vmem_shared>> -> memref<224x16xf32, #tpu.memory_space<vmem_shared>>
          tpu.enqueue_dma source(%arg15 : memref<224x16xf32, #tpu.memory_space<vmem>>) target(%dma_start3A_156 : memref<224x16xf32, #tpu.memory_space<vmem_shared>>) target_semaphore(%run_scoped3A : memref<!tpu.dma_semaphore, #tpu.memory_space<semaphore_mem>>)
          %dma_wait3A_157 = arith.constant 0 : i32
          %dma_wait3A_158 = tpu.memref_slice %arg11[%add3A_152, %dma_wait3A_157] : memref<100352x16xf32, #tpu.memory_space<vmem_shared>> -> memref<224x16xf32, #tpu.memory_space<vmem_shared>>
          %dma_wait3A_159 = arith.constant 0 : i32
          %dma_wait3A_160 = tpu.memref_slice %arg11[%add3A_152, %dma_wait3A_159] : memref<100352x16xf32, #tpu.memory_space<vmem_shared>> -> memref<224x16xf32, #tpu.memory_space<vmem_shared>>
          tpu.wait_dma2 semaphore(%run_scoped3A : memref<!tpu.dma_semaphore, #tpu.memory_space<semaphore_mem>>) src(%arg15 : memref<224x16xf32, #tpu.memory_space<vmem>>) dst(%dma_wait3A_160 : memref<224x16xf32, #tpu.memory_space<vmem_shared>>)
          tpu.yield
        }) : () -> ()
      }
      %scan3A_24 = arith.constant 28 : i32
      %barrier3A = arith.constant 0 : index
      tpu.barrier barrier_id(%barrier3A)
      %mul3A_25 = arith.constant 784 : i32
      %mul3A_26 = arith.muli %arg1, %mul3A_25 : i32
      %add3A_27 = arith.constant 0 : i32
      %add3A_28 = arith.addi %mul3A_26, %add3A_27 : i32
      "tpu.region"() ({
        %run_scoped3A = tpu.sem_alloc : memref<!tpu.dma_semaphore, #tpu.memory_space<semaphore_mem>>
        %dma_start3A_147 = arith.constant 0 : i32
        %dma_start3A_148 = arith.constant 0 : i32
        %dma_start3A_149 = tpu.memref_slice %arg13[%dma_start3A_147, %dma_start3A_148] : memref<12x128xi32, #tpu.memory_space<vmem>> -> memref<4x128xi32, #tpu.memory_space<vmem>>
        %dma_start3A_150 = arith.constant 0 : i32
        %dma_start3A_151 = tpu.memref_slice %arg3[%add3A_28, %dma_start3A_150] : memref<12544x128xi32, #tpu.memory_space<hbm>> -> memref<4x128xi32, #tpu.memory_space<hbm>>
        %dma_start3A_152 = arith.constant 0 : i32
        %dma_start3A_153 = arith.constant 0 : i32
        %dma_start3A_154 = tpu.memref_slice %arg13[%dma_start3A_152, %dma_start3A_153] : memref<12x128xi32, #tpu.memory_space<vmem>> -> memref<4x128xi32, #tpu.memory_space<vmem>>
        %dma_start3A_155 = arith.constant 0 : i32
        %dma_start3A_156 = tpu.memref_slice %arg3[%add3A_28, %dma_start3A_155] : memref<12544x128xi32, #tpu.memory_space<hbm>> -> memref<4x128xi32, #tpu.memory_space<hbm>>
        tpu.enqueue_dma source(%dma_start3A_156 : memref<4x128xi32, #tpu.memory_space<hbm>>) target(%dma_start3A_154 : memref<4x128xi32, #tpu.memory_space<vmem>>) target_semaphore(%run_scoped3A : memref<!tpu.dma_semaphore, #tpu.memory_space<semaphore_mem>>)
        %dma_wait3A_157 = arith.constant 0 : i32
        %dma_wait3A_158 = arith.constant 0 : i32
        %dma_wait3A_159 = tpu.memref_slice %arg13[%dma_wait3A_157, %dma_wait3A_158] : memref<12x128xi32, #tpu.memory_space<vmem>> -> memref<4x128xi32, #tpu.memory_space<vmem>>
        %dma_wait3A_160 = arith.constant 0 : i32
        %dma_wait3A_161 = tpu.memref_slice %arg3[%add3A_28, %dma_wait3A_160] : memref<12544x128xi32, #tpu.memory_space<hbm>> -> memref<4x128xi32, #tpu.memory_space<hbm>>
        %dma_wait3A_162 = arith.constant 0 : i32
        %dma_wait3A_163 = arith.constant 0 : i32
        %dma_wait3A_164 = tpu.memref_slice %arg13[%dma_wait3A_162, %dma_wait3A_163] : memref<12x128xi32, #tpu.memory_space<vmem>> -> memref<4x128xi32, #tpu.memory_space<vmem>>
        %dma_wait3A_165 = arith.constant 0 : i32
        %dma_wait3A_166 = tpu.memref_slice %arg3[%add3A_28, %dma_wait3A_165] : memref<12544x128xi32, #tpu.memory_space<hbm>> -> memref<4x128xi32, #tpu.memory_space<hbm>>
        tpu.wait_dma2 semaphore(%run_scoped3A : memref<!tpu.dma_semaphore, #tpu.memory_space<semaphore_mem>>) src(%dma_wait3A_166 : memref<4x128xi32, #tpu.memory_space<hbm>>) dst(%dma_wait3A_164 : memref<4x128xi32, #tpu.memory_space<vmem>>)
        tpu.yield
      }) : () -> ()
      %mul3A_29 = arith.constant 12544 : i32
      %mul3A_30 = arith.muli %add3A, %mul3A_29 : i32
      %add3A_31 = arith.addi %mul3A_30, %add3A_28 : i32
      "tpu.region"() ({
        %run_scoped3A = tpu.sem_alloc : memref<!tpu.dma_semaphore, #tpu.memory_space<semaphore_mem>>
        %dma_start3A_147 = arith.constant 0 : i32
        %dma_start3A_148 = arith.constant 0 : i32
        %dma_start3A_149 = tpu.memref_slice %arg12[%dma_start3A_147, %dma_start3A_148] : memref<12x128xi32, #tpu.memory_space<vmem>> -> memref<4x128xi32, #tpu.memory_space<vmem>>
        %dma_start3A_150 = arith.constant 0 : i32
        %dma_start3A_151 = tpu.memref_slice %arg2[%add3A_31, %dma_start3A_150] : memref<50176x128xi32, #tpu.memory_space<hbm>> -> memref<4x128xi32, #tpu.memory_space<hbm>>
        %dma_start3A_152 = arith.constant 0 : i32
        %dma_start3A_153 = arith.constant 0 : i32
        %dma_start3A_154 = tpu.memref_slice %arg12[%dma_start3A_152, %dma_start3A_153] : memref<12x128xi32, #tpu.memory_space<vmem>> -> memref<4x128xi32, #tpu.memory_space<vmem>>
        %dma_start3A_155 = arith.constant 0 : i32
        %dma_start3A_156 = tpu.memref_slice %arg2[%add3A_31, %dma_start3A_155] : memref<50176x128xi32, #tpu.memory_space<hbm>> -> memref<4x128xi32, #tpu.memory_space<hbm>>
        tpu.enqueue_dma source(%dma_start3A_156 : memref<4x128xi32, #tpu.memory_space<hbm>>) target(%dma_start3A_154 : memref<4x128xi32, #tpu.memory_space<vmem>>) target_semaphore(%run_scoped3A : memref<!tpu.dma_semaphore, #tpu.memory_space<semaphore_mem>>)
        %dma_wait3A_157 = arith.constant 0 : i32
        %dma_wait3A_158 = arith.constant 0 : i32
        %dma_wait3A_159 = tpu.memref_slice %arg12[%dma_wait3A_157, %dma_wait3A_158] : memref<12x128xi32, #tpu.memory_space<vmem>> -> memref<4x128xi32, #tpu.memory_space<vmem>>
        %dma_wait3A_160 = arith.constant 0 : i32
        %dma_wait3A_161 = tpu.memref_slice %arg2[%add3A_31, %dma_wait3A_160] : memref<50176x128xi32, #tpu.memory_space<hbm>> -> memref<4x128xi32, #tpu.memory_space<hbm>>
        %dma_wait3A_162 = arith.constant 0 : i32
        %dma_wait3A_163 = arith.constant 0 : i32
        %dma_wait3A_164 = tpu.memref_slice %arg12[%dma_wait3A_162, %dma_wait3A_163] : memref<12x128xi32, #tpu.memory_space<vmem>> -> memref<4x128xi32, #tpu.memory_space<vmem>>
        %dma_wait3A_165 = arith.constant 0 : i32
        %dma_wait3A_166 = tpu.memref_slice %arg2[%add3A_31, %dma_wait3A_165] : memref<50176x128xi32, #tpu.memory_space<hbm>> -> memref<4x128xi32, #tpu.memory_space<hbm>>
        tpu.wait_dma2 semaphore(%run_scoped3A : memref<!tpu.dma_semaphore, #tpu.memory_space<semaphore_mem>>) src(%dma_wait3A_166 : memref<4x128xi32, #tpu.memory_space<hbm>>) dst(%dma_wait3A_164 : memref<4x128xi32, #tpu.memory_space<vmem>>)
        tpu.yield
      }) : () -> ()
      %dma_start3A = arith.constant 0 : i32
      %dma_start3A_32 = arith.constant 0 : i32
      %dma_start3A_33 = arith.constant 0 : i32
      %dma_start3A_34 = arith.constant 0 : i32
      %dma_start3A_35 = tpu.memref_slice %arg14[%dma_start3A_32, %dma_start3A_33, %dma_start3A_34] : memref<8x128x16xf32, #tpu.memory_space<vmem>> -> memref<1x128x16xf32, #tpu.memory_space<vmem>>
      %dma_start3A_36 = tpu.memref_squeeze %dma_start3A_35 : memref<1x128x16xf32, #tpu.memory_space<vmem>> -> memref<128x16xf32, #tpu.memory_space<vmem>>
      %dma_start3A_37 = arith.constant 0 : i32
      %dma_start3A_38 = tpu.memref_slice %arg12[%dma_start3A, %dma_start3A_37] : memref<12x128xi32, #tpu.memory_space<vmem>> -> memref<1x128xi32, #tpu.memory_space<vmem>>
      %dma_start3A_39 = tpu.memref_squeeze %dma_start3A_38 : memref<1x128xi32, #tpu.memory_space<vmem>> -> memref<128xi32, #tpu.memory_space<vmem>>
      %dma_start3A_40 = arith.constant 0 : i32
      %dma_start3A_41 = arith.constant 0 : i32
      %dma_start3A_42 = tpu.memref_slice %arg4[%dma_start3A_40, %dma_start3A_41] : memref<401408x16xf32, #tpu.memory_space<hbm>> -> memref<401408x16xf32, #tpu.memory_space<hbm>>
      tpu.enqueue_indirect_dma source(%dma_start3A_42 : memref<401408x16xf32, #tpu.memory_space<hbm>>) target(%dma_start3A_36 : memref<128x16xf32, #tpu.memory_space<vmem>>) offsets(%dma_start3A_39 : memref<128xi32, #tpu.memory_space<vmem>>) semaphore(%arg19 : memref<!tpu.dma_semaphore, #tpu.memory_space<semaphore_mem>>)
      %dma_start3A_43 = arith.constant 1 : i32
      %dma_start3A_44 = arith.constant 1 : i32
      %dma_start3A_45 = arith.constant 0 : i32
      %dma_start3A_46 = arith.constant 0 : i32
      %dma_start3A_47 = tpu.memref_slice %arg14[%dma_start3A_44, %dma_start3A_45, %dma_start3A_46] : memref<8x128x16xf32, #tpu.memory_space<vmem>> -> memref<1x128x16xf32, #tpu.memory_space<vmem>>
      %dma_start3A_48 = tpu.memref_squeeze %dma_start3A_47 : memref<1x128x16xf32, #tpu.memory_space<vmem>> -> memref<128x16xf32, #tpu.memory_space<vmem>>
      %dma_start3A_49 = arith.constant 0 : i32
      %dma_start3A_50 = tpu.memref_slice %arg12[%dma_start3A_43, %dma_start3A_49] : memref<12x128xi32, #tpu.memory_space<vmem>> -> memref<1x128xi32, #tpu.memory_space<vmem>>
      %dma_start3A_51 = tpu.memref_squeeze %dma_start3A_50 : memref<1x128xi32, #tpu.memory_space<vmem>> -> memref<128xi32, #tpu.memory_space<vmem>>
      %dma_start3A_52 = arith.constant 0 : i32
      %dma_start3A_53 = arith.constant 0 : i32
      %dma_start3A_54 = tpu.memref_slice %arg4[%dma_start3A_52, %dma_start3A_53] : memref<401408x16xf32, #tpu.memory_space<hbm>> -> memref<401408x16xf32, #tpu.memory_space<hbm>>
      tpu.enqueue_indirect_dma source(%dma_start3A_54 : memref<401408x16xf32, #tpu.memory_space<hbm>>) target(%dma_start3A_48 : memref<128x16xf32, #tpu.memory_space<vmem>>) offsets(%dma_start3A_51 : memref<128xi32, #tpu.memory_space<vmem>>) semaphore(%arg19 : memref<!tpu.dma_semaphore, #tpu.memory_space<semaphore_mem>>)
      %dma_start3A_55 = arith.constant 2 : i32
      %dma_start3A_56 = arith.constant 2 : i32
      %dma_start3A_57 = arith.constant 0 : i32
      %dma_start3A_58 = arith.constant 0 : i32
      %dma_start3A_59 = tpu.memref_slice %arg14[%dma_start3A_56, %dma_start3A_57, %dma_start3A_58] : memref<8x128x16xf32, #tpu.memory_space<vmem>> -> memref<1x128x16xf32, #tpu.memory_space<vmem>>
      %dma_start3A_60 = tpu.memref_squeeze %dma_start3A_59 : memref<1x128x16xf32, #tpu.memory_space<vmem>> -> memref<128x16xf32, #tpu.memory_space<vmem>>
      %dma_start3A_61 = arith.constant 0 : i32
      %dma_start3A_62 = tpu.memref_slice %arg12[%dma_start3A_55, %dma_start3A_61] : memref<12x128xi32, #tpu.memory_space<vmem>> -> memref<1x128xi32, #tpu.memory_space<vmem>>
      %dma_start3A_63 = tpu.memref_squeeze %dma_start3A_62 : memref<1x128xi32, #tpu.memory_space<vmem>> -> memref<128xi32, #tpu.memory_space<vmem>>
      %dma_start3A_64 = arith.constant 0 : i32
      %dma_start3A_65 = arith.constant 0 : i32
      %dma_start3A_66 = tpu.memref_slice %arg4[%dma_start3A_64, %dma_start3A_65] : memref<401408x16xf32, #tpu.memory_space<hbm>> -> memref<401408x16xf32, #tpu.memory_space<hbm>>
      tpu.enqueue_indirect_dma source(%dma_start3A_66 : memref<401408x16xf32, #tpu.memory_space<hbm>>) target(%dma_start3A_60 : memref<128x16xf32, #tpu.memory_space<vmem>>) offsets(%dma_start3A_63 : memref<128xi32, #tpu.memory_space<vmem>>) semaphore(%arg19 : memref<!tpu.dma_semaphore, #tpu.memory_space<semaphore_mem>>)
      %dma_start3A_67 = arith.constant 3 : i32
      %dma_start3A_68 = arith.constant 3 : i32
      %dma_start3A_69 = arith.constant 0 : i32
      %dma_start3A_70 = arith.constant 0 : i32
      %dma_start3A_71 = tpu.memref_slice %arg14[%dma_start3A_68, %dma_start3A_69, %dma_start3A_70] : memref<8x128x16xf32, #tpu.memory_space<vmem>> -> memref<1x128x16xf32, #tpu.memory_space<vmem>>
      %dma_start3A_72 = tpu.memref_squeeze %dma_start3A_71 : memref<1x128x16xf32, #tpu.memory_space<vmem>> -> memref<128x16xf32, #tpu.memory_space<vmem>>
      %dma_start3A_73 = arith.constant 0 : i32
      %dma_start3A_74 = tpu.memref_slice %arg12[%dma_start3A_67, %dma_start3A_73] : memref<12x128xi32, #tpu.memory_space<vmem>> -> memref<1x128xi32, #tpu.memory_space<vmem>>
      %dma_start3A_75 = tpu.memref_squeeze %dma_start3A_74 : memref<1x128xi32, #tpu.memory_space<vmem>> -> memref<128xi32, #tpu.memory_space<vmem>>
      %dma_start3A_76 = arith.constant 0 : i32
      %dma_start3A_77 = arith.constant 0 : i32
      %dma_start3A_78 = tpu.memref_slice %arg4[%dma_start3A_76, %dma_start3A_77] : memref<401408x16xf32, #tpu.memory_space<hbm>> -> memref<401408x16xf32, #tpu.memory_space<hbm>>
      tpu.enqueue_indirect_dma source(%dma_start3A_78 : memref<401408x16xf32, #tpu.memory_space<hbm>>) target(%dma_start3A_72 : memref<128x16xf32, #tpu.memory_space<vmem>>) offsets(%dma_start3A_75 : memref<128xi32, #tpu.memory_space<vmem>>) semaphore(%arg19 : memref<!tpu.dma_semaphore, #tpu.memory_space<semaphore_mem>>)
      %mul3A_79 = arith.constant 784 : i32
      %mul3A_80 = arith.muli %arg1, %mul3A_79 : i32
      %add3A_81 = arith.constant 4 : i32
      %add3A_82 = arith.addi %mul3A_80, %add3A_81 : i32
      "tpu.region"() ({
        %run_scoped3A = tpu.sem_alloc : memref<!tpu.dma_semaphore, #tpu.memory_space<semaphore_mem>>
        %dma_start3A_147 = arith.constant 4 : i32
        %dma_start3A_148 = arith.constant 0 : i32
        %dma_start3A_149 = tpu.memref_slice %arg13[%dma_start3A_147, %dma_start3A_148] : memref<12x128xi32, #tpu.memory_space<vmem>> -> memref<4x128xi32, #tpu.memory_space<vmem>>
        %dma_start3A_150 = arith.constant 0 : i32
        %dma_start3A_151 = tpu.memref_slice %arg3[%add3A_82, %dma_start3A_150] : memref<12544x128xi32, #tpu.memory_space<hbm>> -> memref<4x128xi32, #tpu.memory_space<hbm>>
        %dma_start3A_152 = arith.constant 4 : i32
        %dma_start3A_153 = arith.constant 0 : i32
        %dma_start3A_154 = tpu.memref_slice %arg13[%dma_start3A_152, %dma_start3A_153] : memref<12x128xi32, #tpu.memory_space<vmem>> -> memref<4x128xi32, #tpu.memory_space<vmem>>
        %dma_start3A_155 = arith.constant 0 : i32
        %dma_start3A_156 = tpu.memref_slice %arg3[%add3A_82, %dma_start3A_155] : memref<12544x128xi32, #tpu.memory_space<hbm>> -> memref<4x128xi32, #tpu.memory_space<hbm>>
        tpu.enqueue_dma source(%dma_start3A_156 : memref<4x128xi32, #tpu.memory_space<hbm>>) target(%dma_start3A_154 : memref<4x128xi32, #tpu.memory_space<vmem>>) target_semaphore(%run_scoped3A : memref<!tpu.dma_semaphore, #tpu.memory_space<semaphore_mem>>)
        %dma_wait3A_157 = arith.constant 4 : i32
        %dma_wait3A_158 = arith.constant 0 : i32
        %dma_wait3A_159 = tpu.memref_slice %arg13[%dma_wait3A_157, %dma_wait3A_158] : memref<12x128xi32, #tpu.memory_space<vmem>> -> memref<4x128xi32, #tpu.memory_space<vmem>>
        %dma_wait3A_160 = arith.constant 0 : i32
        %dma_wait3A_161 = tpu.memref_slice %arg3[%add3A_82, %dma_wait3A_160] : memref<12544x128xi32, #tpu.memory_space<hbm>> -> memref<4x128xi32, #tpu.memory_space<hbm>>
        %dma_wait3A_162 = arith.constant 4 : i32
        %dma_wait3A_163 = arith.constant 0 : i32
        %dma_wait3A_164 = tpu.memref_slice %arg13[%dma_wait3A_162, %dma_wait3A_163] : memref<12x128xi32, #tpu.memory_space<vmem>> -> memref<4x128xi32, #tpu.memory_space<vmem>>
        %dma_wait3A_165 = arith.constant 0 : i32
        %dma_wait3A_166 = tpu.memref_slice %arg3[%add3A_82, %dma_wait3A_165] : memref<12544x128xi32, #tpu.memory_space<hbm>> -> memref<4x128xi32, #tpu.memory_space<hbm>>
        tpu.wait_dma2 semaphore(%run_scoped3A : memref<!tpu.dma_semaphore, #tpu.memory_space<semaphore_mem>>) src(%dma_wait3A_166 : memref<4x128xi32, #tpu.memory_space<hbm>>) dst(%dma_wait3A_164 : memref<4x128xi32, #tpu.memory_space<vmem>>)
        tpu.yield
      }) : () -> ()
      %mul3A_83 = arith.constant 12544 : i32
      %mul3A_84 = arith.muli %add3A, %mul3A_83 : i32
      %add3A_85 = arith.addi %mul3A_84, %add3A_82 : i32
      "tpu.region"() ({
        %run_scoped3A = tpu.sem_alloc : memref<!tpu.dma_semaphore, #tpu.memory_space<semaphore_mem>>
        %dma_start3A_147 = arith.constant 4 : i32
        %dma_start3A_148 = arith.constant 0 : i32
        %dma_start3A_149 = tpu.memref_slice %arg12[%dma_start3A_147, %dma_start3A_148] : memref<12x128xi32, #tpu.memory_space<vmem>> -> memref<4x128xi32, #tpu.memory_space<vmem>>
        %dma_start3A_150 = arith.constant 0 : i32
        %dma_start3A_151 = tpu.memref_slice %arg2[%add3A_85, %dma_start3A_150] : memref<50176x128xi32, #tpu.memory_space<hbm>> -> memref<4x128xi32, #tpu.memory_space<hbm>>
        %dma_start3A_152 = arith.constant 4 : i32
        %dma_start3A_153 = arith.constant 0 : i32
        %dma_start3A_154 = tpu.memref_slice %arg12[%dma_start3A_152, %dma_start3A_153] : memref<12x128xi32, #tpu.memory_space<vmem>> -> memref<4x128xi32, #tpu.memory_space<vmem>>
        %dma_start3A_155 = arith.constant 0 : i32
        %dma_start3A_156 = tpu.memref_slice %arg2[%add3A_85, %dma_start3A_155] : memref<50176x128xi32, #tpu.memory_space<hbm>> -> memref<4x128xi32, #tpu.memory_space<hbm>>
        tpu.enqueue_dma source(%dma_start3A_156 : memref<4x128xi32, #tpu.memory_space<hbm>>) target(%dma_start3A_154 : memref<4x128xi32, #tpu.memory_space<vmem>>) target_semaphore(%run_scoped3A : memref<!tpu.dma_semaphore, #tpu.memory_space<semaphore_mem>>)
        %dma_wait3A_157 = arith.constant 4 : i32
        %dma_wait3A_158 = arith.constant 0 : i32
        %dma_wait3A_159 = tpu.memref_slice %arg12[%dma_wait3A_157, %dma_wait3A_158] : memref<12x128xi32, #tpu.memory_space<vmem>> -> memref<4x128xi32, #tpu.memory_space<vmem>>
        %dma_wait3A_160 = arith.constant 0 : i32
        %dma_wait3A_161 = tpu.memref_slice %arg2[%add3A_85, %dma_wait3A_160] : memref<50176x128xi32, #tpu.memory_space<hbm>> -> memref<4x128xi32, #tpu.memory_space<hbm>>
        %dma_wait3A_162 = arith.constant 4 : i32
        %dma_wait3A_163 = arith.constant 0 : i32
        %dma_wait3A_164 = tpu.memref_slice %arg12[%dma_wait3A_162, %dma_wait3A_163] : memref<12x128xi32, #tpu.memory_space<vmem>> -> memref<4x128xi32, #tpu.memory_space<vmem>>
        %dma_wait3A_165 = arith.constant 0 : i32
        %dma_wait3A_166 = tpu.memref_slice %arg2[%add3A_85, %dma_wait3A_165] : memref<50176x128xi32, #tpu.memory_space<hbm>> -> memref<4x128xi32, #tpu.memory_space<hbm>>
        tpu.wait_dma2 semaphore(%run_scoped3A : memref<!tpu.dma_semaphore, #tpu.memory_space<semaphore_mem>>) src(%dma_wait3A_166 : memref<4x128xi32, #tpu.memory_space<hbm>>) dst(%dma_wait3A_164 : memref<4x128xi32, #tpu.memory_space<vmem>>)
        tpu.yield
      }) : () -> ()
      %scan3A_86 = arith.constant 0 : i32
      %scan3A_87 = arith.constant 0 : i32
      %scan3A_88 = arith.constant 196 : i32
      %scan3A_89 = arith.addi %scan3A_87, %scan3A_88 : i32
      %scan3A_90 = arith.constant 1 : i32
      scf.for %scan3A_147 = %scan3A_87 to %scan3A_89 step %scan3A_90  : i32 {
        %jit3A = arith.constant 2 : i32
        %eq3A = arith.constant 0 : i32
        %eq3A_148 = arith.cmpi eq, %jit3A, %eq3A : i32
        %jit3A_149 = arith.constant 1 : i32
        %select_n3A = arith.select %eq3A_148, %jit3A_149, %jit3A : i32
        %rem3A = arith.remsi %scan3A_147, %select_n3A : i32
        %ne3A = arith.constant 0 : i32
        %ne3A_150 = arith.cmpi ne, %rem3A, %ne3A : i32
        %lt3A = arith.constant 0 : i32
        %lt3A_151 = arith.cmpi slt, %rem3A, %lt3A : i32
        %lt3A_152 = arith.constant 0 : i32
        %lt3A_153 = arith.cmpi slt, %select_n3A, %lt3A_152 : i32
        %ne3A_154 = arith.xori %lt3A_151, %lt3A_153 : i1
        %and3A = arith.andi %ne3A_154, %ne3A_150 : i1
        %add3A_155 = arith.addi %rem3A, %select_n3A : i32
        %select_n3A_156 = arith.select %and3A, %add3A_155, %rem3A : i32
        %jit3A_157 = arith.constant 3 : i32
        %eq3A_158 = arith.constant 0 : i32
        %eq3A_159 = arith.cmpi eq, %jit3A_157, %eq3A_158 : i32
        %jit3A_160 = arith.constant 1 : i32
        %select_n3A_161 = arith.select %eq3A_159, %jit3A_160, %jit3A_157 : i32
        %rem3A_162 = arith.remsi %scan3A_147, %select_n3A_161 : i32
        %ne3A_163 = arith.constant 0 : i32
        %ne3A_164 = arith.cmpi ne, %rem3A_162, %ne3A_163 : i32
        %lt3A_165 = arith.constant 0 : i32
        %lt3A_166 = arith.cmpi slt, %rem3A_162, %lt3A_165 : i32
        %lt3A_167 = arith.constant 0 : i32
        %lt3A_168 = arith.cmpi slt, %select_n3A_161, %lt3A_167 : i32
        %ne3A_169 = arith.xori %lt3A_166, %lt3A_168 : i1
        %and3A_170 = arith.andi %ne3A_169, %ne3A_164 : i1
        %add3A_171 = arith.addi %rem3A_162, %select_n3A_161 : i32
        %select_n3A_172 = arith.select %and3A_170, %add3A_171, %rem3A_162 : i32
        %gt3A = arith.constant 0 : i32
        %gt3A_173 = arith.cmpi sgt, %scan3A_147, %gt3A : i32
        %convert_element_type3A = arith.extui %gt3A_173 : i1 to i32
        %cond3A = arith.constant 0 : i32
        %cond3A_174 = arith.cmpi ne, %convert_element_type3A, %cond3A : i32
        scf.if %cond3A_174 {
          %mul3A_329 = arith.constant 4 : i32
          %mul3A_330 = arith.muli %select_n3A_172, %mul3A_329 : i32
          %add3A_331 = arith.constant 0 : i32
          %add3A_332 = arith.addi %mul3A_330, %add3A_331 : i32
          %dma_wait3A_333 = arith.constant 0 : i32
          %dma_wait3A_334 = arith.constant 0 : i32
          %dma_wait3A_335 = arith.constant 0 : i32
          %dma_wait3A_336 = tpu.memref_slice %arg14[%dma_wait3A_333, %dma_wait3A_334, %dma_wait3A_335] : memref<8x128x16xf32, #tpu.memory_space<vmem>> -> memref<1x128x16xf32, #tpu.memory_space<vmem>>
          %dma_wait3A_337 = tpu.memref_squeeze %dma_wait3A_336 : memref<1x128x16xf32, #tpu.memory_space<vmem>> -> memref<128x16xf32, #tpu.memory_space<vmem>>
          %dma_wait3A_338 = arith.constant 0 : i32
          %dma_wait3A_339 = tpu.memref_slice %arg13[%add3A_332, %dma_wait3A_338] : memref<12x128xi32, #tpu.memory_space<vmem>> -> memref<1x128xi32, #tpu.memory_space<vmem>>
          %dma_wait3A_340 = tpu.memref_squeeze %dma_wait3A_339 : memref<1x128xi32, #tpu.memory_space<vmem>> -> memref<128xi32, #tpu.memory_space<vmem>>
          %dma_wait3A_341 = arith.constant 0 : i32
          %dma_wait3A_342 = arith.constant 0 : i32
          %dma_wait3A_343 = tpu.memref_slice %arg11[%dma_wait3A_341, %dma_wait3A_342] : memref<100352x16xf32, #tpu.memory_space<vmem_shared>> -> memref<100352x16xf32, #tpu.memory_space<vmem_shared>>
          tpu.wait_indirect_dma semaphore(%arg20 : memref<!tpu.dma_semaphore, #tpu.memory_space<semaphore_mem>>) src(%dma_wait3A_337 : memref<128x16xf32, #tpu.memory_space<vmem>>) dst(%dma_wait3A_343 : memref<100352x16xf32, #tpu.memory_space<vmem_shared>>)
          %mul3A_344 = arith.constant 4 : i32
          %mul3A_345 = arith.muli %select_n3A_172, %mul3A_344 : i32
          %add3A_346 = arith.constant 1 : i32
          %add3A_347 = arith.addi %mul3A_345, %add3A_346 : i32
          %dma_wait3A_348 = arith.constant 1 : i32
          %dma_wait3A_349 = arith.constant 0 : i32
          %dma_wait3A_350 = arith.constant 0 : i32
          %dma_wait3A_351 = tpu.memref_slice %arg14[%dma_wait3A_348, %dma_wait3A_349, %dma_wait3A_350] : memref<8x128x16xf32, #tpu.memory_space<vmem>> -> memref<1x128x16xf32, #tpu.memory_space<vmem>>
          %dma_wait3A_352 = tpu.memref_squeeze %dma_wait3A_351 : memref<1x128x16xf32, #tpu.memory_space<vmem>> -> memref<128x16xf32, #tpu.memory_space<vmem>>
          %dma_wait3A_353 = arith.constant 0 : i32
          %dma_wait3A_354 = tpu.memref_slice %arg13[%add3A_347, %dma_wait3A_353] : memref<12x128xi32, #tpu.memory_space<vmem>> -> memref<1x128xi32, #tpu.memory_space<vmem>>
          %dma_wait3A_355 = tpu.memref_squeeze %dma_wait3A_354 : memref<1x128xi32, #tpu.memory_space<vmem>> -> memref<128xi32, #tpu.memory_space<vmem>>
          %dma_wait3A_356 = arith.constant 0 : i32
          %dma_wait3A_357 = arith.constant 0 : i32
          %dma_wait3A_358 = tpu.memref_slice %arg11[%dma_wait3A_356, %dma_wait3A_357] : memref<100352x16xf32, #tpu.memory_space<vmem_shared>> -> memref<100352x16xf32, #tpu.memory_space<vmem_shared>>
          tpu.wait_indirect_dma semaphore(%arg20 : memref<!tpu.dma_semaphore, #tpu.memory_space<semaphore_mem>>) src(%dma_wait3A_352 : memref<128x16xf32, #tpu.memory_space<vmem>>) dst(%dma_wait3A_358 : memref<100352x16xf32, #tpu.memory_space<vmem_shared>>)
          %mul3A_359 = arith.constant 4 : i32
          %mul3A_360 = arith.muli %select_n3A_172, %mul3A_359 : i32
          %add3A_361 = arith.constant 2 : i32
          %add3A_362 = arith.addi %mul3A_360, %add3A_361 : i32
          %dma_wait3A_363 = arith.constant 2 : i32
          %dma_wait3A_364 = arith.constant 0 : i32
          %dma_wait3A_365 = arith.constant 0 : i32
          %dma_wait3A_366 = tpu.memref_slice %arg14[%dma_wait3A_363, %dma_wait3A_364, %dma_wait3A_365] : memref<8x128x16xf32, #tpu.memory_space<vmem>> -> memref<1x128x16xf32, #tpu.memory_space<vmem>>
          %dma_wait3A_367 = tpu.memref_squeeze %dma_wait3A_366 : memref<1x128x16xf32, #tpu.memory_space<vmem>> -> memref<128x16xf32, #tpu.memory_space<vmem>>
          %dma_wait3A_368 = arith.constant 0 : i32
          %dma_wait3A_369 = tpu.memref_slice %arg13[%add3A_362, %dma_wait3A_368] : memref<12x128xi32, #tpu.memory_space<vmem>> -> memref<1x128xi32, #tpu.memory_space<vmem>>
          %dma_wait3A_370 = tpu.memref_squeeze %dma_wait3A_369 : memref<1x128xi32, #tpu.memory_space<vmem>> -> memref<128xi32, #tpu.memory_space<vmem>>
          %dma_wait3A_371 = arith.constant 0 : i32
          %dma_wait3A_372 = arith.constant 0 : i32
          %dma_wait3A_373 = tpu.memref_slice %arg11[%dma_wait3A_371, %dma_wait3A_372] : memref<100352x16xf32, #tpu.memory_space<vmem_shared>> -> memref<100352x16xf32, #tpu.memory_space<vmem_shared>>
          tpu.wait_indirect_dma semaphore(%arg20 : memref<!tpu.dma_semaphore, #tpu.memory_space<semaphore_mem>>) src(%dma_wait3A_367 : memref<128x16xf32, #tpu.memory_space<vmem>>) dst(%dma_wait3A_373 : memref<100352x16xf32, #tpu.memory_space<vmem_shared>>)
          %mul3A_374 = arith.constant 4 : i32
          %mul3A_375 = arith.muli %select_n3A_172, %mul3A_374 : i32
          %add3A_376 = arith.constant 3 : i32
          %add3A_377 = arith.addi %mul3A_375, %add3A_376 : i32
          %dma_wait3A_378 = arith.constant 3 : i32
          %dma_wait3A_379 = arith.constant 0 : i32
          %dma_wait3A_380 = arith.constant 0 : i32
          %dma_wait3A_381 = tpu.memref_slice %arg14[%dma_wait3A_378, %dma_wait3A_379, %dma_wait3A_380] : memref<8x128x16xf32, #tpu.memory_space<vmem>> -> memref<1x128x16xf32, #tpu.memory_space<vmem>>
          %dma_wait3A_382 = tpu.memref_squeeze %dma_wait3A_381 : memref<1x128x16xf32, #tpu.memory_space<vmem>> -> memref<128x16xf32, #tpu.memory_space<vmem>>
          %dma_wait3A_383 = arith.constant 0 : i32
          %dma_wait3A_384 = tpu.memref_slice %arg13[%add3A_377, %dma_wait3A_383] : memref<12x128xi32, #tpu.memory_space<vmem>> -> memref<1x128xi32, #tpu.memory_space<vmem>>
          %dma_wait3A_385 = tpu.memref_squeeze %dma_wait3A_384 : memref<1x128xi32, #tpu.memory_space<vmem>> -> memref<128xi32, #tpu.memory_space<vmem>>
          %dma_wait3A_386 = arith.constant 0 : i32
          %dma_wait3A_387 = arith.constant 0 : i32
          %dma_wait3A_388 = tpu.memref_slice %arg11[%dma_wait3A_386, %dma_wait3A_387] : memref<100352x16xf32, #tpu.memory_space<vmem_shared>> -> memref<100352x16xf32, #tpu.memory_space<vmem_shared>>
          tpu.wait_indirect_dma semaphore(%arg20 : memref<!tpu.dma_semaphore, #tpu.memory_space<semaphore_mem>>) src(%dma_wait3A_382 : memref<128x16xf32, #tpu.memory_space<vmem>>) dst(%dma_wait3A_388 : memref<100352x16xf32, #tpu.memory_space<vmem_shared>>)
        } else {
        }
        %mul3A_175 = arith.constant 4 : i32
        %mul3A_176 = arith.muli %select_n3A_172, %mul3A_175 : i32
        %add3A_177 = arith.constant 0 : i32
        %add3A_178 = arith.addi %mul3A_176, %add3A_177 : i32
        %mul3A_179 = arith.constant 4 : i32
        %mul3A_180 = arith.muli %select_n3A_156, %mul3A_179 : i32
        %add3A_181 = arith.constant 0 : i32
        %add3A_182 = arith.addi %mul3A_180, %add3A_181 : i32
        %dma_wait3A_183 = arith.constant 0 : i32
        %dma_wait3A_184 = arith.constant 0 : i32
        %dma_wait3A_185 = tpu.memref_slice %arg14[%add3A_182, %dma_wait3A_183, %dma_wait3A_184] : memref<8x128x16xf32, #tpu.memory_space<vmem>> -> memref<1x128x16xf32, #tpu.memory_space<vmem>>
        %dma_wait3A_186 = tpu.memref_squeeze %dma_wait3A_185 : memref<1x128x16xf32, #tpu.memory_space<vmem>> -> memref<128x16xf32, #tpu.memory_space<vmem>>
        %dma_wait3A_187 = arith.constant 0 : i32
        %dma_wait3A_188 = tpu.memref_slice %arg12[%add3A_178, %dma_wait3A_187] : memref<12x128xi32, #tpu.memory_space<vmem>> -> memref<1x128xi32, #tpu.memory_space<vmem>>
        %dma_wait3A_189 = tpu.memref_squeeze %dma_wait3A_188 : memref<1x128xi32, #tpu.memory_space<vmem>> -> memref<128xi32, #tpu.memory_space<vmem>>
        %dma_wait3A_190 = arith.constant 0 : i32
        %dma_wait3A_191 = arith.constant 0 : i32
        %dma_wait3A_192 = tpu.memref_slice %arg4[%dma_wait3A_190, %dma_wait3A_191] : memref<401408x16xf32, #tpu.memory_space<hbm>> -> memref<401408x16xf32, #tpu.memory_space<hbm>>
        tpu.wait_indirect_dma semaphore(%arg19 : memref<!tpu.dma_semaphore, #tpu.memory_space<semaphore_mem>>) src(%dma_wait3A_192 : memref<401408x16xf32, #tpu.memory_space<hbm>>) dst(%dma_wait3A_186 : memref<128x16xf32, #tpu.memory_space<vmem>>)
        %mul3A_193 = arith.constant 4 : i32
        %mul3A_194 = arith.muli %select_n3A_156, %mul3A_193 : i32
        %add3A_195 = arith.constant 0 : i32
        %add3A_196 = arith.addi %mul3A_194, %add3A_195 : i32
        %mul3A_197 = arith.constant 4 : i32
        %mul3A_198 = arith.muli %select_n3A_172, %mul3A_197 : i32
        %add3A_199 = arith.constant 0 : i32
        %add3A_200 = arith.addi %mul3A_198, %add3A_199 : i32
        %dma_start3A_201 = arith.constant 0 : i32
        %dma_start3A_202 = arith.constant 0 : i32
        %dma_start3A_203 = tpu.memref_slice %arg14[%add3A_196, %dma_start3A_201, %dma_start3A_202] : memref<8x128x16xf32, #tpu.memory_space<vmem>> -> memref<1x128x16xf32, #tpu.memory_space<vmem>>
        %dma_start3A_204 = tpu.memref_squeeze %dma_start3A_203 : memref<1x128x16xf32, #tpu.memory_space<vmem>> -> memref<128x16xf32, #tpu.memory_space<vmem>>
        %dma_start3A_205 = arith.constant 0 : i32
        %dma_start3A_206 = tpu.memref_slice %arg13[%add3A_200, %dma_start3A_205] : memref<12x128xi32, #tpu.memory_space<vmem>> -> memref<1x128xi32, #tpu.memory_space<vmem>>
        %dma_start3A_207 = tpu.memref_squeeze %dma_start3A_206 : memref<1x128xi32, #tpu.memory_space<vmem>> -> memref<128xi32, #tpu.memory_space<vmem>>
        %dma_start3A_208 = arith.constant 0 : i32
        %dma_start3A_209 = arith.constant 0 : i32
        %dma_start3A_210 = tpu.memref_slice %arg11[%dma_start3A_208, %dma_start3A_209] : memref<100352x16xf32, #tpu.memory_space<vmem_shared>> -> memref<100352x16xf32, #tpu.memory_space<vmem_shared>>
        tpu.enqueue_indirect_dma source(%dma_start3A_204 : memref<128x16xf32, #tpu.memory_space<vmem>>) target(%dma_start3A_210 : memref<100352x16xf32, #tpu.memory_space<vmem_shared>>) offsets(%dma_start3A_207 : memref<128xi32, #tpu.memory_space<vmem>>) semaphore(%arg20 : memref<!tpu.dma_semaphore, #tpu.memory_space<semaphore_mem>>) {add = true}
        %mul3A_211 = arith.constant 4 : i32
        %mul3A_212 = arith.muli %select_n3A_172, %mul3A_211 : i32
        %add3A_213 = arith.constant 1 : i32
        %add3A_214 = arith.addi %mul3A_212, %add3A_213 : i32
        %mul3A_215 = arith.constant 4 : i32
        %mul3A_216 = arith.muli %select_n3A_156, %mul3A_215 : i32
        %add3A_217 = arith.constant 1 : i32
        %add3A_218 = arith.addi %mul3A_216, %add3A_217 : i32
        %dma_wait3A_219 = arith.constant 0 : i32
        %dma_wait3A_220 = arith.constant 0 : i32
        %dma_wait3A_221 = tpu.memref_slice %arg14[%add3A_218, %dma_wait3A_219, %dma_wait3A_220] : memref<8x128x16xf32, #tpu.memory_space<vmem>> -> memref<1x128x16xf32, #tpu.memory_space<vmem>>
        %dma_wait3A_222 = tpu.memref_squeeze %dma_wait3A_221 : memref<1x128x16xf32, #tpu.memory_space<vmem>> -> memref<128x16xf32, #tpu.memory_space<vmem>>
        %dma_wait3A_223 = arith.constant 0 : i32
        %dma_wait3A_224 = tpu.memref_slice %arg12[%add3A_214, %dma_wait3A_223] : memref<12x128xi32, #tpu.memory_space<vmem>> -> memref<1x128xi32, #tpu.memory_space<vmem>>
        %dma_wait3A_225 = tpu.memref_squeeze %dma_wait3A_224 : memref<1x128xi32, #tpu.memory_space<vmem>> -> memref<128xi32, #tpu.memory_space<vmem>>
        %dma_wait3A_226 = arith.constant 0 : i32
        %dma_wait3A_227 = arith.constant 0 : i32
        %dma_wait3A_228 = tpu.memref_slice %arg4[%dma_wait3A_226, %dma_wait3A_227] : memref<401408x16xf32, #tpu.memory_space<hbm>> -> memref<401408x16xf32, #tpu.memory_space<hbm>>
        tpu.wait_indirect_dma semaphore(%arg19 : memref<!tpu.dma_semaphore, #tpu.memory_space<semaphore_mem>>) src(%dma_wait3A_228 : memref<401408x16xf32, #tpu.memory_space<hbm>>) dst(%dma_wait3A_222 : memref<128x16xf32, #tpu.memory_space<vmem>>)
        %mul3A_229 = arith.constant 4 : i32
        %mul3A_230 = arith.muli %select_n3A_156, %mul3A_229 : i32
        %add3A_231 = arith.constant 1 : i32
        %add3A_232 = arith.addi %mul3A_230, %add3A_231 : i32
        %mul3A_233 = arith.constant 4 : i32
        %mul3A_234 = arith.muli %select_n3A_172, %mul3A_233 : i32
        %add3A_235 = arith.constant 1 : i32
        %add3A_236 = arith.addi %mul3A_234, %add3A_235 : i32
        %dma_start3A_237 = arith.constant 0 : i32
        %dma_start3A_238 = arith.constant 0 : i32
        %dma_start3A_239 = tpu.memref_slice %arg14[%add3A_232, %dma_start3A_237, %dma_start3A_238] : memref<8x128x16xf32, #tpu.memory_space<vmem>> -> memref<1x128x16xf32, #tpu.memory_space<vmem>>
        %dma_start3A_240 = tpu.memref_squeeze %dma_start3A_239 : memref<1x128x16xf32, #tpu.memory_space<vmem>> -> memref<128x16xf32, #tpu.memory_space<vmem>>
        %dma_start3A_241 = arith.constant 0 : i32
        %dma_start3A_242 = tpu.memref_slice %arg13[%add3A_236, %dma_start3A_241] : memref<12x128xi32, #tpu.memory_space<vmem>> -> memref<1x128xi32, #tpu.memory_space<vmem>>
        %dma_start3A_243 = tpu.memref_squeeze %dma_start3A_242 : memref<1x128xi32, #tpu.memory_space<vmem>> -> memref<128xi32, #tpu.memory_space<vmem>>
        %dma_start3A_244 = arith.constant 0 : i32
        %dma_start3A_245 = arith.constant 0 : i32
        %dma_start3A_246 = tpu.memref_slice %arg11[%dma_start3A_244, %dma_start3A_245] : memref<100352x16xf32, #tpu.memory_space<vmem_shared>> -> memref<100352x16xf32, #tpu.memory_space<vmem_shared>>
        tpu.enqueue_indirect_dma source(%dma_start3A_240 : memref<128x16xf32, #tpu.memory_space<vmem>>) target(%dma_start3A_246 : memref<100352x16xf32, #tpu.memory_space<vmem_shared>>) offsets(%dma_start3A_243 : memref<128xi32, #tpu.memory_space<vmem>>) semaphore(%arg20 : memref<!tpu.dma_semaphore, #tpu.memory_space<semaphore_mem>>) {add = true}
        %mul3A_247 = arith.constant 4 : i32
        %mul3A_248 = arith.muli %select_n3A_172, %mul3A_247 : i32
        %add3A_249 = arith.constant 2 : i32
        %add3A_250 = arith.addi %mul3A_248, %add3A_249 : i32
        %mul3A_251 = arith.constant 4 : i32
        %mul3A_252 = arith.muli %select_n3A_156, %mul3A_251 : i32
        %add3A_253 = arith.constant 2 : i32
        %add3A_254 = arith.addi %mul3A_252, %add3A_253 : i32
        %dma_wait3A_255 = arith.constant 0 : i32
        %dma_wait3A_256 = arith.constant 0 : i32
        %dma_wait3A_257 = tpu.memref_slice %arg14[%add3A_254, %dma_wait3A_255, %dma_wait3A_256] : memref<8x128x16xf32, #tpu.memory_space<vmem>> -> memref<1x128x16xf32, #tpu.memory_space<vmem>>
        %dma_wait3A_258 = tpu.memref_squeeze %dma_wait3A_257 : memref<1x128x16xf32, #tpu.memory_space<vmem>> -> memref<128x16xf32, #tpu.memory_space<vmem>>
        %dma_wait3A_259 = arith.constant 0 : i32
        %dma_wait3A_260 = tpu.memref_slice %arg12[%add3A_250, %dma_wait3A_259] : memref<12x128xi32, #tpu.memory_space<vmem>> -> memref<1x128xi32, #tpu.memory_space<vmem>>
        %dma_wait3A_261 = tpu.memref_squeeze %dma_wait3A_260 : memref<1x128xi32, #tpu.memory_space<vmem>> -> memref<128xi32, #tpu.memory_space<vmem>>
        %dma_wait3A_262 = arith.constant 0 : i32
        %dma_wait3A_263 = arith.constant 0 : i32
        %dma_wait3A_264 = tpu.memref_slice %arg4[%dma_wait3A_262, %dma_wait3A_263] : memref<401408x16xf32, #tpu.memory_space<hbm>> -> memref<401408x16xf32, #tpu.memory_space<hbm>>
        tpu.wait_indirect_dma semaphore(%arg19 : memref<!tpu.dma_semaphore, #tpu.memory_space<semaphore_mem>>) src(%dma_wait3A_264 : memref<401408x16xf32, #tpu.memory_space<hbm>>) dst(%dma_wait3A_258 : memref<128x16xf32, #tpu.memory_space<vmem>>)
        %mul3A_265 = arith.constant 4 : i32
        %mul3A_266 = arith.muli %select_n3A_156, %mul3A_265 : i32
        %add3A_267 = arith.constant 2 : i32
        %add3A_268 = arith.addi %mul3A_266, %add3A_267 : i32
        %mul3A_269 = arith.constant 4 : i32
        %mul3A_270 = arith.muli %select_n3A_172, %mul3A_269 : i32
        %add3A_271 = arith.constant 2 : i32
        %add3A_272 = arith.addi %mul3A_270, %add3A_271 : i32
        %dma_start3A_273 = arith.constant 0 : i32
        %dma_start3A_274 = arith.constant 0 : i32
        %dma_start3A_275 = tpu.memref_slice %arg14[%add3A_268, %dma_start3A_273, %dma_start3A_274] : memref<8x128x16xf32, #tpu.memory_space<vmem>> -> memref<1x128x16xf32, #tpu.memory_space<vmem>>
        %dma_start3A_276 = tpu.memref_squeeze %dma_start3A_275 : memref<1x128x16xf32, #tpu.memory_space<vmem>> -> memref<128x16xf32, #tpu.memory_space<vmem>>
        %dma_start3A_277 = arith.constant 0 : i32
        %dma_start3A_278 = tpu.memref_slice %arg13[%add3A_272, %dma_start3A_277] : memref<12x128xi32, #tpu.memory_space<vmem>> -> memref<1x128xi32, #tpu.memory_space<vmem>>
        %dma_start3A_279 = tpu.memref_squeeze %dma_start3A_278 : memref<1x128xi32, #tpu.memory_space<vmem>> -> memref<128xi32, #tpu.memory_space<vmem>>
        %dma_start3A_280 = arith.constant 0 : i32
        %dma_start3A_281 = arith.constant 0 : i32
        %dma_start3A_282 = tpu.memref_slice %arg11[%dma_start3A_280, %dma_start3A_281] : memref<100352x16xf32, #tpu.memory_space<vmem_shared>> -> memref<100352x16xf32, #tpu.memory_space<vmem_shared>>
        tpu.enqueue_indirect_dma source(%dma_start3A_276 : memref<128x16xf32, #tpu.memory_space<vmem>>) target(%dma_start3A_282 : memref<100352x16xf32, #tpu.memory_space<vmem_shared>>) offsets(%dma_start3A_279 : memref<128xi32, #tpu.memory_space<vmem>>) semaphore(%arg20 : memref<!tpu.dma_semaphore, #tpu.memory_space<semaphore_mem>>) {add = true}
        %mul3A_283 = arith.constant 4 : i32
        %mul3A_284 = arith.muli %select_n3A_172, %mul3A_283 : i32
        %add3A_285 = arith.constant 3 : i32
        %add3A_286 = arith.addi %mul3A_284, %add3A_285 : i32
        %mul3A_287 = arith.constant 4 : i32
        %mul3A_288 = arith.muli %select_n3A_156, %mul3A_287 : i32
        %add3A_289 = arith.constant 3 : i32
        %add3A_290 = arith.addi %mul3A_288, %add3A_289 : i32
        %dma_wait3A_291 = arith.constant 0 : i32
        %dma_wait3A_292 = arith.constant 0 : i32
        %dma_wait3A_293 = tpu.memref_slice %arg14[%add3A_290, %dma_wait3A_291, %dma_wait3A_292] : memref<8x128x16xf32, #tpu.memory_space<vmem>> -> memref<1x128x16xf32, #tpu.memory_space<vmem>>
        %dma_wait3A_294 = tpu.memref_squeeze %dma_wait3A_293 : memref<1x128x16xf32, #tpu.memory_space<vmem>> -> memref<128x16xf32, #tpu.memory_space<vmem>>
        %dma_wait3A_295 = arith.constant 0 : i32
        %dma_wait3A_296 = tpu.memref_slice %arg12[%add3A_286, %dma_wait3A_295] : memref<12x128xi32, #tpu.memory_space<vmem>> -> memref<1x128xi32, #tpu.memory_space<vmem>>
        %dma_wait3A_297 = tpu.memref_squeeze %dma_wait3A_296 : memref<1x128xi32, #tpu.memory_space<vmem>> -> memref<128xi32, #tpu.memory_space<vmem>>
        %dma_wait3A_298 = arith.constant 0 : i32
        %dma_wait3A_299 = arith.constant 0 : i32
        %dma_wait3A_300 = tpu.memref_slice %arg4[%dma_wait3A_298, %dma_wait3A_299] : memref<401408x16xf32, #tpu.memory_space<hbm>> -> memref<401408x16xf32, #tpu.memory_space<hbm>>
        tpu.wait_indirect_dma semaphore(%arg19 : memref<!tpu.dma_semaphore, #tpu.memory_space<semaphore_mem>>) src(%dma_wait3A_300 : memref<401408x16xf32, #tpu.memory_space<hbm>>) dst(%dma_wait3A_294 : memref<128x16xf32, #tpu.memory_space<vmem>>)
        %mul3A_301 = arith.constant 4 : i32
        %mul3A_302 = arith.muli %select_n3A_156, %mul3A_301 : i32
        %add3A_303 = arith.constant 3 : i32
        %add3A_304 = arith.addi %mul3A_302, %add3A_303 : i32
        %mul3A_305 = arith.constant 4 : i32
        %mul3A_306 = arith.muli %select_n3A_172, %mul3A_305 : i32
        %add3A_307 = arith.constant 3 : i32
        %add3A_308 = arith.addi %mul3A_306, %add3A_307 : i32
        %dma_start3A_309 = arith.constant 0 : i32
        %dma_start3A_310 = arith.constant 0 : i32
        %dma_start3A_311 = tpu.memref_slice %arg14[%add3A_304, %dma_start3A_309, %dma_start3A_310] : memref<8x128x16xf32, #tpu.memory_space<vmem>> -> memref<1x128x16xf32, #tpu.memory_space<vmem>>
        %dma_start3A_312 = tpu.memref_squeeze %dma_start3A_311 : memref<1x128x16xf32, #tpu.memory_space<vmem>> -> memref<128x16xf32, #tpu.memory_space<vmem>>
        %dma_start3A_313 = arith.constant 0 : i32
        %dma_start3A_314 = tpu.memref_slice %arg13[%add3A_308, %dma_start3A_313] : memref<12x128xi32, #tpu.memory_space<vmem>> -> memref<1x128xi32, #tpu.memory_space<vmem>>
        %dma_start3A_315 = tpu.memref_squeeze %dma_start3A_314 : memref<1x128xi32, #tpu.memory_space<vmem>> -> memref<128xi32, #tpu.memory_space<vmem>>
        %dma_start3A_316 = arith.constant 0 : i32
        %dma_start3A_317 = arith.constant 0 : i32
        %dma_start3A_318 = tpu.memref_slice %arg11[%dma_start3A_316, %dma_start3A_317] : memref<100352x16xf32, #tpu.memory_space<vmem_shared>> -> memref<100352x16xf32, #tpu.memory_space<vmem_shared>>
        tpu.enqueue_indirect_dma source(%dma_start3A_312 : memref<128x16xf32, #tpu.memory_space<vmem>>) target(%dma_start3A_318 : memref<100352x16xf32, #tpu.memory_space<vmem_shared>>) offsets(%dma_start3A_315 : memref<128xi32, #tpu.memory_space<vmem>>) semaphore(%arg20 : memref<!tpu.dma_semaphore, #tpu.memory_space<semaphore_mem>>) {add = true}
        %lt3A_319 = arith.constant 195 : i32
        %lt3A_320 = arith.cmpi slt, %scan3A_147, %lt3A_319 : i32
        %convert_element_type3A_321 = arith.extui %lt3A_320 : i1 to i32
        %cond3A_322 = arith.constant 0 : i32
        %cond3A_323 = arith.cmpi ne, %convert_element_type3A_321, %cond3A_322 : i32
        scf.if %cond3A_323 {
          %add3A_329 = arith.constant 1 : i32
          %add3A_330 = arith.addi %scan3A_147, %add3A_329 : i32
          %jit3A_331 = arith.constant 3 : i32
          %eq3A_332 = arith.constant 0 : i32
          %eq3A_333 = arith.cmpi eq, %jit3A_331, %eq3A_332 : i32
          %jit3A_334 = arith.constant 1 : i32
          %select_n3A_335 = arith.select %eq3A_333, %jit3A_334, %jit3A_331 : i32
          %rem3A_336 = arith.remsi %add3A_330, %select_n3A_335 : i32
          %ne3A_337 = arith.constant 0 : i32
          %ne3A_338 = arith.cmpi ne, %rem3A_336, %ne3A_337 : i32
          %lt3A_339 = arith.constant 0 : i32
          %lt3A_340 = arith.cmpi slt, %rem3A_336, %lt3A_339 : i32
          %lt3A_341 = arith.constant 0 : i32
          %lt3A_342 = arith.cmpi slt, %select_n3A_335, %lt3A_341 : i32
          %ne3A_343 = arith.xori %lt3A_340, %lt3A_342 : i1
          %and3A_344 = arith.andi %ne3A_343, %ne3A_338 : i1
          %add3A_345 = arith.addi %rem3A_336, %select_n3A_335 : i32
          %select_n3A_346 = arith.select %and3A_344, %add3A_345, %rem3A_336 : i32
          %sub3A = arith.constant 1 : i32
          %sub3A_347 = arith.subi %sub3A, %select_n3A_156 : i32
          %mul3A_348 = arith.constant 4 : i32
          %mul3A_349 = arith.muli %select_n3A_346, %mul3A_348 : i32
          %add3A_350 = arith.constant 0 : i32
          %add3A_351 = arith.addi %mul3A_349, %add3A_350 : i32
          %mul3A_352 = arith.constant 4 : i32
          %mul3A_353 = arith.muli %sub3A_347, %mul3A_352 : i32
          %add3A_354 = arith.constant 0 : i32
          %add3A_355 = arith.addi %mul3A_353, %add3A_354 : i32
          %dma_start3A_356 = arith.constant 0 : i32
          %dma_start3A_357 = arith.constant 0 : i32
          %dma_start3A_358 = tpu.memref_slice %arg14[%add3A_355, %dma_start3A_356, %dma_start3A_357] : memref<8x128x16xf32, #tpu.memory_space<vmem>> -> memref<1x128x16xf32, #tpu.memory_space<vmem>>
          %dma_start3A_359 = tpu.memref_squeeze %dma_start3A_358 : memref<1x128x16xf32, #tpu.memory_space<vmem>> -> memref<128x16xf32, #tpu.memory_space<vmem>>
          %dma_start3A_360 = arith.constant 0 : i32
          %dma_start3A_361 = tpu.memref_slice %arg12[%add3A_351, %dma_start3A_360] : memref<12x128xi32, #tpu.memory_space<vmem>> -> memref<1x128xi32, #tpu.memory_space<vmem>>
          %dma_start3A_362 = tpu.memref_squeeze %dma_start3A_361 : memref<1x128xi32, #tpu.memory_space<vmem>> -> memref<128xi32, #tpu.memory_space<vmem>>
          %dma_start3A_363 = arith.constant 0 : i32
          %dma_start3A_364 = arith.constant 0 : i32
          %dma_start3A_365 = tpu.memref_slice %arg4[%dma_start3A_363, %dma_start3A_364] : memref<401408x16xf32, #tpu.memory_space<hbm>> -> memref<401408x16xf32, #tpu.memory_space<hbm>>
          tpu.enqueue_indirect_dma source(%dma_start3A_365 : memref<401408x16xf32, #tpu.memory_space<hbm>>) target(%dma_start3A_359 : memref<128x16xf32, #tpu.memory_space<vmem>>) offsets(%dma_start3A_362 : memref<128xi32, #tpu.memory_space<vmem>>) semaphore(%arg19 : memref<!tpu.dma_semaphore, #tpu.memory_space<semaphore_mem>>)
          %mul3A_366 = arith.constant 4 : i32
          %mul3A_367 = arith.muli %select_n3A_346, %mul3A_366 : i32
          %add3A_368 = arith.constant 1 : i32
          %add3A_369 = arith.addi %mul3A_367, %add3A_368 : i32
          %mul3A_370 = arith.constant 4 : i32
          %mul3A_371 = arith.muli %sub3A_347, %mul3A_370 : i32
          %add3A_372 = arith.constant 1 : i32
          %add3A_373 = arith.addi %mul3A_371, %add3A_372 : i32
          %dma_start3A_374 = arith.constant 0 : i32
          %dma_start3A_375 = arith.constant 0 : i32
          %dma_start3A_376 = tpu.memref_slice %arg14[%add3A_373, %dma_start3A_374, %dma_start3A_375] : memref<8x128x16xf32, #tpu.memory_space<vmem>> -> memref<1x128x16xf32, #tpu.memory_space<vmem>>
          %dma_start3A_377 = tpu.memref_squeeze %dma_start3A_376 : memref<1x128x16xf32, #tpu.memory_space<vmem>> -> memref<128x16xf32, #tpu.memory_space<vmem>>
          %dma_start3A_378 = arith.constant 0 : i32
          %dma_start3A_379 = tpu.memref_slice %arg12[%add3A_369, %dma_start3A_378] : memref<12x128xi32, #tpu.memory_space<vmem>> -> memref<1x128xi32, #tpu.memory_space<vmem>>
          %dma_start3A_380 = tpu.memref_squeeze %dma_start3A_379 : memref<1x128xi32, #tpu.memory_space<vmem>> -> memref<128xi32, #tpu.memory_space<vmem>>
          %dma_start3A_381 = arith.constant 0 : i32
          %dma_start3A_382 = arith.constant 0 : i32
          %dma_start3A_383 = tpu.memref_slice %arg4[%dma_start3A_381, %dma_start3A_382] : memref<401408x16xf32, #tpu.memory_space<hbm>> -> memref<401408x16xf32, #tpu.memory_space<hbm>>
          tpu.enqueue_indirect_dma source(%dma_start3A_383 : memref<401408x16xf32, #tpu.memory_space<hbm>>) target(%dma_start3A_377 : memref<128x16xf32, #tpu.memory_space<vmem>>) offsets(%dma_start3A_380 : memref<128xi32, #tpu.memory_space<vmem>>) semaphore(%arg19 : memref<!tpu.dma_semaphore, #tpu.memory_space<semaphore_mem>>)
          %mul3A_384 = arith.constant 4 : i32
          %mul3A_385 = arith.muli %select_n3A_346, %mul3A_384 : i32
          %add3A_386 = arith.constant 2 : i32
          %add3A_387 = arith.addi %mul3A_385, %add3A_386 : i32
          %mul3A_388 = arith.constant 4 : i32
          %mul3A_389 = arith.muli %sub3A_347, %mul3A_388 : i32
          %add3A_390 = arith.constant 2 : i32
          %add3A_391 = arith.addi %mul3A_389, %add3A_390 : i32
          %dma_start3A_392 = arith.constant 0 : i32
          %dma_start3A_393 = arith.constant 0 : i32
          %dma_start3A_394 = tpu.memref_slice %arg14[%add3A_391, %dma_start3A_392, %dma_start3A_393] : memref<8x128x16xf32, #tpu.memory_space<vmem>> -> memref<1x128x16xf32, #tpu.memory_space<vmem>>
          %dma_start3A_395 = tpu.memref_squeeze %dma_start3A_394 : memref<1x128x16xf32, #tpu.memory_space<vmem>> -> memref<128x16xf32, #tpu.memory_space<vmem>>
          %dma_start3A_396 = arith.constant 0 : i32
          %dma_start3A_397 = tpu.memref_slice %arg12[%add3A_387, %dma_start3A_396] : memref<12x128xi32, #tpu.memory_space<vmem>> -> memref<1x128xi32, #tpu.memory_space<vmem>>
          %dma_start3A_398 = tpu.memref_squeeze %dma_start3A_397 : memref<1x128xi32, #tpu.memory_space<vmem>> -> memref<128xi32, #tpu.memory_space<vmem>>
          %dma_start3A_399 = arith.constant 0 : i32
          %dma_start3A_400 = arith.constant 0 : i32
          %dma_start3A_401 = tpu.memref_slice %arg4[%dma_start3A_399, %dma_start3A_400] : memref<401408x16xf32, #tpu.memory_space<hbm>> -> memref<401408x16xf32, #tpu.memory_space<hbm>>
          tpu.enqueue_indirect_dma source(%dma_start3A_401 : memref<401408x16xf32, #tpu.memory_space<hbm>>) target(%dma_start3A_395 : memref<128x16xf32, #tpu.memory_space<vmem>>) offsets(%dma_start3A_398 : memref<128xi32, #tpu.memory_space<vmem>>) semaphore(%arg19 : memref<!tpu.dma_semaphore, #tpu.memory_space<semaphore_mem>>)
          %mul3A_402 = arith.constant 4 : i32
          %mul3A_403 = arith.muli %select_n3A_346, %mul3A_402 : i32
          %add3A_404 = arith.constant 3 : i32
          %add3A_405 = arith.addi %mul3A_403, %add3A_404 : i32
          %mul3A_406 = arith.constant 4 : i32
          %mul3A_407 = arith.muli %sub3A_347, %mul3A_406 : i32
          %add3A_408 = arith.constant 3 : i32
          %add3A_409 = arith.addi %mul3A_407, %add3A_408 : i32
          %dma_start3A_410 = arith.constant 0 : i32
          %dma_start3A_411 = arith.constant 0 : i32
          %dma_start3A_412 = tpu.memref_slice %arg14[%add3A_409, %dma_start3A_410, %dma_start3A_411] : memref<8x128x16xf32, #tpu.memory_space<vmem>> -> memref<1x128x16xf32, #tpu.memory_space<vmem>>
          %dma_start3A_413 = tpu.memref_squeeze %dma_start3A_412 : memref<1x128x16xf32, #tpu.memory_space<vmem>> -> memref<128x16xf32, #tpu.memory_space<vmem>>
          %dma_start3A_414 = arith.constant 0 : i32
          %dma_start3A_415 = tpu.memref_slice %arg12[%add3A_405, %dma_start3A_414] : memref<12x128xi32, #tpu.memory_space<vmem>> -> memref<1x128xi32, #tpu.memory_space<vmem>>
          %dma_start3A_416 = tpu.memref_squeeze %dma_start3A_415 : memref<1x128xi32, #tpu.memory_space<vmem>> -> memref<128xi32, #tpu.memory_space<vmem>>
          %dma_start3A_417 = arith.constant 0 : i32
          %dma_start3A_418 = arith.constant 0 : i32
          %dma_start3A_419 = tpu.memref_slice %arg4[%dma_start3A_417, %dma_start3A_418] : memref<401408x16xf32, #tpu.memory_space<hbm>> -> memref<401408x16xf32, #tpu.memory_space<hbm>>
          tpu.enqueue_indirect_dma source(%dma_start3A_419 : memref<401408x16xf32, #tpu.memory_space<hbm>>) target(%dma_start3A_413 : memref<128x16xf32, #tpu.memory_space<vmem>>) offsets(%dma_start3A_416 : memref<128xi32, #tpu.memory_space<vmem>>) semaphore(%arg19 : memref<!tpu.dma_semaphore, #tpu.memory_space<semaphore_mem>>)
        } else {
        }
        %lt3A_324 = arith.constant 194 : i32
        %lt3A_325 = arith.cmpi slt, %scan3A_147, %lt3A_324 : i32
        %convert_element_type3A_326 = arith.extui %lt3A_325 : i1 to i32
        %cond3A_327 = arith.constant 0 : i32
        %cond3A_328 = arith.cmpi ne, %convert_element_type3A_326, %cond3A_327 : i32
        scf.if %cond3A_328 {
          %add3A_329 = arith.constant 2 : i32
          %add3A_330 = arith.addi %scan3A_147, %add3A_329 : i32
          %add3A_331 = arith.constant 2 : i32
          %add3A_332 = arith.addi %scan3A_147, %add3A_331 : i32
          %jit3A_333 = arith.constant 3 : i32
          %eq3A_334 = arith.constant 0 : i32
          %eq3A_335 = arith.cmpi eq, %jit3A_333, %eq3A_334 : i32
          %jit3A_336 = arith.constant 1 : i32
          %select_n3A_337 = arith.select %eq3A_335, %jit3A_336, %jit3A_333 : i32
          %rem3A_338 = arith.remsi %add3A_332, %select_n3A_337 : i32
          %ne3A_339 = arith.constant 0 : i32
          %ne3A_340 = arith.cmpi ne, %rem3A_338, %ne3A_339 : i32
          %lt3A_341 = arith.constant 0 : i32
          %lt3A_342 = arith.cmpi slt, %rem3A_338, %lt3A_341 : i32
          %lt3A_343 = arith.constant 0 : i32
          %lt3A_344 = arith.cmpi slt, %select_n3A_337, %lt3A_343 : i32
          %ne3A_345 = arith.xori %lt3A_342, %lt3A_344 : i1
          %and3A_346 = arith.andi %ne3A_345, %ne3A_340 : i1
          %add3A_347 = arith.addi %rem3A_338, %select_n3A_337 : i32
          %select_n3A_348 = arith.select %and3A_346, %add3A_347, %rem3A_338 : i32
          %mul3A_349 = arith.constant 784 : i32
          %mul3A_350 = arith.muli %arg1, %mul3A_349 : i32
          %mul3A_351 = arith.constant 4 : i32
          %mul3A_352 = arith.muli %add3A_330, %mul3A_351 : i32
          %add3A_353 = arith.addi %mul3A_350, %mul3A_352 : i32
          %mul3A_354 = arith.constant 4 : i32
          %mul3A_355 = arith.muli %select_n3A_348, %mul3A_354 : i32
          "tpu.region"() ({
            %run_scoped3A = tpu.sem_alloc : memref<!tpu.dma_semaphore, #tpu.memory_space<semaphore_mem>>
            %dma_start3A_361 = arith.constant 0 : i32
            %dma_start3A_362 = tpu.memref_slice %arg13[%mul3A_355, %dma_start3A_361] : memref<12x128xi32, #tpu.memory_space<vmem>> -> memref<4x128xi32, #tpu.memory_space<vmem>>
            %dma_start3A_363 = arith.constant 0 : i32
            %dma_start3A_364 = tpu.memref_slice %arg3[%add3A_353, %dma_start3A_363] : memref<12544x128xi32, #tpu.memory_space<hbm>> -> memref<4x128xi32, #tpu.memory_space<hbm>>
            %dma_start3A_365 = arith.constant 0 : i32
            %dma_start3A_366 = tpu.memref_slice %arg13[%mul3A_355, %dma_start3A_365] : memref<12x128xi32, #tpu.memory_space<vmem>> -> memref<4x128xi32, #tpu.memory_space<vmem>>
            %dma_start3A_367 = arith.constant 0 : i32
            %dma_start3A_368 = tpu.memref_slice %arg3[%add3A_353, %dma_start3A_367] : memref<12544x128xi32, #tpu.memory_space<hbm>> -> memref<4x128xi32, #tpu.memory_space<hbm>>
            tpu.enqueue_dma source(%dma_start3A_368 : memref<4x128xi32, #tpu.memory_space<hbm>>) target(%dma_start3A_366 : memref<4x128xi32, #tpu.memory_space<vmem>>) target_semaphore(%run_scoped3A : memref<!tpu.dma_semaphore, #tpu.memory_space<semaphore_mem>>)
            %dma_wait3A_369 = arith.constant 0 : i32
            %dma_wait3A_370 = tpu.memref_slice %arg13[%mul3A_355, %dma_wait3A_369] : memref<12x128xi32, #tpu.memory_space<vmem>> -> memref<4x128xi32, #tpu.memory_space<vmem>>
            %dma_wait3A_371 = arith.constant 0 : i32
            %dma_wait3A_372 = tpu.memref_slice %arg3[%add3A_353, %dma_wait3A_371] : memref<12544x128xi32, #tpu.memory_space<hbm>> -> memref<4x128xi32, #tpu.memory_space<hbm>>
            %dma_wait3A_373 = arith.constant 0 : i32
            %dma_wait3A_374 = tpu.memref_slice %arg13[%mul3A_355, %dma_wait3A_373] : memref<12x128xi32, #tpu.memory_space<vmem>> -> memref<4x128xi32, #tpu.memory_space<vmem>>
            %dma_wait3A_375 = arith.constant 0 : i32
            %dma_wait3A_376 = tpu.memref_slice %arg3[%add3A_353, %dma_wait3A_375] : memref<12544x128xi32, #tpu.memory_space<hbm>> -> memref<4x128xi32, #tpu.memory_space<hbm>>
            tpu.wait_dma2 semaphore(%run_scoped3A : memref<!tpu.dma_semaphore, #tpu.memory_space<semaphore_mem>>) src(%dma_wait3A_376 : memref<4x128xi32, #tpu.memory_space<hbm>>) dst(%dma_wait3A_374 : memref<4x128xi32, #tpu.memory_space<vmem>>)
            tpu.yield
          }) : () -> ()
          %mul3A_356 = arith.constant 12544 : i32
          %mul3A_357 = arith.muli %add3A, %mul3A_356 : i32
          %add3A_358 = arith.addi %mul3A_357, %add3A_353 : i32
          %mul3A_359 = arith.constant 4 : i32
          %mul3A_360 = arith.muli %select_n3A_348, %mul3A_359 : i32
          "tpu.region"() ({
            %run_scoped3A = tpu.sem_alloc : memref<!tpu.dma_semaphore, #tpu.memory_space<semaphore_mem>>
            %dma_start3A_361 = arith.constant 0 : i32
            %dma_start3A_362 = tpu.memref_slice %arg12[%mul3A_360, %dma_start3A_361] : memref<12x128xi32, #tpu.memory_space<vmem>> -> memref<4x128xi32, #tpu.memory_space<vmem>>
            %dma_start3A_363 = arith.constant 0 : i32
            %dma_start3A_364 = tpu.memref_slice %arg2[%add3A_358, %dma_start3A_363] : memref<50176x128xi32, #tpu.memory_space<hbm>> -> memref<4x128xi32, #tpu.memory_space<hbm>>
            %dma_start3A_365 = arith.constant 0 : i32
            %dma_start3A_366 = tpu.memref_slice %arg12[%mul3A_360, %dma_start3A_365] : memref<12x128xi32, #tpu.memory_space<vmem>> -> memref<4x128xi32, #tpu.memory_space<vmem>>
            %dma_start3A_367 = arith.constant 0 : i32
            %dma_start3A_368 = tpu.memref_slice %arg2[%add3A_358, %dma_start3A_367] : memref<50176x128xi32, #tpu.memory_space<hbm>> -> memref<4x128xi32, #tpu.memory_space<hbm>>
            tpu.enqueue_dma source(%dma_start3A_368 : memref<4x128xi32, #tpu.memory_space<hbm>>) target(%dma_start3A_366 : memref<4x128xi32, #tpu.memory_space<vmem>>) target_semaphore(%run_scoped3A : memref<!tpu.dma_semaphore, #tpu.memory_space<semaphore_mem>>)
            %dma_wait3A_369 = arith.constant 0 : i32
            %dma_wait3A_370 = tpu.memref_slice %arg12[%mul3A_360, %dma_wait3A_369] : memref<12x128xi32, #tpu.memory_space<vmem>> -> memref<4x128xi32, #tpu.memory_space<vmem>>
            %dma_wait3A_371 = arith.constant 0 : i32
            %dma_wait3A_372 = tpu.memref_slice %arg2[%add3A_358, %dma_wait3A_371] : memref<50176x128xi32, #tpu.memory_space<hbm>> -> memref<4x128xi32, #tpu.memory_space<hbm>>
            %dma_wait3A_373 = arith.constant 0 : i32
            %dma_wait3A_374 = tpu.memref_slice %arg12[%mul3A_360, %dma_wait3A_373] : memref<12x128xi32, #tpu.memory_space<vmem>> -> memref<4x128xi32, #tpu.memory_space<vmem>>
            %dma_wait3A_375 = arith.constant 0 : i32
            %dma_wait3A_376 = tpu.memref_slice %arg2[%add3A_358, %dma_wait3A_375] : memref<50176x128xi32, #tpu.memory_space<hbm>> -> memref<4x128xi32, #tpu.memory_space<hbm>>
            tpu.wait_dma2 semaphore(%run_scoped3A : memref<!tpu.dma_semaphore, #tpu.memory_space<semaphore_mem>>) src(%dma_wait3A_376 : memref<4x128xi32, #tpu.memory_space<hbm>>) dst(%dma_wait3A_374 : memref<4x128xi32, #tpu.memory_space<vmem>>)
            tpu.yield
          }) : () -> ()
        } else {
        }
      }
      %scan3A_91 = arith.constant 196 : i32
      %dma_wait3A = arith.constant 0 : i32
      %dma_wait3A_92 = arith.constant 0 : i32
      %dma_wait3A_93 = arith.constant 0 : i32
      %dma_wait3A_94 = arith.constant 0 : i32
      %dma_wait3A_95 = tpu.memref_slice %arg14[%dma_wait3A, %dma_wait3A_93, %dma_wait3A_94] : memref<8x128x16xf32, #tpu.memory_space<vmem>> -> memref<1x128x16xf32, #tpu.memory_space<vmem>>
      %dma_wait3A_96 = tpu.memref_squeeze %dma_wait3A_95 : memref<1x128x16xf32, #tpu.memory_space<vmem>> -> memref<128x16xf32, #tpu.memory_space<vmem>>
      %dma_wait3A_97 = arith.constant 0 : i32
      %dma_wait3A_98 = tpu.memref_slice %arg13[%dma_wait3A_92, %dma_wait3A_97] : memref<12x128xi32, #tpu.memory_space<vmem>> -> memref<1x128xi32, #tpu.memory_space<vmem>>
      %dma_wait3A_99 = tpu.memref_squeeze %dma_wait3A_98 : memref<1x128xi32, #tpu.memory_space<vmem>> -> memref<128xi32, #tpu.memory_space<vmem>>
      %dma_wait3A_100 = arith.constant 0 : i32
      %dma_wait3A_101 = arith.constant 0 : i32
      %dma_wait3A_102 = tpu.memref_slice %arg11[%dma_wait3A_100, %dma_wait3A_101] : memref<100352x16xf32, #tpu.memory_space<vmem_shared>> -> memref<100352x16xf32, #tpu.memory_space<vmem_shared>>
      tpu.wait_indirect_dma semaphore(%arg20 : memref<!tpu.dma_semaphore, #tpu.memory_space<semaphore_mem>>) src(%dma_wait3A_96 : memref<128x16xf32, #tpu.memory_space<vmem>>) dst(%dma_wait3A_102 : memref<100352x16xf32, #tpu.memory_space<vmem_shared>>)
      %dma_wait3A_103 = arith.constant 1 : i32
      %dma_wait3A_104 = arith.constant 1 : i32
      %dma_wait3A_105 = arith.constant 0 : i32
      %dma_wait3A_106 = arith.constant 0 : i32
      %dma_wait3A_107 = tpu.memref_slice %arg14[%dma_wait3A_103, %dma_wait3A_105, %dma_wait3A_106] : memref<8x128x16xf32, #tpu.memory_space<vmem>> -> memref<1x128x16xf32, #tpu.memory_space<vmem>>
      %dma_wait3A_108 = tpu.memref_squeeze %dma_wait3A_107 : memref<1x128x16xf32, #tpu.memory_space<vmem>> -> memref<128x16xf32, #tpu.memory_space<vmem>>
      %dma_wait3A_109 = arith.constant 0 : i32
      %dma_wait3A_110 = tpu.memref_slice %arg13[%dma_wait3A_104, %dma_wait3A_109] : memref<12x128xi32, #tpu.memory_space<vmem>> -> memref<1x128xi32, #tpu.memory_space<vmem>>
      %dma_wait3A_111 = tpu.memref_squeeze %dma_wait3A_110 : memref<1x128xi32, #tpu.memory_space<vmem>> -> memref<128xi32, #tpu.memory_space<vmem>>
      %dma_wait3A_112 = arith.constant 0 : i32
      %dma_wait3A_113 = arith.constant 0 : i32
      %dma_wait3A_114 = tpu.memref_slice %arg11[%dma_wait3A_112, %dma_wait3A_113] : memref<100352x16xf32, #tpu.memory_space<vmem_shared>> -> memref<100352x16xf32, #tpu.memory_space<vmem_shared>>
      tpu.wait_indirect_dma semaphore(%arg20 : memref<!tpu.dma_semaphore, #tpu.memory_space<semaphore_mem>>) src(%dma_wait3A_108 : memref<128x16xf32, #tpu.memory_space<vmem>>) dst(%dma_wait3A_114 : memref<100352x16xf32, #tpu.memory_space<vmem_shared>>)
      %dma_wait3A_115 = arith.constant 2 : i32
      %dma_wait3A_116 = arith.constant 2 : i32
      %dma_wait3A_117 = arith.constant 0 : i32
      %dma_wait3A_118 = arith.constant 0 : i32
      %dma_wait3A_119 = tpu.memref_slice %arg14[%dma_wait3A_115, %dma_wait3A_117, %dma_wait3A_118] : memref<8x128x16xf32, #tpu.memory_space<vmem>> -> memref<1x128x16xf32, #tpu.memory_space<vmem>>
      %dma_wait3A_120 = tpu.memref_squeeze %dma_wait3A_119 : memref<1x128x16xf32, #tpu.memory_space<vmem>> -> memref<128x16xf32, #tpu.memory_space<vmem>>
      %dma_wait3A_121 = arith.constant 0 : i32
      %dma_wait3A_122 = tpu.memref_slice %arg13[%dma_wait3A_116, %dma_wait3A_121] : memref<12x128xi32, #tpu.memory_space<vmem>> -> memref<1x128xi32, #tpu.memory_space<vmem>>
      %dma_wait3A_123 = tpu.memref_squeeze %dma_wait3A_122 : memref<1x128xi32, #tpu.memory_space<vmem>> -> memref<128xi32, #tpu.memory_space<vmem>>
      %dma_wait3A_124 = arith.constant 0 : i32
      %dma_wait3A_125 = arith.constant 0 : i32
      %dma_wait3A_126 = tpu.memref_slice %arg11[%dma_wait3A_124, %dma_wait3A_125] : memref<100352x16xf32, #tpu.memory_space<vmem_shared>> -> memref<100352x16xf32, #tpu.memory_space<vmem_shared>>
      tpu.wait_indirect_dma semaphore(%arg20 : memref<!tpu.dma_semaphore, #tpu.memory_space<semaphore_mem>>) src(%dma_wait3A_120 : memref<128x16xf32, #tpu.memory_space<vmem>>) dst(%dma_wait3A_126 : memref<100352x16xf32, #tpu.memory_space<vmem_shared>>)
      %dma_wait3A_127 = arith.constant 3 : i32
      %dma_wait3A_128 = arith.constant 3 : i32
      %dma_wait3A_129 = arith.constant 0 : i32
      %dma_wait3A_130 = arith.constant 0 : i32
      %dma_wait3A_131 = tpu.memref_slice %arg14[%dma_wait3A_127, %dma_wait3A_129, %dma_wait3A_130] : memref<8x128x16xf32, #tpu.memory_space<vmem>> -> memref<1x128x16xf32, #tpu.memory_space<vmem>>
      %dma_wait3A_132 = tpu.memref_squeeze %dma_wait3A_131 : memref<1x128x16xf32, #tpu.memory_space<vmem>> -> memref<128x16xf32, #tpu.memory_space<vmem>>
      %dma_wait3A_133 = arith.constant 0 : i32
      %dma_wait3A_134 = tpu.memref_slice %arg13[%dma_wait3A_128, %dma_wait3A_133] : memref<12x128xi32, #tpu.memory_space<vmem>> -> memref<1x128xi32, #tpu.memory_space<vmem>>
      %dma_wait3A_135 = tpu.memref_squeeze %dma_wait3A_134 : memref<1x128xi32, #tpu.memory_space<vmem>> -> memref<128xi32, #tpu.memory_space<vmem>>
      %dma_wait3A_136 = arith.constant 0 : i32
      %dma_wait3A_137 = arith.constant 0 : i32
      %dma_wait3A_138 = tpu.memref_slice %arg11[%dma_wait3A_136, %dma_wait3A_137] : memref<100352x16xf32, #tpu.memory_space<vmem_shared>> -> memref<100352x16xf32, #tpu.memory_space<vmem_shared>>
      tpu.wait_indirect_dma semaphore(%arg20 : memref<!tpu.dma_semaphore, #tpu.memory_space<semaphore_mem>>) src(%dma_wait3A_132 : memref<128x16xf32, #tpu.memory_space<vmem>>) dst(%dma_wait3A_138 : memref<100352x16xf32, #tpu.memory_space<vmem_shared>>)
      %barrier3A_139 = arith.constant 0 : index
      tpu.barrier barrier_id(%barrier3A_139)
      %scan3A_140 = arith.constant 0 : i32
      %scan3A_141 = arith.constant 0 : i32
      %scan3A_142 = arith.constant 28 : i32
      %scan3A_143 = arith.addi %scan3A_141, %scan3A_142 : i32
      %scan3A_144 = arith.constant 1 : i32
      scf.for %scan3A_147 = %scan3A_141 to %scan3A_143 step %scan3A_144  : i32 {
        %mul3A_148 = arith.constant 6272 : i32
        %mul3A_149 = arith.muli %arg1, %mul3A_148 : i32
        %mul3A_150 = arith.constant 224 : i32
        %mul3A_151 = arith.muli %scan3A_147, %mul3A_150 : i32
        %add3A_152 = arith.addi %mul3A_149, %mul3A_151 : i32
        %mul3A_153 = arith.constant 100352 : i32
        %mul3A_154 = arith.muli %add3A, %mul3A_153 : i32
        %add3A_155 = arith.addi %mul3A_154, %add3A_152 : i32
        %dma_start3A_156 = arith.constant 0 : i32
        %dma_start3A_157 = tpu.memref_slice %arg4[%add3A_155, %dma_start3A_156] : memref<401408x16xf32, #tpu.memory_space<hbm>> -> memref<224x16xf32, #tpu.memory_space<hbm>>
        %dma_start3A_158 = arith.constant 0 : i32
        %dma_start3A_159 = tpu.memref_slice %arg4[%add3A_155, %dma_start3A_158] : memref<401408x16xf32, #tpu.memory_space<hbm>> -> memref<224x16xf32, #tpu.memory_space<hbm>>
        tpu.enqueue_dma source(%dma_start3A_159 : memref<224x16xf32, #tpu.memory_space<hbm>>) target(%arg16 : memref<224x16xf32, #tpu.memory_space<vmem>>) target_semaphore(%arg19 : memref<!tpu.dma_semaphore, #tpu.memory_space<semaphore_mem>>)
        %dma_start3A_160 = tpu.memref_slice %arg5[%add3A_152] : memref<100352xf32, #tpu.memory_space<hbm>> -> memref<224xf32, #tpu.memory_space<hbm>>
        %dma_start3A_161 = tpu.memref_slice %arg5[%add3A_152] : memref<100352xf32, #tpu.memory_space<hbm>> -> memref<224xf32, #tpu.memory_space<hbm>>
        tpu.enqueue_dma source(%dma_start3A_161 : memref<224xf32, #tpu.memory_space<hbm>>) target(%arg17 : memref<224xf32, #tpu.memory_space<vmem>>) target_semaphore(%arg19 : memref<!tpu.dma_semaphore, #tpu.memory_space<semaphore_mem>>)
        "tpu.region"() ({
          %run_scoped3A = tpu.sem_alloc : memref<!tpu.dma_semaphore, #tpu.memory_space<semaphore_mem>>
          %dma_start3A_177 = arith.constant 0 : i32
          %dma_start3A_178 = tpu.memref_slice %arg11[%add3A_152, %dma_start3A_177] : memref<100352x16xf32, #tpu.memory_space<vmem_shared>> -> memref<224x16xf32, #tpu.memory_space<vmem_shared>>
          %dma_start3A_179 = arith.constant 0 : i32
          %dma_start3A_180 = tpu.memref_slice %arg11[%add3A_152, %dma_start3A_179] : memref<100352x16xf32, #tpu.memory_space<vmem_shared>> -> memref<224x16xf32, #tpu.memory_space<vmem_shared>>
          tpu.enqueue_dma source(%dma_start3A_180 : memref<224x16xf32, #tpu.memory_space<vmem_shared>>) target(%arg15 : memref<224x16xf32, #tpu.memory_space<vmem>>) target_semaphore(%run_scoped3A : memref<!tpu.dma_semaphore, #tpu.memory_space<semaphore_mem>>)
          %dma_wait3A_181 = arith.constant 0 : i32
          %dma_wait3A_182 = tpu.memref_slice %arg11[%add3A_152, %dma_wait3A_181] : memref<100352x16xf32, #tpu.memory_space<vmem_shared>> -> memref<224x16xf32, #tpu.memory_space<vmem_shared>>
          %dma_wait3A_183 = arith.constant 0 : i32
          %dma_wait3A_184 = tpu.memref_slice %arg11[%add3A_152, %dma_wait3A_183] : memref<100352x16xf32, #tpu.memory_space<vmem_shared>> -> memref<224x16xf32, #tpu.memory_space<vmem_shared>>
          tpu.wait_dma2 semaphore(%run_scoped3A : memref<!tpu.dma_semaphore, #tpu.memory_space<semaphore_mem>>) src(%dma_wait3A_184 : memref<224x16xf32, #tpu.memory_space<vmem_shared>>) dst(%arg15 : memref<224x16xf32, #tpu.memory_space<vmem>>)
          tpu.yield
        }) : () -> ()
        %dma_wait3A_162 = arith.constant 0 : i32
        %dma_wait3A_163 = tpu.memref_slice %arg4[%add3A_155, %dma_wait3A_162] : memref<401408x16xf32, #tpu.memory_space<hbm>> -> memref<224x16xf32, #tpu.memory_space<hbm>>
        %dma_wait3A_164 = arith.constant 0 : i32
        %dma_wait3A_165 = tpu.memref_slice %arg4[%add3A_155, %dma_wait3A_164] : memref<401408x16xf32, #tpu.memory_space<hbm>> -> memref<224x16xf32, #tpu.memory_space<hbm>>
        tpu.wait_dma2 semaphore(%arg19 : memref<!tpu.dma_semaphore, #tpu.memory_space<semaphore_mem>>) src(%dma_wait3A_165 : memref<224x16xf32, #tpu.memory_space<hbm>>) dst(%arg16 : memref<224x16xf32, #tpu.memory_space<vmem>>)
        %dma_wait3A_166 = tpu.memref_slice %arg5[%add3A_152] : memref<100352xf32, #tpu.memory_space<hbm>> -> memref<224xf32, #tpu.memory_space<hbm>>
        %dma_wait3A_167 = tpu.memref_slice %arg5[%add3A_152] : memref<100352xf32, #tpu.memory_space<hbm>> -> memref<224xf32, #tpu.memory_space<hbm>>
        tpu.wait_dma2 semaphore(%arg19 : memref<!tpu.dma_semaphore, #tpu.memory_space<semaphore_mem>>) src(%dma_wait3A_167 : memref<224xf32, #tpu.memory_space<hbm>>) dst(%arg17 : memref<224xf32, #tpu.memory_space<vmem>>)
        %scan3A_168 = arith.constant 0 : i32
        %scan3A_169 = arith.constant 0 : i32
        %scan3A_170 = arith.constant 14 : i32
        %scan3A_171 = arith.addi %scan3A_169, %scan3A_170 : i32
        %scan3A_172 = arith.constant 1 : i32
        scf.for %scan3A_177 = %scan3A_169 to %scan3A_171 step %scan3A_172  : i32 {
          %mul3A_178 = arith.constant 16 : i32
          %mul3A_179 = arith.muli %mul3A_178, %scan3A_177 : i32
          %get3A = arith.index_cast %mul3A_179 : i32 to index
          %get3A_180 = tpu.vector_load %arg17[%get3A] {strides = array<i32>} : memref<224xf32, #tpu.memory_space<vmem>>, vector<16xf32>,
          %mul3A_181 = arith.constant 16 : i32
          %mul3A_182 = arith.muli %mul3A_181, %scan3A_177 : i32
          %add3A_183 = arith.constant 0 : i32
          %add3A_184 = arith.addi %mul3A_182, %add3A_183 : i32
          %get3A_185 = arith.index_cast %add3A_184 : i32 to index
          %get3A_186 = arith.constant 0 : index
          %get3A_187 = tpu.vector_load %arg15[%get3A_185, %get3A_186] {strides = array<i32>} : memref<224x16xf32, #tpu.memory_space<vmem>>, vector<16xf32>,
          %get3A_188 = arith.index_cast %add3A_184 : i32 to index
          %get3A_189 = arith.constant 0 : index
          %get3A_190 = tpu.vector_load %arg16[%get3A_188, %get3A_189] {strides = array<i32>} : memref<224x16xf32, #tpu.memory_space<vmem>>, vector<16xf32>,
          %slice3A = vector.extract_strided_slice %get3A_180 {offsets = [0], sizes = [1], strides = [1]} : vector<16xf32> to vector<1xf32>
          %squeeze3A = vector.extract %slice3A[0] : f32 from vector<1xf32>
          %mul3A_191 = vector.broadcast %squeeze3A : f32 to vector<16xf32>
          %mul3A_192 = arith.mulf %mul3A_191, %get3A_187 : vector<16xf32>
          %mul3A_193 = arith.constant 1.000000e-01 : f32
          %mul3A_194 = vector.broadcast %mul3A_193 : f32 to vector<16xf32>
          %mul3A_195 = arith.mulf %mul3A_194, %get3A_190 : vector<16xf32>
          %add3A_196 = arith.addf %mul3A_192, %mul3A_195 : vector<16xf32>
          %swap3A = arith.index_cast %add3A_184 : i32 to index
          %swap3A_197 = arith.constant 0 : index
          %swap3A_198 = tpu.vector_load %arg15[%swap3A, %swap3A_197] {strides = array<i32>} : memref<224x16xf32, #tpu.memory_space<vmem>>, vector<16xf32>,
          tpu.vector_store %arg15[%swap3A, %swap3A_197], %add3A_196 {strides = array<i32>} : memref<224x16xf32, #tpu.memory_space<vmem>>, vector<16xf32>,
          %mul3A_199 = arith.constant 16 : i32
          %mul3A_200 = arith.muli %mul3A_199, %scan3A_177 : i32
          %add3A_201 = arith.constant 1 : i32
          %add3A_202 = arith.addi %mul3A_200, %add3A_201 : i32
          %get3A_203 = arith.index_cast %add3A_202 : i32 to index
          %get3A_204 = arith.constant 0 : index
          %get3A_205 = tpu.vector_load %arg15[%get3A_203, %get3A_204] {strides = array<i32>} : memref<224x16xf32, #tpu.memory_space<vmem>>, vector<16xf32>,
          %get3A_206 = arith.index_cast %add3A_202 : i32 to index
          %get3A_207 = arith.constant 0 : index
          %get3A_208 = tpu.vector_load %arg16[%get3A_206, %get3A_207] {strides = array<i32>} : memref<224x16xf32, #tpu.memory_space<vmem>>, vector<16xf32>,
          %slice3A_209 = vector.extract_strided_slice %get3A_180 {offsets = [1], sizes = [1], strides = [1]} : vector<16xf32> to vector<1xf32>
          %squeeze3A_210 = vector.extract %slice3A_209[0] : f32 from vector<1xf32>
          %mul3A_211 = vector.broadcast %squeeze3A_210 : f32 to vector<16xf32>
          %mul3A_212 = arith.mulf %mul3A_211, %get3A_205 : vector<16xf32>
          %mul3A_213 = arith.constant 1.000000e-01 : f32
          %mul3A_214 = vector.broadcast %mul3A_213 : f32 to vector<16xf32>
          %mul3A_215 = arith.mulf %mul3A_214, %get3A_208 : vector<16xf32>
          %add3A_216 = arith.addf %mul3A_212, %mul3A_215 : vector<16xf32>
          %swap3A_217 = arith.index_cast %add3A_202 : i32 to index
          %swap3A_218 = arith.constant 0 : index
          %swap3A_219 = tpu.vector_load %arg15[%swap3A_217, %swap3A_218] {strides = array<i32>} : memref<224x16xf32, #tpu.memory_space<vmem>>, vector<16xf32>,
          tpu.vector_store %arg15[%swap3A_217, %swap3A_218], %add3A_216 {strides = array<i32>} : memref<224x16xf32, #tpu.memory_space<vmem>>, vector<16xf32>,
          %mul3A_220 = arith.constant 16 : i32
          %mul3A_221 = arith.muli %mul3A_220, %scan3A_177 : i32
          %add3A_222 = arith.constant 2 : i32
          %add3A_223 = arith.addi %mul3A_221, %add3A_222 : i32
          %get3A_224 = arith.index_cast %add3A_223 : i32 to index
          %get3A_225 = arith.constant 0 : index
          %get3A_226 = tpu.vector_load %arg15[%get3A_224, %get3A_225] {strides = array<i32>} : memref<224x16xf32, #tpu.memory_space<vmem>>, vector<16xf32>,
          %get3A_227 = arith.index_cast %add3A_223 : i32 to index
          %get3A_228 = arith.constant 0 : index
          %get3A_229 = tpu.vector_load %arg16[%get3A_227, %get3A_228] {strides = array<i32>} : memref<224x16xf32, #tpu.memory_space<vmem>>, vector<16xf32>,
          %slice3A_230 = vector.extract_strided_slice %get3A_180 {offsets = [2], sizes = [1], strides = [1]} : vector<16xf32> to vector<1xf32>
          %squeeze3A_231 = vector.extract %slice3A_230[0] : f32 from vector<1xf32>
          %mul3A_232 = vector.broadcast %squeeze3A_231 : f32 to vector<16xf32>
          %mul3A_233 = arith.mulf %mul3A_232, %get3A_226 : vector<16xf32>
          %mul3A_234 = arith.constant 1.000000e-01 : f32
          %mul3A_235 = vector.broadcast %mul3A_234 : f32 to vector<16xf32>
          %mul3A_236 = arith.mulf %mul3A_235, %get3A_229 : vector<16xf32>
          %add3A_237 = arith.addf %mul3A_233, %mul3A_236 : vector<16xf32>
          %swap3A_238 = arith.index_cast %add3A_223 : i32 to index
          %swap3A_239 = arith.constant 0 : index
          %swap3A_240 = tpu.vector_load %arg15[%swap3A_238, %swap3A_239] {strides = array<i32>} : memref<224x16xf32, #tpu.memory_space<vmem>>, vector<16xf32>,
          tpu.vector_store %arg15[%swap3A_238, %swap3A_239], %add3A_237 {strides = array<i32>} : memref<224x16xf32, #tpu.memory_space<vmem>>, vector<16xf32>,
          %mul3A_241 = arith.constant 16 : i32
          %mul3A_242 = arith.muli %mul3A_241, %scan3A_177 : i32
          %add3A_243 = arith.constant 3 : i32
          %add3A_244 = arith.addi %mul3A_242, %add3A_243 : i32
          %get3A_245 = arith.index_cast %add3A_244 : i32 to index
          %get3A_246 = arith.constant 0 : index
          %get3A_247 = tpu.vector_load %arg15[%get3A_245, %get3A_246] {strides = array<i32>} : memref<224x16xf32, #tpu.memory_space<vmem>>, vector<16xf32>,
          %get3A_248 = arith.index_cast %add3A_244 : i32 to index
          %get3A_249 = arith.constant 0 : index
          %get3A_250 = tpu.vector_load %arg16[%get3A_248, %get3A_249] {strides = array<i32>} : memref<224x16xf32, #tpu.memory_space<vmem>>, vector<16xf32>,
          %slice3A_251 = vector.extract_strided_slice %get3A_180 {offsets = [3], sizes = [1], strides = [1]} : vector<16xf32> to vector<1xf32>
          %squeeze3A_252 = vector.extract %slice3A_251[0] : f32 from vector<1xf32>
          %mul3A_253 = vector.broadcast %squeeze3A_252 : f32 to vector<16xf32>
          %mul3A_254 = arith.mulf %mul3A_253, %get3A_247 : vector<16xf32>
          %mul3A_255 = arith.constant 1.000000e-01 : f32
          %mul3A_256 = vector.broadcast %mul3A_255 : f32 to vector<16xf32>
          %mul3A_257 = arith.mulf %mul3A_256, %get3A_250 : vector<16xf32>
          %add3A_258 = arith.addf %mul3A_254, %mul3A_257 : vector<16xf32>
          %swap3A_259 = arith.index_cast %add3A_244 : i32 to index
          %swap3A_260 = arith.constant 0 : index
          %swap3A_261 = tpu.vector_load %arg15[%swap3A_259, %swap3A_260] {strides = array<i32>} : memref<224x16xf32, #tpu.memory_space<vmem>>, vector<16xf32>,
          tpu.vector_store %arg15[%swap3A_259, %swap3A_260], %add3A_258 {strides = array<i32>} : memref<224x16xf32, #tpu.memory_space<vmem>>, vector<16xf32>,
          %mul3A_262 = arith.constant 16 : i32
          %mul3A_263 = arith.muli %mul3A_262, %scan3A_177 : i32
          %add3A_264 = arith.constant 4 : i32
          %add3A_265 = arith.addi %mul3A_263, %add3A_264 : i32
          %get3A_266 = arith.index_cast %add3A_265 : i32 to index
          %get3A_267 = arith.constant 0 : index
          %get3A_268 = tpu.vector_load %arg15[%get3A_266, %get3A_267] {strides = array<i32>} : memref<224x16xf32, #tpu.memory_space<vmem>>, vector<16xf32>,
          %get3A_269 = arith.index_cast %add3A_265 : i32 to index
          %get3A_270 = arith.constant 0 : index
          %get3A_271 = tpu.vector_load %arg16[%get3A_269, %get3A_270] {strides = array<i32>} : memref<224x16xf32, #tpu.memory_space<vmem>>, vector<16xf32>,
          %slice3A_272 = vector.extract_strided_slice %get3A_180 {offsets = [4], sizes = [1], strides = [1]} : vector<16xf32> to vector<1xf32>
          %squeeze3A_273 = vector.extract %slice3A_272[0] : f32 from vector<1xf32>
          %mul3A_274 = vector.broadcast %squeeze3A_273 : f32 to vector<16xf32>
          %mul3A_275 = arith.mulf %mul3A_274, %get3A_268 : vector<16xf32>
          %mul3A_276 = arith.constant 1.000000e-01 : f32
          %mul3A_277 = vector.broadcast %mul3A_276 : f32 to vector<16xf32>
          %mul3A_278 = arith.mulf %mul3A_277, %get3A_271 : vector<16xf32>
          %add3A_279 = arith.addf %mul3A_275, %mul3A_278 : vector<16xf32>
          %swap3A_280 = arith.index_cast %add3A_265 : i32 to index
          %swap3A_281 = arith.constant 0 : index
          %swap3A_282 = tpu.vector_load %arg15[%swap3A_280, %swap3A_281] {strides = array<i32>} : memref<224x16xf32, #tpu.memory_space<vmem>>, vector<16xf32>,
          tpu.vector_store %arg15[%swap3A_280, %swap3A_281], %add3A_279 {strides = array<i32>} : memref<224x16xf32, #tpu.memory_space<vmem>>, vector<16xf32>,
          %mul3A_283 = arith.constant 16 : i32
          %mul3A_284 = arith.muli %mul3A_283, %scan3A_177 : i32
          %add3A_285 = arith.constant 5 : i32
          %add3A_286 = arith.addi %mul3A_284, %add3A_285 : i32
          %get3A_287 = arith.index_cast %add3A_286 : i32 to index
          %get3A_288 = arith.constant 0 : index
          %get3A_289 = tpu.vector_load %arg15[%get3A_287, %get3A_288] {strides = array<i32>} : memref<224x16xf32, #tpu.memory_space<vmem>>, vector<16xf32>,
          %get3A_290 = arith.index_cast %add3A_286 : i32 to index
          %get3A_291 = arith.constant 0 : index
          %get3A_292 = tpu.vector_load %arg16[%get3A_290, %get3A_291] {strides = array<i32>} : memref<224x16xf32, #tpu.memory_space<vmem>>, vector<16xf32>,
          %slice3A_293 = vector.extract_strided_slice %get3A_180 {offsets = [5], sizes = [1], strides = [1]} : vector<16xf32> to vector<1xf32>
          %squeeze3A_294 = vector.extract %slice3A_293[0] : f32 from vector<1xf32>
          %mul3A_295 = vector.broadcast %squeeze3A_294 : f32 to vector<16xf32>
          %mul3A_296 = arith.mulf %mul3A_295, %get3A_289 : vector<16xf32>
          %mul3A_297 = arith.constant 1.000000e-01 : f32
          %mul3A_298 = vector.broadcast %mul3A_297 : f32 to vector<16xf32>
          %mul3A_299 = arith.mulf %mul3A_298, %get3A_292 : vector<16xf32>
          %add3A_300 = arith.addf %mul3A_296, %mul3A_299 : vector<16xf32>
          %swap3A_301 = arith.index_cast %add3A_286 : i32 to index
          %swap3A_302 = arith.constant 0 : index
          %swap3A_303 = tpu.vector_load %arg15[%swap3A_301, %swap3A_302] {strides = array<i32>} : memref<224x16xf32, #tpu.memory_space<vmem>>, vector<16xf32>,
          tpu.vector_store %arg15[%swap3A_301, %swap3A_302], %add3A_300 {strides = array<i32>} : memref<224x16xf32, #tpu.memory_space<vmem>>, vector<16xf32>,
          %mul3A_304 = arith.constant 16 : i32
          %mul3A_305 = arith.muli %mul3A_304, %scan3A_177 : i32
          %add3A_306 = arith.constant 6 : i32
          %add3A_307 = arith.addi %mul3A_305, %add3A_306 : i32
          %get3A_308 = arith.index_cast %add3A_307 : i32 to index
          %get3A_309 = arith.constant 0 : index
          %get3A_310 = tpu.vector_load %arg15[%get3A_308, %get3A_309] {strides = array<i32>} : memref<224x16xf32, #tpu.memory_space<vmem>>, vector<16xf32>,
          %get3A_311 = arith.index_cast %add3A_307 : i32 to index
          %get3A_312 = arith.constant 0 : index
          %get3A_313 = tpu.vector_load %arg16[%get3A_311, %get3A_312] {strides = array<i32>} : memref<224x16xf32, #tpu.memory_space<vmem>>, vector<16xf32>,
          %slice3A_314 = vector.extract_strided_slice %get3A_180 {offsets = [6], sizes = [1], strides = [1]} : vector<16xf32> to vector<1xf32>
          %squeeze3A_315 = vector.extract %slice3A_314[0] : f32 from vector<1xf32>
          %mul3A_316 = vector.broadcast %squeeze3A_315 : f32 to vector<16xf32>
          %mul3A_317 = arith.mulf %mul3A_316, %get3A_310 : vector<16xf32>
          %mul3A_318 = arith.constant 1.000000e-01 : f32
          %mul3A_319 = vector.broadcast %mul3A_318 : f32 to vector<16xf32>
          %mul3A_320 = arith.mulf %mul3A_319, %get3A_313 : vector<16xf32>
          %add3A_321 = arith.addf %mul3A_317, %mul3A_320 : vector<16xf32>
          %swap3A_322 = arith.index_cast %add3A_307 : i32 to index
          %swap3A_323 = arith.constant 0 : index
          %swap3A_324 = tpu.vector_load %arg15[%swap3A_322, %swap3A_323] {strides = array<i32>} : memref<224x16xf32, #tpu.memory_space<vmem>>, vector<16xf32>,
          tpu.vector_store %arg15[%swap3A_322, %swap3A_323], %add3A_321 {strides = array<i32>} : memref<224x16xf32, #tpu.memory_space<vmem>>, vector<16xf32>,
          %mul3A_325 = arith.constant 16 : i32
          %mul3A_326 = arith.muli %mul3A_325, %scan3A_177 : i32
          %add3A_327 = arith.constant 7 : i32
          %add3A_328 = arith.addi %mul3A_326, %add3A_327 : i32
          %get3A_329 = arith.index_cast %add3A_328 : i32 to index
          %get3A_330 = arith.constant 0 : index
          %get3A_331 = tpu.vector_load %arg15[%get3A_329, %get3A_330] {strides = array<i32>} : memref<224x16xf32, #tpu.memory_space<vmem>>, vector<16xf32>,
          %get3A_332 = arith.index_cast %add3A_328 : i32 to index
          %get3A_333 = arith.constant 0 : index
          %get3A_334 = tpu.vector_load %arg16[%get3A_332, %get3A_333] {strides = array<i32>} : memref<224x16xf32, #tpu.memory_space<vmem>>, vector<16xf32>,
          %slice3A_335 = vector.extract_strided_slice %get3A_180 {offsets = [7], sizes = [1], strides = [1]} : vector<16xf32> to vector<1xf32>
          %squeeze3A_336 = vector.extract %slice3A_335[0] : f32 from vector<1xf32>
          %mul3A_337 = vector.broadcast %squeeze3A_336 : f32 to vector<16xf32>
          %mul3A_338 = arith.mulf %mul3A_337, %get3A_331 : vector<16xf32>
          %mul3A_339 = arith.constant 1.000000e-01 : f32
          %mul3A_340 = vector.broadcast %mul3A_339 : f32 to vector<16xf32>
          %mul3A_341 = arith.mulf %mul3A_340, %get3A_334 : vector<16xf32>
          %add3A_342 = arith.addf %mul3A_338, %mul3A_341 : vector<16xf32>
          %swap3A_343 = arith.index_cast %add3A_328 : i32 to index
          %swap3A_344 = arith.constant 0 : index
          %swap3A_345 = tpu.vector_load %arg15[%swap3A_343, %swap3A_344] {strides = array<i32>} : memref<224x16xf32, #tpu.memory_space<vmem>>, vector<16xf32>,
          tpu.vector_store %arg15[%swap3A_343, %swap3A_344], %add3A_342 {strides = array<i32>} : memref<224x16xf32, #tpu.memory_space<vmem>>, vector<16xf32>,
          %mul3A_346 = arith.constant 16 : i32
          %mul3A_347 = arith.muli %mul3A_346, %scan3A_177 : i32
          %add3A_348 = arith.constant 8 : i32
          %add3A_349 = arith.addi %mul3A_347, %add3A_348 : i32
          %get3A_350 = arith.index_cast %add3A_349 : i32 to index
          %get3A_351 = arith.constant 0 : index
          %get3A_352 = tpu.vector_load %arg15[%get3A_350, %get3A_351] {strides = array<i32>} : memref<224x16xf32, #tpu.memory_space<vmem>>, vector<16xf32>,
          %get3A_353 = arith.index_cast %add3A_349 : i32 to index
          %get3A_354 = arith.constant 0 : index
          %get3A_355 = tpu.vector_load %arg16[%get3A_353, %get3A_354] {strides = array<i32>} : memref<224x16xf32, #tpu.memory_space<vmem>>, vector<16xf32>,
          %slice3A_356 = vector.extract_strided_slice %get3A_180 {offsets = [8], sizes = [1], strides = [1]} : vector<16xf32> to vector<1xf32>
          %squeeze3A_357 = vector.extract %slice3A_356[0] : f32 from vector<1xf32>
          %mul3A_358 = vector.broadcast %squeeze3A_357 : f32 to vector<16xf32>
          %mul3A_359 = arith.mulf %mul3A_358, %get3A_352 : vector<16xf32>
          %mul3A_360 = arith.constant 1.000000e-01 : f32
          %mul3A_361 = vector.broadcast %mul3A_360 : f32 to vector<16xf32>
          %mul3A_362 = arith.mulf %mul3A_361, %get3A_355 : vector<16xf32>
          %add3A_363 = arith.addf %mul3A_359, %mul3A_362 : vector<16xf32>
          %swap3A_364 = arith.index_cast %add3A_349 : i32 to index
          %swap3A_365 = arith.constant 0 : index
          %swap3A_366 = tpu.vector_load %arg15[%swap3A_364, %swap3A_365] {strides = array<i32>} : memref<224x16xf32, #tpu.memory_space<vmem>>, vector<16xf32>,
          tpu.vector_store %arg15[%swap3A_364, %swap3A_365], %add3A_363 {strides = array<i32>} : memref<224x16xf32, #tpu.memory_space<vmem>>, vector<16xf32>,
          %mul3A_367 = arith.constant 16 : i32
          %mul3A_368 = arith.muli %mul3A_367, %scan3A_177 : i32
          %add3A_369 = arith.constant 9 : i32
          %add3A_370 = arith.addi %mul3A_368, %add3A_369 : i32
          %get3A_371 = arith.index_cast %add3A_370 : i32 to index
          %get3A_372 = arith.constant 0 : index
          %get3A_373 = tpu.vector_load %arg15[%get3A_371, %get3A_372] {strides = array<i32>} : memref<224x16xf32, #tpu.memory_space<vmem>>, vector<16xf32>,
          %get3A_374 = arith.index_cast %add3A_370 : i32 to index
          %get3A_375 = arith.constant 0 : index
          %get3A_376 = tpu.vector_load %arg16[%get3A_374, %get3A_375] {strides = array<i32>} : memref<224x16xf32, #tpu.memory_space<vmem>>, vector<16xf32>,
          %slice3A_377 = vector.extract_strided_slice %get3A_180 {offsets = [9], sizes = [1], strides = [1]} : vector<16xf32> to vector<1xf32>
          %squeeze3A_378 = vector.extract %slice3A_377[0] : f32 from vector<1xf32>
          %mul3A_379 = vector.broadcast %squeeze3A_378 : f32 to vector<16xf32>
          %mul3A_380 = arith.mulf %mul3A_379, %get3A_373 : vector<16xf32>
          %mul3A_381 = arith.constant 1.000000e-01 : f32
          %mul3A_382 = vector.broadcast %mul3A_381 : f32 to vector<16xf32>
          %mul3A_383 = arith.mulf %mul3A_382, %get3A_376 : vector<16xf32>
          %add3A_384 = arith.addf %mul3A_380, %mul3A_383 : vector<16xf32>
          %swap3A_385 = arith.index_cast %add3A_370 : i32 to index
          %swap3A_386 = arith.constant 0 : index
          %swap3A_387 = tpu.vector_load %arg15[%swap3A_385, %swap3A_386] {strides = array<i32>} : memref<224x16xf32, #tpu.memory_space<vmem>>, vector<16xf32>,
          tpu.vector_store %arg15[%swap3A_385, %swap3A_386], %add3A_384 {strides = array<i32>} : memref<224x16xf32, #tpu.memory_space<vmem>>, vector<16xf32>,
          %mul3A_388 = arith.constant 16 : i32
          %mul3A_389 = arith.muli %mul3A_388, %scan3A_177 : i32
          %add3A_390 = arith.constant 10 : i32
          %add3A_391 = arith.addi %mul3A_389, %add3A_390 : i32
          %get3A_392 = arith.index_cast %add3A_391 : i32 to index
          %get3A_393 = arith.constant 0 : index
          %get3A_394 = tpu.vector_load %arg15[%get3A_392, %get3A_393] {strides = array<i32>} : memref<224x16xf32, #tpu.memory_space<vmem>>, vector<16xf32>,
          %get3A_395 = arith.index_cast %add3A_391 : i32 to index
          %get3A_396 = arith.constant 0 : index
          %get3A_397 = tpu.vector_load %arg16[%get3A_395, %get3A_396] {strides = array<i32>} : memref<224x16xf32, #tpu.memory_space<vmem>>, vector<16xf32>,
          %slice3A_398 = vector.extract_strided_slice %get3A_180 {offsets = [10], sizes = [1], strides = [1]} : vector<16xf32> to vector<1xf32>
          %squeeze3A_399 = vector.extract %slice3A_398[0] : f32 from vector<1xf32>
          %mul3A_400 = vector.broadcast %squeeze3A_399 : f32 to vector<16xf32>
          %mul3A_401 = arith.mulf %mul3A_400, %get3A_394 : vector<16xf32>
          %mul3A_402 = arith.constant 1.000000e-01 : f32
          %mul3A_403 = vector.broadcast %mul3A_402 : f32 to vector<16xf32>
          %mul3A_404 = arith.mulf %mul3A_403, %get3A_397 : vector<16xf32>
          %add3A_405 = arith.addf %mul3A_401, %mul3A_404 : vector<16xf32>
          %swap3A_406 = arith.index_cast %add3A_391 : i32 to index
          %swap3A_407 = arith.constant 0 : index
          %swap3A_408 = tpu.vector_load %arg15[%swap3A_406, %swap3A_407] {strides = array<i32>} : memref<224x16xf32, #tpu.memory_space<vmem>>, vector<16xf32>,
          tpu.vector_store %arg15[%swap3A_406, %swap3A_407], %add3A_405 {strides = array<i32>} : memref<224x16xf32, #tpu.memory_space<vmem>>, vector<16xf32>,
          %mul3A_409 = arith.constant 16 : i32
          %mul3A_410 = arith.muli %mul3A_409, %scan3A_177 : i32
          %add3A_411 = arith.constant 11 : i32
          %add3A_412 = arith.addi %mul3A_410, %add3A_411 : i32
          %get3A_413 = arith.index_cast %add3A_412 : i32 to index
          %get3A_414 = arith.constant 0 : index
          %get3A_415 = tpu.vector_load %arg15[%get3A_413, %get3A_414] {strides = array<i32>} : memref<224x16xf32, #tpu.memory_space<vmem>>, vector<16xf32>,
          %get3A_416 = arith.index_cast %add3A_412 : i32 to index
          %get3A_417 = arith.constant 0 : index
          %get3A_418 = tpu.vector_load %arg16[%get3A_416, %get3A_417] {strides = array<i32>} : memref<224x16xf32, #tpu.memory_space<vmem>>, vector<16xf32>,
          %slice3A_419 = vector.extract_strided_slice %get3A_180 {offsets = [11], sizes = [1], strides = [1]} : vector<16xf32> to vector<1xf32>
          %squeeze3A_420 = vector.extract %slice3A_419[0] : f32 from vector<1xf32>
          %mul3A_421 = vector.broadcast %squeeze3A_420 : f32 to vector<16xf32>
          %mul3A_422 = arith.mulf %mul3A_421, %get3A_415 : vector<16xf32>
          %mul3A_423 = arith.constant 1.000000e-01 : f32
          %mul3A_424 = vector.broadcast %mul3A_423 : f32 to vector<16xf32>
          %mul3A_425 = arith.mulf %mul3A_424, %get3A_418 : vector<16xf32>
          %add3A_426 = arith.addf %mul3A_422, %mul3A_425 : vector<16xf32>
          %swap3A_427 = arith.index_cast %add3A_412 : i32 to index
          %swap3A_428 = arith.constant 0 : index
          %swap3A_429 = tpu.vector_load %arg15[%swap3A_427, %swap3A_428] {strides = array<i32>} : memref<224x16xf32, #tpu.memory_space<vmem>>, vector<16xf32>,
          tpu.vector_store %arg15[%swap3A_427, %swap3A_428], %add3A_426 {strides = array<i32>} : memref<224x16xf32, #tpu.memory_space<vmem>>, vector<16xf32>,
          %mul3A_430 = arith.constant 16 : i32
          %mul3A_431 = arith.muli %mul3A_430, %scan3A_177 : i32
          %add3A_432 = arith.constant 12 : i32
          %add3A_433 = arith.addi %mul3A_431, %add3A_432 : i32
          %get3A_434 = arith.index_cast %add3A_433 : i32 to index
          %get3A_435 = arith.constant 0 : index
          %get3A_436 = tpu.vector_load %arg15[%get3A_434, %get3A_435] {strides = array<i32>} : memref<224x16xf32, #tpu.memory_space<vmem>>, vector<16xf32>,
          %get3A_437 = arith.index_cast %add3A_433 : i32 to index
          %get3A_438 = arith.constant 0 : index
          %get3A_439 = tpu.vector_load %arg16[%get3A_437, %get3A_438] {strides = array<i32>} : memref<224x16xf32, #tpu.memory_space<vmem>>, vector<16xf32>,
          %slice3A_440 = vector.extract_strided_slice %get3A_180 {offsets = [12], sizes = [1], strides = [1]} : vector<16xf32> to vector<1xf32>
          %squeeze3A_441 = vector.extract %slice3A_440[0] : f32 from vector<1xf32>
          %mul3A_442 = vector.broadcast %squeeze3A_441 : f32 to vector<16xf32>
          %mul3A_443 = arith.mulf %mul3A_442, %get3A_436 : vector<16xf32>
          %mul3A_444 = arith.constant 1.000000e-01 : f32
          %mul3A_445 = vector.broadcast %mul3A_444 : f32 to vector<16xf32>
          %mul3A_446 = arith.mulf %mul3A_445, %get3A_439 : vector<16xf32>
          %add3A_447 = arith.addf %mul3A_443, %mul3A_446 : vector<16xf32>
          %swap3A_448 = arith.index_cast %add3A_433 : i32 to index
          %swap3A_449 = arith.constant 0 : index
          %swap3A_450 = tpu.vector_load %arg15[%swap3A_448, %swap3A_449] {strides = array<i32>} : memref<224x16xf32, #tpu.memory_space<vmem>>, vector<16xf32>,
          tpu.vector_store %arg15[%swap3A_448, %swap3A_449], %add3A_447 {strides = array<i32>} : memref<224x16xf32, #tpu.memory_space<vmem>>, vector<16xf32>,
          %mul3A_451 = arith.constant 16 : i32
          %mul3A_452 = arith.muli %mul3A_451, %scan3A_177 : i32
          %add3A_453 = arith.constant 13 : i32
          %add3A_454 = arith.addi %mul3A_452, %add3A_453 : i32
          %get3A_455 = arith.index_cast %add3A_454 : i32 to index
          %get3A_456 = arith.constant 0 : index
          %get3A_457 = tpu.vector_load %arg15[%get3A_455, %get3A_456] {strides = array<i32>} : memref<224x16xf32, #tpu.memory_space<vmem>>, vector<16xf32>,
          %get3A_458 = arith.index_cast %add3A_454 : i32 to index
          %get3A_459 = arith.constant 0 : index
          %get3A_460 = tpu.vector_load %arg16[%get3A_458, %get3A_459] {strides = array<i32>} : memref<224x16xf32, #tpu.memory_space<vmem>>, vector<16xf32>,
          %slice3A_461 = vector.extract_strided_slice %get3A_180 {offsets = [13], sizes = [1], strides = [1]} : vector<16xf32> to vector<1xf32>
          %squeeze3A_462 = vector.extract %slice3A_461[0] : f32 from vector<1xf32>
          %mul3A_463 = vector.broadcast %squeeze3A_462 : f32 to vector<16xf32>
          %mul3A_464 = arith.mulf %mul3A_463, %get3A_457 : vector<16xf32>
          %mul3A_465 = arith.constant 1.000000e-01 : f32
          %mul3A_466 = vector.broadcast %mul3A_465 : f32 to vector<16xf32>
          %mul3A_467 = arith.mulf %mul3A_466, %get3A_460 : vector<16xf32>
          %add3A_468 = arith.addf %mul3A_464, %mul3A_467 : vector<16xf32>
          %swap3A_469 = arith.index_cast %add3A_454 : i32 to index
          %swap3A_470 = arith.constant 0 : index
          %swap3A_471 = tpu.vector_load %arg15[%swap3A_469, %swap3A_470] {strides = array<i32>} : memref<224x16xf32, #tpu.memory_space<vmem>>, vector<16xf32>,
          tpu.vector_store %arg15[%swap3A_469, %swap3A_470], %add3A_468 {strides = array<i32>} : memref<224x16xf32, #tpu.memory_space<vmem>>, vector<16xf32>,
          %mul3A_472 = arith.constant 16 : i32
          %mul3A_473 = arith.muli %mul3A_472, %scan3A_177 : i32
          %add3A_474 = arith.constant 14 : i32
          %add3A_475 = arith.addi %mul3A_473, %add3A_474 : i32
          %get3A_476 = arith.index_cast %add3A_475 : i32 to index
          %get3A_477 = arith.constant 0 : index
          %get3A_478 = tpu.vector_load %arg15[%get3A_476, %get3A_477] {strides = array<i32>} : memref<224x16xf32, #tpu.memory_space<vmem>>, vector<16xf32>,
          %get3A_479 = arith.index_cast %add3A_475 : i32 to index
          %get3A_480 = arith.constant 0 : index
          %get3A_481 = tpu.vector_load %arg16[%get3A_479, %get3A_480] {strides = array<i32>} : memref<224x16xf32, #tpu.memory_space<vmem>>, vector<16xf32>,
          %slice3A_482 = vector.extract_strided_slice %get3A_180 {offsets = [14], sizes = [1], strides = [1]} : vector<16xf32> to vector<1xf32>
          %squeeze3A_483 = vector.extract %slice3A_482[0] : f32 from vector<1xf32>
          %mul3A_484 = vector.broadcast %squeeze3A_483 : f32 to vector<16xf32>
          %mul3A_485 = arith.mulf %mul3A_484, %get3A_478 : vector<16xf32>
          %mul3A_486 = arith.constant 1.000000e-01 : f32
          %mul3A_487 = vector.broadcast %mul3A_486 : f32 to vector<16xf32>
          %mul3A_488 = arith.mulf %mul3A_487, %get3A_481 : vector<16xf32>
          %add3A_489 = arith.addf %mul3A_485, %mul3A_488 : vector<16xf32>
          %swap3A_490 = arith.index_cast %add3A_475 : i32 to index
          %swap3A_491 = arith.constant 0 : index
          %swap3A_492 = tpu.vector_load %arg15[%swap3A_490, %swap3A_491] {strides = array<i32>} : memref<224x16xf32, #tpu.memory_space<vmem>>, vector<16xf32>,
          tpu.vector_store %arg15[%swap3A_490, %swap3A_491], %add3A_489 {strides = array<i32>} : memref<224x16xf32, #tpu.memory_space<vmem>>, vector<16xf32>,
          %mul3A_493 = arith.constant 16 : i32
          %mul3A_494 = arith.muli %mul3A_493, %scan3A_177 : i32
          %add3A_495 = arith.constant 15 : i32
          %add3A_496 = arith.addi %mul3A_494, %add3A_495 : i32
          %get3A_497 = arith.index_cast %add3A_496 : i32 to index
          %get3A_498 = arith.constant 0 : index
          %get3A_499 = tpu.vector_load %arg15[%get3A_497, %get3A_498] {strides = array<i32>} : memref<224x16xf32, #tpu.memory_space<vmem>>, vector<16xf32>,
          %get3A_500 = arith.index_cast %add3A_496 : i32 to index
          %get3A_501 = arith.constant 0 : index
          %get3A_502 = tpu.vector_load %arg16[%get3A_500, %get3A_501] {strides = array<i32>} : memref<224x16xf32, #tpu.memory_space<vmem>>, vector<16xf32>,
          %slice3A_503 = vector.extract_strided_slice %get3A_180 {offsets = [15], sizes = [1], strides = [1]} : vector<16xf32> to vector<1xf32>
          %squeeze3A_504 = vector.extract %slice3A_503[0] : f32 from vector<1xf32>
          %mul3A_505 = vector.broadcast %squeeze3A_504 : f32 to vector<16xf32>
          %mul3A_506 = arith.mulf %mul3A_505, %get3A_499 : vector<16xf32>
          %mul3A_507 = arith.constant 1.000000e-01 : f32
          %mul3A_508 = vector.broadcast %mul3A_507 : f32 to vector<16xf32>
          %mul3A_509 = arith.mulf %mul3A_508, %get3A_502 : vector<16xf32>
          %add3A_510 = arith.addf %mul3A_506, %mul3A_509 : vector<16xf32>
          %swap3A_511 = arith.index_cast %add3A_496 : i32 to index
          %swap3A_512 = arith.constant 0 : index
          %swap3A_513 = tpu.vector_load %arg15[%swap3A_511, %swap3A_512] {strides = array<i32>} : memref<224x16xf32, #tpu.memory_space<vmem>>, vector<16xf32>,
          tpu.vector_store %arg15[%swap3A_511, %swap3A_512], %add3A_510 {strides = array<i32>} : memref<224x16xf32, #tpu.memory_space<vmem>>, vector<16xf32>,
        }
        %scan3A_173 = arith.constant 14 : i32
        %mul3A_174 = arith.constant 100352 : i32
        %mul3A_175 = arith.muli %add3A, %mul3A_174 : i32
        %add3A_176 = arith.addi %mul3A_175, %add3A_152 : i32
        "tpu.region"() ({
          %run_scoped3A = tpu.sem_alloc : memref<!tpu.dma_semaphore, #tpu.memory_space<semaphore_mem>>
          %dma_start3A_177 = arith.constant 0 : i32
          %dma_start3A_178 = tpu.memref_slice %arg10[%add3A_176, %dma_start3A_177] : memref<401408x16xf32, #tpu.memory_space<hbm>> -> memref<224x16xf32, #tpu.memory_space<hbm>>
          %dma_start3A_179 = arith.constant 0 : i32
          %dma_start3A_180 = tpu.memref_slice %arg10[%add3A_176, %dma_start3A_179] : memref<401408x16xf32, #tpu.memory_space<hbm>> -> memref<224x16xf32, #tpu.memory_space<hbm>>
          tpu.enqueue_dma source(%arg15 : memref<224x16xf32, #tpu.memory_space<vmem>>) target(%dma_start3A_180 : memref<224x16xf32, #tpu.memory_space<hbm>>) target_semaphore(%run_scoped3A : memref<!tpu.dma_semaphore, #tpu.memory_space<semaphore_mem>>)
          %dma_wait3A_181 = arith.constant 0 : i32
          %dma_wait3A_182 = tpu.memref_slice %arg10[%add3A_176, %dma_wait3A_181] : memref<401408x16xf32, #tpu.memory_space<hbm>> -> memref<224x16xf32, #tpu.memory_space<hbm>>
          %dma_wait3A_183 = arith.constant 0 : i32
          %dma_wait3A_184 = tpu.memref_slice %arg10[%add3A_176, %dma_wait3A_183] : memref<401408x16xf32, #tpu.memory_space<hbm>> -> memref<224x16xf32, #tpu.memory_space<hbm>>
          tpu.wait_dma2 semaphore(%run_scoped3A : memref<!tpu.dma_semaphore, #tpu.memory_space<semaphore_mem>>) src(%arg15 : memref<224x16xf32, #tpu.memory_space<vmem>>) dst(%dma_wait3A_184 : memref<224x16xf32, #tpu.memory_space<hbm>>)
          tpu.yield
        }) : () -> ()
      }
      %scan3A_145 = arith.constant 28 : i32
      %barrier3A_146 = arith.constant 0 : index
      tpu.barrier barrier_id(%barrier3A_146)
    }
    %scan3A_4 = arith.constant 2 : i32
    %scan3A_5 = arith.constant 0 : i32
    %scan3A_6 = arith.constant 0 : i32
    %scan3A_7 = arith.constant 2 : i32
    %scan3A_8 = arith.addi %scan3A_6, %scan3A_7 : i32
    %scan3A_9 = arith.constant 1 : i32
    scf.for %scan3A_17 = %scan3A_6 to %scan3A_8 step %scan3A_9  : i32 {
      %mul3A = arith.constant 2 : i32
      %mul3A_18 = arith.muli %mul3A, %arg0 : i32
      %add3A = arith.addi %mul3A_18, %scan3A_17 : i32
      "tpu.region"() ({
        %run_scoped3A = tpu.sem_alloc : memref<!tpu.dma_semaphore, #tpu.memory_space<semaphore_mem>>
        tpu.enqueue_dma source(%arg8 : memref<224x16xf32, #tpu.memory_space<hbm>>) target(%arg15 : memref<224x16xf32, #tpu.memory_space<vmem>>) target_semaphore(%run_scoped3A : memref<!tpu.dma_semaphore, #tpu.memory_space<semaphore_mem>>)
        tpu.wait_dma2 semaphore(%run_scoped3A : memref<!tpu.dma_semaphore, #tpu.memory_space<semaphore_mem>>) src(%arg8 : memref<224x16xf32, #tpu.memory_space<hbm>>) dst(%arg15 : memref<224x16xf32, #tpu.memory_space<vmem>>)
        tpu.yield
      }) : () -> ()
      %scan3A_19 = arith.constant 0 : i32
      %scan3A_20 = arith.constant 0 : i32
      %scan3A_21 = arith.constant 28 : i32
      %scan3A_22 = arith.addi %scan3A_20, %scan3A_21 : i32
      %scan3A_23 = arith.constant 1 : i32
      scf.for %scan3A_147 = %scan3A_20 to %scan3A_22 step %scan3A_23  : i32 {
        %mul3A_148 = arith.constant 6272 : i32
        %mul3A_149 = arith.muli %arg1, %mul3A_148 : i32
        %mul3A_150 = arith.constant 224 : i32
        %mul3A_151 = arith.muli %scan3A_147, %mul3A_150 : i32
        %add3A_152 = arith.addi %mul3A_149, %mul3A_151 : i32
        "tpu.region"() ({
          %run_scoped3A = tpu.sem_alloc : memref<!tpu.dma_semaphore, #tpu.memory_space<semaphore_mem>>
          %dma_start3A_153 = arith.constant 0 : i32
          %dma_start3A_154 = tpu.memref_slice %arg11[%add3A_152, %dma_start3A_153] : memref<100352x16xf32, #tpu.memory_space<vmem_shared>> -> memref<224x16xf32, #tpu.memory_space<vmem_shared>>
          %dma_start3A_155 = arith.constant 0 : i32
          %dma_start3A_156 = tpu.memref_slice %arg11[%add3A_152, %dma_start3A_155] : memref<100352x16xf32, #tpu.memory_space<vmem_shared>> -> memref<224x16xf32, #tpu.memory_space<vmem_shared>>
          tpu.enqueue_dma source(%arg15 : memref<224x16xf32, #tpu.memory_space<vmem>>) target(%dma_start3A_156 : memref<224x16xf32, #tpu.memory_space<vmem_shared>>) target_semaphore(%run_scoped3A : memref<!tpu.dma_semaphore, #tpu.memory_space<semaphore_mem>>)
          %dma_wait3A_157 = arith.constant 0 : i32
          %dma_wait3A_158 = tpu.memref_slice %arg11[%add3A_152, %dma_wait3A_157] : memref<100352x16xf32, #tpu.memory_space<vmem_shared>> -> memref<224x16xf32, #tpu.memory_space<vmem_shared>>
          %dma_wait3A_159 = arith.constant 0 : i32
          %dma_wait3A_160 = tpu.memref_slice %arg11[%add3A_152, %dma_wait3A_159] : memref<100352x16xf32, #tpu.memory_space<vmem_shared>> -> memref<224x16xf32, #tpu.memory_space<vmem_shared>>
          tpu.wait_dma2 semaphore(%run_scoped3A : memref<!tpu.dma_semaphore, #tpu.memory_space<semaphore_mem>>) src(%arg15 : memref<224x16xf32, #tpu.memory_space<vmem>>) dst(%dma_wait3A_160 : memref<224x16xf32, #tpu.memory_space<vmem_shared>>)
          tpu.yield
        }) : () -> ()
      }
      %scan3A_24 = arith.constant 28 : i32
      %barrier3A = arith.constant 0 : index
      tpu.barrier barrier_id(%barrier3A)
      %mul3A_25 = arith.constant 784 : i32
      %mul3A_26 = arith.muli %arg1, %mul3A_25 : i32
      %add3A_27 = arith.constant 0 : i32
      %add3A_28 = arith.addi %mul3A_26, %add3A_27 : i32
      "tpu.region"() ({
        %run_scoped3A = tpu.sem_alloc : memref<!tpu.dma_semaphore, #tpu.memory_space<semaphore_mem>>
        %dma_start3A_147 = arith.constant 0 : i32
        %dma_start3A_148 = arith.constant 0 : i32
        %dma_start3A_149 = tpu.memref_slice %arg13[%dma_start3A_147, %dma_start3A_148] : memref<12x128xi32, #tpu.memory_space<vmem>> -> memref<4x128xi32, #tpu.memory_space<vmem>>
        %dma_start3A_150 = arith.constant 0 : i32
        %dma_start3A_151 = tpu.memref_slice %arg3[%add3A_28, %dma_start3A_150] : memref<12544x128xi32, #tpu.memory_space<hbm>> -> memref<4x128xi32, #tpu.memory_space<hbm>>
        %dma_start3A_152 = arith.constant 0 : i32
        %dma_start3A_153 = arith.constant 0 : i32
        %dma_start3A_154 = tpu.memref_slice %arg13[%dma_start3A_152, %dma_start3A_153] : memref<12x128xi32, #tpu.memory_space<vmem>> -> memref<4x128xi32, #tpu.memory_space<vmem>>
        %dma_start3A_155 = arith.constant 0 : i32
        %dma_start3A_156 = tpu.memref_slice %arg3[%add3A_28, %dma_start3A_155] : memref<12544x128xi32, #tpu.memory_space<hbm>> -> memref<4x128xi32, #tpu.memory_space<hbm>>
        tpu.enqueue_dma source(%dma_start3A_156 : memref<4x128xi32, #tpu.memory_space<hbm>>) target(%dma_start3A_154 : memref<4x128xi32, #tpu.memory_space<vmem>>) target_semaphore(%run_scoped3A : memref<!tpu.dma_semaphore, #tpu.memory_space<semaphore_mem>>)
        %dma_wait3A_157 = arith.constant 0 : i32
        %dma_wait3A_158 = arith.constant 0 : i32
        %dma_wait3A_159 = tpu.memref_slice %arg13[%dma_wait3A_157, %dma_wait3A_158] : memref<12x128xi32, #tpu.memory_space<vmem>> -> memref<4x128xi32, #tpu.memory_space<vmem>>
        %dma_wait3A_160 = arith.constant 0 : i32
        %dma_wait3A_161 = tpu.memref_slice %arg3[%add3A_28, %dma_wait3A_160] : memref<12544x128xi32, #tpu.memory_space<hbm>> -> memref<4x128xi32, #tpu.memory_space<hbm>>
        %dma_wait3A_162 = arith.constant 0 : i32
        %dma_wait3A_163 = arith.constant 0 : i32
        %dma_wait3A_164 = tpu.memref_slice %arg13[%dma_wait3A_162, %dma_wait3A_163] : memref<12x128xi32, #tpu.memory_space<vmem>> -> memref<4x128xi32, #tpu.memory_space<vmem>>
        %dma_wait3A_165 = arith.constant 0 : i32
        %dma_wait3A_166 = tpu.memref_slice %arg3[%add3A_28, %dma_wait3A_165] : memref<12544x128xi32, #tpu.memory_space<hbm>> -> memref<4x128xi32, #tpu.memory_space<hbm>>
        tpu.wait_dma2 semaphore(%run_scoped3A : memref<!tpu.dma_semaphore, #tpu.memory_space<semaphore_mem>>) src(%dma_wait3A_166 : memref<4x128xi32, #tpu.memory_space<hbm>>) dst(%dma_wait3A_164 : memref<4x128xi32, #tpu.memory_space<vmem>>)
        tpu.yield
      }) : () -> ()
      %mul3A_29 = arith.constant 12544 : i32
      %mul3A_30 = arith.muli %add3A, %mul3A_29 : i32
      %add3A_31 = arith.addi %mul3A_30, %add3A_28 : i32
      "tpu.region"() ({
        %run_scoped3A = tpu.sem_alloc : memref<!tpu.dma_semaphore, #tpu.memory_space<semaphore_mem>>
        %dma_start3A_147 = arith.constant 0 : i32
        %dma_start3A_148 = arith.constant 0 : i32
        %dma_start3A_149 = tpu.memref_slice %arg12[%dma_start3A_147, %dma_start3A_148] : memref<12x128xi32, #tpu.memory_space<vmem>> -> memref<4x128xi32, #tpu.memory_space<vmem>>
        %dma_start3A_150 = arith.constant 0 : i32
        %dma_start3A_151 = tpu.memref_slice %arg2[%add3A_31, %dma_start3A_150] : memref<50176x128xi32, #tpu.memory_space<hbm>> -> memref<4x128xi32, #tpu.memory_space<hbm>>
        %dma_start3A_152 = arith.constant 0 : i32
        %dma_start3A_153 = arith.constant 0 : i32
        %dma_start3A_154 = tpu.memref_slice %arg12[%dma_start3A_152, %dma_start3A_153] : memref<12x128xi32, #tpu.memory_space<vmem>> -> memref<4x128xi32, #tpu.memory_space<vmem>>
        %dma_start3A_155 = arith.constant 0 : i32
        %dma_start3A_156 = tpu.memref_slice %arg2[%add3A_31, %dma_start3A_155] : memref<50176x128xi32, #tpu.memory_space<hbm>> -> memref<4x128xi32, #tpu.memory_space<hbm>>
        tpu.enqueue_dma source(%dma_start3A_156 : memref<4x128xi32, #tpu.memory_space<hbm>>) target(%dma_start3A_154 : memref<4x128xi32, #tpu.memory_space<vmem>>) target_semaphore(%run_scoped3A : memref<!tpu.dma_semaphore, #tpu.memory_space<semaphore_mem>>)
        %dma_wait3A_157 = arith.constant 0 : i32
        %dma_wait3A_158 = arith.constant 0 : i32
        %dma_wait3A_159 = tpu.memref_slice %arg12[%dma_wait3A_157, %dma_wait3A_158] : memref<12x128xi32, #tpu.memory_space<vmem>> -> memref<4x128xi32, #tpu.memory_space<vmem>>
        %dma_wait3A_160 = arith.constant 0 : i32
        %dma_wait3A_161 = tpu.memref_slice %arg2[%add3A_31, %dma_wait3A_160] : memref<50176x128xi32, #tpu.memory_space<hbm>> -> memref<4x128xi32, #tpu.memory_space<hbm>>
        %dma_wait3A_162 = arith.constant 0 : i32
        %dma_wait3A_163 = arith.constant 0 : i32
        %dma_wait3A_164 = tpu.memref_slice %arg12[%dma_wait3A_162, %dma_wait3A_163] : memref<12x128xi32, #tpu.memory_space<vmem>> -> memref<4x128xi32, #tpu.memory_space<vmem>>
        %dma_wait3A_165 = arith.constant 0 : i32
        %dma_wait3A_166 = tpu.memref_slice %arg2[%add3A_31, %dma_wait3A_165] : memref<50176x128xi32, #tpu.memory_space<hbm>> -> memref<4x128xi32, #tpu.memory_space<hbm>>
        tpu.wait_dma2 semaphore(%run_scoped3A : memref<!tpu.dma_semaphore, #tpu.memory_space<semaphore_mem>>) src(%dma_wait3A_166 : memref<4x128xi32, #tpu.memory_space<hbm>>) dst(%dma_wait3A_164 : memref<4x128xi32, #tpu.memory_space<vmem>>)
        tpu.yield
      }) : () -> ()
      %dma_start3A = arith.constant 0 : i32
      %dma_start3A_32 = arith.constant 0 : i32
      %dma_start3A_33 = arith.constant 0 : i32
      %dma_start3A_34 = arith.constant 0 : i32
      %dma_start3A_35 = tpu.memref_slice %arg14[%dma_start3A_32, %dma_start3A_33, %dma_start3A_34] : memref<8x128x16xf32, #tpu.memory_space<vmem>> -> memref<1x128x16xf32, #tpu.memory_space<vmem>>
      %dma_start3A_36 = tpu.memref_squeeze %dma_start3A_35 : memref<1x128x16xf32, #tpu.memory_space<vmem>> -> memref<128x16xf32, #tpu.memory_space<vmem>>
      %dma_start3A_37 = arith.constant 0 : i32
      %dma_start3A_38 = tpu.memref_slice %arg12[%dma_start3A, %dma_start3A_37] : memref<12x128xi32, #tpu.memory_space<vmem>> -> memref<1x128xi32, #tpu.memory_space<vmem>>
      %dma_start3A_39 = tpu.memref_squeeze %dma_start3A_38 : memref<1x128xi32, #tpu.memory_space<vmem>> -> memref<128xi32, #tpu.memory_space<vmem>>
      %dma_start3A_40 = arith.constant 0 : i32
      %dma_start3A_41 = arith.constant 0 : i32
      %dma_start3A_42 = tpu.memref_slice %arg10[%dma_start3A_40, %dma_start3A_41] : memref<401408x16xf32, #tpu.memory_space<hbm>> -> memref<401408x16xf32, #tpu.memory_space<hbm>>
      tpu.enqueue_indirect_dma source(%dma_start3A_42 : memref<401408x16xf32, #tpu.memory_space<hbm>>) target(%dma_start3A_36 : memref<128x16xf32, #tpu.memory_space<vmem>>) offsets(%dma_start3A_39 : memref<128xi32, #tpu.memory_space<vmem>>) semaphore(%arg19 : memref<!tpu.dma_semaphore, #tpu.memory_space<semaphore_mem>>)
      %dma_start3A_43 = arith.constant 1 : i32
      %dma_start3A_44 = arith.constant 1 : i32
      %dma_start3A_45 = arith.constant 0 : i32
      %dma_start3A_46 = arith.constant 0 : i32
      %dma_start3A_47 = tpu.memref_slice %arg14[%dma_start3A_44, %dma_start3A_45, %dma_start3A_46] : memref<8x128x16xf32, #tpu.memory_space<vmem>> -> memref<1x128x16xf32, #tpu.memory_space<vmem>>
      %dma_start3A_48 = tpu.memref_squeeze %dma_start3A_47 : memref<1x128x16xf32, #tpu.memory_space<vmem>> -> memref<128x16xf32, #tpu.memory_space<vmem>>
      %dma_start3A_49 = arith.constant 0 : i32
      %dma_start3A_50 = tpu.memref_slice %arg12[%dma_start3A_43, %dma_start3A_49] : memref<12x128xi32, #tpu.memory_space<vmem>> -> memref<1x128xi32, #tpu.memory_space<vmem>>
      %dma_start3A_51 = tpu.memref_squeeze %dma_start3A_50 : memref<1x128xi32, #tpu.memory_space<vmem>> -> memref<128xi32, #tpu.memory_space<vmem>>
      %dma_start3A_52 = arith.constant 0 : i32
      %dma_start3A_53 = arith.constant 0 : i32
      %dma_start3A_54 = tpu.memref_slice %arg10[%dma_start3A_52, %dma_start3A_53] : memref<401408x16xf32, #tpu.memory_space<hbm>> -> memref<401408x16xf32, #tpu.memory_space<hbm>>
      tpu.enqueue_indirect_dma source(%dma_start3A_54 : memref<401408x16xf32, #tpu.memory_space<hbm>>) target(%dma_start3A_48 : memref<128x16xf32, #tpu.memory_space<vmem>>) offsets(%dma_start3A_51 : memref<128xi32, #tpu.memory_space<vmem>>) semaphore(%arg19 : memref<!tpu.dma_semaphore, #tpu.memory_space<semaphore_mem>>)
      %dma_start3A_55 = arith.constant 2 : i32
      %dma_start3A_56 = arith.constant 2 : i32
      %dma_start3A_57 = arith.constant 0 : i32
      %dma_start3A_58 = arith.constant 0 : i32
      %dma_start3A_59 = tpu.memref_slice %arg14[%dma_start3A_56, %dma_start3A_57, %dma_start3A_58] : memref<8x128x16xf32, #tpu.memory_space<vmem>> -> memref<1x128x16xf32, #tpu.memory_space<vmem>>
      %dma_start3A_60 = tpu.memref_squeeze %dma_start3A_59 : memref<1x128x16xf32, #tpu.memory_space<vmem>> -> memref<128x16xf32, #tpu.memory_space<vmem>>
      %dma_start3A_61 = arith.constant 0 : i32
      %dma_start3A_62 = tpu.memref_slice %arg12[%dma_start3A_55, %dma_start3A_61] : memref<12x128xi32, #tpu.memory_space<vmem>> -> memref<1x128xi32, #tpu.memory_space<vmem>>
      %dma_start3A_63 = tpu.memref_squeeze %dma_start3A_62 : memref<1x128xi32, #tpu.memory_space<vmem>> -> memref<128xi32, #tpu.memory_space<vmem>>
      %dma_start3A_64 = arith.constant 0 : i32
      %dma_start3A_65 = arith.constant 0 : i32
      %dma_start3A_66 = tpu.memref_slice %arg10[%dma_start3A_64, %dma_start3A_65] : memref<401408x16xf32, #tpu.memory_space<hbm>> -> memref<401408x16xf32, #tpu.memory_space<hbm>>
      tpu.enqueue_indirect_dma source(%dma_start3A_66 : memref<401408x16xf32, #tpu.memory_space<hbm>>) target(%dma_start3A_60 : memref<128x16xf32, #tpu.memory_space<vmem>>) offsets(%dma_start3A_63 : memref<128xi32, #tpu.memory_space<vmem>>) semaphore(%arg19 : memref<!tpu.dma_semaphore, #tpu.memory_space<semaphore_mem>>)
      %dma_start3A_67 = arith.constant 3 : i32
      %dma_start3A_68 = arith.constant 3 : i32
      %dma_start3A_69 = arith.constant 0 : i32
      %dma_start3A_70 = arith.constant 0 : i32
      %dma_start3A_71 = tpu.memref_slice %arg14[%dma_start3A_68, %dma_start3A_69, %dma_start3A_70] : memref<8x128x16xf32, #tpu.memory_space<vmem>> -> memref<1x128x16xf32, #tpu.memory_space<vmem>>
      %dma_start3A_72 = tpu.memref_squeeze %dma_start3A_71 : memref<1x128x16xf32, #tpu.memory_space<vmem>> -> memref<128x16xf32, #tpu.memory_space<vmem>>
      %dma_start3A_73 = arith.constant 0 : i32
      %dma_start3A_74 = tpu.memref_slice %arg12[%dma_start3A_67, %dma_start3A_73] : memref<12x128xi32, #tpu.memory_space<vmem>> -> memref<1x128xi32, #tpu.memory_space<vmem>>
      %dma_start3A_75 = tpu.memref_squeeze %dma_start3A_74 : memref<1x128xi32, #tpu.memory_space<vmem>> -> memref<128xi32, #tpu.memory_space<vmem>>
      %dma_start3A_76 = arith.constant 0 : i32
      %dma_start3A_77 = arith.constant 0 : i32
      %dma_start3A_78 = tpu.memref_slice %arg10[%dma_start3A_76, %dma_start3A_77] : memref<401408x16xf32, #tpu.memory_space<hbm>> -> memref<401408x16xf32, #tpu.memory_space<hbm>>
      tpu.enqueue_indirect_dma source(%dma_start3A_78 : memref<401408x16xf32, #tpu.memory_space<hbm>>) target(%dma_start3A_72 : memref<128x16xf32, #tpu.memory_space<vmem>>) offsets(%dma_start3A_75 : memref<128xi32, #tpu.memory_space<vmem>>) semaphore(%arg19 : memref<!tpu.dma_semaphore, #tpu.memory_space<semaphore_mem>>)
      %mul3A_79 = arith.constant 784 : i32
      %mul3A_80 = arith.muli %arg1, %mul3A_79 : i32
      %add3A_81 = arith.constant 4 : i32
      %add3A_82 = arith.addi %mul3A_80, %add3A_81 : i32
      "tpu.region"() ({
        %run_scoped3A = tpu.sem_alloc : memref<!tpu.dma_semaphore, #tpu.memory_space<semaphore_mem>>
        %dma_start3A_147 = arith.constant 4 : i32
        %dma_start3A_148 = arith.constant 0 : i32
        %dma_start3A_149 = tpu.memref_slice %arg13[%dma_start3A_147, %dma_start3A_148] : memref<12x128xi32, #tpu.memory_space<vmem>> -> memref<4x128xi32, #tpu.memory_space<vmem>>
        %dma_start3A_150 = arith.constant 0 : i32
        %dma_start3A_151 = tpu.memref_slice %arg3[%add3A_82, %dma_start3A_150] : memref<12544x128xi32, #tpu.memory_space<hbm>> -> memref<4x128xi32, #tpu.memory_space<hbm>>
        %dma_start3A_152 = arith.constant 4 : i32
        %dma_start3A_153 = arith.constant 0 : i32
        %dma_start3A_154 = tpu.memref_slice %arg13[%dma_start3A_152, %dma_start3A_153] : memref<12x128xi32, #tpu.memory_space<vmem>> -> memref<4x128xi32, #tpu.memory_space<vmem>>
        %dma_start3A_155 = arith.constant 0 : i32
        %dma_start3A_156 = tpu.memref_slice %arg3[%add3A_82, %dma_start3A_155] : memref<12544x128xi32, #tpu.memory_space<hbm>> -> memref<4x128xi32, #tpu.memory_space<hbm>>
        tpu.enqueue_dma source(%dma_start3A_156 : memref<4x128xi32, #tpu.memory_space<hbm>>) target(%dma_start3A_154 : memref<4x128xi32, #tpu.memory_space<vmem>>) target_semaphore(%run_scoped3A : memref<!tpu.dma_semaphore, #tpu.memory_space<semaphore_mem>>)
        %dma_wait3A_157 = arith.constant 4 : i32
        %dma_wait3A_158 = arith.constant 0 : i32
        %dma_wait3A_159 = tpu.memref_slice %arg13[%dma_wait3A_157, %dma_wait3A_158] : memref<12x128xi32, #tpu.memory_space<vmem>> -> memref<4x128xi32, #tpu.memory_space<vmem>>
        %dma_wait3A_160 = arith.constant 0 : i32
        %dma_wait3A_161 = tpu.memref_slice %arg3[%add3A_82, %dma_wait3A_160] : memref<12544x128xi32, #tpu.memory_space<hbm>> -> memref<4x128xi32, #tpu.memory_space<hbm>>
        %dma_wait3A_162 = arith.constant 4 : i32
        %dma_wait3A_163 = arith.constant 0 : i32
        %dma_wait3A_164 = tpu.memref_slice %arg13[%dma_wait3A_162, %dma_wait3A_163] : memref<12x128xi32, #tpu.memory_space<vmem>> -> memref<4x128xi32, #tpu.memory_space<vmem>>
        %dma_wait3A_165 = arith.constant 0 : i32
        %dma_wait3A_166 = tpu.memref_slice %arg3[%add3A_82, %dma_wait3A_165] : memref<12544x128xi32, #tpu.memory_space<hbm>> -> memref<4x128xi32, #tpu.memory_space<hbm>>
        tpu.wait_dma2 semaphore(%run_scoped3A : memref<!tpu.dma_semaphore, #tpu.memory_space<semaphore_mem>>) src(%dma_wait3A_166 : memref<4x128xi32, #tpu.memory_space<hbm>>) dst(%dma_wait3A_164 : memref<4x128xi32, #tpu.memory_space<vmem>>)
        tpu.yield
      }) : () -> ()
      %mul3A_83 = arith.constant 12544 : i32
      %mul3A_84 = arith.muli %add3A, %mul3A_83 : i32
      %add3A_85 = arith.addi %mul3A_84, %add3A_82 : i32
      "tpu.region"() ({
        %run_scoped3A = tpu.sem_alloc : memref<!tpu.dma_semaphore, #tpu.memory_space<semaphore_mem>>
        %dma_start3A_147 = arith.constant 4 : i32
        %dma_start3A_148 = arith.constant 0 : i32
        %dma_start3A_149 = tpu.memref_slice %arg12[%dma_start3A_147, %dma_start3A_148] : memref<12x128xi32, #tpu.memory_space<vmem>> -> memref<4x128xi32, #tpu.memory_space<vmem>>
        %dma_start3A_150 = arith.constant 0 : i32
        %dma_start3A_151 = tpu.memref_slice %arg2[%add3A_85, %dma_start3A_150] : memref<50176x128xi32, #tpu.memory_space<hbm>> -> memref<4x128xi32, #tpu.memory_space<hbm>>
        %dma_start3A_152 = arith.constant 4 : i32
        %dma_start3A_153 = arith.constant 0 : i32
        %dma_start3A_154 = tpu.memref_slice %arg12[%dma_start3A_152, %dma_start3A_153] : memref<12x128xi32, #tpu.memory_space<vmem>> -> memref<4x128xi32, #tpu.memory_space<vmem>>
        %dma_start3A_155 = arith.constant 0 : i32
        %dma_start3A_156 = tpu.memref_slice %arg2[%add3A_85, %dma_start3A_155] : memref<50176x128xi32, #tpu.memory_space<hbm>> -> memref<4x128xi32, #tpu.memory_space<hbm>>
        tpu.enqueue_dma source(%dma_start3A_156 : memref<4x128xi32, #tpu.memory_space<hbm>>) target(%dma_start3A_154 : memref<4x128xi32, #tpu.memory_space<vmem>>) target_semaphore(%run_scoped3A : memref<!tpu.dma_semaphore, #tpu.memory_space<semaphore_mem>>)
        %dma_wait3A_157 = arith.constant 4 : i32
        %dma_wait3A_158 = arith.constant 0 : i32
        %dma_wait3A_159 = tpu.memref_slice %arg12[%dma_wait3A_157, %dma_wait3A_158] : memref<12x128xi32, #tpu.memory_space<vmem>> -> memref<4x128xi32, #tpu.memory_space<vmem>>
        %dma_wait3A_160 = arith.constant 0 : i32
        %dma_wait3A_161 = tpu.memref_slice %arg2[%add3A_85, %dma_wait3A_160] : memref<50176x128xi32, #tpu.memory_space<hbm>> -> memref<4x128xi32, #tpu.memory_space<hbm>>
        %dma_wait3A_162 = arith.constant 4 : i32
        %dma_wait3A_163 = arith.constant 0 : i32
        %dma_wait3A_164 = tpu.memref_slice %arg12[%dma_wait3A_162, %dma_wait3A_163] : memref<12x128xi32, #tpu.memory_space<vmem>> -> memref<4x128xi32, #tpu.memory_space<vmem>>
        %dma_wait3A_165 = arith.constant 0 : i32
        %dma_wait3A_166 = tpu.memref_slice %arg2[%add3A_85, %dma_wait3A_165] : memref<50176x128xi32, #tpu.memory_space<hbm>> -> memref<4x128xi32, #tpu.memory_space<hbm>>
        tpu.wait_dma2 semaphore(%run_scoped3A : memref<!tpu.dma_semaphore, #tpu.memory_space<semaphore_mem>>) src(%dma_wait3A_166 : memref<4x128xi32, #tpu.memory_space<hbm>>) dst(%dma_wait3A_164 : memref<4x128xi32, #tpu.memory_space<vmem>>)
        tpu.yield
      }) : () -> ()
      %scan3A_86 = arith.constant 0 : i32
      %scan3A_87 = arith.constant 0 : i32
      %scan3A_88 = arith.constant 196 : i32
      %scan3A_89 = arith.addi %scan3A_87, %scan3A_88 : i32
      %scan3A_90 = arith.constant 1 : i32
      scf.for %scan3A_147 = %scan3A_87 to %scan3A_89 step %scan3A_90  : i32 {
        %jit3A = arith.constant 2 : i32
        %eq3A = arith.constant 0 : i32
        %eq3A_148 = arith.cmpi eq, %jit3A, %eq3A : i32
        %jit3A_149 = arith.constant 1 : i32
        %select_n3A = arith.select %eq3A_148, %jit3A_149, %jit3A : i32
        %rem3A = arith.remsi %scan3A_147, %select_n3A : i32
        %ne3A = arith.constant 0 : i32
        %ne3A_150 = arith.cmpi ne, %rem3A, %ne3A : i32
        %lt3A = arith.constant 0 : i32
        %lt3A_151 = arith.cmpi slt, %rem3A, %lt3A : i32
        %lt3A_152 = arith.constant 0 : i32
        %lt3A_153 = arith.cmpi slt, %select_n3A, %lt3A_152 : i32
        %ne3A_154 = arith.xori %lt3A_151, %lt3A_153 : i1
        %and3A = arith.andi %ne3A_154, %ne3A_150 : i1
        %add3A_155 = arith.addi %rem3A, %select_n3A : i32
        %select_n3A_156 = arith.select %and3A, %add3A_155, %rem3A : i32
        %jit3A_157 = arith.constant 3 : i32
        %eq3A_158 = arith.constant 0 : i32
        %eq3A_159 = arith.cmpi eq, %jit3A_157, %eq3A_158 : i32
        %jit3A_160 = arith.constant 1 : i32
        %select_n3A_161 = arith.select %eq3A_159, %jit3A_160, %jit3A_157 : i32
        %rem3A_162 = arith.remsi %scan3A_147, %select_n3A_161 : i32
        %ne3A_163 = arith.constant 0 : i32
        %ne3A_164 = arith.cmpi ne, %rem3A_162, %ne3A_163 : i32
        %lt3A_165 = arith.constant 0 : i32
        %lt3A_166 = arith.cmpi slt, %rem3A_162, %lt3A_165 : i32
        %lt3A_167 = arith.constant 0 : i32
        %lt3A_168 = arith.cmpi slt, %select_n3A_161, %lt3A_167 : i32
        %ne3A_169 = arith.xori %lt3A_166, %lt3A_168 : i1
        %and3A_170 = arith.andi %ne3A_169, %ne3A_164 : i1
        %add3A_171 = arith.addi %rem3A_162, %select_n3A_161 : i32
        %select_n3A_172 = arith.select %and3A_170, %add3A_171, %rem3A_162 : i32
        %gt3A = arith.constant 0 : i32
        %gt3A_173 = arith.cmpi sgt, %scan3A_147, %gt3A : i32
        %convert_element_type3A = arith.extui %gt3A_173 : i1 to i32
        %cond3A = arith.constant 0 : i32
        %cond3A_174 = arith.cmpi ne, %convert_element_type3A, %cond3A : i32
        scf.if %cond3A_174 {
          %mul3A_329 = arith.constant 4 : i32
          %mul3A_330 = arith.muli %select_n3A_172, %mul3A_329 : i32
          %add3A_331 = arith.constant 0 : i32
          %add3A_332 = arith.addi %mul3A_330, %add3A_331 : i32
          %dma_wait3A_333 = arith.constant 0 : i32
          %dma_wait3A_334 = arith.constant 0 : i32
          %dma_wait3A_335 = arith.constant 0 : i32
          %dma_wait3A_336 = tpu.memref_slice %arg14[%dma_wait3A_333, %dma_wait3A_334, %dma_wait3A_335] : memref<8x128x16xf32, #tpu.memory_space<vmem>> -> memref<1x128x16xf32, #tpu.memory_space<vmem>>
          %dma_wait3A_337 = tpu.memref_squeeze %dma_wait3A_336 : memref<1x128x16xf32, #tpu.memory_space<vmem>> -> memref<128x16xf32, #tpu.memory_space<vmem>>
          %dma_wait3A_338 = arith.constant 0 : i32
          %dma_wait3A_339 = tpu.memref_slice %arg13[%add3A_332, %dma_wait3A_338] : memref<12x128xi32, #tpu.memory_space<vmem>> -> memref<1x128xi32, #tpu.memory_space<vmem>>
          %dma_wait3A_340 = tpu.memref_squeeze %dma_wait3A_339 : memref<1x128xi32, #tpu.memory_space<vmem>> -> memref<128xi32, #tpu.memory_space<vmem>>
          %dma_wait3A_341 = arith.constant 0 : i32
          %dma_wait3A_342 = arith.constant 0 : i32
          %dma_wait3A_343 = tpu.memref_slice %arg11[%dma_wait3A_341, %dma_wait3A_342] : memref<100352x16xf32, #tpu.memory_space<vmem_shared>> -> memref<100352x16xf32, #tpu.memory_space<vmem_shared>>
          tpu.wait_indirect_dma semaphore(%arg20 : memref<!tpu.dma_semaphore, #tpu.memory_space<semaphore_mem>>) src(%dma_wait3A_337 : memref<128x16xf32, #tpu.memory_space<vmem>>) dst(%dma_wait3A_343 : memref<100352x16xf32, #tpu.memory_space<vmem_shared>>)
          %mul3A_344 = arith.constant 4 : i32
          %mul3A_345 = arith.muli %select_n3A_172, %mul3A_344 : i32
          %add3A_346 = arith.constant 1 : i32
          %add3A_347 = arith.addi %mul3A_345, %add3A_346 : i32
          %dma_wait3A_348 = arith.constant 1 : i32
          %dma_wait3A_349 = arith.constant 0 : i32
          %dma_wait3A_350 = arith.constant 0 : i32
          %dma_wait3A_351 = tpu.memref_slice %arg14[%dma_wait3A_348, %dma_wait3A_349, %dma_wait3A_350] : memref<8x128x16xf32, #tpu.memory_space<vmem>> -> memref<1x128x16xf32, #tpu.memory_space<vmem>>
          %dma_wait3A_352 = tpu.memref_squeeze %dma_wait3A_351 : memref<1x128x16xf32, #tpu.memory_space<vmem>> -> memref<128x16xf32, #tpu.memory_space<vmem>>
          %dma_wait3A_353 = arith.constant 0 : i32
          %dma_wait3A_354 = tpu.memref_slice %arg13[%add3A_347, %dma_wait3A_353] : memref<12x128xi32, #tpu.memory_space<vmem>> -> memref<1x128xi32, #tpu.memory_space<vmem>>
          %dma_wait3A_355 = tpu.memref_squeeze %dma_wait3A_354 : memref<1x128xi32, #tpu.memory_space<vmem>> -> memref<128xi32, #tpu.memory_space<vmem>>
          %dma_wait3A_356 = arith.constant 0 : i32
          %dma_wait3A_357 = arith.constant 0 : i32
          %dma_wait3A_358 = tpu.memref_slice %arg11[%dma_wait3A_356, %dma_wait3A_357] : memref<100352x16xf32, #tpu.memory_space<vmem_shared>> -> memref<100352x16xf32, #tpu.memory_space<vmem_shared>>
          tpu.wait_indirect_dma semaphore(%arg20 : memref<!tpu.dma_semaphore, #tpu.memory_space<semaphore_mem>>) src(%dma_wait3A_352 : memref<128x16xf32, #tpu.memory_space<vmem>>) dst(%dma_wait3A_358 : memref<100352x16xf32, #tpu.memory_space<vmem_shared>>)
          %mul3A_359 = arith.constant 4 : i32
          %mul3A_360 = arith.muli %select_n3A_172, %mul3A_359 : i32
          %add3A_361 = arith.constant 2 : i32
          %add3A_362 = arith.addi %mul3A_360, %add3A_361 : i32
          %dma_wait3A_363 = arith.constant 2 : i32
          %dma_wait3A_364 = arith.constant 0 : i32
          %dma_wait3A_365 = arith.constant 0 : i32
          %dma_wait3A_366 = tpu.memref_slice %arg14[%dma_wait3A_363, %dma_wait3A_364, %dma_wait3A_365] : memref<8x128x16xf32, #tpu.memory_space<vmem>> -> memref<1x128x16xf32, #tpu.memory_space<vmem>>
          %dma_wait3A_367 = tpu.memref_squeeze %dma_wait3A_366 : memref<1x128x16xf32, #tpu.memory_space<vmem>> -> memref<128x16xf32, #tpu.memory_space<vmem>>
          %dma_wait3A_368 = arith.constant 0 : i32
          %dma_wait3A_369 = tpu.memref_slice %arg13[%add3A_362, %dma_wait3A_368] : memref<12x128xi32, #tpu.memory_space<vmem>> -> memref<1x128xi32, #tpu.memory_space<vmem>>
          %dma_wait3A_370 = tpu.memref_squeeze %dma_wait3A_369 : memref<1x128xi32, #tpu.memory_space<vmem>> -> memref<128xi32, #tpu.memory_space<vmem>>
          %dma_wait3A_371 = arith.constant 0 : i32
          %dma_wait3A_372 = arith.constant 0 : i32
          %dma_wait3A_373 = tpu.memref_slice %arg11[%dma_wait3A_371, %dma_wait3A_372] : memref<100352x16xf32, #tpu.memory_space<vmem_shared>> -> memref<100352x16xf32, #tpu.memory_space<vmem_shared>>
          tpu.wait_indirect_dma semaphore(%arg20 : memref<!tpu.dma_semaphore, #tpu.memory_space<semaphore_mem>>) src(%dma_wait3A_367 : memref<128x16xf32, #tpu.memory_space<vmem>>) dst(%dma_wait3A_373 : memref<100352x16xf32, #tpu.memory_space<vmem_shared>>)
          %mul3A_374 = arith.constant 4 : i32
          %mul3A_375 = arith.muli %select_n3A_172, %mul3A_374 : i32
          %add3A_376 = arith.constant 3 : i32
          %add3A_377 = arith.addi %mul3A_375, %add3A_376 : i32
          %dma_wait3A_378 = arith.constant 3 : i32
          %dma_wait3A_379 = arith.constant 0 : i32
          %dma_wait3A_380 = arith.constant 0 : i32
          %dma_wait3A_381 = tpu.memref_slice %arg14[%dma_wait3A_378, %dma_wait3A_379, %dma_wait3A_380] : memref<8x128x16xf32, #tpu.memory_space<vmem>> -> memref<1x128x16xf32, #tpu.memory_space<vmem>>
          %dma_wait3A_382 = tpu.memref_squeeze %dma_wait3A_381 : memref<1x128x16xf32, #tpu.memory_space<vmem>> -> memref<128x16xf32, #tpu.memory_space<vmem>>
          %dma_wait3A_383 = arith.constant 0 : i32
          %dma_wait3A_384 = tpu.memref_slice %arg13[%add3A_377, %dma_wait3A_383] : memref<12x128xi32, #tpu.memory_space<vmem>> -> memref<1x128xi32, #tpu.memory_space<vmem>>
          %dma_wait3A_385 = tpu.memref_squeeze %dma_wait3A_384 : memref<1x128xi32, #tpu.memory_space<vmem>> -> memref<128xi32, #tpu.memory_space<vmem>>
          %dma_wait3A_386 = arith.constant 0 : i32
          %dma_wait3A_387 = arith.constant 0 : i32
          %dma_wait3A_388 = tpu.memref_slice %arg11[%dma_wait3A_386, %dma_wait3A_387] : memref<100352x16xf32, #tpu.memory_space<vmem_shared>> -> memref<100352x16xf32, #tpu.memory_space<vmem_shared>>
          tpu.wait_indirect_dma semaphore(%arg20 : memref<!tpu.dma_semaphore, #tpu.memory_space<semaphore_mem>>) src(%dma_wait3A_382 : memref<128x16xf32, #tpu.memory_space<vmem>>) dst(%dma_wait3A_388 : memref<100352x16xf32, #tpu.memory_space<vmem_shared>>)
        } else {
        }
        %mul3A_175 = arith.constant 4 : i32
        %mul3A_176 = arith.muli %select_n3A_172, %mul3A_175 : i32
        %add3A_177 = arith.constant 0 : i32
        %add3A_178 = arith.addi %mul3A_176, %add3A_177 : i32
        %mul3A_179 = arith.constant 4 : i32
        %mul3A_180 = arith.muli %select_n3A_156, %mul3A_179 : i32
        %add3A_181 = arith.constant 0 : i32
        %add3A_182 = arith.addi %mul3A_180, %add3A_181 : i32
        %dma_wait3A_183 = arith.constant 0 : i32
        %dma_wait3A_184 = arith.constant 0 : i32
        %dma_wait3A_185 = tpu.memref_slice %arg14[%add3A_182, %dma_wait3A_183, %dma_wait3A_184] : memref<8x128x16xf32, #tpu.memory_space<vmem>> -> memref<1x128x16xf32, #tpu.memory_space<vmem>>
        %dma_wait3A_186 = tpu.memref_squeeze %dma_wait3A_185 : memref<1x128x16xf32, #tpu.memory_space<vmem>> -> memref<128x16xf32, #tpu.memory_space<vmem>>
        %dma_wait3A_187 = arith.constant 0 : i32
        %dma_wait3A_188 = tpu.memref_slice %arg12[%add3A_178, %dma_wait3A_187] : memref<12x128xi32, #tpu.memory_space<vmem>> -> memref<1x128xi32, #tpu.memory_space<vmem>>
        %dma_wait3A_189 = tpu.memref_squeeze %dma_wait3A_188 : memref<1x128xi32, #tpu.memory_space<vmem>> -> memref<128xi32, #tpu.memory_space<vmem>>
        %dma_wait3A_190 = arith.constant 0 : i32
        %dma_wait3A_191 = arith.constant 0 : i32
        %dma_wait3A_192 = tpu.memref_slice %arg10[%dma_wait3A_190, %dma_wait3A_191] : memref<401408x16xf32, #tpu.memory_space<hbm>> -> memref<401408x16xf32, #tpu.memory_space<hbm>>
        tpu.wait_indirect_dma semaphore(%arg19 : memref<!tpu.dma_semaphore, #tpu.memory_space<semaphore_mem>>) src(%dma_wait3A_192 : memref<401408x16xf32, #tpu.memory_space<hbm>>) dst(%dma_wait3A_186 : memref<128x16xf32, #tpu.memory_space<vmem>>)
        %mul3A_193 = arith.constant 4 : i32
        %mul3A_194 = arith.muli %select_n3A_156, %mul3A_193 : i32
        %add3A_195 = arith.constant 0 : i32
        %add3A_196 = arith.addi %mul3A_194, %add3A_195 : i32
        %mul3A_197 = arith.constant 4 : i32
        %mul3A_198 = arith.muli %select_n3A_172, %mul3A_197 : i32
        %add3A_199 = arith.constant 0 : i32
        %add3A_200 = arith.addi %mul3A_198, %add3A_199 : i32
        %dma_start3A_201 = arith.constant 0 : i32
        %dma_start3A_202 = arith.constant 0 : i32
        %dma_start3A_203 = tpu.memref_slice %arg14[%add3A_196, %dma_start3A_201, %dma_start3A_202] : memref<8x128x16xf32, #tpu.memory_space<vmem>> -> memref<1x128x16xf32, #tpu.memory_space<vmem>>
        %dma_start3A_204 = tpu.memref_squeeze %dma_start3A_203 : memref<1x128x16xf32, #tpu.memory_space<vmem>> -> memref<128x16xf32, #tpu.memory_space<vmem>>
        %dma_start3A_205 = arith.constant 0 : i32
        %dma_start3A_206 = tpu.memref_slice %arg13[%add3A_200, %dma_start3A_205] : memref<12x128xi32, #tpu.memory_space<vmem>> -> memref<1x128xi32, #tpu.memory_space<vmem>>
        %dma_start3A_207 = tpu.memref_squeeze %dma_start3A_206 : memref<1x128xi32, #tpu.memory_space<vmem>> -> memref<128xi32, #tpu.memory_space<vmem>>
        %dma_start3A_208 = arith.constant 0 : i32
        %dma_start3A_209 = arith.constant 0 : i32
        %dma_start3A_210 = tpu.memref_slice %arg11[%dma_start3A_208, %dma_start3A_209] : memref<100352x16xf32, #tpu.memory_space<vmem_shared>> -> memref<100352x16xf32, #tpu.memory_space<vmem_shared>>
        tpu.enqueue_indirect_dma source(%dma_start3A_204 : memref<128x16xf32, #tpu.memory_space<vmem>>) target(%dma_start3A_210 : memref<100352x16xf32, #tpu.memory_space<vmem_shared>>) offsets(%dma_start3A_207 : memref<128xi32, #tpu.memory_space<vmem>>) semaphore(%arg20 : memref<!tpu.dma_semaphore, #tpu.memory_space<semaphore_mem>>) {add = true}
        %mul3A_211 = arith.constant 4 : i32
        %mul3A_212 = arith.muli %select_n3A_172, %mul3A_211 : i32
        %add3A_213 = arith.constant 1 : i32
        %add3A_214 = arith.addi %mul3A_212, %add3A_213 : i32
        %mul3A_215 = arith.constant 4 : i32
        %mul3A_216 = arith.muli %select_n3A_156, %mul3A_215 : i32
        %add3A_217 = arith.constant 1 : i32
        %add3A_218 = arith.addi %mul3A_216, %add3A_217 : i32
        %dma_wait3A_219 = arith.constant 0 : i32
        %dma_wait3A_220 = arith.constant 0 : i32
        %dma_wait3A_221 = tpu.memref_slice %arg14[%add3A_218, %dma_wait3A_219, %dma_wait3A_220] : memref<8x128x16xf32, #tpu.memory_space<vmem>> -> memref<1x128x16xf32, #tpu.memory_space<vmem>>
        %dma_wait3A_222 = tpu.memref_squeeze %dma_wait3A_221 : memref<1x128x16xf32, #tpu.memory_space<vmem>> -> memref<128x16xf32, #tpu.memory_space<vmem>>
        %dma_wait3A_223 = arith.constant 0 : i32
        %dma_wait3A_224 = tpu.memref_slice %arg12[%add3A_214, %dma_wait3A_223] : memref<12x128xi32, #tpu.memory_space<vmem>> -> memref<1x128xi32, #tpu.memory_space<vmem>>
        %dma_wait3A_225 = tpu.memref_squeeze %dma_wait3A_224 : memref<1x128xi32, #tpu.memory_space<vmem>> -> memref<128xi32, #tpu.memory_space<vmem>>
        %dma_wait3A_226 = arith.constant 0 : i32
        %dma_wait3A_227 = arith.constant 0 : i32
        %dma_wait3A_228 = tpu.memref_slice %arg10[%dma_wait3A_226, %dma_wait3A_227] : memref<401408x16xf32, #tpu.memory_space<hbm>> -> memref<401408x16xf32, #tpu.memory_space<hbm>>
        tpu.wait_indirect_dma semaphore(%arg19 : memref<!tpu.dma_semaphore, #tpu.memory_space<semaphore_mem>>) src(%dma_wait3A_228 : memref<401408x16xf32, #tpu.memory_space<hbm>>) dst(%dma_wait3A_222 : memref<128x16xf32, #tpu.memory_space<vmem>>)
        %mul3A_229 = arith.constant 4 : i32
        %mul3A_230 = arith.muli %select_n3A_156, %mul3A_229 : i32
        %add3A_231 = arith.constant 1 : i32
        %add3A_232 = arith.addi %mul3A_230, %add3A_231 : i32
        %mul3A_233 = arith.constant 4 : i32
        %mul3A_234 = arith.muli %select_n3A_172, %mul3A_233 : i32
        %add3A_235 = arith.constant 1 : i32
        %add3A_236 = arith.addi %mul3A_234, %add3A_235 : i32
        %dma_start3A_237 = arith.constant 0 : i32
        %dma_start3A_238 = arith.constant 0 : i32
        %dma_start3A_239 = tpu.memref_slice %arg14[%add3A_232, %dma_start3A_237, %dma_start3A_238] : memref<8x128x16xf32, #tpu.memory_space<vmem>> -> memref<1x128x16xf32, #tpu.memory_space<vmem>>
        %dma_start3A_240 = tpu.memref_squeeze %dma_start3A_239 : memref<1x128x16xf32, #tpu.memory_space<vmem>> -> memref<128x16xf32, #tpu.memory_space<vmem>>
        %dma_start3A_241 = arith.constant 0 : i32
        %dma_start3A_242 = tpu.memref_slice %arg13[%add3A_236, %dma_start3A_241] : memref<12x128xi32, #tpu.memory_space<vmem>> -> memref<1x128xi32, #tpu.memory_space<vmem>>
        %dma_start3A_243 = tpu.memref_squeeze %dma_start3A_242 : memref<1x128xi32, #tpu.memory_space<vmem>> -> memref<128xi32, #tpu.memory_space<vmem>>
        %dma_start3A_244 = arith.constant 0 : i32
        %dma_start3A_245 = arith.constant 0 : i32
        %dma_start3A_246 = tpu.memref_slice %arg11[%dma_start3A_244, %dma_start3A_245] : memref<100352x16xf32, #tpu.memory_space<vmem_shared>> -> memref<100352x16xf32, #tpu.memory_space<vmem_shared>>
        tpu.enqueue_indirect_dma source(%dma_start3A_240 : memref<128x16xf32, #tpu.memory_space<vmem>>) target(%dma_start3A_246 : memref<100352x16xf32, #tpu.memory_space<vmem_shared>>) offsets(%dma_start3A_243 : memref<128xi32, #tpu.memory_space<vmem>>) semaphore(%arg20 : memref<!tpu.dma_semaphore, #tpu.memory_space<semaphore_mem>>) {add = true}
        %mul3A_247 = arith.constant 4 : i32
        %mul3A_248 = arith.muli %select_n3A_172, %mul3A_247 : i32
        %add3A_249 = arith.constant 2 : i32
        %add3A_250 = arith.addi %mul3A_248, %add3A_249 : i32
        %mul3A_251 = arith.constant 4 : i32
        %mul3A_252 = arith.muli %select_n3A_156, %mul3A_251 : i32
        %add3A_253 = arith.constant 2 : i32
        %add3A_254 = arith.addi %mul3A_252, %add3A_253 : i32
        %dma_wait3A_255 = arith.constant 0 : i32
        %dma_wait3A_256 = arith.constant 0 : i32
        %dma_wait3A_257 = tpu.memref_slice %arg14[%add3A_254, %dma_wait3A_255, %dma_wait3A_256] : memref<8x128x16xf32, #tpu.memory_space<vmem>> -> memref<1x128x16xf32, #tpu.memory_space<vmem>>
        %dma_wait3A_258 = tpu.memref_squeeze %dma_wait3A_257 : memref<1x128x16xf32, #tpu.memory_space<vmem>> -> memref<128x16xf32, #tpu.memory_space<vmem>>
        %dma_wait3A_259 = arith.constant 0 : i32
        %dma_wait3A_260 = tpu.memref_slice %arg12[%add3A_250, %dma_wait3A_259] : memref<12x128xi32, #tpu.memory_space<vmem>> -> memref<1x128xi32, #tpu.memory_space<vmem>>
        %dma_wait3A_261 = tpu.memref_squeeze %dma_wait3A_260 : memref<1x128xi32, #tpu.memory_space<vmem>> -> memref<128xi32, #tpu.memory_space<vmem>>
        %dma_wait3A_262 = arith.constant 0 : i32
        %dma_wait3A_263 = arith.constant 0 : i32
        %dma_wait3A_264 = tpu.memref_slice %arg10[%dma_wait3A_262, %dma_wait3A_263] : memref<401408x16xf32, #tpu.memory_space<hbm>> -> memref<401408x16xf32, #tpu.memory_space<hbm>>
        tpu.wait_indirect_dma semaphore(%arg19 : memref<!tpu.dma_semaphore, #tpu.memory_space<semaphore_mem>>) src(%dma_wait3A_264 : memref<401408x16xf32, #tpu.memory_space<hbm>>) dst(%dma_wait3A_258 : memref<128x16xf32, #tpu.memory_space<vmem>>)
        %mul3A_265 = arith.constant 4 : i32
        %mul3A_266 = arith.muli %select_n3A_156, %mul3A_265 : i32
        %add3A_267 = arith.constant 2 : i32
        %add3A_268 = arith.addi %mul3A_266, %add3A_267 : i32
        %mul3A_269 = arith.constant 4 : i32
        %mul3A_270 = arith.muli %select_n3A_172, %mul3A_269 : i32
        %add3A_271 = arith.constant 2 : i32
        %add3A_272 = arith.addi %mul3A_270, %add3A_271 : i32
        %dma_start3A_273 = arith.constant 0 : i32
        %dma_start3A_274 = arith.constant 0 : i32
        %dma_start3A_275 = tpu.memref_slice %arg14[%add3A_268, %dma_start3A_273, %dma_start3A_274] : memref<8x128x16xf32, #tpu.memory_space<vmem>> -> memref<1x128x16xf32, #tpu.memory_space<vmem>>
        %dma_start3A_276 = tpu.memref_squeeze %dma_start3A_275 : memref<1x128x16xf32, #tpu.memory_space<vmem>> -> memref<128x16xf32, #tpu.memory_space<vmem>>
        %dma_start3A_277 = arith.constant 0 : i32
        %dma_start3A_278 = tpu.memref_slice %arg13[%add3A_272, %dma_start3A_277] : memref<12x128xi32, #tpu.memory_space<vmem>> -> memref<1x128xi32, #tpu.memory_space<vmem>>
        %dma_start3A_279 = tpu.memref_squeeze %dma_start3A_278 : memref<1x128xi32, #tpu.memory_space<vmem>> -> memref<128xi32, #tpu.memory_space<vmem>>
        %dma_start3A_280 = arith.constant 0 : i32
        %dma_start3A_281 = arith.constant 0 : i32
        %dma_start3A_282 = tpu.memref_slice %arg11[%dma_start3A_280, %dma_start3A_281] : memref<100352x16xf32, #tpu.memory_space<vmem_shared>> -> memref<100352x16xf32, #tpu.memory_space<vmem_shared>>
        tpu.enqueue_indirect_dma source(%dma_start3A_276 : memref<128x16xf32, #tpu.memory_space<vmem>>) target(%dma_start3A_282 : memref<100352x16xf32, #tpu.memory_space<vmem_shared>>) offsets(%dma_start3A_279 : memref<128xi32, #tpu.memory_space<vmem>>) semaphore(%arg20 : memref<!tpu.dma_semaphore, #tpu.memory_space<semaphore_mem>>) {add = true}
        %mul3A_283 = arith.constant 4 : i32
        %mul3A_284 = arith.muli %select_n3A_172, %mul3A_283 : i32
        %add3A_285 = arith.constant 3 : i32
        %add3A_286 = arith.addi %mul3A_284, %add3A_285 : i32
        %mul3A_287 = arith.constant 4 : i32
        %mul3A_288 = arith.muli %select_n3A_156, %mul3A_287 : i32
        %add3A_289 = arith.constant 3 : i32
        %add3A_290 = arith.addi %mul3A_288, %add3A_289 : i32
        %dma_wait3A_291 = arith.constant 0 : i32
        %dma_wait3A_292 = arith.constant 0 : i32
        %dma_wait3A_293 = tpu.memref_slice %arg14[%add3A_290, %dma_wait3A_291, %dma_wait3A_292] : memref<8x128x16xf32, #tpu.memory_space<vmem>> -> memref<1x128x16xf32, #tpu.memory_space<vmem>>
        %dma_wait3A_294 = tpu.memref_squeeze %dma_wait3A_293 : memref<1x128x16xf32, #tpu.memory_space<vmem>> -> memref<128x16xf32, #tpu.memory_space<vmem>>
        %dma_wait3A_295 = arith.constant 0 : i32
        %dma_wait3A_296 = tpu.memref_slice %arg12[%add3A_286, %dma_wait3A_295] : memref<12x128xi32, #tpu.memory_space<vmem>> -> memref<1x128xi32, #tpu.memory_space<vmem>>
        %dma_wait3A_297 = tpu.memref_squeeze %dma_wait3A_296 : memref<1x128xi32, #tpu.memory_space<vmem>> -> memref<128xi32, #tpu.memory_space<vmem>>
        %dma_wait3A_298 = arith.constant 0 : i32
        %dma_wait3A_299 = arith.constant 0 : i32
        %dma_wait3A_300 = tpu.memref_slice %arg10[%dma_wait3A_298, %dma_wait3A_299] : memref<401408x16xf32, #tpu.memory_space<hbm>> -> memref<401408x16xf32, #tpu.memory_space<hbm>>
        tpu.wait_indirect_dma semaphore(%arg19 : memref<!tpu.dma_semaphore, #tpu.memory_space<semaphore_mem>>) src(%dma_wait3A_300 : memref<401408x16xf32, #tpu.memory_space<hbm>>) dst(%dma_wait3A_294 : memref<128x16xf32, #tpu.memory_space<vmem>>)
        %mul3A_301 = arith.constant 4 : i32
        %mul3A_302 = arith.muli %select_n3A_156, %mul3A_301 : i32
        %add3A_303 = arith.constant 3 : i32
        %add3A_304 = arith.addi %mul3A_302, %add3A_303 : i32
        %mul3A_305 = arith.constant 4 : i32
        %mul3A_306 = arith.muli %select_n3A_172, %mul3A_305 : i32
        %add3A_307 = arith.constant 3 : i32
        %add3A_308 = arith.addi %mul3A_306, %add3A_307 : i32
        %dma_start3A_309 = arith.constant 0 : i32
        %dma_start3A_310 = arith.constant 0 : i32
        %dma_start3A_311 = tpu.memref_slice %arg14[%add3A_304, %dma_start3A_309, %dma_start3A_310] : memref<8x128x16xf32, #tpu.memory_space<vmem>> -> memref<1x128x16xf32, #tpu.memory_space<vmem>>
        %dma_start3A_312 = tpu.memref_squeeze %dma_start3A_311 : memref<1x128x16xf32, #tpu.memory_space<vmem>> -> memref<128x16xf32, #tpu.memory_space<vmem>>
        %dma_start3A_313 = arith.constant 0 : i32
        %dma_start3A_314 = tpu.memref_slice %arg13[%add3A_308, %dma_start3A_313] : memref<12x128xi32, #tpu.memory_space<vmem>> -> memref<1x128xi32, #tpu.memory_space<vmem>>
        %dma_start3A_315 = tpu.memref_squeeze %dma_start3A_314 : memref<1x128xi32, #tpu.memory_space<vmem>> -> memref<128xi32, #tpu.memory_space<vmem>>
        %dma_start3A_316 = arith.constant 0 : i32
        %dma_start3A_317 = arith.constant 0 : i32
        %dma_start3A_318 = tpu.memref_slice %arg11[%dma_start3A_316, %dma_start3A_317] : memref<100352x16xf32, #tpu.memory_space<vmem_shared>> -> memref<100352x16xf32, #tpu.memory_space<vmem_shared>>
        tpu.enqueue_indirect_dma source(%dma_start3A_312 : memref<128x16xf32, #tpu.memory_space<vmem>>) target(%dma_start3A_318 : memref<100352x16xf32, #tpu.memory_space<vmem_shared>>) offsets(%dma_start3A_315 : memref<128xi32, #tpu.memory_space<vmem>>) semaphore(%arg20 : memref<!tpu.dma_semaphore, #tpu.memory_space<semaphore_mem>>) {add = true}
        %lt3A_319 = arith.constant 195 : i32
        %lt3A_320 = arith.cmpi slt, %scan3A_147, %lt3A_319 : i32
        %convert_element_type3A_321 = arith.extui %lt3A_320 : i1 to i32
        %cond3A_322 = arith.constant 0 : i32
        %cond3A_323 = arith.cmpi ne, %convert_element_type3A_321, %cond3A_322 : i32
        scf.if %cond3A_323 {
          %add3A_329 = arith.constant 1 : i32
          %add3A_330 = arith.addi %scan3A_147, %add3A_329 : i32
          %jit3A_331 = arith.constant 3 : i32
          %eq3A_332 = arith.constant 0 : i32
          %eq3A_333 = arith.cmpi eq, %jit3A_331, %eq3A_332 : i32
          %jit3A_334 = arith.constant 1 : i32
          %select_n3A_335 = arith.select %eq3A_333, %jit3A_334, %jit3A_331 : i32
          %rem3A_336 = arith.remsi %add3A_330, %select_n3A_335 : i32
          %ne3A_337 = arith.constant 0 : i32
          %ne3A_338 = arith.cmpi ne, %rem3A_336, %ne3A_337 : i32
          %lt3A_339 = arith.constant 0 : i32
          %lt3A_340 = arith.cmpi slt, %rem3A_336, %lt3A_339 : i32
          %lt3A_341 = arith.constant 0 : i32
          %lt3A_342 = arith.cmpi slt, %select_n3A_335, %lt3A_341 : i32
          %ne3A_343 = arith.xori %lt3A_340, %lt3A_342 : i1
          %and3A_344 = arith.andi %ne3A_343, %ne3A_338 : i1
          %add3A_345 = arith.addi %rem3A_336, %select_n3A_335 : i32
          %select_n3A_346 = arith.select %and3A_344, %add3A_345, %rem3A_336 : i32
          %sub3A = arith.constant 1 : i32
          %sub3A_347 = arith.subi %sub3A, %select_n3A_156 : i32
          %mul3A_348 = arith.constant 4 : i32
          %mul3A_349 = arith.muli %select_n3A_346, %mul3A_348 : i32
          %add3A_350 = arith.constant 0 : i32
          %add3A_351 = arith.addi %mul3A_349, %add3A_350 : i32
          %mul3A_352 = arith.constant 4 : i32
          %mul3A_353 = arith.muli %sub3A_347, %mul3A_352 : i32
          %add3A_354 = arith.constant 0 : i32
          %add3A_355 = arith.addi %mul3A_353, %add3A_354 : i32
          %dma_start3A_356 = arith.constant 0 : i32
          %dma_start3A_357 = arith.constant 0 : i32
          %dma_start3A_358 = tpu.memref_slice %arg14[%add3A_355, %dma_start3A_356, %dma_start3A_357] : memref<8x128x16xf32, #tpu.memory_space<vmem>> -> memref<1x128x16xf32, #tpu.memory_space<vmem>>
          %dma_start3A_359 = tpu.memref_squeeze %dma_start3A_358 : memref<1x128x16xf32, #tpu.memory_space<vmem>> -> memref<128x16xf32, #tpu.memory_space<vmem>>
          %dma_start3A_360 = arith.constant 0 : i32
          %dma_start3A_361 = tpu.memref_slice %arg12[%add3A_351, %dma_start3A_360] : memref<12x128xi32, #tpu.memory_space<vmem>> -> memref<1x128xi32, #tpu.memory_space<vmem>>
          %dma_start3A_362 = tpu.memref_squeeze %dma_start3A_361 : memref<1x128xi32, #tpu.memory_space<vmem>> -> memref<128xi32, #tpu.memory_space<vmem>>
          %dma_start3A_363 = arith.constant 0 : i32
          %dma_start3A_364 = arith.constant 0 : i32
          %dma_start3A_365 = tpu.memref_slice %arg10[%dma_start3A_363, %dma_start3A_364] : memref<401408x16xf32, #tpu.memory_space<hbm>> -> memref<401408x16xf32, #tpu.memory_space<hbm>>
          tpu.enqueue_indirect_dma source(%dma_start3A_365 : memref<401408x16xf32, #tpu.memory_space<hbm>>) target(%dma_start3A_359 : memref<128x16xf32, #tpu.memory_space<vmem>>) offsets(%dma_start3A_362 : memref<128xi32, #tpu.memory_space<vmem>>) semaphore(%arg19 : memref<!tpu.dma_semaphore, #tpu.memory_space<semaphore_mem>>)
          %mul3A_366 = arith.constant 4 : i32
          %mul3A_367 = arith.muli %select_n3A_346, %mul3A_366 : i32
          %add3A_368 = arith.constant 1 : i32
          %add3A_369 = arith.addi %mul3A_367, %add3A_368 : i32
          %mul3A_370 = arith.constant 4 : i32
          %mul3A_371 = arith.muli %sub3A_347, %mul3A_370 : i32
          %add3A_372 = arith.constant 1 : i32
          %add3A_373 = arith.addi %mul3A_371, %add3A_372 : i32
          %dma_start3A_374 = arith.constant 0 : i32
          %dma_start3A_375 = arith.constant 0 : i32
          %dma_start3A_376 = tpu.memref_slice %arg14[%add3A_373, %dma_start3A_374, %dma_start3A_375] : memref<8x128x16xf32, #tpu.memory_space<vmem>> -> memref<1x128x16xf32, #tpu.memory_space<vmem>>
          %dma_start3A_377 = tpu.memref_squeeze %dma_start3A_376 : memref<1x128x16xf32, #tpu.memory_space<vmem>> -> memref<128x16xf32, #tpu.memory_space<vmem>>
          %dma_start3A_378 = arith.constant 0 : i32
          %dma_start3A_379 = tpu.memref_slice %arg12[%add3A_369, %dma_start3A_378] : memref<12x128xi32, #tpu.memory_space<vmem>> -> memref<1x128xi32, #tpu.memory_space<vmem>>
          %dma_start3A_380 = tpu.memref_squeeze %dma_start3A_379 : memref<1x128xi32, #tpu.memory_space<vmem>> -> memref<128xi32, #tpu.memory_space<vmem>>
          %dma_start3A_381 = arith.constant 0 : i32
          %dma_start3A_382 = arith.constant 0 : i32
          %dma_start3A_383 = tpu.memref_slice %arg10[%dma_start3A_381, %dma_start3A_382] : memref<401408x16xf32, #tpu.memory_space<hbm>> -> memref<401408x16xf32, #tpu.memory_space<hbm>>
          tpu.enqueue_indirect_dma source(%dma_start3A_383 : memref<401408x16xf32, #tpu.memory_space<hbm>>) target(%dma_start3A_377 : memref<128x16xf32, #tpu.memory_space<vmem>>) offsets(%dma_start3A_380 : memref<128xi32, #tpu.memory_space<vmem>>) semaphore(%arg19 : memref<!tpu.dma_semaphore, #tpu.memory_space<semaphore_mem>>)
          %mul3A_384 = arith.constant 4 : i32
          %mul3A_385 = arith.muli %select_n3A_346, %mul3A_384 : i32
          %add3A_386 = arith.constant 2 : i32
          %add3A_387 = arith.addi %mul3A_385, %add3A_386 : i32
          %mul3A_388 = arith.constant 4 : i32
          %mul3A_389 = arith.muli %sub3A_347, %mul3A_388 : i32
          %add3A_390 = arith.constant 2 : i32
          %add3A_391 = arith.addi %mul3A_389, %add3A_390 : i32
          %dma_start3A_392 = arith.constant 0 : i32
          %dma_start3A_393 = arith.constant 0 : i32
          %dma_start3A_394 = tpu.memref_slice %arg14[%add3A_391, %dma_start3A_392, %dma_start3A_393] : memref<8x128x16xf32, #tpu.memory_space<vmem>> -> memref<1x128x16xf32, #tpu.memory_space<vmem>>
          %dma_start3A_395 = tpu.memref_squeeze %dma_start3A_394 : memref<1x128x16xf32, #tpu.memory_space<vmem>> -> memref<128x16xf32, #tpu.memory_space<vmem>>
          %dma_start3A_396 = arith.constant 0 : i32
          %dma_start3A_397 = tpu.memref_slice %arg12[%add3A_387, %dma_start3A_396] : memref<12x128xi32, #tpu.memory_space<vmem>> -> memref<1x128xi32, #tpu.memory_space<vmem>>
          %dma_start3A_398 = tpu.memref_squeeze %dma_start3A_397 : memref<1x128xi32, #tpu.memory_space<vmem>> -> memref<128xi32, #tpu.memory_space<vmem>>
          %dma_start3A_399 = arith.constant 0 : i32
          %dma_start3A_400 = arith.constant 0 : i32
          %dma_start3A_401 = tpu.memref_slice %arg10[%dma_start3A_399, %dma_start3A_400] : memref<401408x16xf32, #tpu.memory_space<hbm>> -> memref<401408x16xf32, #tpu.memory_space<hbm>>
          tpu.enqueue_indirect_dma source(%dma_start3A_401 : memref<401408x16xf32, #tpu.memory_space<hbm>>) target(%dma_start3A_395 : memref<128x16xf32, #tpu.memory_space<vmem>>) offsets(%dma_start3A_398 : memref<128xi32, #tpu.memory_space<vmem>>) semaphore(%arg19 : memref<!tpu.dma_semaphore, #tpu.memory_space<semaphore_mem>>)
          %mul3A_402 = arith.constant 4 : i32
          %mul3A_403 = arith.muli %select_n3A_346, %mul3A_402 : i32
          %add3A_404 = arith.constant 3 : i32
          %add3A_405 = arith.addi %mul3A_403, %add3A_404 : i32
          %mul3A_406 = arith.constant 4 : i32
          %mul3A_407 = arith.muli %sub3A_347, %mul3A_406 : i32
          %add3A_408 = arith.constant 3 : i32
          %add3A_409 = arith.addi %mul3A_407, %add3A_408 : i32
          %dma_start3A_410 = arith.constant 0 : i32
          %dma_start3A_411 = arith.constant 0 : i32
          %dma_start3A_412 = tpu.memref_slice %arg14[%add3A_409, %dma_start3A_410, %dma_start3A_411] : memref<8x128x16xf32, #tpu.memory_space<vmem>> -> memref<1x128x16xf32, #tpu.memory_space<vmem>>
          %dma_start3A_413 = tpu.memref_squeeze %dma_start3A_412 : memref<1x128x16xf32, #tpu.memory_space<vmem>> -> memref<128x16xf32, #tpu.memory_space<vmem>>
          %dma_start3A_414 = arith.constant 0 : i32
          %dma_start3A_415 = tpu.memref_slice %arg12[%add3A_405, %dma_start3A_414] : memref<12x128xi32, #tpu.memory_space<vmem>> -> memref<1x128xi32, #tpu.memory_space<vmem>>
          %dma_start3A_416 = tpu.memref_squeeze %dma_start3A_415 : memref<1x128xi32, #tpu.memory_space<vmem>> -> memref<128xi32, #tpu.memory_space<vmem>>
          %dma_start3A_417 = arith.constant 0 : i32
          %dma_start3A_418 = arith.constant 0 : i32
          %dma_start3A_419 = tpu.memref_slice %arg10[%dma_start3A_417, %dma_start3A_418] : memref<401408x16xf32, #tpu.memory_space<hbm>> -> memref<401408x16xf32, #tpu.memory_space<hbm>>
          tpu.enqueue_indirect_dma source(%dma_start3A_419 : memref<401408x16xf32, #tpu.memory_space<hbm>>) target(%dma_start3A_413 : memref<128x16xf32, #tpu.memory_space<vmem>>) offsets(%dma_start3A_416 : memref<128xi32, #tpu.memory_space<vmem>>) semaphore(%arg19 : memref<!tpu.dma_semaphore, #tpu.memory_space<semaphore_mem>>)
        } else {
        }
        %lt3A_324 = arith.constant 194 : i32
        %lt3A_325 = arith.cmpi slt, %scan3A_147, %lt3A_324 : i32
        %convert_element_type3A_326 = arith.extui %lt3A_325 : i1 to i32
        %cond3A_327 = arith.constant 0 : i32
        %cond3A_328 = arith.cmpi ne, %convert_element_type3A_326, %cond3A_327 : i32
        scf.if %cond3A_328 {
          %add3A_329 = arith.constant 2 : i32
          %add3A_330 = arith.addi %scan3A_147, %add3A_329 : i32
          %add3A_331 = arith.constant 2 : i32
          %add3A_332 = arith.addi %scan3A_147, %add3A_331 : i32
          %jit3A_333 = arith.constant 3 : i32
          %eq3A_334 = arith.constant 0 : i32
          %eq3A_335 = arith.cmpi eq, %jit3A_333, %eq3A_334 : i32
          %jit3A_336 = arith.constant 1 : i32
          %select_n3A_337 = arith.select %eq3A_335, %jit3A_336, %jit3A_333 : i32
          %rem3A_338 = arith.remsi %add3A_332, %select_n3A_337 : i32
          %ne3A_339 = arith.constant 0 : i32
          %ne3A_340 = arith.cmpi ne, %rem3A_338, %ne3A_339 : i32
          %lt3A_341 = arith.constant 0 : i32
          %lt3A_342 = arith.cmpi slt, %rem3A_338, %lt3A_341 : i32
          %lt3A_343 = arith.constant 0 : i32
          %lt3A_344 = arith.cmpi slt, %select_n3A_337, %lt3A_343 : i32
          %ne3A_345 = arith.xori %lt3A_342, %lt3A_344 : i1
          %and3A_346 = arith.andi %ne3A_345, %ne3A_340 : i1
          %add3A_347 = arith.addi %rem3A_338, %select_n3A_337 : i32
          %select_n3A_348 = arith.select %and3A_346, %add3A_347, %rem3A_338 : i32
          %mul3A_349 = arith.constant 784 : i32
          %mul3A_350 = arith.muli %arg1, %mul3A_349 : i32
          %mul3A_351 = arith.constant 4 : i32
          %mul3A_352 = arith.muli %add3A_330, %mul3A_351 : i32
          %add3A_353 = arith.addi %mul3A_350, %mul3A_352 : i32
          %mul3A_354 = arith.constant 4 : i32
          %mul3A_355 = arith.muli %select_n3A_348, %mul3A_354 : i32
          "tpu.region"() ({
            %run_scoped3A = tpu.sem_alloc : memref<!tpu.dma_semaphore, #tpu.memory_space<semaphore_mem>>
            %dma_start3A_361 = arith.constant 0 : i32
            %dma_start3A_362 = tpu.memref_slice %arg13[%mul3A_355, %dma_start3A_361] : memref<12x128xi32, #tpu.memory_space<vmem>> -> memref<4x128xi32, #tpu.memory_space<vmem>>
            %dma_start3A_363 = arith.constant 0 : i32
            %dma_start3A_364 = tpu.memref_slice %arg3[%add3A_353, %dma_start3A_363] : memref<12544x128xi32, #tpu.memory_space<hbm>> -> memref<4x128xi32, #tpu.memory_space<hbm>>
            %dma_start3A_365 = arith.constant 0 : i32
            %dma_start3A_366 = tpu.memref_slice %arg13[%mul3A_355, %dma_start3A_365] : memref<12x128xi32, #tpu.memory_space<vmem>> -> memref<4x128xi32, #tpu.memory_space<vmem>>
            %dma_start3A_367 = arith.constant 0 : i32
            %dma_start3A_368 = tpu.memref_slice %arg3[%add3A_353, %dma_start3A_367] : memref<12544x128xi32, #tpu.memory_space<hbm>> -> memref<4x128xi32, #tpu.memory_space<hbm>>
            tpu.enqueue_dma source(%dma_start3A_368 : memref<4x128xi32, #tpu.memory_space<hbm>>) target(%dma_start3A_366 : memref<4x128xi32, #tpu.memory_space<vmem>>) target_semaphore(%run_scoped3A : memref<!tpu.dma_semaphore, #tpu.memory_space<semaphore_mem>>)
            %dma_wait3A_369 = arith.constant 0 : i32
            %dma_wait3A_370 = tpu.memref_slice %arg13[%mul3A_355, %dma_wait3A_369] : memref<12x128xi32, #tpu.memory_space<vmem>> -> memref<4x128xi32, #tpu.memory_space<vmem>>
            %dma_wait3A_371 = arith.constant 0 : i32
            %dma_wait3A_372 = tpu.memref_slice %arg3[%add3A_353, %dma_wait3A_371] : memref<12544x128xi32, #tpu.memory_space<hbm>> -> memref<4x128xi32, #tpu.memory_space<hbm>>
            %dma_wait3A_373 = arith.constant 0 : i32
            %dma_wait3A_374 = tpu.memref_slice %arg13[%mul3A_355, %dma_wait3A_373] : memref<12x128xi32, #tpu.memory_space<vmem>> -> memref<4x128xi32, #tpu.memory_space<vmem>>
            %dma_wait3A_375 = arith.constant 0 : i32
            %dma_wait3A_376 = tpu.memref_slice %arg3[%add3A_353, %dma_wait3A_375] : memref<12544x128xi32, #tpu.memory_space<hbm>> -> memref<4x128xi32, #tpu.memory_space<hbm>>
            tpu.wait_dma2 semaphore(%run_scoped3A : memref<!tpu.dma_semaphore, #tpu.memory_space<semaphore_mem>>) src(%dma_wait3A_376 : memref<4x128xi32, #tpu.memory_space<hbm>>) dst(%dma_wait3A_374 : memref<4x128xi32, #tpu.memory_space<vmem>>)
            tpu.yield
          }) : () -> ()
          %mul3A_356 = arith.constant 12544 : i32
          %mul3A_357 = arith.muli %add3A, %mul3A_356 : i32
          %add3A_358 = arith.addi %mul3A_357, %add3A_353 : i32
          %mul3A_359 = arith.constant 4 : i32
          %mul3A_360 = arith.muli %select_n3A_348, %mul3A_359 : i32
          "tpu.region"() ({
            %run_scoped3A = tpu.sem_alloc : memref<!tpu.dma_semaphore, #tpu.memory_space<semaphore_mem>>
            %dma_start3A_361 = arith.constant 0 : i32
            %dma_start3A_362 = tpu.memref_slice %arg12[%mul3A_360, %dma_start3A_361] : memref<12x128xi32, #tpu.memory_space<vmem>> -> memref<4x128xi32, #tpu.memory_space<vmem>>
            %dma_start3A_363 = arith.constant 0 : i32
            %dma_start3A_364 = tpu.memref_slice %arg2[%add3A_358, %dma_start3A_363] : memref<50176x128xi32, #tpu.memory_space<hbm>> -> memref<4x128xi32, #tpu.memory_space<hbm>>
            %dma_start3A_365 = arith.constant 0 : i32
            %dma_start3A_366 = tpu.memref_slice %arg12[%mul3A_360, %dma_start3A_365] : memref<12x128xi32, #tpu.memory_space<vmem>> -> memref<4x128xi32, #tpu.memory_space<vmem>>
            %dma_start3A_367 = arith.constant 0 : i32
            %dma_start3A_368 = tpu.memref_slice %arg2[%add3A_358, %dma_start3A_367] : memref<50176x128xi32, #tpu.memory_space<hbm>> -> memref<4x128xi32, #tpu.memory_space<hbm>>
            tpu.enqueue_dma source(%dma_start3A_368 : memref<4x128xi32, #tpu.memory_space<hbm>>) target(%dma_start3A_366 : memref<4x128xi32, #tpu.memory_space<vmem>>) target_semaphore(%run_scoped3A : memref<!tpu.dma_semaphore, #tpu.memory_space<semaphore_mem>>)
            %dma_wait3A_369 = arith.constant 0 : i32
            %dma_wait3A_370 = tpu.memref_slice %arg12[%mul3A_360, %dma_wait3A_369] : memref<12x128xi32, #tpu.memory_space<vmem>> -> memref<4x128xi32, #tpu.memory_space<vmem>>
            %dma_wait3A_371 = arith.constant 0 : i32
            %dma_wait3A_372 = tpu.memref_slice %arg2[%add3A_358, %dma_wait3A_371] : memref<50176x128xi32, #tpu.memory_space<hbm>> -> memref<4x128xi32, #tpu.memory_space<hbm>>
            %dma_wait3A_373 = arith.constant 0 : i32
            %dma_wait3A_374 = tpu.memref_slice %arg12[%mul3A_360, %dma_wait3A_373] : memref<12x128xi32, #tpu.memory_space<vmem>> -> memref<4x128xi32, #tpu.memory_space<vmem>>
            %dma_wait3A_375 = arith.constant 0 : i32
            %dma_wait3A_376 = tpu.memref_slice %arg2[%add3A_358, %dma_wait3A_375] : memref<50176x128xi32, #tpu.memory_space<hbm>> -> memref<4x128xi32, #tpu.memory_space<hbm>>
            tpu.wait_dma2 semaphore(%run_scoped3A : memref<!tpu.dma_semaphore, #tpu.memory_space<semaphore_mem>>) src(%dma_wait3A_376 : memref<4x128xi32, #tpu.memory_space<hbm>>) dst(%dma_wait3A_374 : memref<4x128xi32, #tpu.memory_space<vmem>>)
            tpu.yield
          }) : () -> ()
        } else {
        }
      }
      %scan3A_91 = arith.constant 196 : i32
      %dma_wait3A = arith.constant 0 : i32
      %dma_wait3A_92 = arith.constant 0 : i32
      %dma_wait3A_93 = arith.constant 0 : i32
      %dma_wait3A_94 = arith.constant 0 : i32
      %dma_wait3A_95 = tpu.memref_slice %arg14[%dma_wait3A, %dma_wait3A_93, %dma_wait3A_94] : memref<8x128x16xf32, #tpu.memory_space<vmem>> -> memref<1x128x16xf32, #tpu.memory_space<vmem>>
      %dma_wait3A_96 = tpu.memref_squeeze %dma_wait3A_95 : memref<1x128x16xf32, #tpu.memory_space<vmem>> -> memref<128x16xf32, #tpu.memory_space<vmem>>
      %dma_wait3A_97 = arith.constant 0 : i32
      %dma_wait3A_98 = tpu.memref_slice %arg13[%dma_wait3A_92, %dma_wait3A_97] : memref<12x128xi32, #tpu.memory_space<vmem>> -> memref<1x128xi32, #tpu.memory_space<vmem>>
      %dma_wait3A_99 = tpu.memref_squeeze %dma_wait3A_98 : memref<1x128xi32, #tpu.memory_space<vmem>> -> memref<128xi32, #tpu.memory_space<vmem>>
      %dma_wait3A_100 = arith.constant 0 : i32
      %dma_wait3A_101 = arith.constant 0 : i32
      %dma_wait3A_102 = tpu.memref_slice %arg11[%dma_wait3A_100, %dma_wait3A_101] : memref<100352x16xf32, #tpu.memory_space<vmem_shared>> -> memref<100352x16xf32, #tpu.memory_space<vmem_shared>>
      tpu.wait_indirect_dma semaphore(%arg20 : memref<!tpu.dma_semaphore, #tpu.memory_space<semaphore_mem>>) src(%dma_wait3A_96 : memref<128x16xf32, #tpu.memory_space<vmem>>) dst(%dma_wait3A_102 : memref<100352x16xf32, #tpu.memory_space<vmem_shared>>)
      %dma_wait3A_103 = arith.constant 1 : i32
      %dma_wait3A_104 = arith.constant 1 : i32
      %dma_wait3A_105 = arith.constant 0 : i32
      %dma_wait3A_106 = arith.constant 0 : i32
      %dma_wait3A_107 = tpu.memref_slice %arg14[%dma_wait3A_103, %dma_wait3A_105, %dma_wait3A_106] : memref<8x128x16xf32, #tpu.memory_space<vmem>> -> memref<1x128x16xf32, #tpu.memory_space<vmem>>
      %dma_wait3A_108 = tpu.memref_squeeze %dma_wait3A_107 : memref<1x128x16xf32, #tpu.memory_space<vmem>> -> memref<128x16xf32, #tpu.memory_space<vmem>>
      %dma_wait3A_109 = arith.constant 0 : i32
      %dma_wait3A_110 = tpu.memref_slice %arg13[%dma_wait3A_104, %dma_wait3A_109] : memref<12x128xi32, #tpu.memory_space<vmem>> -> memref<1x128xi32, #tpu.memory_space<vmem>>
      %dma_wait3A_111 = tpu.memref_squeeze %dma_wait3A_110 : memref<1x128xi32, #tpu.memory_space<vmem>> -> memref<128xi32, #tpu.memory_space<vmem>>
      %dma_wait3A_112 = arith.constant 0 : i32
      %dma_wait3A_113 = arith.constant 0 : i32
      %dma_wait3A_114 = tpu.memref_slice %arg11[%dma_wait3A_112, %dma_wait3A_113] : memref<100352x16xf32, #tpu.memory_space<vmem_shared>> -> memref<100352x16xf32, #tpu.memory_space<vmem_shared>>
      tpu.wait_indirect_dma semaphore(%arg20 : memref<!tpu.dma_semaphore, #tpu.memory_space<semaphore_mem>>) src(%dma_wait3A_108 : memref<128x16xf32, #tpu.memory_space<vmem>>) dst(%dma_wait3A_114 : memref<100352x16xf32, #tpu.memory_space<vmem_shared>>)
      %dma_wait3A_115 = arith.constant 2 : i32
      %dma_wait3A_116 = arith.constant 2 : i32
      %dma_wait3A_117 = arith.constant 0 : i32
      %dma_wait3A_118 = arith.constant 0 : i32
      %dma_wait3A_119 = tpu.memref_slice %arg14[%dma_wait3A_115, %dma_wait3A_117, %dma_wait3A_118] : memref<8x128x16xf32, #tpu.memory_space<vmem>> -> memref<1x128x16xf32, #tpu.memory_space<vmem>>
      %dma_wait3A_120 = tpu.memref_squeeze %dma_wait3A_119 : memref<1x128x16xf32, #tpu.memory_space<vmem>> -> memref<128x16xf32, #tpu.memory_space<vmem>>
      %dma_wait3A_121 = arith.constant 0 : i32
      %dma_wait3A_122 = tpu.memref_slice %arg13[%dma_wait3A_116, %dma_wait3A_121] : memref<12x128xi32, #tpu.memory_space<vmem>> -> memref<1x128xi32, #tpu.memory_space<vmem>>
      %dma_wait3A_123 = tpu.memref_squeeze %dma_wait3A_122 : memref<1x128xi32, #tpu.memory_space<vmem>> -> memref<128xi32, #tpu.memory_space<vmem>>
      %dma_wait3A_124 = arith.constant 0 : i32
      %dma_wait3A_125 = arith.constant 0 : i32
      %dma_wait3A_126 = tpu.memref_slice %arg11[%dma_wait3A_124, %dma_wait3A_125] : memref<100352x16xf32, #tpu.memory_space<vmem_shared>> -> memref<100352x16xf32, #tpu.memory_space<vmem_shared>>
      tpu.wait_indirect_dma semaphore(%arg20 : memref<!tpu.dma_semaphore, #tpu.memory_space<semaphore_mem>>) src(%dma_wait3A_120 : memref<128x16xf32, #tpu.memory_space<vmem>>) dst(%dma_wait3A_126 : memref<100352x16xf32, #tpu.memory_space<vmem_shared>>)
      %dma_wait3A_127 = arith.constant 3 : i32
      %dma_wait3A_128 = arith.constant 3 : i32
      %dma_wait3A_129 = arith.constant 0 : i32
      %dma_wait3A_130 = arith.constant 0 : i32
      %dma_wait3A_131 = tpu.memref_slice %arg14[%dma_wait3A_127, %dma_wait3A_129, %dma_wait3A_130] : memref<8x128x16xf32, #tpu.memory_space<vmem>> -> memref<1x128x16xf32, #tpu.memory_space<vmem>>
      %dma_wait3A_132 = tpu.memref_squeeze %dma_wait3A_131 : memref<1x128x16xf32, #tpu.memory_space<vmem>> -> memref<128x16xf32, #tpu.memory_space<vmem>>
      %dma_wait3A_133 = arith.constant 0 : i32
      %dma_wait3A_134 = tpu.memref_slice %arg13[%dma_wait3A_128, %dma_wait3A_133] : memref<12x128xi32, #tpu.memory_space<vmem>> -> memref<1x128xi32, #tpu.memory_space<vmem>>
      %dma_wait3A_135 = tpu.memref_squeeze %dma_wait3A_134 : memref<1x128xi32, #tpu.memory_space<vmem>> -> memref<128xi32, #tpu.memory_space<vmem>>
      %dma_wait3A_136 = arith.constant 0 : i32
      %dma_wait3A_137 = arith.constant 0 : i32
      %dma_wait3A_138 = tpu.memref_slice %arg11[%dma_wait3A_136, %dma_wait3A_137] : memref<100352x16xf32, #tpu.memory_space<vmem_shared>> -> memref<100352x16xf32, #tpu.memory_space<vmem_shared>>
      tpu.wait_indirect_dma semaphore(%arg20 : memref<!tpu.dma_semaphore, #tpu.memory_space<semaphore_mem>>) src(%dma_wait3A_132 : memref<128x16xf32, #tpu.memory_space<vmem>>) dst(%dma_wait3A_138 : memref<100352x16xf32, #tpu.memory_space<vmem_shared>>)
      %barrier3A_139 = arith.constant 0 : index
      tpu.barrier barrier_id(%barrier3A_139)
      %scan3A_140 = arith.constant 0 : i32
      %scan3A_141 = arith.constant 0 : i32
      %scan3A_142 = arith.constant 28 : i32
      %scan3A_143 = arith.addi %scan3A_141, %scan3A_142 : i32
      %scan3A_144 = arith.constant 1 : i32
      scf.for %scan3A_147 = %scan3A_141 to %scan3A_143 step %scan3A_144  : i32 {
        %mul3A_148 = arith.constant 6272 : i32
        %mul3A_149 = arith.muli %arg1, %mul3A_148 : i32
        %mul3A_150 = arith.constant 224 : i32
        %mul3A_151 = arith.muli %scan3A_147, %mul3A_150 : i32
        %add3A_152 = arith.addi %mul3A_149, %mul3A_151 : i32
        %mul3A_153 = arith.constant 100352 : i32
        %mul3A_154 = arith.muli %add3A, %mul3A_153 : i32
        %add3A_155 = arith.addi %mul3A_154, %add3A_152 : i32
        %dma_start3A_156 = arith.constant 0 : i32
        %dma_start3A_157 = tpu.memref_slice %arg10[%add3A_155, %dma_start3A_156] : memref<401408x16xf32, #tpu.memory_space<hbm>> -> memref<224x16xf32, #tpu.memory_space<hbm>>
        %dma_start3A_158 = arith.constant 0 : i32
        %dma_start3A_159 = tpu.memref_slice %arg10[%add3A_155, %dma_start3A_158] : memref<401408x16xf32, #tpu.memory_space<hbm>> -> memref<224x16xf32, #tpu.memory_space<hbm>>
        tpu.enqueue_dma source(%dma_start3A_159 : memref<224x16xf32, #tpu.memory_space<hbm>>) target(%arg16 : memref<224x16xf32, #tpu.memory_space<vmem>>) target_semaphore(%arg19 : memref<!tpu.dma_semaphore, #tpu.memory_space<semaphore_mem>>)
        %dma_start3A_160 = tpu.memref_slice %arg5[%add3A_152] : memref<100352xf32, #tpu.memory_space<hbm>> -> memref<224xf32, #tpu.memory_space<hbm>>
        %dma_start3A_161 = tpu.memref_slice %arg5[%add3A_152] : memref<100352xf32, #tpu.memory_space<hbm>> -> memref<224xf32, #tpu.memory_space<hbm>>
        tpu.enqueue_dma source(%dma_start3A_161 : memref<224xf32, #tpu.memory_space<hbm>>) target(%arg17 : memref<224xf32, #tpu.memory_space<vmem>>) target_semaphore(%arg19 : memref<!tpu.dma_semaphore, #tpu.memory_space<semaphore_mem>>)
        "tpu.region"() ({
          %run_scoped3A = tpu.sem_alloc : memref<!tpu.dma_semaphore, #tpu.memory_space<semaphore_mem>>
          %dma_start3A_177 = arith.constant 0 : i32
          %dma_start3A_178 = tpu.memref_slice %arg11[%add3A_152, %dma_start3A_177] : memref<100352x16xf32, #tpu.memory_space<vmem_shared>> -> memref<224x16xf32, #tpu.memory_space<vmem_shared>>
          %dma_start3A_179 = arith.constant 0 : i32
          %dma_start3A_180 = tpu.memref_slice %arg11[%add3A_152, %dma_start3A_179] : memref<100352x16xf32, #tpu.memory_space<vmem_shared>> -> memref<224x16xf32, #tpu.memory_space<vmem_shared>>
          tpu.enqueue_dma source(%dma_start3A_180 : memref<224x16xf32, #tpu.memory_space<vmem_shared>>) target(%arg15 : memref<224x16xf32, #tpu.memory_space<vmem>>) target_semaphore(%run_scoped3A : memref<!tpu.dma_semaphore, #tpu.memory_space<semaphore_mem>>)
          %dma_wait3A_181 = arith.constant 0 : i32
          %dma_wait3A_182 = tpu.memref_slice %arg11[%add3A_152, %dma_wait3A_181] : memref<100352x16xf32, #tpu.memory_space<vmem_shared>> -> memref<224x16xf32, #tpu.memory_space<vmem_shared>>
          %dma_wait3A_183 = arith.constant 0 : i32
          %dma_wait3A_184 = tpu.memref_slice %arg11[%add3A_152, %dma_wait3A_183] : memref<100352x16xf32, #tpu.memory_space<vmem_shared>> -> memref<224x16xf32, #tpu.memory_space<vmem_shared>>
          tpu.wait_dma2 semaphore(%run_scoped3A : memref<!tpu.dma_semaphore, #tpu.memory_space<semaphore_mem>>) src(%dma_wait3A_184 : memref<224x16xf32, #tpu.memory_space<vmem_shared>>) dst(%arg15 : memref<224x16xf32, #tpu.memory_space<vmem>>)
          tpu.yield
        }) : () -> ()
        %dma_wait3A_162 = arith.constant 0 : i32
        %dma_wait3A_163 = tpu.memref_slice %arg10[%add3A_155, %dma_wait3A_162] : memref<401408x16xf32, #tpu.memory_space<hbm>> -> memref<224x16xf32, #tpu.memory_space<hbm>>
        %dma_wait3A_164 = arith.constant 0 : i32
        %dma_wait3A_165 = tpu.memref_slice %arg10[%add3A_155, %dma_wait3A_164] : memref<401408x16xf32, #tpu.memory_space<hbm>> -> memref<224x16xf32, #tpu.memory_space<hbm>>
        tpu.wait_dma2 semaphore(%arg19 : memref<!tpu.dma_semaphore, #tpu.memory_space<semaphore_mem>>) src(%dma_wait3A_165 : memref<224x16xf32, #tpu.memory_space<hbm>>) dst(%arg16 : memref<224x16xf32, #tpu.memory_space<vmem>>)
        %dma_wait3A_166 = tpu.memref_slice %arg5[%add3A_152] : memref<100352xf32, #tpu.memory_space<hbm>> -> memref<224xf32, #tpu.memory_space<hbm>>
        %dma_wait3A_167 = tpu.memref_slice %arg5[%add3A_152] : memref<100352xf32, #tpu.memory_space<hbm>> -> memref<224xf32, #tpu.memory_space<hbm>>
        tpu.wait_dma2 semaphore(%arg19 : memref<!tpu.dma_semaphore, #tpu.memory_space<semaphore_mem>>) src(%dma_wait3A_167 : memref<224xf32, #tpu.memory_space<hbm>>) dst(%arg17 : memref<224xf32, #tpu.memory_space<vmem>>)
        %scan3A_168 = arith.constant 0 : i32
        %scan3A_169 = arith.constant 0 : i32
        %scan3A_170 = arith.constant 14 : i32
        %scan3A_171 = arith.addi %scan3A_169, %scan3A_170 : i32
        %scan3A_172 = arith.constant 1 : i32
        scf.for %scan3A_177 = %scan3A_169 to %scan3A_171 step %scan3A_172  : i32 {
          %mul3A_178 = arith.constant 16 : i32
          %mul3A_179 = arith.muli %mul3A_178, %scan3A_177 : i32
          %get3A = arith.index_cast %mul3A_179 : i32 to index
          %get3A_180 = tpu.vector_load %arg17[%get3A] {strides = array<i32>} : memref<224xf32, #tpu.memory_space<vmem>>, vector<16xf32>,
          %mul3A_181 = arith.constant 16 : i32
          %mul3A_182 = arith.muli %mul3A_181, %scan3A_177 : i32
          %add3A_183 = arith.constant 0 : i32
          %add3A_184 = arith.addi %mul3A_182, %add3A_183 : i32
          %get3A_185 = arith.index_cast %add3A_184 : i32 to index
          %get3A_186 = arith.constant 0 : index
          %get3A_187 = tpu.vector_load %arg15[%get3A_185, %get3A_186] {strides = array<i32>} : memref<224x16xf32, #tpu.memory_space<vmem>>, vector<16xf32>,
          %get3A_188 = arith.index_cast %add3A_184 : i32 to index
          %get3A_189 = arith.constant 0 : index
          %get3A_190 = tpu.vector_load %arg16[%get3A_188, %get3A_189] {strides = array<i32>} : memref<224x16xf32, #tpu.memory_space<vmem>>, vector<16xf32>,
          %slice3A = vector.extract_strided_slice %get3A_180 {offsets = [0], sizes = [1], strides = [1]} : vector<16xf32> to vector<1xf32>
          %squeeze3A = vector.extract %slice3A[0] : f32 from vector<1xf32>
          %mul3A_191 = vector.broadcast %squeeze3A : f32 to vector<16xf32>
          %mul3A_192 = arith.mulf %mul3A_191, %get3A_187 : vector<16xf32>
          %mul3A_193 = arith.constant 1.000000e-01 : f32
          %mul3A_194 = vector.broadcast %mul3A_193 : f32 to vector<16xf32>
          %mul3A_195 = arith.mulf %mul3A_194, %get3A_190 : vector<16xf32>
          %add3A_196 = arith.addf %mul3A_192, %mul3A_195 : vector<16xf32>
          %swap3A = arith.index_cast %add3A_184 : i32 to index
          %swap3A_197 = arith.constant 0 : index
          %swap3A_198 = tpu.vector_load %arg15[%swap3A, %swap3A_197] {strides = array<i32>} : memref<224x16xf32, #tpu.memory_space<vmem>>, vector<16xf32>,
          tpu.vector_store %arg15[%swap3A, %swap3A_197], %add3A_196 {strides = array<i32>} : memref<224x16xf32, #tpu.memory_space<vmem>>, vector<16xf32>,
          %mul3A_199 = arith.constant 16 : i32
          %mul3A_200 = arith.muli %mul3A_199, %scan3A_177 : i32
          %add3A_201 = arith.constant 1 : i32
          %add3A_202 = arith.addi %mul3A_200, %add3A_201 : i32
          %get3A_203 = arith.index_cast %add3A_202 : i32 to index
          %get3A_204 = arith.constant 0 : index
          %get3A_205 = tpu.vector_load %arg15[%get3A_203, %get3A_204] {strides = array<i32>} : memref<224x16xf32, #tpu.memory_space<vmem>>, vector<16xf32>,
          %get3A_206 = arith.index_cast %add3A_202 : i32 to index
          %get3A_207 = arith.constant 0 : index
          %get3A_208 = tpu.vector_load %arg16[%get3A_206, %get3A_207] {strides = array<i32>} : memref<224x16xf32, #tpu.memory_space<vmem>>, vector<16xf32>,
          %slice3A_209 = vector.extract_strided_slice %get3A_180 {offsets = [1], sizes = [1], strides = [1]} : vector<16xf32> to vector<1xf32>
          %squeeze3A_210 = vector.extract %slice3A_209[0] : f32 from vector<1xf32>
          %mul3A_211 = vector.broadcast %squeeze3A_210 : f32 to vector<16xf32>
          %mul3A_212 = arith.mulf %mul3A_211, %get3A_205 : vector<16xf32>
          %mul3A_213 = arith.constant 1.000000e-01 : f32
          %mul3A_214 = vector.broadcast %mul3A_213 : f32 to vector<16xf32>
          %mul3A_215 = arith.mulf %mul3A_214, %get3A_208 : vector<16xf32>
          %add3A_216 = arith.addf %mul3A_212, %mul3A_215 : vector<16xf32>
          %swap3A_217 = arith.index_cast %add3A_202 : i32 to index
          %swap3A_218 = arith.constant 0 : index
          %swap3A_219 = tpu.vector_load %arg15[%swap3A_217, %swap3A_218] {strides = array<i32>} : memref<224x16xf32, #tpu.memory_space<vmem>>, vector<16xf32>,
          tpu.vector_store %arg15[%swap3A_217, %swap3A_218], %add3A_216 {strides = array<i32>} : memref<224x16xf32, #tpu.memory_space<vmem>>, vector<16xf32>,
          %mul3A_220 = arith.constant 16 : i32
          %mul3A_221 = arith.muli %mul3A_220, %scan3A_177 : i32
          %add3A_222 = arith.constant 2 : i32
          %add3A_223 = arith.addi %mul3A_221, %add3A_222 : i32
          %get3A_224 = arith.index_cast %add3A_223 : i32 to index
          %get3A_225 = arith.constant 0 : index
          %get3A_226 = tpu.vector_load %arg15[%get3A_224, %get3A_225] {strides = array<i32>} : memref<224x16xf32, #tpu.memory_space<vmem>>, vector<16xf32>,
          %get3A_227 = arith.index_cast %add3A_223 : i32 to index
          %get3A_228 = arith.constant 0 : index
          %get3A_229 = tpu.vector_load %arg16[%get3A_227, %get3A_228] {strides = array<i32>} : memref<224x16xf32, #tpu.memory_space<vmem>>, vector<16xf32>,
          %slice3A_230 = vector.extract_strided_slice %get3A_180 {offsets = [2], sizes = [1], strides = [1]} : vector<16xf32> to vector<1xf32>
          %squeeze3A_231 = vector.extract %slice3A_230[0] : f32 from vector<1xf32>
          %mul3A_232 = vector.broadcast %squeeze3A_231 : f32 to vector<16xf32>
          %mul3A_233 = arith.mulf %mul3A_232, %get3A_226 : vector<16xf32>
          %mul3A_234 = arith.constant 1.000000e-01 : f32
          %mul3A_235 = vector.broadcast %mul3A_234 : f32 to vector<16xf32>
          %mul3A_236 = arith.mulf %mul3A_235, %get3A_229 : vector<16xf32>
          %add3A_237 = arith.addf %mul3A_233, %mul3A_236 : vector<16xf32>
          %swap3A_238 = arith.index_cast %add3A_223 : i32 to index
          %swap3A_239 = arith.constant 0 : index
          %swap3A_240 = tpu.vector_load %arg15[%swap3A_238, %swap3A_239] {strides = array<i32>} : memref<224x16xf32, #tpu.memory_space<vmem>>, vector<16xf32>,
          tpu.vector_store %arg15[%swap3A_238, %swap3A_239], %add3A_237 {strides = array<i32>} : memref<224x16xf32, #tpu.memory_space<vmem>>, vector<16xf32>,
          %mul3A_241 = arith.constant 16 : i32
          %mul3A_242 = arith.muli %mul3A_241, %scan3A_177 : i32
          %add3A_243 = arith.constant 3 : i32
          %add3A_244 = arith.addi %mul3A_242, %add3A_243 : i32
          %get3A_245 = arith.index_cast %add3A_244 : i32 to index
          %get3A_246 = arith.constant 0 : index
          %get3A_247 = tpu.vector_load %arg15[%get3A_245, %get3A_246] {strides = array<i32>} : memref<224x16xf32, #tpu.memory_space<vmem>>, vector<16xf32>,
          %get3A_248 = arith.index_cast %add3A_244 : i32 to index
          %get3A_249 = arith.constant 0 : index
          %get3A_250 = tpu.vector_load %arg16[%get3A_248, %get3A_249] {strides = array<i32>} : memref<224x16xf32, #tpu.memory_space<vmem>>, vector<16xf32>,
          %slice3A_251 = vector.extract_strided_slice %get3A_180 {offsets = [3], sizes = [1], strides = [1]} : vector<16xf32> to vector<1xf32>
          %squeeze3A_252 = vector.extract %slice3A_251[0] : f32 from vector<1xf32>
          %mul3A_253 = vector.broadcast %squeeze3A_252 : f32 to vector<16xf32>
          %mul3A_254 = arith.mulf %mul3A_253, %get3A_247 : vector<16xf32>
          %mul3A_255 = arith.constant 1.000000e-01 : f32
          %mul3A_256 = vector.broadcast %mul3A_255 : f32 to vector<16xf32>
          %mul3A_257 = arith.mulf %mul3A_256, %get3A_250 : vector<16xf32>
          %add3A_258 = arith.addf %mul3A_254, %mul3A_257 : vector<16xf32>
          %swap3A_259 = arith.index_cast %add3A_244 : i32 to index
          %swap3A_260 = arith.constant 0 : index
          %swap3A_261 = tpu.vector_load %arg15[%swap3A_259, %swap3A_260] {strides = array<i32>} : memref<224x16xf32, #tpu.memory_space<vmem>>, vector<16xf32>,
          tpu.vector_store %arg15[%swap3A_259, %swap3A_260], %add3A_258 {strides = array<i32>} : memref<224x16xf32, #tpu.memory_space<vmem>>, vector<16xf32>,
          %mul3A_262 = arith.constant 16 : i32
          %mul3A_263 = arith.muli %mul3A_262, %scan3A_177 : i32
          %add3A_264 = arith.constant 4 : i32
          %add3A_265 = arith.addi %mul3A_263, %add3A_264 : i32
          %get3A_266 = arith.index_cast %add3A_265 : i32 to index
          %get3A_267 = arith.constant 0 : index
          %get3A_268 = tpu.vector_load %arg15[%get3A_266, %get3A_267] {strides = array<i32>} : memref<224x16xf32, #tpu.memory_space<vmem>>, vector<16xf32>,
          %get3A_269 = arith.index_cast %add3A_265 : i32 to index
          %get3A_270 = arith.constant 0 : index
          %get3A_271 = tpu.vector_load %arg16[%get3A_269, %get3A_270] {strides = array<i32>} : memref<224x16xf32, #tpu.memory_space<vmem>>, vector<16xf32>,
          %slice3A_272 = vector.extract_strided_slice %get3A_180 {offsets = [4], sizes = [1], strides = [1]} : vector<16xf32> to vector<1xf32>
          %squeeze3A_273 = vector.extract %slice3A_272[0] : f32 from vector<1xf32>
          %mul3A_274 = vector.broadcast %squeeze3A_273 : f32 to vector<16xf32>
          %mul3A_275 = arith.mulf %mul3A_274, %get3A_268 : vector<16xf32>
          %mul3A_276 = arith.constant 1.000000e-01 : f32
          %mul3A_277 = vector.broadcast %mul3A_276 : f32 to vector<16xf32>
          %mul3A_278 = arith.mulf %mul3A_277, %get3A_271 : vector<16xf32>
          %add3A_279 = arith.addf %mul3A_275, %mul3A_278 : vector<16xf32>
          %swap3A_280 = arith.index_cast %add3A_265 : i32 to index
          %swap3A_281 = arith.constant 0 : index
          %swap3A_282 = tpu.vector_load %arg15[%swap3A_280, %swap3A_281] {strides = array<i32>} : memref<224x16xf32, #tpu.memory_space<vmem>>, vector<16xf32>,
          tpu.vector_store %arg15[%swap3A_280, %swap3A_281], %add3A_279 {strides = array<i32>} : memref<224x16xf32, #tpu.memory_space<vmem>>, vector<16xf32>,
          %mul3A_283 = arith.constant 16 : i32
          %mul3A_284 = arith.muli %mul3A_283, %scan3A_177 : i32
          %add3A_285 = arith.constant 5 : i32
          %add3A_286 = arith.addi %mul3A_284, %add3A_285 : i32
          %get3A_287 = arith.index_cast %add3A_286 : i32 to index
          %get3A_288 = arith.constant 0 : index
          %get3A_289 = tpu.vector_load %arg15[%get3A_287, %get3A_288] {strides = array<i32>} : memref<224x16xf32, #tpu.memory_space<vmem>>, vector<16xf32>,
          %get3A_290 = arith.index_cast %add3A_286 : i32 to index
          %get3A_291 = arith.constant 0 : index
          %get3A_292 = tpu.vector_load %arg16[%get3A_290, %get3A_291] {strides = array<i32>} : memref<224x16xf32, #tpu.memory_space<vmem>>, vector<16xf32>,
          %slice3A_293 = vector.extract_strided_slice %get3A_180 {offsets = [5], sizes = [1], strides = [1]} : vector<16xf32> to vector<1xf32>
          %squeeze3A_294 = vector.extract %slice3A_293[0] : f32 from vector<1xf32>
          %mul3A_295 = vector.broadcast %squeeze3A_294 : f32 to vector<16xf32>
          %mul3A_296 = arith.mulf %mul3A_295, %get3A_289 : vector<16xf32>
          %mul3A_297 = arith.constant 1.000000e-01 : f32
          %mul3A_298 = vector.broadcast %mul3A_297 : f32 to vector<16xf32>
          %mul3A_299 = arith.mulf %mul3A_298, %get3A_292 : vector<16xf32>
          %add3A_300 = arith.addf %mul3A_296, %mul3A_299 : vector<16xf32>
          %swap3A_301 = arith.index_cast %add3A_286 : i32 to index
          %swap3A_302 = arith.constant 0 : index
          %swap3A_303 = tpu.vector_load %arg15[%swap3A_301, %swap3A_302] {strides = array<i32>} : memref<224x16xf32, #tpu.memory_space<vmem>>, vector<16xf32>,
          tpu.vector_store %arg15[%swap3A_301, %swap3A_302], %add3A_300 {strides = array<i32>} : memref<224x16xf32, #tpu.memory_space<vmem>>, vector<16xf32>,
          %mul3A_304 = arith.constant 16 : i32
          %mul3A_305 = arith.muli %mul3A_304, %scan3A_177 : i32
          %add3A_306 = arith.constant 6 : i32
          %add3A_307 = arith.addi %mul3A_305, %add3A_306 : i32
          %get3A_308 = arith.index_cast %add3A_307 : i32 to index
          %get3A_309 = arith.constant 0 : index
          %get3A_310 = tpu.vector_load %arg15[%get3A_308, %get3A_309] {strides = array<i32>} : memref<224x16xf32, #tpu.memory_space<vmem>>, vector<16xf32>,
          %get3A_311 = arith.index_cast %add3A_307 : i32 to index
          %get3A_312 = arith.constant 0 : index
          %get3A_313 = tpu.vector_load %arg16[%get3A_311, %get3A_312] {strides = array<i32>} : memref<224x16xf32, #tpu.memory_space<vmem>>, vector<16xf32>,
          %slice3A_314 = vector.extract_strided_slice %get3A_180 {offsets = [6], sizes = [1], strides = [1]} : vector<16xf32> to vector<1xf32>
          %squeeze3A_315 = vector.extract %slice3A_314[0] : f32 from vector<1xf32>
          %mul3A_316 = vector.broadcast %squeeze3A_315 : f32 to vector<16xf32>
          %mul3A_317 = arith.mulf %mul3A_316, %get3A_310 : vector<16xf32>
          %mul3A_318 = arith.constant 1.000000e-01 : f32
          %mul3A_319 = vector.broadcast %mul3A_318 : f32 to vector<16xf32>
          %mul3A_320 = arith.mulf %mul3A_319, %get3A_313 : vector<16xf32>
          %add3A_321 = arith.addf %mul3A_317, %mul3A_320 : vector<16xf32>
          %swap3A_322 = arith.index_cast %add3A_307 : i32 to index
          %swap3A_323 = arith.constant 0 : index
          %swap3A_324 = tpu.vector_load %arg15[%swap3A_322, %swap3A_323] {strides = array<i32>} : memref<224x16xf32, #tpu.memory_space<vmem>>, vector<16xf32>,
          tpu.vector_store %arg15[%swap3A_322, %swap3A_323], %add3A_321 {strides = array<i32>} : memref<224x16xf32, #tpu.memory_space<vmem>>, vector<16xf32>,
          %mul3A_325 = arith.constant 16 : i32
          %mul3A_326 = arith.muli %mul3A_325, %scan3A_177 : i32
          %add3A_327 = arith.constant 7 : i32
          %add3A_328 = arith.addi %mul3A_326, %add3A_327 : i32
          %get3A_329 = arith.index_cast %add3A_328 : i32 to index
          %get3A_330 = arith.constant 0 : index
          %get3A_331 = tpu.vector_load %arg15[%get3A_329, %get3A_330] {strides = array<i32>} : memref<224x16xf32, #tpu.memory_space<vmem>>, vector<16xf32>,
          %get3A_332 = arith.index_cast %add3A_328 : i32 to index
          %get3A_333 = arith.constant 0 : index
          %get3A_334 = tpu.vector_load %arg16[%get3A_332, %get3A_333] {strides = array<i32>} : memref<224x16xf32, #tpu.memory_space<vmem>>, vector<16xf32>,
          %slice3A_335 = vector.extract_strided_slice %get3A_180 {offsets = [7], sizes = [1], strides = [1]} : vector<16xf32> to vector<1xf32>
          %squeeze3A_336 = vector.extract %slice3A_335[0] : f32 from vector<1xf32>
          %mul3A_337 = vector.broadcast %squeeze3A_336 : f32 to vector<16xf32>
          %mul3A_338 = arith.mulf %mul3A_337, %get3A_331 : vector<16xf32>
          %mul3A_339 = arith.constant 1.000000e-01 : f32
          %mul3A_340 = vector.broadcast %mul3A_339 : f32 to vector<16xf32>
          %mul3A_341 = arith.mulf %mul3A_340, %get3A_334 : vector<16xf32>
          %add3A_342 = arith.addf %mul3A_338, %mul3A_341 : vector<16xf32>
          %swap3A_343 = arith.index_cast %add3A_328 : i32 to index
          %swap3A_344 = arith.constant 0 : index
          %swap3A_345 = tpu.vector_load %arg15[%swap3A_343, %swap3A_344] {strides = array<i32>} : memref<224x16xf32, #tpu.memory_space<vmem>>, vector<16xf32>,
          tpu.vector_store %arg15[%swap3A_343, %swap3A_344], %add3A_342 {strides = array<i32>} : memref<224x16xf32, #tpu.memory_space<vmem>>, vector<16xf32>,
          %mul3A_346 = arith.constant 16 : i32
          %mul3A_347 = arith.muli %mul3A_346, %scan3A_177 : i32
          %add3A_348 = arith.constant 8 : i32
          %add3A_349 = arith.addi %mul3A_347, %add3A_348 : i32
          %get3A_350 = arith.index_cast %add3A_349 : i32 to index
          %get3A_351 = arith.constant 0 : index
          %get3A_352 = tpu.vector_load %arg15[%get3A_350, %get3A_351] {strides = array<i32>} : memref<224x16xf32, #tpu.memory_space<vmem>>, vector<16xf32>,
          %get3A_353 = arith.index_cast %add3A_349 : i32 to index
          %get3A_354 = arith.constant 0 : index
          %get3A_355 = tpu.vector_load %arg16[%get3A_353, %get3A_354] {strides = array<i32>} : memref<224x16xf32, #tpu.memory_space<vmem>>, vector<16xf32>,
          %slice3A_356 = vector.extract_strided_slice %get3A_180 {offsets = [8], sizes = [1], strides = [1]} : vector<16xf32> to vector<1xf32>
          %squeeze3A_357 = vector.extract %slice3A_356[0] : f32 from vector<1xf32>
          %mul3A_358 = vector.broadcast %squeeze3A_357 : f32 to vector<16xf32>
          %mul3A_359 = arith.mulf %mul3A_358, %get3A_352 : vector<16xf32>
          %mul3A_360 = arith.constant 1.000000e-01 : f32
          %mul3A_361 = vector.broadcast %mul3A_360 : f32 to vector<16xf32>
          %mul3A_362 = arith.mulf %mul3A_361, %get3A_355 : vector<16xf32>
          %add3A_363 = arith.addf %mul3A_359, %mul3A_362 : vector<16xf32>
          %swap3A_364 = arith.index_cast %add3A_349 : i32 to index
          %swap3A_365 = arith.constant 0 : index
          %swap3A_366 = tpu.vector_load %arg15[%swap3A_364, %swap3A_365] {strides = array<i32>} : memref<224x16xf32, #tpu.memory_space<vmem>>, vector<16xf32>,
          tpu.vector_store %arg15[%swap3A_364, %swap3A_365], %add3A_363 {strides = array<i32>} : memref<224x16xf32, #tpu.memory_space<vmem>>, vector<16xf32>,
          %mul3A_367 = arith.constant 16 : i32
          %mul3A_368 = arith.muli %mul3A_367, %scan3A_177 : i32
          %add3A_369 = arith.constant 9 : i32
          %add3A_370 = arith.addi %mul3A_368, %add3A_369 : i32
          %get3A_371 = arith.index_cast %add3A_370 : i32 to index
          %get3A_372 = arith.constant 0 : index
          %get3A_373 = tpu.vector_load %arg15[%get3A_371, %get3A_372] {strides = array<i32>} : memref<224x16xf32, #tpu.memory_space<vmem>>, vector<16xf32>,
          %get3A_374 = arith.index_cast %add3A_370 : i32 to index
          %get3A_375 = arith.constant 0 : index
          %get3A_376 = tpu.vector_load %arg16[%get3A_374, %get3A_375] {strides = array<i32>} : memref<224x16xf32, #tpu.memory_space<vmem>>, vector<16xf32>,
          %slice3A_377 = vector.extract_strided_slice %get3A_180 {offsets = [9], sizes = [1], strides = [1]} : vector<16xf32> to vector<1xf32>
          %squeeze3A_378 = vector.extract %slice3A_377[0] : f32 from vector<1xf32>
          %mul3A_379 = vector.broadcast %squeeze3A_378 : f32 to vector<16xf32>
          %mul3A_380 = arith.mulf %mul3A_379, %get3A_373 : vector<16xf32>
          %mul3A_381 = arith.constant 1.000000e-01 : f32
          %mul3A_382 = vector.broadcast %mul3A_381 : f32 to vector<16xf32>
          %mul3A_383 = arith.mulf %mul3A_382, %get3A_376 : vector<16xf32>
          %add3A_384 = arith.addf %mul3A_380, %mul3A_383 : vector<16xf32>
          %swap3A_385 = arith.index_cast %add3A_370 : i32 to index
          %swap3A_386 = arith.constant 0 : index
          %swap3A_387 = tpu.vector_load %arg15[%swap3A_385, %swap3A_386] {strides = array<i32>} : memref<224x16xf32, #tpu.memory_space<vmem>>, vector<16xf32>,
          tpu.vector_store %arg15[%swap3A_385, %swap3A_386], %add3A_384 {strides = array<i32>} : memref<224x16xf32, #tpu.memory_space<vmem>>, vector<16xf32>,
          %mul3A_388 = arith.constant 16 : i32
          %mul3A_389 = arith.muli %mul3A_388, %scan3A_177 : i32
          %add3A_390 = arith.constant 10 : i32
          %add3A_391 = arith.addi %mul3A_389, %add3A_390 : i32
          %get3A_392 = arith.index_cast %add3A_391 : i32 to index
          %get3A_393 = arith.constant 0 : index
          %get3A_394 = tpu.vector_load %arg15[%get3A_392, %get3A_393] {strides = array<i32>} : memref<224x16xf32, #tpu.memory_space<vmem>>, vector<16xf32>,
          %get3A_395 = arith.index_cast %add3A_391 : i32 to index
          %get3A_396 = arith.constant 0 : index
          %get3A_397 = tpu.vector_load %arg16[%get3A_395, %get3A_396] {strides = array<i32>} : memref<224x16xf32, #tpu.memory_space<vmem>>, vector<16xf32>,
          %slice3A_398 = vector.extract_strided_slice %get3A_180 {offsets = [10], sizes = [1], strides = [1]} : vector<16xf32> to vector<1xf32>
          %squeeze3A_399 = vector.extract %slice3A_398[0] : f32 from vector<1xf32>
          %mul3A_400 = vector.broadcast %squeeze3A_399 : f32 to vector<16xf32>
          %mul3A_401 = arith.mulf %mul3A_400, %get3A_394 : vector<16xf32>
          %mul3A_402 = arith.constant 1.000000e-01 : f32
          %mul3A_403 = vector.broadcast %mul3A_402 : f32 to vector<16xf32>
          %mul3A_404 = arith.mulf %mul3A_403, %get3A_397 : vector<16xf32>
          %add3A_405 = arith.addf %mul3A_401, %mul3A_404 : vector<16xf32>
          %swap3A_406 = arith.index_cast %add3A_391 : i32 to index
          %swap3A_407 = arith.constant 0 : index
          %swap3A_408 = tpu.vector_load %arg15[%swap3A_406, %swap3A_407] {strides = array<i32>} : memref<224x16xf32, #tpu.memory_space<vmem>>, vector<16xf32>,
          tpu.vector_store %arg15[%swap3A_406, %swap3A_407], %add3A_405 {strides = array<i32>} : memref<224x16xf32, #tpu.memory_space<vmem>>, vector<16xf32>,
          %mul3A_409 = arith.constant 16 : i32
          %mul3A_410 = arith.muli %mul3A_409, %scan3A_177 : i32
          %add3A_411 = arith.constant 11 : i32
          %add3A_412 = arith.addi %mul3A_410, %add3A_411 : i32
          %get3A_413 = arith.index_cast %add3A_412 : i32 to index
          %get3A_414 = arith.constant 0 : index
          %get3A_415 = tpu.vector_load %arg15[%get3A_413, %get3A_414] {strides = array<i32>} : memref<224x16xf32, #tpu.memory_space<vmem>>, vector<16xf32>,
          %get3A_416 = arith.index_cast %add3A_412 : i32 to index
          %get3A_417 = arith.constant 0 : index
          %get3A_418 = tpu.vector_load %arg16[%get3A_416, %get3A_417] {strides = array<i32>} : memref<224x16xf32, #tpu.memory_space<vmem>>, vector<16xf32>,
          %slice3A_419 = vector.extract_strided_slice %get3A_180 {offsets = [11], sizes = [1], strides = [1]} : vector<16xf32> to vector<1xf32>
          %squeeze3A_420 = vector.extract %slice3A_419[0] : f32 from vector<1xf32>
          %mul3A_421 = vector.broadcast %squeeze3A_420 : f32 to vector<16xf32>
          %mul3A_422 = arith.mulf %mul3A_421, %get3A_415 : vector<16xf32>
          %mul3A_423 = arith.constant 1.000000e-01 : f32
          %mul3A_424 = vector.broadcast %mul3A_423 : f32 to vector<16xf32>
          %mul3A_425 = arith.mulf %mul3A_424, %get3A_418 : vector<16xf32>
          %add3A_426 = arith.addf %mul3A_422, %mul3A_425 : vector<16xf32>
          %swap3A_427 = arith.index_cast %add3A_412 : i32 to index
          %swap3A_428 = arith.constant 0 : index
          %swap3A_429 = tpu.vector_load %arg15[%swap3A_427, %swap3A_428] {strides = array<i32>} : memref<224x16xf32, #tpu.memory_space<vmem>>, vector<16xf32>,
          tpu.vector_store %arg15[%swap3A_427, %swap3A_428], %add3A_426 {strides = array<i32>} : memref<224x16xf32, #tpu.memory_space<vmem>>, vector<16xf32>,
          %mul3A_430 = arith.constant 16 : i32
          %mul3A_431 = arith.muli %mul3A_430, %scan3A_177 : i32
          %add3A_432 = arith.constant 12 : i32
          %add3A_433 = arith.addi %mul3A_431, %add3A_432 : i32
          %get3A_434 = arith.index_cast %add3A_433 : i32 to index
          %get3A_435 = arith.constant 0 : index
          %get3A_436 = tpu.vector_load %arg15[%get3A_434, %get3A_435] {strides = array<i32>} : memref<224x16xf32, #tpu.memory_space<vmem>>, vector<16xf32>,
          %get3A_437 = arith.index_cast %add3A_433 : i32 to index
          %get3A_438 = arith.constant 0 : index
          %get3A_439 = tpu.vector_load %arg16[%get3A_437, %get3A_438] {strides = array<i32>} : memref<224x16xf32, #tpu.memory_space<vmem>>, vector<16xf32>,
          %slice3A_440 = vector.extract_strided_slice %get3A_180 {offsets = [12], sizes = [1], strides = [1]} : vector<16xf32> to vector<1xf32>
          %squeeze3A_441 = vector.extract %slice3A_440[0] : f32 from vector<1xf32>
          %mul3A_442 = vector.broadcast %squeeze3A_441 : f32 to vector<16xf32>
          %mul3A_443 = arith.mulf %mul3A_442, %get3A_436 : vector<16xf32>
          %mul3A_444 = arith.constant 1.000000e-01 : f32
          %mul3A_445 = vector.broadcast %mul3A_444 : f32 to vector<16xf32>
          %mul3A_446 = arith.mulf %mul3A_445, %get3A_439 : vector<16xf32>
          %add3A_447 = arith.addf %mul3A_443, %mul3A_446 : vector<16xf32>
          %swap3A_448 = arith.index_cast %add3A_433 : i32 to index
          %swap3A_449 = arith.constant 0 : index
          %swap3A_450 = tpu.vector_load %arg15[%swap3A_448, %swap3A_449] {strides = array<i32>} : memref<224x16xf32, #tpu.memory_space<vmem>>, vector<16xf32>,
          tpu.vector_store %arg15[%swap3A_448, %swap3A_449], %add3A_447 {strides = array<i32>} : memref<224x16xf32, #tpu.memory_space<vmem>>, vector<16xf32>,
          %mul3A_451 = arith.constant 16 : i32
          %mul3A_452 = arith.muli %mul3A_451, %scan3A_177 : i32
          %add3A_453 = arith.constant 13 : i32
          %add3A_454 = arith.addi %mul3A_452, %add3A_453 : i32
          %get3A_455 = arith.index_cast %add3A_454 : i32 to index
          %get3A_456 = arith.constant 0 : index
          %get3A_457 = tpu.vector_load %arg15[%get3A_455, %get3A_456] {strides = array<i32>} : memref<224x16xf32, #tpu.memory_space<vmem>>, vector<16xf32>,
          %get3A_458 = arith.index_cast %add3A_454 : i32 to index
          %get3A_459 = arith.constant 0 : index
          %get3A_460 = tpu.vector_load %arg16[%get3A_458, %get3A_459] {strides = array<i32>} : memref<224x16xf32, #tpu.memory_space<vmem>>, vector<16xf32>,
          %slice3A_461 = vector.extract_strided_slice %get3A_180 {offsets = [13], sizes = [1], strides = [1]} : vector<16xf32> to vector<1xf32>
          %squeeze3A_462 = vector.extract %slice3A_461[0] : f32 from vector<1xf32>
          %mul3A_463 = vector.broadcast %squeeze3A_462 : f32 to vector<16xf32>
          %mul3A_464 = arith.mulf %mul3A_463, %get3A_457 : vector<16xf32>
          %mul3A_465 = arith.constant 1.000000e-01 : f32
          %mul3A_466 = vector.broadcast %mul3A_465 : f32 to vector<16xf32>
          %mul3A_467 = arith.mulf %mul3A_466, %get3A_460 : vector<16xf32>
          %add3A_468 = arith.addf %mul3A_464, %mul3A_467 : vector<16xf32>
          %swap3A_469 = arith.index_cast %add3A_454 : i32 to index
          %swap3A_470 = arith.constant 0 : index
          %swap3A_471 = tpu.vector_load %arg15[%swap3A_469, %swap3A_470] {strides = array<i32>} : memref<224x16xf32, #tpu.memory_space<vmem>>, vector<16xf32>,
          tpu.vector_store %arg15[%swap3A_469, %swap3A_470], %add3A_468 {strides = array<i32>} : memref<224x16xf32, #tpu.memory_space<vmem>>, vector<16xf32>,
          %mul3A_472 = arith.constant 16 : i32
          %mul3A_473 = arith.muli %mul3A_472, %scan3A_177 : i32
          %add3A_474 = arith.constant 14 : i32
          %add3A_475 = arith.addi %mul3A_473, %add3A_474 : i32
          %get3A_476 = arith.index_cast %add3A_475 : i32 to index
          %get3A_477 = arith.constant 0 : index
          %get3A_478 = tpu.vector_load %arg15[%get3A_476, %get3A_477] {strides = array<i32>} : memref<224x16xf32, #tpu.memory_space<vmem>>, vector<16xf32>,
          %get3A_479 = arith.index_cast %add3A_475 : i32 to index
          %get3A_480 = arith.constant 0 : index
          %get3A_481 = tpu.vector_load %arg16[%get3A_479, %get3A_480] {strides = array<i32>} : memref<224x16xf32, #tpu.memory_space<vmem>>, vector<16xf32>,
          %slice3A_482 = vector.extract_strided_slice %get3A_180 {offsets = [14], sizes = [1], strides = [1]} : vector<16xf32> to vector<1xf32>
          %squeeze3A_483 = vector.extract %slice3A_482[0] : f32 from vector<1xf32>
          %mul3A_484 = vector.broadcast %squeeze3A_483 : f32 to vector<16xf32>
          %mul3A_485 = arith.mulf %mul3A_484, %get3A_478 : vector<16xf32>
          %mul3A_486 = arith.constant 1.000000e-01 : f32
          %mul3A_487 = vector.broadcast %mul3A_486 : f32 to vector<16xf32>
          %mul3A_488 = arith.mulf %mul3A_487, %get3A_481 : vector<16xf32>
          %add3A_489 = arith.addf %mul3A_485, %mul3A_488 : vector<16xf32>
          %swap3A_490 = arith.index_cast %add3A_475 : i32 to index
          %swap3A_491 = arith.constant 0 : index
          %swap3A_492 = tpu.vector_load %arg15[%swap3A_490, %swap3A_491] {strides = array<i32>} : memref<224x16xf32, #tpu.memory_space<vmem>>, vector<16xf32>,
          tpu.vector_store %arg15[%swap3A_490, %swap3A_491], %add3A_489 {strides = array<i32>} : memref<224x16xf32, #tpu.memory_space<vmem>>, vector<16xf32>,
          %mul3A_493 = arith.constant 16 : i32
          %mul3A_494 = arith.muli %mul3A_493, %scan3A_177 : i32
          %add3A_495 = arith.constant 15 : i32
          %add3A_496 = arith.addi %mul3A_494, %add3A_495 : i32
          %get3A_497 = arith.index_cast %add3A_496 : i32 to index
          %get3A_498 = arith.constant 0 : index
          %get3A_499 = tpu.vector_load %arg15[%get3A_497, %get3A_498] {strides = array<i32>} : memref<224x16xf32, #tpu.memory_space<vmem>>, vector<16xf32>,
          %get3A_500 = arith.index_cast %add3A_496 : i32 to index
          %get3A_501 = arith.constant 0 : index
          %get3A_502 = tpu.vector_load %arg16[%get3A_500, %get3A_501] {strides = array<i32>} : memref<224x16xf32, #tpu.memory_space<vmem>>, vector<16xf32>,
          %slice3A_503 = vector.extract_strided_slice %get3A_180 {offsets = [15], sizes = [1], strides = [1]} : vector<16xf32> to vector<1xf32>
          %squeeze3A_504 = vector.extract %slice3A_503[0] : f32 from vector<1xf32>
          %mul3A_505 = vector.broadcast %squeeze3A_504 : f32 to vector<16xf32>
          %mul3A_506 = arith.mulf %mul3A_505, %get3A_499 : vector<16xf32>
          %mul3A_507 = arith.constant 1.000000e-01 : f32
          %mul3A_508 = vector.broadcast %mul3A_507 : f32 to vector<16xf32>
          %mul3A_509 = arith.mulf %mul3A_508, %get3A_502 : vector<16xf32>
          %add3A_510 = arith.addf %mul3A_506, %mul3A_509 : vector<16xf32>
          %swap3A_511 = arith.index_cast %add3A_496 : i32 to index
          %swap3A_512 = arith.constant 0 : index
          %swap3A_513 = tpu.vector_load %arg15[%swap3A_511, %swap3A_512] {strides = array<i32>} : memref<224x16xf32, #tpu.memory_space<vmem>>, vector<16xf32>,
          tpu.vector_store %arg15[%swap3A_511, %swap3A_512], %add3A_510 {strides = array<i32>} : memref<224x16xf32, #tpu.memory_space<vmem>>, vector<16xf32>,
        }
        %scan3A_173 = arith.constant 14 : i32
        %mul3A_174 = arith.constant 100352 : i32
        %mul3A_175 = arith.muli %add3A, %mul3A_174 : i32
        %add3A_176 = arith.addi %mul3A_175, %add3A_152 : i32
        "tpu.region"() ({
          %run_scoped3A = tpu.sem_alloc : memref<!tpu.dma_semaphore, #tpu.memory_space<semaphore_mem>>
          %dma_start3A_177 = arith.constant 0 : i32
          %dma_start3A_178 = tpu.memref_slice %arg10[%add3A_176, %dma_start3A_177] : memref<401408x16xf32, #tpu.memory_space<hbm>> -> memref<224x16xf32, #tpu.memory_space<hbm>>
          %dma_start3A_179 = arith.constant 0 : i32
          %dma_start3A_180 = tpu.memref_slice %arg10[%add3A_176, %dma_start3A_179] : memref<401408x16xf32, #tpu.memory_space<hbm>> -> memref<224x16xf32, #tpu.memory_space<hbm>>
          tpu.enqueue_dma source(%arg15 : memref<224x16xf32, #tpu.memory_space<vmem>>) target(%dma_start3A_180 : memref<224x16xf32, #tpu.memory_space<hbm>>) target_semaphore(%run_scoped3A : memref<!tpu.dma_semaphore, #tpu.memory_space<semaphore_mem>>)
          %dma_wait3A_181 = arith.constant 0 : i32
          %dma_wait3A_182 = tpu.memref_slice %arg10[%add3A_176, %dma_wait3A_181] : memref<401408x16xf32, #tpu.memory_space<hbm>> -> memref<224x16xf32, #tpu.memory_space<hbm>>
          %dma_wait3A_183 = arith.constant 0 : i32
          %dma_wait3A_184 = tpu.memref_slice %arg10[%add3A_176, %dma_wait3A_183] : memref<401408x16xf32, #tpu.memory_space<hbm>> -> memref<224x16xf32, #tpu.memory_space<hbm>>
          tpu.wait_dma2 semaphore(%run_scoped3A : memref<!tpu.dma_semaphore, #tpu.memory_space<semaphore_mem>>) src(%arg15 : memref<224x16xf32, #tpu.memory_space<vmem>>) dst(%dma_wait3A_184 : memref<224x16xf32, #tpu.memory_space<hbm>>)
          tpu.yield
        }) : () -> ()
      }
      %scan3A_145 = arith.constant 28 : i32
      %barrier3A_146 = arith.constant 0 : index
      tpu.barrier barrier_id(%barrier3A_146)
    }
    %scan3A_10 = arith.constant 2 : i32
    %scan3A_11 = arith.constant 0 : i32
    %scan3A_12 = arith.constant 0 : i32
    %scan3A_13 = arith.constant 2 : i32
    %scan3A_14 = arith.addi %scan3A_12, %scan3A_13 : i32
    %scan3A_15 = arith.constant 1 : i32
    scf.for %scan3A_17 = %scan3A_12 to %scan3A_14 step %scan3A_15  : i32 {
      %mul3A = arith.constant 2 : i32
      %mul3A_18 = arith.muli %mul3A, %arg0 : i32
      %add3A = arith.addi %mul3A_18, %scan3A_17 : i32
      "tpu.region"() ({
        %run_scoped3A = tpu.sem_alloc : memref<!tpu.dma_semaphore, #tpu.memory_space<semaphore_mem>>
        tpu.enqueue_dma source(%arg8 : memref<224x16xf32, #tpu.memory_space<hbm>>) target(%arg15 : memref<224x16xf32, #tpu.memory_space<vmem>>) target_semaphore(%run_scoped3A : memref<!tpu.dma_semaphore, #tpu.memory_space<semaphore_mem>>)
        tpu.wait_dma2 semaphore(%run_scoped3A : memref<!tpu.dma_semaphore, #tpu.memory_space<semaphore_mem>>) src(%arg8 : memref<224x16xf32, #tpu.memory_space<hbm>>) dst(%arg15 : memref<224x16xf32, #tpu.memory_space<vmem>>)
        tpu.yield
      }) : () -> ()
      %scan3A_19 = arith.constant 0 : i32
      %scan3A_20 = arith.constant 0 : i32
      %scan3A_21 = arith.constant 28 : i32
      %scan3A_22 = arith.addi %scan3A_20, %scan3A_21 : i32
      %scan3A_23 = arith.constant 1 : i32
      scf.for %scan3A_147 = %scan3A_20 to %scan3A_22 step %scan3A_23  : i32 {
        %mul3A_148 = arith.constant 6272 : i32
        %mul3A_149 = arith.muli %arg1, %mul3A_148 : i32
        %mul3A_150 = arith.constant 224 : i32
        %mul3A_151 = arith.muli %scan3A_147, %mul3A_150 : i32
        %add3A_152 = arith.addi %mul3A_149, %mul3A_151 : i32
        "tpu.region"() ({
          %run_scoped3A = tpu.sem_alloc : memref<!tpu.dma_semaphore, #tpu.memory_space<semaphore_mem>>
          %dma_start3A_153 = arith.constant 0 : i32
          %dma_start3A_154 = tpu.memref_slice %arg11[%add3A_152, %dma_start3A_153] : memref<100352x16xf32, #tpu.memory_space<vmem_shared>> -> memref<224x16xf32, #tpu.memory_space<vmem_shared>>
          %dma_start3A_155 = arith.constant 0 : i32
          %dma_start3A_156 = tpu.memref_slice %arg11[%add3A_152, %dma_start3A_155] : memref<100352x16xf32, #tpu.memory_space<vmem_shared>> -> memref<224x16xf32, #tpu.memory_space<vmem_shared>>
          tpu.enqueue_dma source(%arg15 : memref<224x16xf32, #tpu.memory_space<vmem>>) target(%dma_start3A_156 : memref<224x16xf32, #tpu.memory_space<vmem_shared>>) target_semaphore(%run_scoped3A : memref<!tpu.dma_semaphore, #tpu.memory_space<semaphore_mem>>)
          %dma_wait3A_157 = arith.constant 0 : i32
          %dma_wait3A_158 = tpu.memref_slice %arg11[%add3A_152, %dma_wait3A_157] : memref<100352x16xf32, #tpu.memory_space<vmem_shared>> -> memref<224x16xf32, #tpu.memory_space<vmem_shared>>
          %dma_wait3A_159 = arith.constant 0 : i32
          %dma_wait3A_160 = tpu.memref_slice %arg11[%add3A_152, %dma_wait3A_159] : memref<100352x16xf32, #tpu.memory_space<vmem_shared>> -> memref<224x16xf32, #tpu.memory_space<vmem_shared>>
          tpu.wait_dma2 semaphore(%run_scoped3A : memref<!tpu.dma_semaphore, #tpu.memory_space<semaphore_mem>>) src(%arg15 : memref<224x16xf32, #tpu.memory_space<vmem>>) dst(%dma_wait3A_160 : memref<224x16xf32, #tpu.memory_space<vmem_shared>>)
          tpu.yield
        }) : () -> ()
      }
      %scan3A_24 = arith.constant 28 : i32
      %barrier3A = arith.constant 0 : index
      tpu.barrier barrier_id(%barrier3A)
      %mul3A_25 = arith.constant 784 : i32
      %mul3A_26 = arith.muli %arg1, %mul3A_25 : i32
      %add3A_27 = arith.constant 0 : i32
      %add3A_28 = arith.addi %mul3A_26, %add3A_27 : i32
      "tpu.region"() ({
        %run_scoped3A = tpu.sem_alloc : memref<!tpu.dma_semaphore, #tpu.memory_space<semaphore_mem>>
        %dma_start3A_147 = arith.constant 0 : i32
        %dma_start3A_148 = arith.constant 0 : i32
        %dma_start3A_149 = tpu.memref_slice %arg13[%dma_start3A_147, %dma_start3A_148] : memref<12x128xi32, #tpu.memory_space<vmem>> -> memref<4x128xi32, #tpu.memory_space<vmem>>
        %dma_start3A_150 = arith.constant 0 : i32
        %dma_start3A_151 = tpu.memref_slice %arg3[%add3A_28, %dma_start3A_150] : memref<12544x128xi32, #tpu.memory_space<hbm>> -> memref<4x128xi32, #tpu.memory_space<hbm>>
        %dma_start3A_152 = arith.constant 0 : i32
        %dma_start3A_153 = arith.constant 0 : i32
        %dma_start3A_154 = tpu.memref_slice %arg13[%dma_start3A_152, %dma_start3A_153] : memref<12x128xi32, #tpu.memory_space<vmem>> -> memref<4x128xi32, #tpu.memory_space<vmem>>
        %dma_start3A_155 = arith.constant 0 : i32
        %dma_start3A_156 = tpu.memref_slice %arg3[%add3A_28, %dma_start3A_155] : memref<12544x128xi32, #tpu.memory_space<hbm>> -> memref<4x128xi32, #tpu.memory_space<hbm>>
        tpu.enqueue_dma source(%dma_start3A_156 : memref<4x128xi32, #tpu.memory_space<hbm>>) target(%dma_start3A_154 : memref<4x128xi32, #tpu.memory_space<vmem>>) target_semaphore(%run_scoped3A : memref<!tpu.dma_semaphore, #tpu.memory_space<semaphore_mem>>)
        %dma_wait3A_157 = arith.constant 0 : i32
        %dma_wait3A_158 = arith.constant 0 : i32
        %dma_wait3A_159 = tpu.memref_slice %arg13[%dma_wait3A_157, %dma_wait3A_158] : memref<12x128xi32, #tpu.memory_space<vmem>> -> memref<4x128xi32, #tpu.memory_space<vmem>>
        %dma_wait3A_160 = arith.constant 0 : i32
        %dma_wait3A_161 = tpu.memref_slice %arg3[%add3A_28, %dma_wait3A_160] : memref<12544x128xi32, #tpu.memory_space<hbm>> -> memref<4x128xi32, #tpu.memory_space<hbm>>
        %dma_wait3A_162 = arith.constant 0 : i32
        %dma_wait3A_163 = arith.constant 0 : i32
        %dma_wait3A_164 = tpu.memref_slice %arg13[%dma_wait3A_162, %dma_wait3A_163] : memref<12x128xi32, #tpu.memory_space<vmem>> -> memref<4x128xi32, #tpu.memory_space<vmem>>
        %dma_wait3A_165 = arith.constant 0 : i32
        %dma_wait3A_166 = tpu.memref_slice %arg3[%add3A_28, %dma_wait3A_165] : memref<12544x128xi32, #tpu.memory_space<hbm>> -> memref<4x128xi32, #tpu.memory_space<hbm>>
        tpu.wait_dma2 semaphore(%run_scoped3A : memref<!tpu.dma_semaphore, #tpu.memory_space<semaphore_mem>>) src(%dma_wait3A_166 : memref<4x128xi32, #tpu.memory_space<hbm>>) dst(%dma_wait3A_164 : memref<4x128xi32, #tpu.memory_space<vmem>>)
        tpu.yield
      }) : () -> ()
      %mul3A_29 = arith.constant 12544 : i32
      %mul3A_30 = arith.muli %add3A, %mul3A_29 : i32
      %add3A_31 = arith.addi %mul3A_30, %add3A_28 : i32
      "tpu.region"() ({
        %run_scoped3A = tpu.sem_alloc : memref<!tpu.dma_semaphore, #tpu.memory_space<semaphore_mem>>
        %dma_start3A_147 = arith.constant 0 : i32
        %dma_start3A_148 = arith.constant 0 : i32
        %dma_start3A_149 = tpu.memref_slice %arg12[%dma_start3A_147, %dma_start3A_148] : memref<12x128xi32, #tpu.memory_space<vmem>> -> memref<4x128xi32, #tpu.memory_space<vmem>>
        %dma_start3A_150 = arith.constant 0 : i32
        %dma_start3A_151 = tpu.memref_slice %arg2[%add3A_31, %dma_start3A_150] : memref<50176x128xi32, #tpu.memory_space<hbm>> -> memref<4x128xi32, #tpu.memory_space<hbm>>
        %dma_start3A_152 = arith.constant 0 : i32
        %dma_start3A_153 = arith.constant 0 : i32
        %dma_start3A_154 = tpu.memref_slice %arg12[%dma_start3A_152, %dma_start3A_153] : memref<12x128xi32, #tpu.memory_space<vmem>> -> memref<4x128xi32, #tpu.memory_space<vmem>>
        %dma_start3A_155 = arith.constant 0 : i32
        %dma_start3A_156 = tpu.memref_slice %arg2[%add3A_31, %dma_start3A_155] : memref<50176x128xi32, #tpu.memory_space<hbm>> -> memref<4x128xi32, #tpu.memory_space<hbm>>
        tpu.enqueue_dma source(%dma_start3A_156 : memref<4x128xi32, #tpu.memory_space<hbm>>) target(%dma_start3A_154 : memref<4x128xi32, #tpu.memory_space<vmem>>) target_semaphore(%run_scoped3A : memref<!tpu.dma_semaphore, #tpu.memory_space<semaphore_mem>>)
        %dma_wait3A_157 = arith.constant 0 : i32
        %dma_wait3A_158 = arith.constant 0 : i32
        %dma_wait3A_159 = tpu.memref_slice %arg12[%dma_wait3A_157, %dma_wait3A_158] : memref<12x128xi32, #tpu.memory_space<vmem>> -> memref<4x128xi32, #tpu.memory_space<vmem>>
        %dma_wait3A_160 = arith.constant 0 : i32
        %dma_wait3A_161 = tpu.memref_slice %arg2[%add3A_31, %dma_wait3A_160] : memref<50176x128xi32, #tpu.memory_space<hbm>> -> memref<4x128xi32, #tpu.memory_space<hbm>>
        %dma_wait3A_162 = arith.constant 0 : i32
        %dma_wait3A_163 = arith.constant 0 : i32
        %dma_wait3A_164 = tpu.memref_slice %arg12[%dma_wait3A_162, %dma_wait3A_163] : memref<12x128xi32, #tpu.memory_space<vmem>> -> memref<4x128xi32, #tpu.memory_space<vmem>>
        %dma_wait3A_165 = arith.constant 0 : i32
        %dma_wait3A_166 = tpu.memref_slice %arg2[%add3A_31, %dma_wait3A_165] : memref<50176x128xi32, #tpu.memory_space<hbm>> -> memref<4x128xi32, #tpu.memory_space<hbm>>
        tpu.wait_dma2 semaphore(%run_scoped3A : memref<!tpu.dma_semaphore, #tpu.memory_space<semaphore_mem>>) src(%dma_wait3A_166 : memref<4x128xi32, #tpu.memory_space<hbm>>) dst(%dma_wait3A_164 : memref<4x128xi32, #tpu.memory_space<vmem>>)
        tpu.yield
      }) : () -> ()
      %dma_start3A = arith.constant 0 : i32
      %dma_start3A_32 = arith.constant 0 : i32
      %dma_start3A_33 = arith.constant 0 : i32
      %dma_start3A_34 = arith.constant 0 : i32
      %dma_start3A_35 = tpu.memref_slice %arg14[%dma_start3A_32, %dma_start3A_33, %dma_start3A_34] : memref<8x128x16xf32, #tpu.memory_space<vmem>> -> memref<1x128x16xf32, #tpu.memory_space<vmem>>
      %dma_start3A_36 = tpu.memref_squeeze %dma_start3A_35 : memref<1x128x16xf32, #tpu.memory_space<vmem>> -> memref<128x16xf32, #tpu.memory_space<vmem>>
      %dma_start3A_37 = arith.constant 0 : i32
      %dma_start3A_38 = tpu.memref_slice %arg12[%dma_start3A, %dma_start3A_37] : memref<12x128xi32, #tpu.memory_space<vmem>> -> memref<1x128xi32, #tpu.memory_space<vmem>>
      %dma_start3A_39 = tpu.memref_squeeze %dma_start3A_38 : memref<1x128xi32, #tpu.memory_space<vmem>> -> memref<128xi32, #tpu.memory_space<vmem>>
      %dma_start3A_40 = arith.constant 0 : i32
      %dma_start3A_41 = arith.constant 0 : i32
      %dma_start3A_42 = tpu.memref_slice %arg10[%dma_start3A_40, %dma_start3A_41] : memref<401408x16xf32, #tpu.memory_space<hbm>> -> memref<401408x16xf32, #tpu.memory_space<hbm>>
      tpu.enqueue_indirect_dma source(%dma_start3A_42 : memref<401408x16xf32, #tpu.memory_space<hbm>>) target(%dma_start3A_36 : memref<128x16xf32, #tpu.memory_space<vmem>>) offsets(%dma_start3A_39 : memref<128xi32, #tpu.memory_space<vmem>>) semaphore(%arg19 : memref<!tpu.dma_semaphore, #tpu.memory_space<semaphore_mem>>)
      %dma_start3A_43 = arith.constant 1 : i32
      %dma_start3A_44 = arith.constant 1 : i32
      %dma_start3A_45 = arith.constant 0 : i32
      %dma_start3A_46 = arith.constant 0 : i32
      %dma_start3A_47 = tpu.memref_slice %arg14[%dma_start3A_44, %dma_start3A_45, %dma_start3A_46] : memref<8x128x16xf32, #tpu.memory_space<vmem>> -> memref<1x128x16xf32, #tpu.memory_space<vmem>>
      %dma_start3A_48 = tpu.memref_squeeze %dma_start3A_47 : memref<1x128x16xf32, #tpu.memory_space<vmem>> -> memref<128x16xf32, #tpu.memory_space<vmem>>
      %dma_start3A_49 = arith.constant 0 : i32
      %dma_start3A_50 = tpu.memref_slice %arg12[%dma_start3A_43, %dma_start3A_49] : memref<12x128xi32, #tpu.memory_space<vmem>> -> memref<1x128xi32, #tpu.memory_space<vmem>>
      %dma_start3A_51 = tpu.memref_squeeze %dma_start3A_50 : memref<1x128xi32, #tpu.memory_space<vmem>> -> memref<128xi32, #tpu.memory_space<vmem>>
      %dma_start3A_52 = arith.constant 0 : i32
      %dma_start3A_53 = arith.constant 0 : i32
      %dma_start3A_54 = tpu.memref_slice %arg10[%dma_start3A_52, %dma_start3A_53] : memref<401408x16xf32, #tpu.memory_space<hbm>> -> memref<401408x16xf32, #tpu.memory_space<hbm>>
      tpu.enqueue_indirect_dma source(%dma_start3A_54 : memref<401408x16xf32, #tpu.memory_space<hbm>>) target(%dma_start3A_48 : memref<128x16xf32, #tpu.memory_space<vmem>>) offsets(%dma_start3A_51 : memref<128xi32, #tpu.memory_space<vmem>>) semaphore(%arg19 : memref<!tpu.dma_semaphore, #tpu.memory_space<semaphore_mem>>)
      %dma_start3A_55 = arith.constant 2 : i32
      %dma_start3A_56 = arith.constant 2 : i32
      %dma_start3A_57 = arith.constant 0 : i32
      %dma_start3A_58 = arith.constant 0 : i32
      %dma_start3A_59 = tpu.memref_slice %arg14[%dma_start3A_56, %dma_start3A_57, %dma_start3A_58] : memref<8x128x16xf32, #tpu.memory_space<vmem>> -> memref<1x128x16xf32, #tpu.memory_space<vmem>>
      %dma_start3A_60 = tpu.memref_squeeze %dma_start3A_59 : memref<1x128x16xf32, #tpu.memory_space<vmem>> -> memref<128x16xf32, #tpu.memory_space<vmem>>
      %dma_start3A_61 = arith.constant 0 : i32
      %dma_start3A_62 = tpu.memref_slice %arg12[%dma_start3A_55, %dma_start3A_61] : memref<12x128xi32, #tpu.memory_space<vmem>> -> memref<1x128xi32, #tpu.memory_space<vmem>>
      %dma_start3A_63 = tpu.memref_squeeze %dma_start3A_62 : memref<1x128xi32, #tpu.memory_space<vmem>> -> memref<128xi32, #tpu.memory_space<vmem>>
      %dma_start3A_64 = arith.constant 0 : i32
      %dma_start3A_65 = arith.constant 0 : i32
      %dma_start3A_66 = tpu.memref_slice %arg10[%dma_start3A_64, %dma_start3A_65] : memref<401408x16xf32, #tpu.memory_space<hbm>> -> memref<401408x16xf32, #tpu.memory_space<hbm>>
      tpu.enqueue_indirect_dma source(%dma_start3A_66 : memref<401408x16xf32, #tpu.memory_space<hbm>>) target(%dma_start3A_60 : memref<128x16xf32, #tpu.memory_space<vmem>>) offsets(%dma_start3A_63 : memref<128xi32, #tpu.memory_space<vmem>>) semaphore(%arg19 : memref<!tpu.dma_semaphore, #tpu.memory_space<semaphore_mem>>)
      %dma_start3A_67 = arith.constant 3 : i32
      %dma_start3A_68 = arith.constant 3 : i32
      %dma_start3A_69 = arith.constant 0 : i32
      %dma_start3A_70 = arith.constant 0 : i32
      %dma_start3A_71 = tpu.memref_slice %arg14[%dma_start3A_68, %dma_start3A_69, %dma_start3A_70] : memref<8x128x16xf32, #tpu.memory_space<vmem>> -> memref<1x128x16xf32, #tpu.memory_space<vmem>>
      %dma_start3A_72 = tpu.memref_squeeze %dma_start3A_71 : memref<1x128x16xf32, #tpu.memory_space<vmem>> -> memref<128x16xf32, #tpu.memory_space<vmem>>
      %dma_start3A_73 = arith.constant 0 : i32
      %dma_start3A_74 = tpu.memref_slice %arg12[%dma_start3A_67, %dma_start3A_73] : memref<12x128xi32, #tpu.memory_space<vmem>> -> memref<1x128xi32, #tpu.memory_space<vmem>>
      %dma_start3A_75 = tpu.memref_squeeze %dma_start3A_74 : memref<1x128xi32, #tpu.memory_space<vmem>> -> memref<128xi32, #tpu.memory_space<vmem>>
      %dma_start3A_76 = arith.constant 0 : i32
      %dma_start3A_77 = arith.constant 0 : i32
      %dma_start3A_78 = tpu.memref_slice %arg10[%dma_start3A_76, %dma_start3A_77] : memref<401408x16xf32, #tpu.memory_space<hbm>> -> memref<401408x16xf32, #tpu.memory_space<hbm>>
      tpu.enqueue_indirect_dma source(%dma_start3A_78 : memref<401408x16xf32, #tpu.memory_space<hbm>>) target(%dma_start3A_72 : memref<128x16xf32, #tpu.memory_space<vmem>>) offsets(%dma_start3A_75 : memref<128xi32, #tpu.memory_space<vmem>>) semaphore(%arg19 : memref<!tpu.dma_semaphore, #tpu.memory_space<semaphore_mem>>)
      %mul3A_79 = arith.constant 784 : i32
      %mul3A_80 = arith.muli %arg1, %mul3A_79 : i32
      %add3A_81 = arith.constant 4 : i32
      %add3A_82 = arith.addi %mul3A_80, %add3A_81 : i32
      "tpu.region"() ({
        %run_scoped3A = tpu.sem_alloc : memref<!tpu.dma_semaphore, #tpu.memory_space<semaphore_mem>>
        %dma_start3A_147 = arith.constant 4 : i32
        %dma_start3A_148 = arith.constant 0 : i32
        %dma_start3A_149 = tpu.memref_slice %arg13[%dma_start3A_147, %dma_start3A_148] : memref<12x128xi32, #tpu.memory_space<vmem>> -> memref<4x128xi32, #tpu.memory_space<vmem>>
        %dma_start3A_150 = arith.constant 0 : i32
        %dma_start3A_151 = tpu.memref_slice %arg3[%add3A_82, %dma_start3A_150] : memref<12544x128xi32, #tpu.memory_space<hbm>> -> memref<4x128xi32, #tpu.memory_space<hbm>>
        %dma_start3A_152 = arith.constant 4 : i32
        %dma_start3A_153 = arith.constant 0 : i32
        %dma_start3A_154 = tpu.memref_slice %arg13[%dma_start3A_152, %dma_start3A_153] : memref<12x128xi32, #tpu.memory_space<vmem>> -> memref<4x128xi32, #tpu.memory_space<vmem>>
        %dma_start3A_155 = arith.constant 0 : i32
        %dma_start3A_156 = tpu.memref_slice %arg3[%add3A_82, %dma_start3A_155] : memref<12544x128xi32, #tpu.memory_space<hbm>> -> memref<4x128xi32, #tpu.memory_space<hbm>>
        tpu.enqueue_dma source(%dma_start3A_156 : memref<4x128xi32, #tpu.memory_space<hbm>>) target(%dma_start3A_154 : memref<4x128xi32, #tpu.memory_space<vmem>>) target_semaphore(%run_scoped3A : memref<!tpu.dma_semaphore, #tpu.memory_space<semaphore_mem>>)
        %dma_wait3A_157 = arith.constant 4 : i32
        %dma_wait3A_158 = arith.constant 0 : i32
        %dma_wait3A_159 = tpu.memref_slice %arg13[%dma_wait3A_157, %dma_wait3A_158] : memref<12x128xi32, #tpu.memory_space<vmem>> -> memref<4x128xi32, #tpu.memory_space<vmem>>
        %dma_wait3A_160 = arith.constant 0 : i32
        %dma_wait3A_161 = tpu.memref_slice %arg3[%add3A_82, %dma_wait3A_160] : memref<12544x128xi32, #tpu.memory_space<hbm>> -> memref<4x128xi32, #tpu.memory_space<hbm>>
        %dma_wait3A_162 = arith.constant 4 : i32
        %dma_wait3A_163 = arith.constant 0 : i32
        %dma_wait3A_164 = tpu.memref_slice %arg13[%dma_wait3A_162, %dma_wait3A_163] : memref<12x128xi32, #tpu.memory_space<vmem>> -> memref<4x128xi32, #tpu.memory_space<vmem>>
        %dma_wait3A_165 = arith.constant 0 : i32
        %dma_wait3A_166 = tpu.memref_slice %arg3[%add3A_82, %dma_wait3A_165] : memref<12544x128xi32, #tpu.memory_space<hbm>> -> memref<4x128xi32, #tpu.memory_space<hbm>>
        tpu.wait_dma2 semaphore(%run_scoped3A : memref<!tpu.dma_semaphore, #tpu.memory_space<semaphore_mem>>) src(%dma_wait3A_166 : memref<4x128xi32, #tpu.memory_space<hbm>>) dst(%dma_wait3A_164 : memref<4x128xi32, #tpu.memory_space<vmem>>)
        tpu.yield
      }) : () -> ()
      %mul3A_83 = arith.constant 12544 : i32
      %mul3A_84 = arith.muli %add3A, %mul3A_83 : i32
      %add3A_85 = arith.addi %mul3A_84, %add3A_82 : i32
      "tpu.region"() ({
        %run_scoped3A = tpu.sem_alloc : memref<!tpu.dma_semaphore, #tpu.memory_space<semaphore_mem>>
        %dma_start3A_147 = arith.constant 4 : i32
        %dma_start3A_148 = arith.constant 0 : i32
        %dma_start3A_149 = tpu.memref_slice %arg12[%dma_start3A_147, %dma_start3A_148] : memref<12x128xi32, #tpu.memory_space<vmem>> -> memref<4x128xi32, #tpu.memory_space<vmem>>
        %dma_start3A_150 = arith.constant 0 : i32
        %dma_start3A_151 = tpu.memref_slice %arg2[%add3A_85, %dma_start3A_150] : memref<50176x128xi32, #tpu.memory_space<hbm>> -> memref<4x128xi32, #tpu.memory_space<hbm>>
        %dma_start3A_152 = arith.constant 4 : i32
        %dma_start3A_153 = arith.constant 0 : i32
        %dma_start3A_154 = tpu.memref_slice %arg12[%dma_start3A_152, %dma_start3A_153] : memref<12x128xi32, #tpu.memory_space<vmem>> -> memref<4x128xi32, #tpu.memory_space<vmem>>
        %dma_start3A_155 = arith.constant 0 : i32
        %dma_start3A_156 = tpu.memref_slice %arg2[%add3A_85, %dma_start3A_155] : memref<50176x128xi32, #tpu.memory_space<hbm>> -> memref<4x128xi32, #tpu.memory_space<hbm>>
        tpu.enqueue_dma source(%dma_start3A_156 : memref<4x128xi32, #tpu.memory_space<hbm>>) target(%dma_start3A_154 : memref<4x128xi32, #tpu.memory_space<vmem>>) target_semaphore(%run_scoped3A : memref<!tpu.dma_semaphore, #tpu.memory_space<semaphore_mem>>)
        %dma_wait3A_157 = arith.constant 4 : i32
        %dma_wait3A_158 = arith.constant 0 : i32
        %dma_wait3A_159 = tpu.memref_slice %arg12[%dma_wait3A_157, %dma_wait3A_158] : memref<12x128xi32, #tpu.memory_space<vmem>> -> memref<4x128xi32, #tpu.memory_space<vmem>>
        %dma_wait3A_160 = arith.constant 0 : i32
        %dma_wait3A_161 = tpu.memref_slice %arg2[%add3A_85, %dma_wait3A_160] : memref<50176x128xi32, #tpu.memory_space<hbm>> -> memref<4x128xi32, #tpu.memory_space<hbm>>
        %dma_wait3A_162 = arith.constant 4 : i32
        %dma_wait3A_163 = arith.constant 0 : i32
        %dma_wait3A_164 = tpu.memref_slice %arg12[%dma_wait3A_162, %dma_wait3A_163] : memref<12x128xi32, #tpu.memory_space<vmem>> -> memref<4x128xi32, #tpu.memory_space<vmem>>
        %dma_wait3A_165 = arith.constant 0 : i32
        %dma_wait3A_166 = tpu.memref_slice %arg2[%add3A_85, %dma_wait3A_165] : memref<50176x128xi32, #tpu.memory_space<hbm>> -> memref<4x128xi32, #tpu.memory_space<hbm>>
        tpu.wait_dma2 semaphore(%run_scoped3A : memref<!tpu.dma_semaphore, #tpu.memory_space<semaphore_mem>>) src(%dma_wait3A_166 : memref<4x128xi32, #tpu.memory_space<hbm>>) dst(%dma_wait3A_164 : memref<4x128xi32, #tpu.memory_space<vmem>>)
        tpu.yield
      }) : () -> ()
      %scan3A_86 = arith.constant 0 : i32
      %scan3A_87 = arith.constant 0 : i32
      %scan3A_88 = arith.constant 196 : i32
      %scan3A_89 = arith.addi %scan3A_87, %scan3A_88 : i32
      %scan3A_90 = arith.constant 1 : i32
      scf.for %scan3A_147 = %scan3A_87 to %scan3A_89 step %scan3A_90  : i32 {
        %jit3A = arith.constant 2 : i32
        %eq3A = arith.constant 0 : i32
        %eq3A_148 = arith.cmpi eq, %jit3A, %eq3A : i32
        %jit3A_149 = arith.constant 1 : i32
        %select_n3A = arith.select %eq3A_148, %jit3A_149, %jit3A : i32
        %rem3A = arith.remsi %scan3A_147, %select_n3A : i32
        %ne3A = arith.constant 0 : i32
        %ne3A_150 = arith.cmpi ne, %rem3A, %ne3A : i32
        %lt3A = arith.constant 0 : i32
        %lt3A_151 = arith.cmpi slt, %rem3A, %lt3A : i32
        %lt3A_152 = arith.constant 0 : i32
        %lt3A_153 = arith.cmpi slt, %select_n3A, %lt3A_152 : i32
        %ne3A_154 = arith.xori %lt3A_151, %lt3A_153 : i1
        %and3A = arith.andi %ne3A_154, %ne3A_150 : i1
        %add3A_155 = arith.addi %rem3A, %select_n3A : i32
        %select_n3A_156 = arith.select %and3A, %add3A_155, %rem3A : i32
        %jit3A_157 = arith.constant 3 : i32
        %eq3A_158 = arith.constant 0 : i32
        %eq3A_159 = arith.cmpi eq, %jit3A_157, %eq3A_158 : i32
        %jit3A_160 = arith.constant 1 : i32
        %select_n3A_161 = arith.select %eq3A_159, %jit3A_160, %jit3A_157 : i32
        %rem3A_162 = arith.remsi %scan3A_147, %select_n3A_161 : i32
        %ne3A_163 = arith.constant 0 : i32
        %ne3A_164 = arith.cmpi ne, %rem3A_162, %ne3A_163 : i32
        %lt3A_165 = arith.constant 0 : i32
        %lt3A_166 = arith.cmpi slt, %rem3A_162, %lt3A_165 : i32
        %lt3A_167 = arith.constant 0 : i32
        %lt3A_168 = arith.cmpi slt, %select_n3A_161, %lt3A_167 : i32
        %ne3A_169 = arith.xori %lt3A_166, %lt3A_168 : i1
        %and3A_170 = arith.andi %ne3A_169, %ne3A_164 : i1
        %add3A_171 = arith.addi %rem3A_162, %select_n3A_161 : i32
        %select_n3A_172 = arith.select %and3A_170, %add3A_171, %rem3A_162 : i32
        %gt3A = arith.constant 0 : i32
        %gt3A_173 = arith.cmpi sgt, %scan3A_147, %gt3A : i32
        %convert_element_type3A = arith.extui %gt3A_173 : i1 to i32
        %cond3A = arith.constant 0 : i32
        %cond3A_174 = arith.cmpi ne, %convert_element_type3A, %cond3A : i32
        scf.if %cond3A_174 {
          %mul3A_329 = arith.constant 4 : i32
          %mul3A_330 = arith.muli %select_n3A_172, %mul3A_329 : i32
          %add3A_331 = arith.constant 0 : i32
          %add3A_332 = arith.addi %mul3A_330, %add3A_331 : i32
          %dma_wait3A_333 = arith.constant 0 : i32
          %dma_wait3A_334 = arith.constant 0 : i32
          %dma_wait3A_335 = arith.constant 0 : i32
          %dma_wait3A_336 = tpu.memref_slice %arg14[%dma_wait3A_333, %dma_wait3A_334, %dma_wait3A_335] : memref<8x128x16xf32, #tpu.memory_space<vmem>> -> memref<1x128x16xf32, #tpu.memory_space<vmem>>
          %dma_wait3A_337 = tpu.memref_squeeze %dma_wait3A_336 : memref<1x128x16xf32, #tpu.memory_space<vmem>> -> memref<128x16xf32, #tpu.memory_space<vmem>>
          %dma_wait3A_338 = arith.constant 0 : i32
          %dma_wait3A_339 = tpu.memref_slice %arg13[%add3A_332, %dma_wait3A_338] : memref<12x128xi32, #tpu.memory_space<vmem>> -> memref<1x128xi32, #tpu.memory_space<vmem>>
          %dma_wait3A_340 = tpu.memref_squeeze %dma_wait3A_339 : memref<1x128xi32, #tpu.memory_space<vmem>> -> memref<128xi32, #tpu.memory_space<vmem>>
          %dma_wait3A_341 = arith.constant 0 : i32
          %dma_wait3A_342 = arith.constant 0 : i32
          %dma_wait3A_343 = tpu.memref_slice %arg11[%dma_wait3A_341, %dma_wait3A_342] : memref<100352x16xf32, #tpu.memory_space<vmem_shared>> -> memref<100352x16xf32, #tpu.memory_space<vmem_shared>>
          tpu.wait_indirect_dma semaphore(%arg20 : memref<!tpu.dma_semaphore, #tpu.memory_space<semaphore_mem>>) src(%dma_wait3A_337 : memref<128x16xf32, #tpu.memory_space<vmem>>) dst(%dma_wait3A_343 : memref<100352x16xf32, #tpu.memory_space<vmem_shared>>)
          %mul3A_344 = arith.constant 4 : i32
          %mul3A_345 = arith.muli %select_n3A_172, %mul3A_344 : i32
          %add3A_346 = arith.constant 1 : i32
          %add3A_347 = arith.addi %mul3A_345, %add3A_346 : i32
          %dma_wait3A_348 = arith.constant 1 : i32
          %dma_wait3A_349 = arith.constant 0 : i32
          %dma_wait3A_350 = arith.constant 0 : i32
          %dma_wait3A_351 = tpu.memref_slice %arg14[%dma_wait3A_348, %dma_wait3A_349, %dma_wait3A_350] : memref<8x128x16xf32, #tpu.memory_space<vmem>> -> memref<1x128x16xf32, #tpu.memory_space<vmem>>
          %dma_wait3A_352 = tpu.memref_squeeze %dma_wait3A_351 : memref<1x128x16xf32, #tpu.memory_space<vmem>> -> memref<128x16xf32, #tpu.memory_space<vmem>>
          %dma_wait3A_353 = arith.constant 0 : i32
          %dma_wait3A_354 = tpu.memref_slice %arg13[%add3A_347, %dma_wait3A_353] : memref<12x128xi32, #tpu.memory_space<vmem>> -> memref<1x128xi32, #tpu.memory_space<vmem>>
          %dma_wait3A_355 = tpu.memref_squeeze %dma_wait3A_354 : memref<1x128xi32, #tpu.memory_space<vmem>> -> memref<128xi32, #tpu.memory_space<vmem>>
          %dma_wait3A_356 = arith.constant 0 : i32
          %dma_wait3A_357 = arith.constant 0 : i32
          %dma_wait3A_358 = tpu.memref_slice %arg11[%dma_wait3A_356, %dma_wait3A_357] : memref<100352x16xf32, #tpu.memory_space<vmem_shared>> -> memref<100352x16xf32, #tpu.memory_space<vmem_shared>>
          tpu.wait_indirect_dma semaphore(%arg20 : memref<!tpu.dma_semaphore, #tpu.memory_space<semaphore_mem>>) src(%dma_wait3A_352 : memref<128x16xf32, #tpu.memory_space<vmem>>) dst(%dma_wait3A_358 : memref<100352x16xf32, #tpu.memory_space<vmem_shared>>)
          %mul3A_359 = arith.constant 4 : i32
          %mul3A_360 = arith.muli %select_n3A_172, %mul3A_359 : i32
          %add3A_361 = arith.constant 2 : i32
          %add3A_362 = arith.addi %mul3A_360, %add3A_361 : i32
          %dma_wait3A_363 = arith.constant 2 : i32
          %dma_wait3A_364 = arith.constant 0 : i32
          %dma_wait3A_365 = arith.constant 0 : i32
          %dma_wait3A_366 = tpu.memref_slice %arg14[%dma_wait3A_363, %dma_wait3A_364, %dma_wait3A_365] : memref<8x128x16xf32, #tpu.memory_space<vmem>> -> memref<1x128x16xf32, #tpu.memory_space<vmem>>
          %dma_wait3A_367 = tpu.memref_squeeze %dma_wait3A_366 : memref<1x128x16xf32, #tpu.memory_space<vmem>> -> memref<128x16xf32, #tpu.memory_space<vmem>>
          %dma_wait3A_368 = arith.constant 0 : i32
          %dma_wait3A_369 = tpu.memref_slice %arg13[%add3A_362, %dma_wait3A_368] : memref<12x128xi32, #tpu.memory_space<vmem>> -> memref<1x128xi32, #tpu.memory_space<vmem>>
          %dma_wait3A_370 = tpu.memref_squeeze %dma_wait3A_369 : memref<1x128xi32, #tpu.memory_space<vmem>> -> memref<128xi32, #tpu.memory_space<vmem>>
          %dma_wait3A_371 = arith.constant 0 : i32
          %dma_wait3A_372 = arith.constant 0 : i32
          %dma_wait3A_373 = tpu.memref_slice %arg11[%dma_wait3A_371, %dma_wait3A_372] : memref<100352x16xf32, #tpu.memory_space<vmem_shared>> -> memref<100352x16xf32, #tpu.memory_space<vmem_shared>>
          tpu.wait_indirect_dma semaphore(%arg20 : memref<!tpu.dma_semaphore, #tpu.memory_space<semaphore_mem>>) src(%dma_wait3A_367 : memref<128x16xf32, #tpu.memory_space<vmem>>) dst(%dma_wait3A_373 : memref<100352x16xf32, #tpu.memory_space<vmem_shared>>)
          %mul3A_374 = arith.constant 4 : i32
          %mul3A_375 = arith.muli %select_n3A_172, %mul3A_374 : i32
          %add3A_376 = arith.constant 3 : i32
          %add3A_377 = arith.addi %mul3A_375, %add3A_376 : i32
          %dma_wait3A_378 = arith.constant 3 : i32
          %dma_wait3A_379 = arith.constant 0 : i32
          %dma_wait3A_380 = arith.constant 0 : i32
          %dma_wait3A_381 = tpu.memref_slice %arg14[%dma_wait3A_378, %dma_wait3A_379, %dma_wait3A_380] : memref<8x128x16xf32, #tpu.memory_space<vmem>> -> memref<1x128x16xf32, #tpu.memory_space<vmem>>
          %dma_wait3A_382 = tpu.memref_squeeze %dma_wait3A_381 : memref<1x128x16xf32, #tpu.memory_space<vmem>> -> memref<128x16xf32, #tpu.memory_space<vmem>>
          %dma_wait3A_383 = arith.constant 0 : i32
          %dma_wait3A_384 = tpu.memref_slice %arg13[%add3A_377, %dma_wait3A_383] : memref<12x128xi32, #tpu.memory_space<vmem>> -> memref<1x128xi32, #tpu.memory_space<vmem>>
          %dma_wait3A_385 = tpu.memref_squeeze %dma_wait3A_384 : memref<1x128xi32, #tpu.memory_space<vmem>> -> memref<128xi32, #tpu.memory_space<vmem>>
          %dma_wait3A_386 = arith.constant 0 : i32
          %dma_wait3A_387 = arith.constant 0 : i32
          %dma_wait3A_388 = tpu.memref_slice %arg11[%dma_wait3A_386, %dma_wait3A_387] : memref<100352x16xf32, #tpu.memory_space<vmem_shared>> -> memref<100352x16xf32, #tpu.memory_space<vmem_shared>>
          tpu.wait_indirect_dma semaphore(%arg20 : memref<!tpu.dma_semaphore, #tpu.memory_space<semaphore_mem>>) src(%dma_wait3A_382 : memref<128x16xf32, #tpu.memory_space<vmem>>) dst(%dma_wait3A_388 : memref<100352x16xf32, #tpu.memory_space<vmem_shared>>)
        } else {
        }
        %mul3A_175 = arith.constant 4 : i32
        %mul3A_176 = arith.muli %select_n3A_172, %mul3A_175 : i32
        %add3A_177 = arith.constant 0 : i32
        %add3A_178 = arith.addi %mul3A_176, %add3A_177 : i32
        %mul3A_179 = arith.constant 4 : i32
        %mul3A_180 = arith.muli %select_n3A_156, %mul3A_179 : i32
        %add3A_181 = arith.constant 0 : i32
        %add3A_182 = arith.addi %mul3A_180, %add3A_181 : i32
        %dma_wait3A_183 = arith.constant 0 : i32
        %dma_wait3A_184 = arith.constant 0 : i32
        %dma_wait3A_185 = tpu.memref_slice %arg14[%add3A_182, %dma_wait3A_183, %dma_wait3A_184] : memref<8x128x16xf32, #tpu.memory_space<vmem>> -> memref<1x128x16xf32, #tpu.memory_space<vmem>>
        %dma_wait3A_186 = tpu.memref_squeeze %dma_wait3A_185 : memref<1x128x16xf32, #tpu.memory_space<vmem>> -> memref<128x16xf32, #tpu.memory_space<vmem>>
        %dma_wait3A_187 = arith.constant 0 : i32
        %dma_wait3A_188 = tpu.memref_slice %arg12[%add3A_178, %dma_wait3A_187] : memref<12x128xi32, #tpu.memory_space<vmem>> -> memref<1x128xi32, #tpu.memory_space<vmem>>
        %dma_wait3A_189 = tpu.memref_squeeze %dma_wait3A_188 : memref<1x128xi32, #tpu.memory_space<vmem>> -> memref<128xi32, #tpu.memory_space<vmem>>
        %dma_wait3A_190 = arith.constant 0 : i32
        %dma_wait3A_191 = arith.constant 0 : i32
        %dma_wait3A_192 = tpu.memref_slice %arg10[%dma_wait3A_190, %dma_wait3A_191] : memref<401408x16xf32, #tpu.memory_space<hbm>> -> memref<401408x16xf32, #tpu.memory_space<hbm>>
        tpu.wait_indirect_dma semaphore(%arg19 : memref<!tpu.dma_semaphore, #tpu.memory_space<semaphore_mem>>) src(%dma_wait3A_192 : memref<401408x16xf32, #tpu.memory_space<hbm>>) dst(%dma_wait3A_186 : memref<128x16xf32, #tpu.memory_space<vmem>>)
        %mul3A_193 = arith.constant 4 : i32
        %mul3A_194 = arith.muli %select_n3A_156, %mul3A_193 : i32
        %add3A_195 = arith.constant 0 : i32
        %add3A_196 = arith.addi %mul3A_194, %add3A_195 : i32
        %mul3A_197 = arith.constant 4 : i32
        %mul3A_198 = arith.muli %select_n3A_172, %mul3A_197 : i32
        %add3A_199 = arith.constant 0 : i32
        %add3A_200 = arith.addi %mul3A_198, %add3A_199 : i32
        %dma_start3A_201 = arith.constant 0 : i32
        %dma_start3A_202 = arith.constant 0 : i32
        %dma_start3A_203 = tpu.memref_slice %arg14[%add3A_196, %dma_start3A_201, %dma_start3A_202] : memref<8x128x16xf32, #tpu.memory_space<vmem>> -> memref<1x128x16xf32, #tpu.memory_space<vmem>>
        %dma_start3A_204 = tpu.memref_squeeze %dma_start3A_203 : memref<1x128x16xf32, #tpu.memory_space<vmem>> -> memref<128x16xf32, #tpu.memory_space<vmem>>
        %dma_start3A_205 = arith.constant 0 : i32
        %dma_start3A_206 = tpu.memref_slice %arg13[%add3A_200, %dma_start3A_205] : memref<12x128xi32, #tpu.memory_space<vmem>> -> memref<1x128xi32, #tpu.memory_space<vmem>>
        %dma_start3A_207 = tpu.memref_squeeze %dma_start3A_206 : memref<1x128xi32, #tpu.memory_space<vmem>> -> memref<128xi32, #tpu.memory_space<vmem>>
        %dma_start3A_208 = arith.constant 0 : i32
        %dma_start3A_209 = arith.constant 0 : i32
        %dma_start3A_210 = tpu.memref_slice %arg11[%dma_start3A_208, %dma_start3A_209] : memref<100352x16xf32, #tpu.memory_space<vmem_shared>> -> memref<100352x16xf32, #tpu.memory_space<vmem_shared>>
        tpu.enqueue_indirect_dma source(%dma_start3A_204 : memref<128x16xf32, #tpu.memory_space<vmem>>) target(%dma_start3A_210 : memref<100352x16xf32, #tpu.memory_space<vmem_shared>>) offsets(%dma_start3A_207 : memref<128xi32, #tpu.memory_space<vmem>>) semaphore(%arg20 : memref<!tpu.dma_semaphore, #tpu.memory_space<semaphore_mem>>) {add = true}
        %mul3A_211 = arith.constant 4 : i32
        %mul3A_212 = arith.muli %select_n3A_172, %mul3A_211 : i32
        %add3A_213 = arith.constant 1 : i32
        %add3A_214 = arith.addi %mul3A_212, %add3A_213 : i32
        %mul3A_215 = arith.constant 4 : i32
        %mul3A_216 = arith.muli %select_n3A_156, %mul3A_215 : i32
        %add3A_217 = arith.constant 1 : i32
        %add3A_218 = arith.addi %mul3A_216, %add3A_217 : i32
        %dma_wait3A_219 = arith.constant 0 : i32
        %dma_wait3A_220 = arith.constant 0 : i32
        %dma_wait3A_221 = tpu.memref_slice %arg14[%add3A_218, %dma_wait3A_219, %dma_wait3A_220] : memref<8x128x16xf32, #tpu.memory_space<vmem>> -> memref<1x128x16xf32, #tpu.memory_space<vmem>>
        %dma_wait3A_222 = tpu.memref_squeeze %dma_wait3A_221 : memref<1x128x16xf32, #tpu.memory_space<vmem>> -> memref<128x16xf32, #tpu.memory_space<vmem>>
        %dma_wait3A_223 = arith.constant 0 : i32
        %dma_wait3A_224 = tpu.memref_slice %arg12[%add3A_214, %dma_wait3A_223] : memref<12x128xi32, #tpu.memory_space<vmem>> -> memref<1x128xi32, #tpu.memory_space<vmem>>
        %dma_wait3A_225 = tpu.memref_squeeze %dma_wait3A_224 : memref<1x128xi32, #tpu.memory_space<vmem>> -> memref<128xi32, #tpu.memory_space<vmem>>
        %dma_wait3A_226 = arith.constant 0 : i32
        %dma_wait3A_227 = arith.constant 0 : i32
        %dma_wait3A_228 = tpu.memref_slice %arg10[%dma_wait3A_226, %dma_wait3A_227] : memref<401408x16xf32, #tpu.memory_space<hbm>> -> memref<401408x16xf32, #tpu.memory_space<hbm>>
        tpu.wait_indirect_dma semaphore(%arg19 : memref<!tpu.dma_semaphore, #tpu.memory_space<semaphore_mem>>) src(%dma_wait3A_228 : memref<401408x16xf32, #tpu.memory_space<hbm>>) dst(%dma_wait3A_222 : memref<128x16xf32, #tpu.memory_space<vmem>>)
        %mul3A_229 = arith.constant 4 : i32
        %mul3A_230 = arith.muli %select_n3A_156, %mul3A_229 : i32
        %add3A_231 = arith.constant 1 : i32
        %add3A_232 = arith.addi %mul3A_230, %add3A_231 : i32
        %mul3A_233 = arith.constant 4 : i32
        %mul3A_234 = arith.muli %select_n3A_172, %mul3A_233 : i32
        %add3A_235 = arith.constant 1 : i32
        %add3A_236 = arith.addi %mul3A_234, %add3A_235 : i32
        %dma_start3A_237 = arith.constant 0 : i32
        %dma_start3A_238 = arith.constant 0 : i32
        %dma_start3A_239 = tpu.memref_slice %arg14[%add3A_232, %dma_start3A_237, %dma_start3A_238] : memref<8x128x16xf32, #tpu.memory_space<vmem>> -> memref<1x128x16xf32, #tpu.memory_space<vmem>>
        %dma_start3A_240 = tpu.memref_squeeze %dma_start3A_239 : memref<1x128x16xf32, #tpu.memory_space<vmem>> -> memref<128x16xf32, #tpu.memory_space<vmem>>
        %dma_start3A_241 = arith.constant 0 : i32
        %dma_start3A_242 = tpu.memref_slice %arg13[%add3A_236, %dma_start3A_241] : memref<12x128xi32, #tpu.memory_space<vmem>> -> memref<1x128xi32, #tpu.memory_space<vmem>>
        %dma_start3A_243 = tpu.memref_squeeze %dma_start3A_242 : memref<1x128xi32, #tpu.memory_space<vmem>> -> memref<128xi32, #tpu.memory_space<vmem>>
        %dma_start3A_244 = arith.constant 0 : i32
        %dma_start3A_245 = arith.constant 0 : i32
        %dma_start3A_246 = tpu.memref_slice %arg11[%dma_start3A_244, %dma_start3A_245] : memref<100352x16xf32, #tpu.memory_space<vmem_shared>> -> memref<100352x16xf32, #tpu.memory_space<vmem_shared>>
        tpu.enqueue_indirect_dma source(%dma_start3A_240 : memref<128x16xf32, #tpu.memory_space<vmem>>) target(%dma_start3A_246 : memref<100352x16xf32, #tpu.memory_space<vmem_shared>>) offsets(%dma_start3A_243 : memref<128xi32, #tpu.memory_space<vmem>>) semaphore(%arg20 : memref<!tpu.dma_semaphore, #tpu.memory_space<semaphore_mem>>) {add = true}
        %mul3A_247 = arith.constant 4 : i32
        %mul3A_248 = arith.muli %select_n3A_172, %mul3A_247 : i32
        %add3A_249 = arith.constant 2 : i32
        %add3A_250 = arith.addi %mul3A_248, %add3A_249 : i32
        %mul3A_251 = arith.constant 4 : i32
        %mul3A_252 = arith.muli %select_n3A_156, %mul3A_251 : i32
        %add3A_253 = arith.constant 2 : i32
        %add3A_254 = arith.addi %mul3A_252, %add3A_253 : i32
        %dma_wait3A_255 = arith.constant 0 : i32
        %dma_wait3A_256 = arith.constant 0 : i32
        %dma_wait3A_257 = tpu.memref_slice %arg14[%add3A_254, %dma_wait3A_255, %dma_wait3A_256] : memref<8x128x16xf32, #tpu.memory_space<vmem>> -> memref<1x128x16xf32, #tpu.memory_space<vmem>>
        %dma_wait3A_258 = tpu.memref_squeeze %dma_wait3A_257 : memref<1x128x16xf32, #tpu.memory_space<vmem>> -> memref<128x16xf32, #tpu.memory_space<vmem>>
        %dma_wait3A_259 = arith.constant 0 : i32
        %dma_wait3A_260 = tpu.memref_slice %arg12[%add3A_250, %dma_wait3A_259] : memref<12x128xi32, #tpu.memory_space<vmem>> -> memref<1x128xi32, #tpu.memory_space<vmem>>
        %dma_wait3A_261 = tpu.memref_squeeze %dma_wait3A_260 : memref<1x128xi32, #tpu.memory_space<vmem>> -> memref<128xi32, #tpu.memory_space<vmem>>
        %dma_wait3A_262 = arith.constant 0 : i32
        %dma_wait3A_263 = arith.constant 0 : i32
        %dma_wait3A_264 = tpu.memref_slice %arg10[%dma_wait3A_262, %dma_wait3A_263] : memref<401408x16xf32, #tpu.memory_space<hbm>> -> memref<401408x16xf32, #tpu.memory_space<hbm>>
        tpu.wait_indirect_dma semaphore(%arg19 : memref<!tpu.dma_semaphore, #tpu.memory_space<semaphore_mem>>) src(%dma_wait3A_264 : memref<401408x16xf32, #tpu.memory_space<hbm>>) dst(%dma_wait3A_258 : memref<128x16xf32, #tpu.memory_space<vmem>>)
        %mul3A_265 = arith.constant 4 : i32
        %mul3A_266 = arith.muli %select_n3A_156, %mul3A_265 : i32
        %add3A_267 = arith.constant 2 : i32
        %add3A_268 = arith.addi %mul3A_266, %add3A_267 : i32
        %mul3A_269 = arith.constant 4 : i32
        %mul3A_270 = arith.muli %select_n3A_172, %mul3A_269 : i32
        %add3A_271 = arith.constant 2 : i32
        %add3A_272 = arith.addi %mul3A_270, %add3A_271 : i32
        %dma_start3A_273 = arith.constant 0 : i32
        %dma_start3A_274 = arith.constant 0 : i32
        %dma_start3A_275 = tpu.memref_slice %arg14[%add3A_268, %dma_start3A_273, %dma_start3A_274] : memref<8x128x16xf32, #tpu.memory_space<vmem>> -> memref<1x128x16xf32, #tpu.memory_space<vmem>>
        %dma_start3A_276 = tpu.memref_squeeze %dma_start3A_275 : memref<1x128x16xf32, #tpu.memory_space<vmem>> -> memref<128x16xf32, #tpu.memory_space<vmem>>
        %dma_start3A_277 = arith.constant 0 : i32
        %dma_start3A_278 = tpu.memref_slice %arg13[%add3A_272, %dma_start3A_277] : memref<12x128xi32, #tpu.memory_space<vmem>> -> memref<1x128xi32, #tpu.memory_space<vmem>>
        %dma_start3A_279 = tpu.memref_squeeze %dma_start3A_278 : memref<1x128xi32, #tpu.memory_space<vmem>> -> memref<128xi32, #tpu.memory_space<vmem>>
        %dma_start3A_280 = arith.constant 0 : i32
        %dma_start3A_281 = arith.constant 0 : i32
        %dma_start3A_282 = tpu.memref_slice %arg11[%dma_start3A_280, %dma_start3A_281] : memref<100352x16xf32, #tpu.memory_space<vmem_shared>> -> memref<100352x16xf32, #tpu.memory_space<vmem_shared>>
        tpu.enqueue_indirect_dma source(%dma_start3A_276 : memref<128x16xf32, #tpu.memory_space<vmem>>) target(%dma_start3A_282 : memref<100352x16xf32, #tpu.memory_space<vmem_shared>>) offsets(%dma_start3A_279 : memref<128xi32, #tpu.memory_space<vmem>>) semaphore(%arg20 : memref<!tpu.dma_semaphore, #tpu.memory_space<semaphore_mem>>) {add = true}
        %mul3A_283 = arith.constant 4 : i32
        %mul3A_284 = arith.muli %select_n3A_172, %mul3A_283 : i32
        %add3A_285 = arith.constant 3 : i32
        %add3A_286 = arith.addi %mul3A_284, %add3A_285 : i32
        %mul3A_287 = arith.constant 4 : i32
        %mul3A_288 = arith.muli %select_n3A_156, %mul3A_287 : i32
        %add3A_289 = arith.constant 3 : i32
        %add3A_290 = arith.addi %mul3A_288, %add3A_289 : i32
        %dma_wait3A_291 = arith.constant 0 : i32
        %dma_wait3A_292 = arith.constant 0 : i32
        %dma_wait3A_293 = tpu.memref_slice %arg14[%add3A_290, %dma_wait3A_291, %dma_wait3A_292] : memref<8x128x16xf32, #tpu.memory_space<vmem>> -> memref<1x128x16xf32, #tpu.memory_space<vmem>>
        %dma_wait3A_294 = tpu.memref_squeeze %dma_wait3A_293 : memref<1x128x16xf32, #tpu.memory_space<vmem>> -> memref<128x16xf32, #tpu.memory_space<vmem>>
        %dma_wait3A_295 = arith.constant 0 : i32
        %dma_wait3A_296 = tpu.memref_slice %arg12[%add3A_286, %dma_wait3A_295] : memref<12x128xi32, #tpu.memory_space<vmem>> -> memref<1x128xi32, #tpu.memory_space<vmem>>
        %dma_wait3A_297 = tpu.memref_squeeze %dma_wait3A_296 : memref<1x128xi32, #tpu.memory_space<vmem>> -> memref<128xi32, #tpu.memory_space<vmem>>
        %dma_wait3A_298 = arith.constant 0 : i32
        %dma_wait3A_299 = arith.constant 0 : i32
        %dma_wait3A_300 = tpu.memref_slice %arg10[%dma_wait3A_298, %dma_wait3A_299] : memref<401408x16xf32, #tpu.memory_space<hbm>> -> memref<401408x16xf32, #tpu.memory_space<hbm>>
        tpu.wait_indirect_dma semaphore(%arg19 : memref<!tpu.dma_semaphore, #tpu.memory_space<semaphore_mem>>) src(%dma_wait3A_300 : memref<401408x16xf32, #tpu.memory_space<hbm>>) dst(%dma_wait3A_294 : memref<128x16xf32, #tpu.memory_space<vmem>>)
        %mul3A_301 = arith.constant 4 : i32
        %mul3A_302 = arith.muli %select_n3A_156, %mul3A_301 : i32
        %add3A_303 = arith.constant 3 : i32
        %add3A_304 = arith.addi %mul3A_302, %add3A_303 : i32
        %mul3A_305 = arith.constant 4 : i32
        %mul3A_306 = arith.muli %select_n3A_172, %mul3A_305 : i32
        %add3A_307 = arith.constant 3 : i32
        %add3A_308 = arith.addi %mul3A_306, %add3A_307 : i32
        %dma_start3A_309 = arith.constant 0 : i32
        %dma_start3A_310 = arith.constant 0 : i32
        %dma_start3A_311 = tpu.memref_slice %arg14[%add3A_304, %dma_start3A_309, %dma_start3A_310] : memref<8x128x16xf32, #tpu.memory_space<vmem>> -> memref<1x128x16xf32, #tpu.memory_space<vmem>>
        %dma_start3A_312 = tpu.memref_squeeze %dma_start3A_311 : memref<1x128x16xf32, #tpu.memory_space<vmem>> -> memref<128x16xf32, #tpu.memory_space<vmem>>
        %dma_start3A_313 = arith.constant 0 : i32
        %dma_start3A_314 = tpu.memref_slice %arg13[%add3A_308, %dma_start3A_313] : memref<12x128xi32, #tpu.memory_space<vmem>> -> memref<1x128xi32, #tpu.memory_space<vmem>>
        %dma_start3A_315 = tpu.memref_squeeze %dma_start3A_314 : memref<1x128xi32, #tpu.memory_space<vmem>> -> memref<128xi32, #tpu.memory_space<vmem>>
        %dma_start3A_316 = arith.constant 0 : i32
        %dma_start3A_317 = arith.constant 0 : i32
        %dma_start3A_318 = tpu.memref_slice %arg11[%dma_start3A_316, %dma_start3A_317] : memref<100352x16xf32, #tpu.memory_space<vmem_shared>> -> memref<100352x16xf32, #tpu.memory_space<vmem_shared>>
        tpu.enqueue_indirect_dma source(%dma_start3A_312 : memref<128x16xf32, #tpu.memory_space<vmem>>) target(%dma_start3A_318 : memref<100352x16xf32, #tpu.memory_space<vmem_shared>>) offsets(%dma_start3A_315 : memref<128xi32, #tpu.memory_space<vmem>>) semaphore(%arg20 : memref<!tpu.dma_semaphore, #tpu.memory_space<semaphore_mem>>) {add = true}
        %lt3A_319 = arith.constant 195 : i32
        %lt3A_320 = arith.cmpi slt, %scan3A_147, %lt3A_319 : i32
        %convert_element_type3A_321 = arith.extui %lt3A_320 : i1 to i32
        %cond3A_322 = arith.constant 0 : i32
        %cond3A_323 = arith.cmpi ne, %convert_element_type3A_321, %cond3A_322 : i32
        scf.if %cond3A_323 {
          %add3A_329 = arith.constant 1 : i32
          %add3A_330 = arith.addi %scan3A_147, %add3A_329 : i32
          %jit3A_331 = arith.constant 3 : i32
          %eq3A_332 = arith.constant 0 : i32
          %eq3A_333 = arith.cmpi eq, %jit3A_331, %eq3A_332 : i32
          %jit3A_334 = arith.constant 1 : i32
          %select_n3A_335 = arith.select %eq3A_333, %jit3A_334, %jit3A_331 : i32
          %rem3A_336 = arith.remsi %add3A_330, %select_n3A_335 : i32
          %ne3A_337 = arith.constant 0 : i32
          %ne3A_338 = arith.cmpi ne, %rem3A_336, %ne3A_337 : i32
          %lt3A_339 = arith.constant 0 : i32
          %lt3A_340 = arith.cmpi slt, %rem3A_336, %lt3A_339 : i32
          %lt3A_341 = arith.constant 0 : i32
          %lt3A_342 = arith.cmpi slt, %select_n3A_335, %lt3A_341 : i32
          %ne3A_343 = arith.xori %lt3A_340, %lt3A_342 : i1
          %and3A_344 = arith.andi %ne3A_343, %ne3A_338 : i1
          %add3A_345 = arith.addi %rem3A_336, %select_n3A_335 : i32
          %select_n3A_346 = arith.select %and3A_344, %add3A_345, %rem3A_336 : i32
          %sub3A = arith.constant 1 : i32
          %sub3A_347 = arith.subi %sub3A, %select_n3A_156 : i32
          %mul3A_348 = arith.constant 4 : i32
          %mul3A_349 = arith.muli %select_n3A_346, %mul3A_348 : i32
          %add3A_350 = arith.constant 0 : i32
          %add3A_351 = arith.addi %mul3A_349, %add3A_350 : i32
          %mul3A_352 = arith.constant 4 : i32
          %mul3A_353 = arith.muli %sub3A_347, %mul3A_352 : i32
          %add3A_354 = arith.constant 0 : i32
          %add3A_355 = arith.addi %mul3A_353, %add3A_354 : i32
          %dma_start3A_356 = arith.constant 0 : i32
          %dma_start3A_357 = arith.constant 0 : i32
          %dma_start3A_358 = tpu.memref_slice %arg14[%add3A_355, %dma_start3A_356, %dma_start3A_357] : memref<8x128x16xf32, #tpu.memory_space<vmem>> -> memref<1x128x16xf32, #tpu.memory_space<vmem>>
          %dma_start3A_359 = tpu.memref_squeeze %dma_start3A_358 : memref<1x128x16xf32, #tpu.memory_space<vmem>> -> memref<128x16xf32, #tpu.memory_space<vmem>>
          %dma_start3A_360 = arith.constant 0 : i32
          %dma_start3A_361 = tpu.memref_slice %arg12[%add3A_351, %dma_start3A_360] : memref<12x128xi32, #tpu.memory_space<vmem>> -> memref<1x128xi32, #tpu.memory_space<vmem>>
          %dma_start3A_362 = tpu.memref_squeeze %dma_start3A_361 : memref<1x128xi32, #tpu.memory_space<vmem>> -> memref<128xi32, #tpu.memory_space<vmem>>
          %dma_start3A_363 = arith.constant 0 : i32
          %dma_start3A_364 = arith.constant 0 : i32
          %dma_start3A_365 = tpu.memref_slice %arg10[%dma_start3A_363, %dma_start3A_364] : memref<401408x16xf32, #tpu.memory_space<hbm>> -> memref<401408x16xf32, #tpu.memory_space<hbm>>
          tpu.enqueue_indirect_dma source(%dma_start3A_365 : memref<401408x16xf32, #tpu.memory_space<hbm>>) target(%dma_start3A_359 : memref<128x16xf32, #tpu.memory_space<vmem>>) offsets(%dma_start3A_362 : memref<128xi32, #tpu.memory_space<vmem>>) semaphore(%arg19 : memref<!tpu.dma_semaphore, #tpu.memory_space<semaphore_mem>>)
          %mul3A_366 = arith.constant 4 : i32
          %mul3A_367 = arith.muli %select_n3A_346, %mul3A_366 : i32
          %add3A_368 = arith.constant 1 : i32
          %add3A_369 = arith.addi %mul3A_367, %add3A_368 : i32
          %mul3A_370 = arith.constant 4 : i32
          %mul3A_371 = arith.muli %sub3A_347, %mul3A_370 : i32
          %add3A_372 = arith.constant 1 : i32
          %add3A_373 = arith.addi %mul3A_371, %add3A_372 : i32
          %dma_start3A_374 = arith.constant 0 : i32
          %dma_start3A_375 = arith.constant 0 : i32
          %dma_start3A_376 = tpu.memref_slice %arg14[%add3A_373, %dma_start3A_374, %dma_start3A_375] : memref<8x128x16xf32, #tpu.memory_space<vmem>> -> memref<1x128x16xf32, #tpu.memory_space<vmem>>
          %dma_start3A_377 = tpu.memref_squeeze %dma_start3A_376 : memref<1x128x16xf32, #tpu.memory_space<vmem>> -> memref<128x16xf32, #tpu.memory_space<vmem>>
          %dma_start3A_378 = arith.constant 0 : i32
          %dma_start3A_379 = tpu.memref_slice %arg12[%add3A_369, %dma_start3A_378] : memref<12x128xi32, #tpu.memory_space<vmem>> -> memref<1x128xi32, #tpu.memory_space<vmem>>
          %dma_start3A_380 = tpu.memref_squeeze %dma_start3A_379 : memref<1x128xi32, #tpu.memory_space<vmem>> -> memref<128xi32, #tpu.memory_space<vmem>>
          %dma_start3A_381 = arith.constant 0 : i32
          %dma_start3A_382 = arith.constant 0 : i32
          %dma_start3A_383 = tpu.memref_slice %arg10[%dma_start3A_381, %dma_start3A_382] : memref<401408x16xf32, #tpu.memory_space<hbm>> -> memref<401408x16xf32, #tpu.memory_space<hbm>>
          tpu.enqueue_indirect_dma source(%dma_start3A_383 : memref<401408x16xf32, #tpu.memory_space<hbm>>) target(%dma_start3A_377 : memref<128x16xf32, #tpu.memory_space<vmem>>) offsets(%dma_start3A_380 : memref<128xi32, #tpu.memory_space<vmem>>) semaphore(%arg19 : memref<!tpu.dma_semaphore, #tpu.memory_space<semaphore_mem>>)
          %mul3A_384 = arith.constant 4 : i32
          %mul3A_385 = arith.muli %select_n3A_346, %mul3A_384 : i32
          %add3A_386 = arith.constant 2 : i32
          %add3A_387 = arith.addi %mul3A_385, %add3A_386 : i32
          %mul3A_388 = arith.constant 4 : i32
          %mul3A_389 = arith.muli %sub3A_347, %mul3A_388 : i32
          %add3A_390 = arith.constant 2 : i32
          %add3A_391 = arith.addi %mul3A_389, %add3A_390 : i32
          %dma_start3A_392 = arith.constant 0 : i32
          %dma_start3A_393 = arith.constant 0 : i32
          %dma_start3A_394 = tpu.memref_slice %arg14[%add3A_391, %dma_start3A_392, %dma_start3A_393] : memref<8x128x16xf32, #tpu.memory_space<vmem>> -> memref<1x128x16xf32, #tpu.memory_space<vmem>>
          %dma_start3A_395 = tpu.memref_squeeze %dma_start3A_394 : memref<1x128x16xf32, #tpu.memory_space<vmem>> -> memref<128x16xf32, #tpu.memory_space<vmem>>
          %dma_start3A_396 = arith.constant 0 : i32
          %dma_start3A_397 = tpu.memref_slice %arg12[%add3A_387, %dma_start3A_396] : memref<12x128xi32, #tpu.memory_space<vmem>> -> memref<1x128xi32, #tpu.memory_space<vmem>>
          %dma_start3A_398 = tpu.memref_squeeze %dma_start3A_397 : memref<1x128xi32, #tpu.memory_space<vmem>> -> memref<128xi32, #tpu.memory_space<vmem>>
          %dma_start3A_399 = arith.constant 0 : i32
          %dma_start3A_400 = arith.constant 0 : i32
          %dma_start3A_401 = tpu.memref_slice %arg10[%dma_start3A_399, %dma_start3A_400] : memref<401408x16xf32, #tpu.memory_space<hbm>> -> memref<401408x16xf32, #tpu.memory_space<hbm>>
          tpu.enqueue_indirect_dma source(%dma_start3A_401 : memref<401408x16xf32, #tpu.memory_space<hbm>>) target(%dma_start3A_395 : memref<128x16xf32, #tpu.memory_space<vmem>>) offsets(%dma_start3A_398 : memref<128xi32, #tpu.memory_space<vmem>>) semaphore(%arg19 : memref<!tpu.dma_semaphore, #tpu.memory_space<semaphore_mem>>)
          %mul3A_402 = arith.constant 4 : i32
          %mul3A_403 = arith.muli %select_n3A_346, %mul3A_402 : i32
          %add3A_404 = arith.constant 3 : i32
          %add3A_405 = arith.addi %mul3A_403, %add3A_404 : i32
          %mul3A_406 = arith.constant 4 : i32
          %mul3A_407 = arith.muli %sub3A_347, %mul3A_406 : i32
          %add3A_408 = arith.constant 3 : i32
          %add3A_409 = arith.addi %mul3A_407, %add3A_408 : i32
          %dma_start3A_410 = arith.constant 0 : i32
          %dma_start3A_411 = arith.constant 0 : i32
          %dma_start3A_412 = tpu.memref_slice %arg14[%add3A_409, %dma_start3A_410, %dma_start3A_411] : memref<8x128x16xf32, #tpu.memory_space<vmem>> -> memref<1x128x16xf32, #tpu.memory_space<vmem>>
          %dma_start3A_413 = tpu.memref_squeeze %dma_start3A_412 : memref<1x128x16xf32, #tpu.memory_space<vmem>> -> memref<128x16xf32, #tpu.memory_space<vmem>>
          %dma_start3A_414 = arith.constant 0 : i32
          %dma_start3A_415 = tpu.memref_slice %arg12[%add3A_405, %dma_start3A_414] : memref<12x128xi32, #tpu.memory_space<vmem>> -> memref<1x128xi32, #tpu.memory_space<vmem>>
          %dma_start3A_416 = tpu.memref_squeeze %dma_start3A_415 : memref<1x128xi32, #tpu.memory_space<vmem>> -> memref<128xi32, #tpu.memory_space<vmem>>
          %dma_start3A_417 = arith.constant 0 : i32
          %dma_start3A_418 = arith.constant 0 : i32
          %dma_start3A_419 = tpu.memref_slice %arg10[%dma_start3A_417, %dma_start3A_418] : memref<401408x16xf32, #tpu.memory_space<hbm>> -> memref<401408x16xf32, #tpu.memory_space<hbm>>
          tpu.enqueue_indirect_dma source(%dma_start3A_419 : memref<401408x16xf32, #tpu.memory_space<hbm>>) target(%dma_start3A_413 : memref<128x16xf32, #tpu.memory_space<vmem>>) offsets(%dma_start3A_416 : memref<128xi32, #tpu.memory_space<vmem>>) semaphore(%arg19 : memref<!tpu.dma_semaphore, #tpu.memory_space<semaphore_mem>>)
        } else {
        }
        %lt3A_324 = arith.constant 194 : i32
        %lt3A_325 = arith.cmpi slt, %scan3A_147, %lt3A_324 : i32
        %convert_element_type3A_326 = arith.extui %lt3A_325 : i1 to i32
        %cond3A_327 = arith.constant 0 : i32
        %cond3A_328 = arith.cmpi ne, %convert_element_type3A_326, %cond3A_327 : i32
        scf.if %cond3A_328 {
          %add3A_329 = arith.constant 2 : i32
          %add3A_330 = arith.addi %scan3A_147, %add3A_329 : i32
          %add3A_331 = arith.constant 2 : i32
          %add3A_332 = arith.addi %scan3A_147, %add3A_331 : i32
          %jit3A_333 = arith.constant 3 : i32
          %eq3A_334 = arith.constant 0 : i32
          %eq3A_335 = arith.cmpi eq, %jit3A_333, %eq3A_334 : i32
          %jit3A_336 = arith.constant 1 : i32
          %select_n3A_337 = arith.select %eq3A_335, %jit3A_336, %jit3A_333 : i32
          %rem3A_338 = arith.remsi %add3A_332, %select_n3A_337 : i32
          %ne3A_339 = arith.constant 0 : i32
          %ne3A_340 = arith.cmpi ne, %rem3A_338, %ne3A_339 : i32
          %lt3A_341 = arith.constant 0 : i32
          %lt3A_342 = arith.cmpi slt, %rem3A_338, %lt3A_341 : i32
          %lt3A_343 = arith.constant 0 : i32
          %lt3A_344 = arith.cmpi slt, %select_n3A_337, %lt3A_343 : i32
          %ne3A_345 = arith.xori %lt3A_342, %lt3A_344 : i1
          %and3A_346 = arith.andi %ne3A_345, %ne3A_340 : i1
          %add3A_347 = arith.addi %rem3A_338, %select_n3A_337 : i32
          %select_n3A_348 = arith.select %and3A_346, %add3A_347, %rem3A_338 : i32
          %mul3A_349 = arith.constant 784 : i32
          %mul3A_350 = arith.muli %arg1, %mul3A_349 : i32
          %mul3A_351 = arith.constant 4 : i32
          %mul3A_352 = arith.muli %add3A_330, %mul3A_351 : i32
          %add3A_353 = arith.addi %mul3A_350, %mul3A_352 : i32
          %mul3A_354 = arith.constant 4 : i32
          %mul3A_355 = arith.muli %select_n3A_348, %mul3A_354 : i32
          "tpu.region"() ({
            %run_scoped3A = tpu.sem_alloc : memref<!tpu.dma_semaphore, #tpu.memory_space<semaphore_mem>>
            %dma_start3A_361 = arith.constant 0 : i32
            %dma_start3A_362 = tpu.memref_slice %arg13[%mul3A_355, %dma_start3A_361] : memref<12x128xi32, #tpu.memory_space<vmem>> -> memref<4x128xi32, #tpu.memory_space<vmem>>
            %dma_start3A_363 = arith.constant 0 : i32
            %dma_start3A_364 = tpu.memref_slice %arg3[%add3A_353, %dma_start3A_363] : memref<12544x128xi32, #tpu.memory_space<hbm>> -> memref<4x128xi32, #tpu.memory_space<hbm>>
            %dma_start3A_365 = arith.constant 0 : i32
            %dma_start3A_366 = tpu.memref_slice %arg13[%mul3A_355, %dma_start3A_365] : memref<12x128xi32, #tpu.memory_space<vmem>> -> memref<4x128xi32, #tpu.memory_space<vmem>>
            %dma_start3A_367 = arith.constant 0 : i32
            %dma_start3A_368 = tpu.memref_slice %arg3[%add3A_353, %dma_start3A_367] : memref<12544x128xi32, #tpu.memory_space<hbm>> -> memref<4x128xi32, #tpu.memory_space<hbm>>
            tpu.enqueue_dma source(%dma_start3A_368 : memref<4x128xi32, #tpu.memory_space<hbm>>) target(%dma_start3A_366 : memref<4x128xi32, #tpu.memory_space<vmem>>) target_semaphore(%run_scoped3A : memref<!tpu.dma_semaphore, #tpu.memory_space<semaphore_mem>>)
            %dma_wait3A_369 = arith.constant 0 : i32
            %dma_wait3A_370 = tpu.memref_slice %arg13[%mul3A_355, %dma_wait3A_369] : memref<12x128xi32, #tpu.memory_space<vmem>> -> memref<4x128xi32, #tpu.memory_space<vmem>>
            %dma_wait3A_371 = arith.constant 0 : i32
            %dma_wait3A_372 = tpu.memref_slice %arg3[%add3A_353, %dma_wait3A_371] : memref<12544x128xi32, #tpu.memory_space<hbm>> -> memref<4x128xi32, #tpu.memory_space<hbm>>
            %dma_wait3A_373 = arith.constant 0 : i32
            %dma_wait3A_374 = tpu.memref_slice %arg13[%mul3A_355, %dma_wait3A_373] : memref<12x128xi32, #tpu.memory_space<vmem>> -> memref<4x128xi32, #tpu.memory_space<vmem>>
            %dma_wait3A_375 = arith.constant 0 : i32
            %dma_wait3A_376 = tpu.memref_slice %arg3[%add3A_353, %dma_wait3A_375] : memref<12544x128xi32, #tpu.memory_space<hbm>> -> memref<4x128xi32, #tpu.memory_space<hbm>>
            tpu.wait_dma2 semaphore(%run_scoped3A : memref<!tpu.dma_semaphore, #tpu.memory_space<semaphore_mem>>) src(%dma_wait3A_376 : memref<4x128xi32, #tpu.memory_space<hbm>>) dst(%dma_wait3A_374 : memref<4x128xi32, #tpu.memory_space<vmem>>)
            tpu.yield
          }) : () -> ()
          %mul3A_356 = arith.constant 12544 : i32
          %mul3A_357 = arith.muli %add3A, %mul3A_356 : i32
          %add3A_358 = arith.addi %mul3A_357, %add3A_353 : i32
          %mul3A_359 = arith.constant 4 : i32
          %mul3A_360 = arith.muli %select_n3A_348, %mul3A_359 : i32
          "tpu.region"() ({
            %run_scoped3A = tpu.sem_alloc : memref<!tpu.dma_semaphore, #tpu.memory_space<semaphore_mem>>
            %dma_start3A_361 = arith.constant 0 : i32
            %dma_start3A_362 = tpu.memref_slice %arg12[%mul3A_360, %dma_start3A_361] : memref<12x128xi32, #tpu.memory_space<vmem>> -> memref<4x128xi32, #tpu.memory_space<vmem>>
            %dma_start3A_363 = arith.constant 0 : i32
            %dma_start3A_364 = tpu.memref_slice %arg2[%add3A_358, %dma_start3A_363] : memref<50176x128xi32, #tpu.memory_space<hbm>> -> memref<4x128xi32, #tpu.memory_space<hbm>>
            %dma_start3A_365 = arith.constant 0 : i32
            %dma_start3A_366 = tpu.memref_slice %arg12[%mul3A_360, %dma_start3A_365] : memref<12x128xi32, #tpu.memory_space<vmem>> -> memref<4x128xi32, #tpu.memory_space<vmem>>
            %dma_start3A_367 = arith.constant 0 : i32
            %dma_start3A_368 = tpu.memref_slice %arg2[%add3A_358, %dma_start3A_367] : memref<50176x128xi32, #tpu.memory_space<hbm>> -> memref<4x128xi32, #tpu.memory_space<hbm>>
            tpu.enqueue_dma source(%dma_start3A_368 : memref<4x128xi32, #tpu.memory_space<hbm>>) target(%dma_start3A_366 : memref<4x128xi32, #tpu.memory_space<vmem>>) target_semaphore(%run_scoped3A : memref<!tpu.dma_semaphore, #tpu.memory_space<semaphore_mem>>)
            %dma_wait3A_369 = arith.constant 0 : i32
            %dma_wait3A_370 = tpu.memref_slice %arg12[%mul3A_360, %dma_wait3A_369] : memref<12x128xi32, #tpu.memory_space<vmem>> -> memref<4x128xi32, #tpu.memory_space<vmem>>
            %dma_wait3A_371 = arith.constant 0 : i32
            %dma_wait3A_372 = tpu.memref_slice %arg2[%add3A_358, %dma_wait3A_371] : memref<50176x128xi32, #tpu.memory_space<hbm>> -> memref<4x128xi32, #tpu.memory_space<hbm>>
            %dma_wait3A_373 = arith.constant 0 : i32
            %dma_wait3A_374 = tpu.memref_slice %arg12[%mul3A_360, %dma_wait3A_373] : memref<12x128xi32, #tpu.memory_space<vmem>> -> memref<4x128xi32, #tpu.memory_space<vmem>>
            %dma_wait3A_375 = arith.constant 0 : i32
            %dma_wait3A_376 = tpu.memref_slice %arg2[%add3A_358, %dma_wait3A_375] : memref<50176x128xi32, #tpu.memory_space<hbm>> -> memref<4x128xi32, #tpu.memory_space<hbm>>
            tpu.wait_dma2 semaphore(%run_scoped3A : memref<!tpu.dma_semaphore, #tpu.memory_space<semaphore_mem>>) src(%dma_wait3A_376 : memref<4x128xi32, #tpu.memory_space<hbm>>) dst(%dma_wait3A_374 : memref<4x128xi32, #tpu.memory_space<vmem>>)
            tpu.yield
          }) : () -> ()
        } else {
        }
      }
      %scan3A_91 = arith.constant 196 : i32
      %dma_wait3A = arith.constant 0 : i32
      %dma_wait3A_92 = arith.constant 0 : i32
      %dma_wait3A_93 = arith.constant 0 : i32
      %dma_wait3A_94 = arith.constant 0 : i32
      %dma_wait3A_95 = tpu.memref_slice %arg14[%dma_wait3A, %dma_wait3A_93, %dma_wait3A_94] : memref<8x128x16xf32, #tpu.memory_space<vmem>> -> memref<1x128x16xf32, #tpu.memory_space<vmem>>
      %dma_wait3A_96 = tpu.memref_squeeze %dma_wait3A_95 : memref<1x128x16xf32, #tpu.memory_space<vmem>> -> memref<128x16xf32, #tpu.memory_space<vmem>>
      %dma_wait3A_97 = arith.constant 0 : i32
      %dma_wait3A_98 = tpu.memref_slice %arg13[%dma_wait3A_92, %dma_wait3A_97] : memref<12x128xi32, #tpu.memory_space<vmem>> -> memref<1x128xi32, #tpu.memory_space<vmem>>
      %dma_wait3A_99 = tpu.memref_squeeze %dma_wait3A_98 : memref<1x128xi32, #tpu.memory_space<vmem>> -> memref<128xi32, #tpu.memory_space<vmem>>
      %dma_wait3A_100 = arith.constant 0 : i32
      %dma_wait3A_101 = arith.constant 0 : i32
      %dma_wait3A_102 = tpu.memref_slice %arg11[%dma_wait3A_100, %dma_wait3A_101] : memref<100352x16xf32, #tpu.memory_space<vmem_shared>> -> memref<100352x16xf32, #tpu.memory_space<vmem_shared>>
      tpu.wait_indirect_dma semaphore(%arg20 : memref<!tpu.dma_semaphore, #tpu.memory_space<semaphore_mem>>) src(%dma_wait3A_96 : memref<128x16xf32, #tpu.memory_space<vmem>>) dst(%dma_wait3A_102 : memref<100352x16xf32, #tpu.memory_space<vmem_shared>>)
      %dma_wait3A_103 = arith.constant 1 : i32
      %dma_wait3A_104 = arith.constant 1 : i32
      %dma_wait3A_105 = arith.constant 0 : i32
      %dma_wait3A_106 = arith.constant 0 : i32
      %dma_wait3A_107 = tpu.memref_slice %arg14[%dma_wait3A_103, %dma_wait3A_105, %dma_wait3A_106] : memref<8x128x16xf32, #tpu.memory_space<vmem>> -> memref<1x128x16xf32, #tpu.memory_space<vmem>>
      %dma_wait3A_108 = tpu.memref_squeeze %dma_wait3A_107 : memref<1x128x16xf32, #tpu.memory_space<vmem>> -> memref<128x16xf32, #tpu.memory_space<vmem>>
      %dma_wait3A_109 = arith.constant 0 : i32
      %dma_wait3A_110 = tpu.memref_slice %arg13[%dma_wait3A_104, %dma_wait3A_109] : memref<12x128xi32, #tpu.memory_space<vmem>> -> memref<1x128xi32, #tpu.memory_space<vmem>>
      %dma_wait3A_111 = tpu.memref_squeeze %dma_wait3A_110 : memref<1x128xi32, #tpu.memory_space<vmem>> -> memref<128xi32, #tpu.memory_space<vmem>>
      %dma_wait3A_112 = arith.constant 0 : i32
      %dma_wait3A_113 = arith.constant 0 : i32
      %dma_wait3A_114 = tpu.memref_slice %arg11[%dma_wait3A_112, %dma_wait3A_113] : memref<100352x16xf32, #tpu.memory_space<vmem_shared>> -> memref<100352x16xf32, #tpu.memory_space<vmem_shared>>
      tpu.wait_indirect_dma semaphore(%arg20 : memref<!tpu.dma_semaphore, #tpu.memory_space<semaphore_mem>>) src(%dma_wait3A_108 : memref<128x16xf32, #tpu.memory_space<vmem>>) dst(%dma_wait3A_114 : memref<100352x16xf32, #tpu.memory_space<vmem_shared>>)
      %dma_wait3A_115 = arith.constant 2 : i32
      %dma_wait3A_116 = arith.constant 2 : i32
      %dma_wait3A_117 = arith.constant 0 : i32
      %dma_wait3A_118 = arith.constant 0 : i32
      %dma_wait3A_119 = tpu.memref_slice %arg14[%dma_wait3A_115, %dma_wait3A_117, %dma_wait3A_118] : memref<8x128x16xf32, #tpu.memory_space<vmem>> -> memref<1x128x16xf32, #tpu.memory_space<vmem>>
      %dma_wait3A_120 = tpu.memref_squeeze %dma_wait3A_119 : memref<1x128x16xf32, #tpu.memory_space<vmem>> -> memref<128x16xf32, #tpu.memory_space<vmem>>
      %dma_wait3A_121 = arith.constant 0 : i32
      %dma_wait3A_122 = tpu.memref_slice %arg13[%dma_wait3A_116, %dma_wait3A_121] : memref<12x128xi32, #tpu.memory_space<vmem>> -> memref<1x128xi32, #tpu.memory_space<vmem>>
      %dma_wait3A_123 = tpu.memref_squeeze %dma_wait3A_122 : memref<1x128xi32, #tpu.memory_space<vmem>> -> memref<128xi32, #tpu.memory_space<vmem>>
      %dma_wait3A_124 = arith.constant 0 : i32
      %dma_wait3A_125 = arith.constant 0 : i32
      %dma_wait3A_126 = tpu.memref_slice %arg11[%dma_wait3A_124, %dma_wait3A_125] : memref<100352x16xf32, #tpu.memory_space<vmem_shared>> -> memref<100352x16xf32, #tpu.memory_space<vmem_shared>>
      tpu.wait_indirect_dma semaphore(%arg20 : memref<!tpu.dma_semaphore, #tpu.memory_space<semaphore_mem>>) src(%dma_wait3A_120 : memref<128x16xf32, #tpu.memory_space<vmem>>) dst(%dma_wait3A_126 : memref<100352x16xf32, #tpu.memory_space<vmem_shared>>)
      %dma_wait3A_127 = arith.constant 3 : i32
      %dma_wait3A_128 = arith.constant 3 : i32
      %dma_wait3A_129 = arith.constant 0 : i32
      %dma_wait3A_130 = arith.constant 0 : i32
      %dma_wait3A_131 = tpu.memref_slice %arg14[%dma_wait3A_127, %dma_wait3A_129, %dma_wait3A_130] : memref<8x128x16xf32, #tpu.memory_space<vmem>> -> memref<1x128x16xf32, #tpu.memory_space<vmem>>
      %dma_wait3A_132 = tpu.memref_squeeze %dma_wait3A_131 : memref<1x128x16xf32, #tpu.memory_space<vmem>> -> memref<128x16xf32, #tpu.memory_space<vmem>>
      %dma_wait3A_133 = arith.constant 0 : i32
      %dma_wait3A_134 = tpu.memref_slice %arg13[%dma_wait3A_128, %dma_wait3A_133] : memref<12x128xi32, #tpu.memory_space<vmem>> -> memref<1x128xi32, #tpu.memory_space<vmem>>
      %dma_wait3A_135 = tpu.memref_squeeze %dma_wait3A_134 : memref<1x128xi32, #tpu.memory_space<vmem>> -> memref<128xi32, #tpu.memory_space<vmem>>
      %dma_wait3A_136 = arith.constant 0 : i32
      %dma_wait3A_137 = arith.constant 0 : i32
      %dma_wait3A_138 = tpu.memref_slice %arg11[%dma_wait3A_136, %dma_wait3A_137] : memref<100352x16xf32, #tpu.memory_space<vmem_shared>> -> memref<100352x16xf32, #tpu.memory_space<vmem_shared>>
      tpu.wait_indirect_dma semaphore(%arg20 : memref<!tpu.dma_semaphore, #tpu.memory_space<semaphore_mem>>) src(%dma_wait3A_132 : memref<128x16xf32, #tpu.memory_space<vmem>>) dst(%dma_wait3A_138 : memref<100352x16xf32, #tpu.memory_space<vmem_shared>>)
      %barrier3A_139 = arith.constant 0 : index
      tpu.barrier barrier_id(%barrier3A_139)
      %scan3A_140 = arith.constant 0 : i32
      %scan3A_141 = arith.constant 0 : i32
      %scan3A_142 = arith.constant 28 : i32
      %scan3A_143 = arith.addi %scan3A_141, %scan3A_142 : i32
      %scan3A_144 = arith.constant 1 : i32
      scf.for %scan3A_147 = %scan3A_141 to %scan3A_143 step %scan3A_144  : i32 {
        %mul3A_148 = arith.constant 6272 : i32
        %mul3A_149 = arith.muli %arg1, %mul3A_148 : i32
        %mul3A_150 = arith.constant 224 : i32
        %mul3A_151 = arith.muli %scan3A_147, %mul3A_150 : i32
        %add3A_152 = arith.addi %mul3A_149, %mul3A_151 : i32
        %mul3A_153 = arith.constant 100352 : i32
        %mul3A_154 = arith.muli %add3A, %mul3A_153 : i32
        %add3A_155 = arith.addi %mul3A_154, %add3A_152 : i32
        %dma_start3A_156 = arith.constant 0 : i32
        %dma_start3A_157 = tpu.memref_slice %arg10[%add3A_155, %dma_start3A_156] : memref<401408x16xf32, #tpu.memory_space<hbm>> -> memref<224x16xf32, #tpu.memory_space<hbm>>
        %dma_start3A_158 = arith.constant 0 : i32
        %dma_start3A_159 = tpu.memref_slice %arg10[%add3A_155, %dma_start3A_158] : memref<401408x16xf32, #tpu.memory_space<hbm>> -> memref<224x16xf32, #tpu.memory_space<hbm>>
        tpu.enqueue_dma source(%dma_start3A_159 : memref<224x16xf32, #tpu.memory_space<hbm>>) target(%arg16 : memref<224x16xf32, #tpu.memory_space<vmem>>) target_semaphore(%arg19 : memref<!tpu.dma_semaphore, #tpu.memory_space<semaphore_mem>>)
        %dma_start3A_160 = tpu.memref_slice %arg6[%add3A_152] : memref<100352xf32, #tpu.memory_space<hbm>> -> memref<224xf32, #tpu.memory_space<hbm>>
        %dma_start3A_161 = tpu.memref_slice %arg6[%add3A_152] : memref<100352xf32, #tpu.memory_space<hbm>> -> memref<224xf32, #tpu.memory_space<hbm>>
        tpu.enqueue_dma source(%dma_start3A_161 : memref<224xf32, #tpu.memory_space<hbm>>) target(%arg17 : memref<224xf32, #tpu.memory_space<vmem>>) target_semaphore(%arg19 : memref<!tpu.dma_semaphore, #tpu.memory_space<semaphore_mem>>)
        %dma_start3A_162 = tpu.memref_slice %arg7[%add3A_152] : memref<100352xf32, #tpu.memory_space<hbm>> -> memref<224xf32, #tpu.memory_space<hbm>>
        %dma_start3A_163 = tpu.memref_slice %arg7[%add3A_152] : memref<100352xf32, #tpu.memory_space<hbm>> -> memref<224xf32, #tpu.memory_space<hbm>>
        tpu.enqueue_dma source(%dma_start3A_163 : memref<224xf32, #tpu.memory_space<hbm>>) target(%arg18 : memref<224xf32, #tpu.memory_space<vmem>>) target_semaphore(%arg19 : memref<!tpu.dma_semaphore, #tpu.memory_space<semaphore_mem>>)
        "tpu.region"() ({
          %run_scoped3A = tpu.sem_alloc : memref<!tpu.dma_semaphore, #tpu.memory_space<semaphore_mem>>
          %dma_start3A_181 = arith.constant 0 : i32
          %dma_start3A_182 = tpu.memref_slice %arg11[%add3A_152, %dma_start3A_181] : memref<100352x16xf32, #tpu.memory_space<vmem_shared>> -> memref<224x16xf32, #tpu.memory_space<vmem_shared>>
          %dma_start3A_183 = arith.constant 0 : i32
          %dma_start3A_184 = tpu.memref_slice %arg11[%add3A_152, %dma_start3A_183] : memref<100352x16xf32, #tpu.memory_space<vmem_shared>> -> memref<224x16xf32, #tpu.memory_space<vmem_shared>>
          tpu.enqueue_dma source(%dma_start3A_184 : memref<224x16xf32, #tpu.memory_space<vmem_shared>>) target(%arg15 : memref<224x16xf32, #tpu.memory_space<vmem>>) target_semaphore(%run_scoped3A : memref<!tpu.dma_semaphore, #tpu.memory_space<semaphore_mem>>)
          %dma_wait3A_185 = arith.constant 0 : i32
          %dma_wait3A_186 = tpu.memref_slice %arg11[%add3A_152, %dma_wait3A_185] : memref<100352x16xf32, #tpu.memory_space<vmem_shared>> -> memref<224x16xf32, #tpu.memory_space<vmem_shared>>
          %dma_wait3A_187 = arith.constant 0 : i32
          %dma_wait3A_188 = tpu.memref_slice %arg11[%add3A_152, %dma_wait3A_187] : memref<100352x16xf32, #tpu.memory_space<vmem_shared>> -> memref<224x16xf32, #tpu.memory_space<vmem_shared>>
          tpu.wait_dma2 semaphore(%run_scoped3A : memref<!tpu.dma_semaphore, #tpu.memory_space<semaphore_mem>>) src(%dma_wait3A_188 : memref<224x16xf32, #tpu.memory_space<vmem_shared>>) dst(%arg15 : memref<224x16xf32, #tpu.memory_space<vmem>>)
          tpu.yield
        }) : () -> ()
        %dma_wait3A_164 = arith.constant 0 : i32
        %dma_wait3A_165 = tpu.memref_slice %arg10[%add3A_155, %dma_wait3A_164] : memref<401408x16xf32, #tpu.memory_space<hbm>> -> memref<224x16xf32, #tpu.memory_space<hbm>>
        %dma_wait3A_166 = arith.constant 0 : i32
        %dma_wait3A_167 = tpu.memref_slice %arg10[%add3A_155, %dma_wait3A_166] : memref<401408x16xf32, #tpu.memory_space<hbm>> -> memref<224x16xf32, #tpu.memory_space<hbm>>
        tpu.wait_dma2 semaphore(%arg19 : memref<!tpu.dma_semaphore, #tpu.memory_space<semaphore_mem>>) src(%dma_wait3A_167 : memref<224x16xf32, #tpu.memory_space<hbm>>) dst(%arg16 : memref<224x16xf32, #tpu.memory_space<vmem>>)
        %dma_wait3A_168 = tpu.memref_slice %arg6[%add3A_152] : memref<100352xf32, #tpu.memory_space<hbm>> -> memref<224xf32, #tpu.memory_space<hbm>>
        %dma_wait3A_169 = tpu.memref_slice %arg6[%add3A_152] : memref<100352xf32, #tpu.memory_space<hbm>> -> memref<224xf32, #tpu.memory_space<hbm>>
        tpu.wait_dma2 semaphore(%arg19 : memref<!tpu.dma_semaphore, #tpu.memory_space<semaphore_mem>>) src(%dma_wait3A_169 : memref<224xf32, #tpu.memory_space<hbm>>) dst(%arg17 : memref<224xf32, #tpu.memory_space<vmem>>)
        %dma_wait3A_170 = tpu.memref_slice %arg7[%add3A_152] : memref<100352xf32, #tpu.memory_space<hbm>> -> memref<224xf32, #tpu.memory_space<hbm>>
        %dma_wait3A_171 = tpu.memref_slice %arg7[%add3A_152] : memref<100352xf32, #tpu.memory_space<hbm>> -> memref<224xf32, #tpu.memory_space<hbm>>
        tpu.wait_dma2 semaphore(%arg19 : memref<!tpu.dma_semaphore, #tpu.memory_space<semaphore_mem>>) src(%dma_wait3A_171 : memref<224xf32, #tpu.memory_space<hbm>>) dst(%arg18 : memref<224xf32, #tpu.memory_space<vmem>>)
        %scan3A_172 = arith.constant 0 : i32
        %scan3A_173 = arith.constant 0 : i32
        %scan3A_174 = arith.constant 14 : i32
        %scan3A_175 = arith.addi %scan3A_173, %scan3A_174 : i32
        %scan3A_176 = arith.constant 1 : i32
        scf.for %scan3A_181 = %scan3A_173 to %scan3A_175 step %scan3A_176  : i32 {
          %mul3A_182 = arith.constant 16 : i32
          %mul3A_183 = arith.muli %mul3A_182, %scan3A_181 : i32
          %get3A = arith.index_cast %mul3A_183 : i32 to index
          %get3A_184 = tpu.vector_load %arg17[%get3A] {strides = array<i32>} : memref<224xf32, #tpu.memory_space<vmem>>, vector<16xf32>,
          %mul3A_185 = arith.constant 16 : i32
          %mul3A_186 = arith.muli %mul3A_185, %scan3A_181 : i32
          %get3A_187 = arith.index_cast %mul3A_186 : i32 to index
          %get3A_188 = tpu.vector_load %arg18[%get3A_187] {strides = array<i32>} : memref<224xf32, #tpu.memory_space<vmem>>, vector<16xf32>,
          %mul3A_189 = arith.constant 16 : i32
          %mul3A_190 = arith.muli %mul3A_189, %scan3A_181 : i32
          %add3A_191 = arith.constant 0 : i32
          %add3A_192 = arith.addi %mul3A_190, %add3A_191 : i32
          %get3A_193 = arith.index_cast %add3A_192 : i32 to index
          %get3A_194 = arith.constant 0 : index
          %get3A_195 = tpu.vector_load %arg15[%get3A_193, %get3A_194] {strides = array<i32>} : memref<224x16xf32, #tpu.memory_space<vmem>>, vector<16xf32>,
          %get3A_196 = arith.index_cast %add3A_192 : i32 to index
          %get3A_197 = arith.constant 0 : index
          %get3A_198 = tpu.vector_load %arg16[%get3A_196, %get3A_197] {strides = array<i32>} : memref<224x16xf32, #tpu.memory_space<vmem>>, vector<16xf32>,
          %slice3A = vector.extract_strided_slice %get3A_184 {offsets = [0], sizes = [1], strides = [1]} : vector<16xf32> to vector<1xf32>
          %squeeze3A = vector.extract %slice3A[0] : f32 from vector<1xf32>
          %mul3A_199 = vector.broadcast %squeeze3A : f32 to vector<16xf32>
          %mul3A_200 = arith.mulf %mul3A_199, %get3A_195 : vector<16xf32>
          %slice3A_201 = vector.extract_strided_slice %get3A_188 {offsets = [0], sizes = [1], strides = [1]} : vector<16xf32> to vector<1xf32>
          %squeeze3A_202 = vector.extract %slice3A_201[0] : f32 from vector<1xf32>
          %mul3A_203 = vector.broadcast %squeeze3A_202 : f32 to vector<16xf32>
          %mul3A_204 = arith.mulf %mul3A_203, %get3A_198 : vector<16xf32>
          %add3A_205 = arith.addf %mul3A_200, %mul3A_204 : vector<16xf32>
          %swap3A = arith.index_cast %add3A_192 : i32 to index
          %swap3A_206 = arith.constant 0 : index
          %swap3A_207 = tpu.vector_load %arg15[%swap3A, %swap3A_206] {strides = array<i32>} : memref<224x16xf32, #tpu.memory_space<vmem>>, vector<16xf32>,
          tpu.vector_store %arg15[%swap3A, %swap3A_206], %add3A_205 {strides = array<i32>} : memref<224x16xf32, #tpu.memory_space<vmem>>, vector<16xf32>,
          %mul3A_208 = arith.constant 16 : i32
          %mul3A_209 = arith.muli %mul3A_208, %scan3A_181 : i32
          %add3A_210 = arith.constant 1 : i32
          %add3A_211 = arith.addi %mul3A_209, %add3A_210 : i32
          %get3A_212 = arith.index_cast %add3A_211 : i32 to index
          %get3A_213 = arith.constant 0 : index
          %get3A_214 = tpu.vector_load %arg15[%get3A_212, %get3A_213] {strides = array<i32>} : memref<224x16xf32, #tpu.memory_space<vmem>>, vector<16xf32>,
          %get3A_215 = arith.index_cast %add3A_211 : i32 to index
          %get3A_216 = arith.constant 0 : index
          %get3A_217 = tpu.vector_load %arg16[%get3A_215, %get3A_216] {strides = array<i32>} : memref<224x16xf32, #tpu.memory_space<vmem>>, vector<16xf32>,
          %slice3A_218 = vector.extract_strided_slice %get3A_184 {offsets = [1], sizes = [1], strides = [1]} : vector<16xf32> to vector<1xf32>
          %squeeze3A_219 = vector.extract %slice3A_218[0] : f32 from vector<1xf32>
          %mul3A_220 = vector.broadcast %squeeze3A_219 : f32 to vector<16xf32>
          %mul3A_221 = arith.mulf %mul3A_220, %get3A_214 : vector<16xf32>
          %slice3A_222 = vector.extract_strided_slice %get3A_188 {offsets = [1], sizes = [1], strides = [1]} : vector<16xf32> to vector<1xf32>
          %squeeze3A_223 = vector.extract %slice3A_222[0] : f32 from vector<1xf32>
          %mul3A_224 = vector.broadcast %squeeze3A_223 : f32 to vector<16xf32>
          %mul3A_225 = arith.mulf %mul3A_224, %get3A_217 : vector<16xf32>
          %add3A_226 = arith.addf %mul3A_221, %mul3A_225 : vector<16xf32>
          %swap3A_227 = arith.index_cast %add3A_211 : i32 to index
          %swap3A_228 = arith.constant 0 : index
          %swap3A_229 = tpu.vector_load %arg15[%swap3A_227, %swap3A_228] {strides = array<i32>} : memref<224x16xf32, #tpu.memory_space<vmem>>, vector<16xf32>,
          tpu.vector_store %arg15[%swap3A_227, %swap3A_228], %add3A_226 {strides = array<i32>} : memref<224x16xf32, #tpu.memory_space<vmem>>, vector<16xf32>,
          %mul3A_230 = arith.constant 16 : i32
          %mul3A_231 = arith.muli %mul3A_230, %scan3A_181 : i32
          %add3A_232 = arith.constant 2 : i32
          %add3A_233 = arith.addi %mul3A_231, %add3A_232 : i32
          %get3A_234 = arith.index_cast %add3A_233 : i32 to index
          %get3A_235 = arith.constant 0 : index
          %get3A_236 = tpu.vector_load %arg15[%get3A_234, %get3A_235] {strides = array<i32>} : memref<224x16xf32, #tpu.memory_space<vmem>>, vector<16xf32>,
          %get3A_237 = arith.index_cast %add3A_233 : i32 to index
          %get3A_238 = arith.constant 0 : index
          %get3A_239 = tpu.vector_load %arg16[%get3A_237, %get3A_238] {strides = array<i32>} : memref<224x16xf32, #tpu.memory_space<vmem>>, vector<16xf32>,
          %slice3A_240 = vector.extract_strided_slice %get3A_184 {offsets = [2], sizes = [1], strides = [1]} : vector<16xf32> to vector<1xf32>
          %squeeze3A_241 = vector.extract %slice3A_240[0] : f32 from vector<1xf32>
          %mul3A_242 = vector.broadcast %squeeze3A_241 : f32 to vector<16xf32>
          %mul3A_243 = arith.mulf %mul3A_242, %get3A_236 : vector<16xf32>
          %slice3A_244 = vector.extract_strided_slice %get3A_188 {offsets = [2], sizes = [1], strides = [1]} : vector<16xf32> to vector<1xf32>
          %squeeze3A_245 = vector.extract %slice3A_244[0] : f32 from vector<1xf32>
          %mul3A_246 = vector.broadcast %squeeze3A_245 : f32 to vector<16xf32>
          %mul3A_247 = arith.mulf %mul3A_246, %get3A_239 : vector<16xf32>
          %add3A_248 = arith.addf %mul3A_243, %mul3A_247 : vector<16xf32>
          %swap3A_249 = arith.index_cast %add3A_233 : i32 to index
          %swap3A_250 = arith.constant 0 : index
          %swap3A_251 = tpu.vector_load %arg15[%swap3A_249, %swap3A_250] {strides = array<i32>} : memref<224x16xf32, #tpu.memory_space<vmem>>, vector<16xf32>,
          tpu.vector_store %arg15[%swap3A_249, %swap3A_250], %add3A_248 {strides = array<i32>} : memref<224x16xf32, #tpu.memory_space<vmem>>, vector<16xf32>,
          %mul3A_252 = arith.constant 16 : i32
          %mul3A_253 = arith.muli %mul3A_252, %scan3A_181 : i32
          %add3A_254 = arith.constant 3 : i32
          %add3A_255 = arith.addi %mul3A_253, %add3A_254 : i32
          %get3A_256 = arith.index_cast %add3A_255 : i32 to index
          %get3A_257 = arith.constant 0 : index
          %get3A_258 = tpu.vector_load %arg15[%get3A_256, %get3A_257] {strides = array<i32>} : memref<224x16xf32, #tpu.memory_space<vmem>>, vector<16xf32>,
          %get3A_259 = arith.index_cast %add3A_255 : i32 to index
          %get3A_260 = arith.constant 0 : index
          %get3A_261 = tpu.vector_load %arg16[%get3A_259, %get3A_260] {strides = array<i32>} : memref<224x16xf32, #tpu.memory_space<vmem>>, vector<16xf32>,
          %slice3A_262 = vector.extract_strided_slice %get3A_184 {offsets = [3], sizes = [1], strides = [1]} : vector<16xf32> to vector<1xf32>
          %squeeze3A_263 = vector.extract %slice3A_262[0] : f32 from vector<1xf32>
          %mul3A_264 = vector.broadcast %squeeze3A_263 : f32 to vector<16xf32>
          %mul3A_265 = arith.mulf %mul3A_264, %get3A_258 : vector<16xf32>
          %slice3A_266 = vector.extract_strided_slice %get3A_188 {offsets = [3], sizes = [1], strides = [1]} : vector<16xf32> to vector<1xf32>
          %squeeze3A_267 = vector.extract %slice3A_266[0] : f32 from vector<1xf32>
          %mul3A_268 = vector.broadcast %squeeze3A_267 : f32 to vector<16xf32>
          %mul3A_269 = arith.mulf %mul3A_268, %get3A_261 : vector<16xf32>
          %add3A_270 = arith.addf %mul3A_265, %mul3A_269 : vector<16xf32>
          %swap3A_271 = arith.index_cast %add3A_255 : i32 to index
          %swap3A_272 = arith.constant 0 : index
          %swap3A_273 = tpu.vector_load %arg15[%swap3A_271, %swap3A_272] {strides = array<i32>} : memref<224x16xf32, #tpu.memory_space<vmem>>, vector<16xf32>,
          tpu.vector_store %arg15[%swap3A_271, %swap3A_272], %add3A_270 {strides = array<i32>} : memref<224x16xf32, #tpu.memory_space<vmem>>, vector<16xf32>,
          %mul3A_274 = arith.constant 16 : i32
          %mul3A_275 = arith.muli %mul3A_274, %scan3A_181 : i32
          %add3A_276 = arith.constant 4 : i32
          %add3A_277 = arith.addi %mul3A_275, %add3A_276 : i32
          %get3A_278 = arith.index_cast %add3A_277 : i32 to index
          %get3A_279 = arith.constant 0 : index
          %get3A_280 = tpu.vector_load %arg15[%get3A_278, %get3A_279] {strides = array<i32>} : memref<224x16xf32, #tpu.memory_space<vmem>>, vector<16xf32>,
          %get3A_281 = arith.index_cast %add3A_277 : i32 to index
          %get3A_282 = arith.constant 0 : index
          %get3A_283 = tpu.vector_load %arg16[%get3A_281, %get3A_282] {strides = array<i32>} : memref<224x16xf32, #tpu.memory_space<vmem>>, vector<16xf32>,
          %slice3A_284 = vector.extract_strided_slice %get3A_184 {offsets = [4], sizes = [1], strides = [1]} : vector<16xf32> to vector<1xf32>
          %squeeze3A_285 = vector.extract %slice3A_284[0] : f32 from vector<1xf32>
          %mul3A_286 = vector.broadcast %squeeze3A_285 : f32 to vector<16xf32>
          %mul3A_287 = arith.mulf %mul3A_286, %get3A_280 : vector<16xf32>
          %slice3A_288 = vector.extract_strided_slice %get3A_188 {offsets = [4], sizes = [1], strides = [1]} : vector<16xf32> to vector<1xf32>
          %squeeze3A_289 = vector.extract %slice3A_288[0] : f32 from vector<1xf32>
          %mul3A_290 = vector.broadcast %squeeze3A_289 : f32 to vector<16xf32>
          %mul3A_291 = arith.mulf %mul3A_290, %get3A_283 : vector<16xf32>
          %add3A_292 = arith.addf %mul3A_287, %mul3A_291 : vector<16xf32>
          %swap3A_293 = arith.index_cast %add3A_277 : i32 to index
          %swap3A_294 = arith.constant 0 : index
          %swap3A_295 = tpu.vector_load %arg15[%swap3A_293, %swap3A_294] {strides = array<i32>} : memref<224x16xf32, #tpu.memory_space<vmem>>, vector<16xf32>,
          tpu.vector_store %arg15[%swap3A_293, %swap3A_294], %add3A_292 {strides = array<i32>} : memref<224x16xf32, #tpu.memory_space<vmem>>, vector<16xf32>,
          %mul3A_296 = arith.constant 16 : i32
          %mul3A_297 = arith.muli %mul3A_296, %scan3A_181 : i32
          %add3A_298 = arith.constant 5 : i32
          %add3A_299 = arith.addi %mul3A_297, %add3A_298 : i32
          %get3A_300 = arith.index_cast %add3A_299 : i32 to index
          %get3A_301 = arith.constant 0 : index
          %get3A_302 = tpu.vector_load %arg15[%get3A_300, %get3A_301] {strides = array<i32>} : memref<224x16xf32, #tpu.memory_space<vmem>>, vector<16xf32>,
          %get3A_303 = arith.index_cast %add3A_299 : i32 to index
          %get3A_304 = arith.constant 0 : index
          %get3A_305 = tpu.vector_load %arg16[%get3A_303, %get3A_304] {strides = array<i32>} : memref<224x16xf32, #tpu.memory_space<vmem>>, vector<16xf32>,
          %slice3A_306 = vector.extract_strided_slice %get3A_184 {offsets = [5], sizes = [1], strides = [1]} : vector<16xf32> to vector<1xf32>
          %squeeze3A_307 = vector.extract %slice3A_306[0] : f32 from vector<1xf32>
          %mul3A_308 = vector.broadcast %squeeze3A_307 : f32 to vector<16xf32>
          %mul3A_309 = arith.mulf %mul3A_308, %get3A_302 : vector<16xf32>
          %slice3A_310 = vector.extract_strided_slice %get3A_188 {offsets = [5], sizes = [1], strides = [1]} : vector<16xf32> to vector<1xf32>
          %squeeze3A_311 = vector.extract %slice3A_310[0] : f32 from vector<1xf32>
          %mul3A_312 = vector.broadcast %squeeze3A_311 : f32 to vector<16xf32>
          %mul3A_313 = arith.mulf %mul3A_312, %get3A_305 : vector<16xf32>
          %add3A_314 = arith.addf %mul3A_309, %mul3A_313 : vector<16xf32>
          %swap3A_315 = arith.index_cast %add3A_299 : i32 to index
          %swap3A_316 = arith.constant 0 : index
          %swap3A_317 = tpu.vector_load %arg15[%swap3A_315, %swap3A_316] {strides = array<i32>} : memref<224x16xf32, #tpu.memory_space<vmem>>, vector<16xf32>,
          tpu.vector_store %arg15[%swap3A_315, %swap3A_316], %add3A_314 {strides = array<i32>} : memref<224x16xf32, #tpu.memory_space<vmem>>, vector<16xf32>,
          %mul3A_318 = arith.constant 16 : i32
          %mul3A_319 = arith.muli %mul3A_318, %scan3A_181 : i32
          %add3A_320 = arith.constant 6 : i32
          %add3A_321 = arith.addi %mul3A_319, %add3A_320 : i32
          %get3A_322 = arith.index_cast %add3A_321 : i32 to index
          %get3A_323 = arith.constant 0 : index
          %get3A_324 = tpu.vector_load %arg15[%get3A_322, %get3A_323] {strides = array<i32>} : memref<224x16xf32, #tpu.memory_space<vmem>>, vector<16xf32>,
          %get3A_325 = arith.index_cast %add3A_321 : i32 to index
          %get3A_326 = arith.constant 0 : index
          %get3A_327 = tpu.vector_load %arg16[%get3A_325, %get3A_326] {strides = array<i32>} : memref<224x16xf32, #tpu.memory_space<vmem>>, vector<16xf32>,
          %slice3A_328 = vector.extract_strided_slice %get3A_184 {offsets = [6], sizes = [1], strides = [1]} : vector<16xf32> to vector<1xf32>
          %squeeze3A_329 = vector.extract %slice3A_328[0] : f32 from vector<1xf32>
          %mul3A_330 = vector.broadcast %squeeze3A_329 : f32 to vector<16xf32>
          %mul3A_331 = arith.mulf %mul3A_330, %get3A_324 : vector<16xf32>
          %slice3A_332 = vector.extract_strided_slice %get3A_188 {offsets = [6], sizes = [1], strides = [1]} : vector<16xf32> to vector<1xf32>
          %squeeze3A_333 = vector.extract %slice3A_332[0] : f32 from vector<1xf32>
          %mul3A_334 = vector.broadcast %squeeze3A_333 : f32 to vector<16xf32>
          %mul3A_335 = arith.mulf %mul3A_334, %get3A_327 : vector<16xf32>
          %add3A_336 = arith.addf %mul3A_331, %mul3A_335 : vector<16xf32>
          %swap3A_337 = arith.index_cast %add3A_321 : i32 to index
          %swap3A_338 = arith.constant 0 : index
          %swap3A_339 = tpu.vector_load %arg15[%swap3A_337, %swap3A_338] {strides = array<i32>} : memref<224x16xf32, #tpu.memory_space<vmem>>, vector<16xf32>,
          tpu.vector_store %arg15[%swap3A_337, %swap3A_338], %add3A_336 {strides = array<i32>} : memref<224x16xf32, #tpu.memory_space<vmem>>, vector<16xf32>,
          %mul3A_340 = arith.constant 16 : i32
          %mul3A_341 = arith.muli %mul3A_340, %scan3A_181 : i32
          %add3A_342 = arith.constant 7 : i32
          %add3A_343 = arith.addi %mul3A_341, %add3A_342 : i32
          %get3A_344 = arith.index_cast %add3A_343 : i32 to index
          %get3A_345 = arith.constant 0 : index
          %get3A_346 = tpu.vector_load %arg15[%get3A_344, %get3A_345] {strides = array<i32>} : memref<224x16xf32, #tpu.memory_space<vmem>>, vector<16xf32>,
          %get3A_347 = arith.index_cast %add3A_343 : i32 to index
          %get3A_348 = arith.constant 0 : index
          %get3A_349 = tpu.vector_load %arg16[%get3A_347, %get3A_348] {strides = array<i32>} : memref<224x16xf32, #tpu.memory_space<vmem>>, vector<16xf32>,
          %slice3A_350 = vector.extract_strided_slice %get3A_184 {offsets = [7], sizes = [1], strides = [1]} : vector<16xf32> to vector<1xf32>
          %squeeze3A_351 = vector.extract %slice3A_350[0] : f32 from vector<1xf32>
          %mul3A_352 = vector.broadcast %squeeze3A_351 : f32 to vector<16xf32>
          %mul3A_353 = arith.mulf %mul3A_352, %get3A_346 : vector<16xf32>
          %slice3A_354 = vector.extract_strided_slice %get3A_188 {offsets = [7], sizes = [1], strides = [1]} : vector<16xf32> to vector<1xf32>
          %squeeze3A_355 = vector.extract %slice3A_354[0] : f32 from vector<1xf32>
          %mul3A_356 = vector.broadcast %squeeze3A_355 : f32 to vector<16xf32>
          %mul3A_357 = arith.mulf %mul3A_356, %get3A_349 : vector<16xf32>
          %add3A_358 = arith.addf %mul3A_353, %mul3A_357 : vector<16xf32>
          %swap3A_359 = arith.index_cast %add3A_343 : i32 to index
          %swap3A_360 = arith.constant 0 : index
          %swap3A_361 = tpu.vector_load %arg15[%swap3A_359, %swap3A_360] {strides = array<i32>} : memref<224x16xf32, #tpu.memory_space<vmem>>, vector<16xf32>,
          tpu.vector_store %arg15[%swap3A_359, %swap3A_360], %add3A_358 {strides = array<i32>} : memref<224x16xf32, #tpu.memory_space<vmem>>, vector<16xf32>,
          %mul3A_362 = arith.constant 16 : i32
          %mul3A_363 = arith.muli %mul3A_362, %scan3A_181 : i32
          %add3A_364 = arith.constant 8 : i32
          %add3A_365 = arith.addi %mul3A_363, %add3A_364 : i32
          %get3A_366 = arith.index_cast %add3A_365 : i32 to index
          %get3A_367 = arith.constant 0 : index
          %get3A_368 = tpu.vector_load %arg15[%get3A_366, %get3A_367] {strides = array<i32>} : memref<224x16xf32, #tpu.memory_space<vmem>>, vector<16xf32>,
          %get3A_369 = arith.index_cast %add3A_365 : i32 to index
          %get3A_370 = arith.constant 0 : index
          %get3A_371 = tpu.vector_load %arg16[%get3A_369, %get3A_370] {strides = array<i32>} : memref<224x16xf32, #tpu.memory_space<vmem>>, vector<16xf32>,
          %slice3A_372 = vector.extract_strided_slice %get3A_184 {offsets = [8], sizes = [1], strides = [1]} : vector<16xf32> to vector<1xf32>
          %squeeze3A_373 = vector.extract %slice3A_372[0] : f32 from vector<1xf32>
          %mul3A_374 = vector.broadcast %squeeze3A_373 : f32 to vector<16xf32>
          %mul3A_375 = arith.mulf %mul3A_374, %get3A_368 : vector<16xf32>
          %slice3A_376 = vector.extract_strided_slice %get3A_188 {offsets = [8], sizes = [1], strides = [1]} : vector<16xf32> to vector<1xf32>
          %squeeze3A_377 = vector.extract %slice3A_376[0] : f32 from vector<1xf32>
          %mul3A_378 = vector.broadcast %squeeze3A_377 : f32 to vector<16xf32>
          %mul3A_379 = arith.mulf %mul3A_378, %get3A_371 : vector<16xf32>
          %add3A_380 = arith.addf %mul3A_375, %mul3A_379 : vector<16xf32>
          %swap3A_381 = arith.index_cast %add3A_365 : i32 to index
          %swap3A_382 = arith.constant 0 : index
          %swap3A_383 = tpu.vector_load %arg15[%swap3A_381, %swap3A_382] {strides = array<i32>} : memref<224x16xf32, #tpu.memory_space<vmem>>, vector<16xf32>,
          tpu.vector_store %arg15[%swap3A_381, %swap3A_382], %add3A_380 {strides = array<i32>} : memref<224x16xf32, #tpu.memory_space<vmem>>, vector<16xf32>,
          %mul3A_384 = arith.constant 16 : i32
          %mul3A_385 = arith.muli %mul3A_384, %scan3A_181 : i32
          %add3A_386 = arith.constant 9 : i32
          %add3A_387 = arith.addi %mul3A_385, %add3A_386 : i32
          %get3A_388 = arith.index_cast %add3A_387 : i32 to index
          %get3A_389 = arith.constant 0 : index
          %get3A_390 = tpu.vector_load %arg15[%get3A_388, %get3A_389] {strides = array<i32>} : memref<224x16xf32, #tpu.memory_space<vmem>>, vector<16xf32>,
          %get3A_391 = arith.index_cast %add3A_387 : i32 to index
          %get3A_392 = arith.constant 0 : index
          %get3A_393 = tpu.vector_load %arg16[%get3A_391, %get3A_392] {strides = array<i32>} : memref<224x16xf32, #tpu.memory_space<vmem>>, vector<16xf32>,
          %slice3A_394 = vector.extract_strided_slice %get3A_184 {offsets = [9], sizes = [1], strides = [1]} : vector<16xf32> to vector<1xf32>
          %squeeze3A_395 = vector.extract %slice3A_394[0] : f32 from vector<1xf32>
          %mul3A_396 = vector.broadcast %squeeze3A_395 : f32 to vector<16xf32>
          %mul3A_397 = arith.mulf %mul3A_396, %get3A_390 : vector<16xf32>
          %slice3A_398 = vector.extract_strided_slice %get3A_188 {offsets = [9], sizes = [1], strides = [1]} : vector<16xf32> to vector<1xf32>
          %squeeze3A_399 = vector.extract %slice3A_398[0] : f32 from vector<1xf32>
          %mul3A_400 = vector.broadcast %squeeze3A_399 : f32 to vector<16xf32>
          %mul3A_401 = arith.mulf %mul3A_400, %get3A_393 : vector<16xf32>
          %add3A_402 = arith.addf %mul3A_397, %mul3A_401 : vector<16xf32>
          %swap3A_403 = arith.index_cast %add3A_387 : i32 to index
          %swap3A_404 = arith.constant 0 : index
          %swap3A_405 = tpu.vector_load %arg15[%swap3A_403, %swap3A_404] {strides = array<i32>} : memref<224x16xf32, #tpu.memory_space<vmem>>, vector<16xf32>,
          tpu.vector_store %arg15[%swap3A_403, %swap3A_404], %add3A_402 {strides = array<i32>} : memref<224x16xf32, #tpu.memory_space<vmem>>, vector<16xf32>,
          %mul3A_406 = arith.constant 16 : i32
          %mul3A_407 = arith.muli %mul3A_406, %scan3A_181 : i32
          %add3A_408 = arith.constant 10 : i32
          %add3A_409 = arith.addi %mul3A_407, %add3A_408 : i32
          %get3A_410 = arith.index_cast %add3A_409 : i32 to index
          %get3A_411 = arith.constant 0 : index
          %get3A_412 = tpu.vector_load %arg15[%get3A_410, %get3A_411] {strides = array<i32>} : memref<224x16xf32, #tpu.memory_space<vmem>>, vector<16xf32>,
          %get3A_413 = arith.index_cast %add3A_409 : i32 to index
          %get3A_414 = arith.constant 0 : index
          %get3A_415 = tpu.vector_load %arg16[%get3A_413, %get3A_414] {strides = array<i32>} : memref<224x16xf32, #tpu.memory_space<vmem>>, vector<16xf32>,
          %slice3A_416 = vector.extract_strided_slice %get3A_184 {offsets = [10], sizes = [1], strides = [1]} : vector<16xf32> to vector<1xf32>
          %squeeze3A_417 = vector.extract %slice3A_416[0] : f32 from vector<1xf32>
          %mul3A_418 = vector.broadcast %squeeze3A_417 : f32 to vector<16xf32>
          %mul3A_419 = arith.mulf %mul3A_418, %get3A_412 : vector<16xf32>
          %slice3A_420 = vector.extract_strided_slice %get3A_188 {offsets = [10], sizes = [1], strides = [1]} : vector<16xf32> to vector<1xf32>
          %squeeze3A_421 = vector.extract %slice3A_420[0] : f32 from vector<1xf32>
          %mul3A_422 = vector.broadcast %squeeze3A_421 : f32 to vector<16xf32>
          %mul3A_423 = arith.mulf %mul3A_422, %get3A_415 : vector<16xf32>
          %add3A_424 = arith.addf %mul3A_419, %mul3A_423 : vector<16xf32>
          %swap3A_425 = arith.index_cast %add3A_409 : i32 to index
          %swap3A_426 = arith.constant 0 : index
          %swap3A_427 = tpu.vector_load %arg15[%swap3A_425, %swap3A_426] {strides = array<i32>} : memref<224x16xf32, #tpu.memory_space<vmem>>, vector<16xf32>,
          tpu.vector_store %arg15[%swap3A_425, %swap3A_426], %add3A_424 {strides = array<i32>} : memref<224x16xf32, #tpu.memory_space<vmem>>, vector<16xf32>,
          %mul3A_428 = arith.constant 16 : i32
          %mul3A_429 = arith.muli %mul3A_428, %scan3A_181 : i32
          %add3A_430 = arith.constant 11 : i32
          %add3A_431 = arith.addi %mul3A_429, %add3A_430 : i32
          %get3A_432 = arith.index_cast %add3A_431 : i32 to index
          %get3A_433 = arith.constant 0 : index
          %get3A_434 = tpu.vector_load %arg15[%get3A_432, %get3A_433] {strides = array<i32>} : memref<224x16xf32, #tpu.memory_space<vmem>>, vector<16xf32>,
          %get3A_435 = arith.index_cast %add3A_431 : i32 to index
          %get3A_436 = arith.constant 0 : index
          %get3A_437 = tpu.vector_load %arg16[%get3A_435, %get3A_436] {strides = array<i32>} : memref<224x16xf32, #tpu.memory_space<vmem>>, vector<16xf32>,
          %slice3A_438 = vector.extract_strided_slice %get3A_184 {offsets = [11], sizes = [1], strides = [1]} : vector<16xf32> to vector<1xf32>
          %squeeze3A_439 = vector.extract %slice3A_438[0] : f32 from vector<1xf32>
          %mul3A_440 = vector.broadcast %squeeze3A_439 : f32 to vector<16xf32>
          %mul3A_441 = arith.mulf %mul3A_440, %get3A_434 : vector<16xf32>
          %slice3A_442 = vector.extract_strided_slice %get3A_188 {offsets = [11], sizes = [1], strides = [1]} : vector<16xf32> to vector<1xf32>
          %squeeze3A_443 = vector.extract %slice3A_442[0] : f32 from vector<1xf32>
          %mul3A_444 = vector.broadcast %squeeze3A_443 : f32 to vector<16xf32>
          %mul3A_445 = arith.mulf %mul3A_444, %get3A_437 : vector<16xf32>
          %add3A_446 = arith.addf %mul3A_441, %mul3A_445 : vector<16xf32>
          %swap3A_447 = arith.index_cast %add3A_431 : i32 to index
          %swap3A_448 = arith.constant 0 : index
          %swap3A_449 = tpu.vector_load %arg15[%swap3A_447, %swap3A_448] {strides = array<i32>} : memref<224x16xf32, #tpu.memory_space<vmem>>, vector<16xf32>,
          tpu.vector_store %arg15[%swap3A_447, %swap3A_448], %add3A_446 {strides = array<i32>} : memref<224x16xf32, #tpu.memory_space<vmem>>, vector<16xf32>,
          %mul3A_450 = arith.constant 16 : i32
          %mul3A_451 = arith.muli %mul3A_450, %scan3A_181 : i32
          %add3A_452 = arith.constant 12 : i32
          %add3A_453 = arith.addi %mul3A_451, %add3A_452 : i32
          %get3A_454 = arith.index_cast %add3A_453 : i32 to index
          %get3A_455 = arith.constant 0 : index
          %get3A_456 = tpu.vector_load %arg15[%get3A_454, %get3A_455] {strides = array<i32>} : memref<224x16xf32, #tpu.memory_space<vmem>>, vector<16xf32>,
          %get3A_457 = arith.index_cast %add3A_453 : i32 to index
          %get3A_458 = arith.constant 0 : index
          %get3A_459 = tpu.vector_load %arg16[%get3A_457, %get3A_458] {strides = array<i32>} : memref<224x16xf32, #tpu.memory_space<vmem>>, vector<16xf32>,
          %slice3A_460 = vector.extract_strided_slice %get3A_184 {offsets = [12], sizes = [1], strides = [1]} : vector<16xf32> to vector<1xf32>
          %squeeze3A_461 = vector.extract %slice3A_460[0] : f32 from vector<1xf32>
          %mul3A_462 = vector.broadcast %squeeze3A_461 : f32 to vector<16xf32>
          %mul3A_463 = arith.mulf %mul3A_462, %get3A_456 : vector<16xf32>
          %slice3A_464 = vector.extract_strided_slice %get3A_188 {offsets = [12], sizes = [1], strides = [1]} : vector<16xf32> to vector<1xf32>
          %squeeze3A_465 = vector.extract %slice3A_464[0] : f32 from vector<1xf32>
          %mul3A_466 = vector.broadcast %squeeze3A_465 : f32 to vector<16xf32>
          %mul3A_467 = arith.mulf %mul3A_466, %get3A_459 : vector<16xf32>
          %add3A_468 = arith.addf %mul3A_463, %mul3A_467 : vector<16xf32>
          %swap3A_469 = arith.index_cast %add3A_453 : i32 to index
          %swap3A_470 = arith.constant 0 : index
          %swap3A_471 = tpu.vector_load %arg15[%swap3A_469, %swap3A_470] {strides = array<i32>} : memref<224x16xf32, #tpu.memory_space<vmem>>, vector<16xf32>,
          tpu.vector_store %arg15[%swap3A_469, %swap3A_470], %add3A_468 {strides = array<i32>} : memref<224x16xf32, #tpu.memory_space<vmem>>, vector<16xf32>,
          %mul3A_472 = arith.constant 16 : i32
          %mul3A_473 = arith.muli %mul3A_472, %scan3A_181 : i32
          %add3A_474 = arith.constant 13 : i32
          %add3A_475 = arith.addi %mul3A_473, %add3A_474 : i32
          %get3A_476 = arith.index_cast %add3A_475 : i32 to index
          %get3A_477 = arith.constant 0 : index
          %get3A_478 = tpu.vector_load %arg15[%get3A_476, %get3A_477] {strides = array<i32>} : memref<224x16xf32, #tpu.memory_space<vmem>>, vector<16xf32>,
          %get3A_479 = arith.index_cast %add3A_475 : i32 to index
          %get3A_480 = arith.constant 0 : index
          %get3A_481 = tpu.vector_load %arg16[%get3A_479, %get3A_480] {strides = array<i32>} : memref<224x16xf32, #tpu.memory_space<vmem>>, vector<16xf32>,
          %slice3A_482 = vector.extract_strided_slice %get3A_184 {offsets = [13], sizes = [1], strides = [1]} : vector<16xf32> to vector<1xf32>
          %squeeze3A_483 = vector.extract %slice3A_482[0] : f32 from vector<1xf32>
          %mul3A_484 = vector.broadcast %squeeze3A_483 : f32 to vector<16xf32>
          %mul3A_485 = arith.mulf %mul3A_484, %get3A_478 : vector<16xf32>
          %slice3A_486 = vector.extract_strided_slice %get3A_188 {offsets = [13], sizes = [1], strides = [1]} : vector<16xf32> to vector<1xf32>
          %squeeze3A_487 = vector.extract %slice3A_486[0] : f32 from vector<1xf32>
          %mul3A_488 = vector.broadcast %squeeze3A_487 : f32 to vector<16xf32>
          %mul3A_489 = arith.mulf %mul3A_488, %get3A_481 : vector<16xf32>
          %add3A_490 = arith.addf %mul3A_485, %mul3A_489 : vector<16xf32>
          %swap3A_491 = arith.index_cast %add3A_475 : i32 to index
          %swap3A_492 = arith.constant 0 : index
          %swap3A_493 = tpu.vector_load %arg15[%swap3A_491, %swap3A_492] {strides = array<i32>} : memref<224x16xf32, #tpu.memory_space<vmem>>, vector<16xf32>,
          tpu.vector_store %arg15[%swap3A_491, %swap3A_492], %add3A_490 {strides = array<i32>} : memref<224x16xf32, #tpu.memory_space<vmem>>, vector<16xf32>,
          %mul3A_494 = arith.constant 16 : i32
          %mul3A_495 = arith.muli %mul3A_494, %scan3A_181 : i32
          %add3A_496 = arith.constant 14 : i32
          %add3A_497 = arith.addi %mul3A_495, %add3A_496 : i32
          %get3A_498 = arith.index_cast %add3A_497 : i32 to index
          %get3A_499 = arith.constant 0 : index
          %get3A_500 = tpu.vector_load %arg15[%get3A_498, %get3A_499] {strides = array<i32>} : memref<224x16xf32, #tpu.memory_space<vmem>>, vector<16xf32>,
          %get3A_501 = arith.index_cast %add3A_497 : i32 to index
          %get3A_502 = arith.constant 0 : index
          %get3A_503 = tpu.vector_load %arg16[%get3A_501, %get3A_502] {strides = array<i32>} : memref<224x16xf32, #tpu.memory_space<vmem>>, vector<16xf32>,
          %slice3A_504 = vector.extract_strided_slice %get3A_184 {offsets = [14], sizes = [1], strides = [1]} : vector<16xf32> to vector<1xf32>
          %squeeze3A_505 = vector.extract %slice3A_504[0] : f32 from vector<1xf32>
          %mul3A_506 = vector.broadcast %squeeze3A_505 : f32 to vector<16xf32>
          %mul3A_507 = arith.mulf %mul3A_506, %get3A_500 : vector<16xf32>
          %slice3A_508 = vector.extract_strided_slice %get3A_188 {offsets = [14], sizes = [1], strides = [1]} : vector<16xf32> to vector<1xf32>
          %squeeze3A_509 = vector.extract %slice3A_508[0] : f32 from vector<1xf32>
          %mul3A_510 = vector.broadcast %squeeze3A_509 : f32 to vector<16xf32>
          %mul3A_511 = arith.mulf %mul3A_510, %get3A_503 : vector<16xf32>
          %add3A_512 = arith.addf %mul3A_507, %mul3A_511 : vector<16xf32>
          %swap3A_513 = arith.index_cast %add3A_497 : i32 to index
          %swap3A_514 = arith.constant 0 : index
          %swap3A_515 = tpu.vector_load %arg15[%swap3A_513, %swap3A_514] {strides = array<i32>} : memref<224x16xf32, #tpu.memory_space<vmem>>, vector<16xf32>,
          tpu.vector_store %arg15[%swap3A_513, %swap3A_514], %add3A_512 {strides = array<i32>} : memref<224x16xf32, #tpu.memory_space<vmem>>, vector<16xf32>,
          %mul3A_516 = arith.constant 16 : i32
          %mul3A_517 = arith.muli %mul3A_516, %scan3A_181 : i32
          %add3A_518 = arith.constant 15 : i32
          %add3A_519 = arith.addi %mul3A_517, %add3A_518 : i32
          %get3A_520 = arith.index_cast %add3A_519 : i32 to index
          %get3A_521 = arith.constant 0 : index
          %get3A_522 = tpu.vector_load %arg15[%get3A_520, %get3A_521] {strides = array<i32>} : memref<224x16xf32, #tpu.memory_space<vmem>>, vector<16xf32>,
          %get3A_523 = arith.index_cast %add3A_519 : i32 to index
          %get3A_524 = arith.constant 0 : index
          %get3A_525 = tpu.vector_load %arg16[%get3A_523, %get3A_524] {strides = array<i32>} : memref<224x16xf32, #tpu.memory_space<vmem>>, vector<16xf32>,
          %slice3A_526 = vector.extract_strided_slice %get3A_184 {offsets = [15], sizes = [1], strides = [1]} : vector<16xf32> to vector<1xf32>
          %squeeze3A_527 = vector.extract %slice3A_526[0] : f32 from vector<1xf32>
          %mul3A_528 = vector.broadcast %squeeze3A_527 : f32 to vector<16xf32>
          %mul3A_529 = arith.mulf %mul3A_528, %get3A_522 : vector<16xf32>
          %slice3A_530 = vector.extract_strided_slice %get3A_188 {offsets = [15], sizes = [1], strides = [1]} : vector<16xf32> to vector<1xf32>
          %squeeze3A_531 = vector.extract %slice3A_530[0] : f32 from vector<1xf32>
          %mul3A_532 = vector.broadcast %squeeze3A_531 : f32 to vector<16xf32>
          %mul3A_533 = arith.mulf %mul3A_532, %get3A_525 : vector<16xf32>
          %add3A_534 = arith.addf %mul3A_529, %mul3A_533 : vector<16xf32>
          %swap3A_535 = arith.index_cast %add3A_519 : i32 to index
          %swap3A_536 = arith.constant 0 : index
          %swap3A_537 = tpu.vector_load %arg15[%swap3A_535, %swap3A_536] {strides = array<i32>} : memref<224x16xf32, #tpu.memory_space<vmem>>, vector<16xf32>,
          tpu.vector_store %arg15[%swap3A_535, %swap3A_536], %add3A_534 {strides = array<i32>} : memref<224x16xf32, #tpu.memory_space<vmem>>, vector<16xf32>,
        }
        %scan3A_177 = arith.constant 14 : i32
        %mul3A_178 = arith.constant 100352 : i32
        %mul3A_179 = arith.muli %add3A, %mul3A_178 : i32
        %add3A_180 = arith.addi %mul3A_179, %add3A_152 : i32
        "tpu.region"() ({
          %run_scoped3A = tpu.sem_alloc : memref<!tpu.dma_semaphore, #tpu.memory_space<semaphore_mem>>
          %dma_start3A_181 = arith.constant 0 : i32
          %dma_start3A_182 = tpu.memref_slice %arg9[%add3A_180, %dma_start3A_181] : memref<401408x16xf32, #tpu.memory_space<hbm>> -> memref<224x16xf32, #tpu.memory_space<hbm>>
          %dma_start3A_183 = arith.constant 0 : i32
          %dma_start3A_184 = tpu.memref_slice %arg9[%add3A_180, %dma_start3A_183] : memref<401408x16xf32, #tpu.memory_space<hbm>> -> memref<224x16xf32, #tpu.memory_space<hbm>>
          tpu.enqueue_dma source(%arg15 : memref<224x16xf32, #tpu.memory_space<vmem>>) target(%dma_start3A_184 : memref<224x16xf32, #tpu.memory_space<hbm>>) target_semaphore(%run_scoped3A : memref<!tpu.dma_semaphore, #tpu.memory_space<semaphore_mem>>)
          %dma_wait3A_185 = arith.constant 0 : i32
          %dma_wait3A_186 = tpu.memref_slice %arg9[%add3A_180, %dma_wait3A_185] : memref<401408x16xf32, #tpu.memory_space<hbm>> -> memref<224x16xf32, #tpu.memory_space<hbm>>
          %dma_wait3A_187 = arith.constant 0 : i32
          %dma_wait3A_188 = tpu.memref_slice %arg9[%add3A_180, %dma_wait3A_187] : memref<401408x16xf32, #tpu.memory_space<hbm>> -> memref<224x16xf32, #tpu.memory_space<hbm>>
          tpu.wait_dma2 semaphore(%run_scoped3A : memref<!tpu.dma_semaphore, #tpu.memory_space<semaphore_mem>>) src(%arg15 : memref<224x16xf32, #tpu.memory_space<vmem>>) dst(%dma_wait3A_188 : memref<224x16xf32, #tpu.memory_space<hbm>>)
          tpu.yield
        }) : () -> ()
      }
      %scan3A_145 = arith.constant 28 : i32
      %barrier3A_146 = arith.constant 0 : index
      tpu.barrier barrier_id(%barrier3A_146)
    }
    %scan3A_16 = arith.constant 2 : i32
    return
  }
}

</mosaic_0001>

<sc_bundles>
// kernel: kernel.4.cloned.1.call-start
scs
__scs_entry_jumppad:
0x0: {  	(pc) =	sbr.rel $0x88, $3  }
0x1: {  	(tag) =	ssettag $0x0;
	lr =	simm.s32 $0x1  }
0x2: {  	[smem:$0x3F9E] =	sst lr;
	_ =	strace $0xD0000000  }
0x3: {  	_ = 	snop  }
0x4: {  	_ = 	snop  }
0x5: {  	_ = 	snop  }
0x6: {  	_ = 	snop  }
0x7: {  	_ = 	snop  }
__scs_overlays_trampoline_lowered:
0x8: {  	[smem:$0x3FAD] =	sst s0  }
0x9: {  	[smem:$0x3FAE] =	sst s1  }
0xa: {  	[smem:$0x3FAF] =	sst s2  }
0xb: {  	[smem:$0x3FB0] =	sst s3  }
0xc: {  	[smem:$0x3FB1] =	sst s4  }
0xd: {  	[smem:$0x3FB2] =	sst s5  }
0xe: {  	[smem:$0x3FB3] =	sst s6  }
0xf: {  	[smem:$0x3FB4] =	sst s7  }
0x10: {  	[smem:$0x3FB5] =	sst s8  }
0x11: {  	[smem:$0x3FB6] =	sst s9;
	s0 =	simm.s32 @!p0 $0x0  }
0x12: {  	s1 =	sld [smem:$0x3F9C];
	s0 =	simm.s32 @p0 $0x1  }
0x13: {  	[smem:$0x3FB7] =	sst s0;
	s0 =	simm.s32 @!p1 $0x0  }
0x14: {  	s2 =	sld [smem:$0x3F9B];
	s0 =	simm.s32 @p1 $0x1  }
0x15: {  	[smem:$0x3FB8] =	sst s0;
	s0 =	simm.s32 @!p2 $0x0  }
0x16: {  	s3 =	sld [smem:$0x3FDB];
	s0 =	simm.s32 @p2 $0x1  }
0x17: {  	s4 =	simm.s32 $0x1BF5;
	[smem:$0x3FBA] =	sst s0  }
0x18: {  	s0 =	sld [smem:$0x3F9D];
	_ =	swait.ge [sflag:s4], $0x0  }
0x19: {  	s7 =	sld [smem:$0x3F9E]  }
0x1a: {  	s8 =	sadd.s32 $0xFFFFE003, lr  }
0x1b: {  	s9 =	sadd.s32 $0xFFFFFEF7, lr;
	s5 =	simm.s32 $0xFFFFFFFF;
	p2 =	slt.u32 s8, $0xFFFFF086  }
0x1c: {  	p1 =	slt.u32 s9, $0xF7A;
	s5 =	simm.s32 @!p2 $0x0  }
0x1d: {  	s5 =	simm.s32 @p1 $0x1;
	p0 =	seq.s32 s7, s2  }
0x1e: {  	s7 =	smul.u32 @!p0 $0xF7A, s2;
	p2 =	seq.s32 @!p0 s5, $0x0  }
0x1f: {  	s9 =	smul.u32 $0xF7A, s1;
	s8 =	simm.s32 @!p0 $0x1BF5;
	p2 =	por !p2, p0  }
0x20: {  	[sflag:s8] =	ssyncset.s32 @!p0 $0xFFFFF086;
	s6 =	sadd.s32 @!p0 s3, s7;
	s7 =	simm.s32 @!p0 $0x108  }
0x21: {  	s3 =	sadd.s32 s3, s9;
	s6 =	sadd.s32 @!p0 $0x88, s6;
	s7 =	simm.s32 @p2 $0x1082  }
0x22: {  	[simem:s7], [sflag:s8] =	dma.local @!p0 [hbm:s6], $0xF7A  }
0x23: {  	s9 =	sor.u32 $0xD0000000, s2;
	s6 =	simm.s32 $0x108;
	_ =	swait.ge @!p0 [sflag:s8], $0x0  }
0x24: {  	s3 =	sadd.s32 $0x88, s3;
	s6 =	simm.s32 @!p1 $0x1082;
	[sflag:s4] =	ssyncset.s32 $0xFFFFF086  }
0x25: {  	[simem:s6], [sflag:s4] =	dma.local [hbm:s3], $0xF7A  }
0x26: {  	[smem:$0x3F9E] =	sst s1;
	(tag) =	ssettag s2;
	_ =	strace s9  }
0x27: {  	s1 =	sld [smem:$0x3FAE]  }
0x28: {  	s2 =	sld [smem:$0x3FAF]  }
0x29: {  	s4 =	sld [smem:$0x3FB1]  }
0x2a: {  	p0 =	seq.s32 s5, $0x0;
	s5 =	sld [smem:$0x3FB2]  }
0x2b: {  	s6 =	sld [smem:$0x3FB3]  }
0x2c: {  	s7 =	sld [smem:$0x3FB4]  }
0x2d: {  	s3 =	simm.s32 $0x108;
	s8 =	sld [smem:$0x3FB5]  }
0x2e: {  	s3 =	simm.s32 @!p0 $0x1082;
	s9 =	sld [smem:$0x3FB6]  }
0x2f: {  	lr =	sadd.s32 s0, s3;
	s0 =	sld [smem:$0x3FAD]  }
0x30: {  	s3 =	sld [smem:$0x3FB0]  }
0x31: {  	[smem:$0x3FB9] =	sst s10  }
0x32: {  	s10 =	sld [smem:$0x3FB7];
	_ =	sdelay $0x3  }
0x33: {  	p0 =	seq.s32 s10, $0x1;
	s10 =	sld [smem:$0x3FB9];
	_ =	sdelay $0x3  }
0x34: {  	[smem:$0x3FB9] =	sst s10  }
0x35: {  	s10 =	sld [smem:$0x3FB8];
	_ =	sdelay $0x3  }
0x36: {  	p1 =	seq.s32 s10, $0x1;
	s10 =	sld [smem:$0x3FB9];
	_ =	sdelay $0x3  }
0x37: {  	[smem:$0x3FB9] =	sst s10  }
0x38: {  	s10 =	sld [smem:$0x3FBA]  }
0x39: {  	_ = 	snop;
	(pc) =	sbr.ind lr, $3  }
0x3a: {  	_ = 	snop  }
0x3b: {  	_ = 	snop  }
0x3c: {  	p2 =	seq.s32 s10, $0x1;
	s10 =	sld [smem:$0x3FB9]  }
0x3d: {  	_ =	shalt  }
0x3e: {  	_ =	shalt  }
0x3f: {  	_ =	shalt  }
0x40: {  	_ =	shalt  }
0x41: {  	_ =	shalt  }
0x42: {  	_ =	shalt  }
0x43: {  	_ =	shalt  }
0x44: {  	_ =	shalt  }
0x45: {  	_ =	shalt  }
0x46: {  	_ =	shalt  }
0x47: {  	_ =	shalt  }
0x48: {  	_ =	shalt  }
0x49: {  	_ =	shalt  }
0x4a: {  	_ =	shalt  }
0x4b: {  	_ =	shalt  }
0x4c: {  	_ =	shalt  }
0x4d: {  	_ =	shalt  }
0x4e: {  	_ =	shalt  }
0x4f: {  	_ =	shalt  }
0x50: {  	_ =	shalt  }
0x51: {  	_ =	shalt  }
0x52: {  	_ =	shalt  }
0x53: {  	_ =	shalt  }
0x54: {  	_ =	shalt  }
0x55: {  	_ =	shalt  }
0x56: {  	_ =	shalt  }
0x57: {  	_ =	shalt  }
0x58: {  	_ =	shalt  }
0x59: {  	_ =	shalt  }
0x5a: {  	_ =	shalt  }
0x5b: {  	_ =	shalt  }
0x5c: {  	_ =	shalt  }
0x5d: {  	_ =	shalt  }
0x5e: {  	_ =	shalt  }
0x5f: {  	_ =	shalt  }
0x60: {  	_ =	shalt  }
0x61: {  	_ =	shalt  }
0x62: {  	_ =	shalt  }
0x63: {  	_ =	shalt  }
0x64: {  	_ =	shalt  }
0x65: {  	_ =	shalt  }
0x66: {  	_ =	shalt  }
0x67: {  	_ =	shalt  }
0x68: {  	_ =	shalt  }
0x69: {  	_ =	shalt  }
0x6a: {  	_ =	shalt  }
0x6b: {  	_ =	shalt  }
0x6c: {  	_ =	shalt  }
0x6d: {  	_ =	shalt  }
0x6e: {  	_ =	shalt  }
0x6f: {  	_ =	shalt  }
0x70: {  	_ =	shalt  }
0x71: {  	_ =	shalt  }
0x72: {  	_ =	shalt  }
0x73: {  	_ =	shalt  }
0x74: {  	_ =	shalt  }
0x75: {  	_ =	shalt  }
0x76: {  	_ =	shalt  }
0x77: {  	_ =	shalt  }
0x78: {  	_ =	shalt  }
0x79: {  	_ =	shalt  }
0x7a: {  	_ =	shalt  }
0x7b: {  	_ =	shalt  }
0x7c: {  	_ =	shalt  }
0x7d: {  	_ =	shalt  }
0x7e: {  	_ =	shalt  }
0x7f: {  	_ =	shalt  }
0x80: {  	_ =	shalt  }
0x81: {  	_ =	shalt  }
0x82: {  	_ =	shalt  }
0x83: {  	_ =	shalt  }
0x84: {  	_ =	shalt  }
0x85: {  	_ =	shalt  }
0x86: {  	_ =	shalt  }
0x87: {  	_ =	shalt  }
.Lfunc_end0:
.L_simem_size_0:
called_computation_lowered:
.L_overlay_start_0:
0x88: {  	s2 =	sld [smem:$0x3FD9]  }
0x89: {  	s3 =	sld [smem:$0x3FFE];
	_ =	sdelay $0x1  }
0x8a: {  	s1 =	srdreg.scid  }
0x8b: {  	s0 =	sand.u32 $0x1, s1  }
0x8c: {  	s17 =	sshll.u32 s0, $0xA;
	s2 =	sadd.s32 s3, s2  }
0x8d: {  	s2 =	sadd.s32 s2, s17  }
0x8e: {  	[smem:$0x3FC5] =	sst s2  }
0x8f: {  	_ = 	snop  }
0x90: {  	s2 =	sld [smem:$0x3FD0];
	(tm) =	ssettm $0x1  }
0x91: {  	s18 =	sld [smem:$0x3FFB];
	_ =	sdelay $0x3  }
0x92: {  	_ =	strace s18  }
0x93: {  	s3 =	sld [smem:$0x3FFC];
	_ =	sdelay $0x3  }
0x94: {  	_ =	strace s3  }
0x95: {  	s3 =	sld [smem:$0x3FFD];
	_ =	sdelay $0x3  }
0x96: {  	_ =	strace s3  }
0x97: {  	_ =	strace $0x8FFFFFFF  }
0x98: {  	s19 =	sld [smem:$0x3FDB];
	_ =	sdelay $0x1  }
0x99: {  	s4 =	simm.s32 $_scs_section_size  }
0x9a: {  	s5 =	simm.s32 $_size__tile_overlayer_lowered;
	s6 =	simm.s32 $_tile_overlayer_lowered  }
0x9b: {  	s22 =	simm.s32 $0x1BFF;
	s21 =	sshll.u32 s6, $0x1;
	s3 =	sadd.s32 s4, s19  }
0x9c: {  	s7 =	simm.s32 $0x0;
	s20 =	sshll.u32 s5, $0x1;
	s5 =	sadd.s32 s21, s3  }
0x9d: {  	[timem:s7], [sflag:s22] =	dma.local [hbm:s5], s20  }
0x9e: {  	_ =	swait.ge [sflag:s22], s20  }
0x9f: {  	s4 =	ssub.s32 $0x0, s20;
	[sflag:s22] =	ssyncset.done $0x0  }
0xa0: {  	[sflag:s22] =	ssyncadd.s32 s4;
	_ =	sdelay $0x1  }
0xa1: {  	s23 =	simm.s32 $0x1B8B  }
0xa2: {  	_ =	swait.ge [sflag:s23], $0x1  }
0xa3: {  	[sflag:s23] =	ssyncset.done $0x0  }
0xa4: {  	s25 =	simm.s32 $0x1B8E;
	s24 =	sld [smem:$0x3FFE];
	[sflag:s23] =	ssyncadd.s32 $0xFFFFFFFF  }
0xa5: {  	s26 =	simm.s32 $execute0_lowered;
	[smem:$0x3FD2] =	sst s25  }
0xa6: {  	s5 =	sshll.u32 s26, $0x1;
	_ =	strace $0x80000046;
	[dreg:$0x1] =	wrdreg $0xFFFFFFFF  }
0xa7: {  	s28 =	simm.s32 $_size_execute0_lowered;
	s3 =	sadd.s32 s3, s5;
	[dreg:$0x0] =	wrdreg $0x0  }
0xa8: {  	s5 =	sshll.u32 s28, $0x1;
	[dreg:$0x2] =	wrdreg s3  }
0xa9: {  	[dreg:$0x3] =	wrdreg s5  }
0xaa: {  	[dreg:$0x4] =	wrdreg $0xC0  }
0xab: {  	_ =	task [dreg:s7], $0x5FFFF  }
0xac: {  	[dreg:$0x1] =	wrdreg $0xFFFFFFFF  }
0xad: {  	[dreg:$0x0] =	wrdreg $0x60  }
0xae: {  	[dreg:$0x2] =	wrdreg s2  }
0xaf: {  	[dreg:$0x3] =	wrdreg s24  }
0xb0: {  	[dreg:$0x4] =	wrdreg $0x0  }
0xb1: {  	[dreg:$0x5] =	wrdreg $0x9  }
0xb2: {  	_ =	task.clear_ibuf [dreg:s7], $0x6FFFF;
	_ =	strace $0x90000046  }
0xb3: {  	s29 =	simm.s32 $0x9;
	_ =	strace $0x80000048  }
0xb4: {  	_ =	swait.ge [sflag:s29], $0x1  }
0xb5: {  	[sflag:s29] =	ssyncadd.s32 $0xFFFFFFFF  }
0xb6: {  	_ =	strace $0x90000048  }
0xb7: {  	_ =	sfence  }
0xb8: {  	s30 =	sld [smem:$0x0];
	_ =	sdelay $0x2  }
0xb9: {  	s31 =	sshll.u32 s1, $0xD;
	s1 =	sshrl.u32 s1, $0x2  }
0xba: {  	s3 =	sand.u32 $0x4000, s31;
	s1 =	sadd.s32 s1, s30  }
0xbb: {  	s0 =	sor.u32 s3, s0;
	s1 =	sshll.u32 s1, $0x11  }
0xbc: {  	s0 =	sor.u32 s1, s0  }
0xbd: {  	s0 =	sadd.s32 $0x8F2B, s0  }
0xbe: {  	[sflag:s0] =	ssyncadd.remote.s32 $0x1  }
0xbf: {  	_ =	sfence.sel $0xFFFF  }
0xc0: {  	[dreg:$0x0] =	wrdreg $0xFFFFFFFF;
	(pc) =	sbr.abs _section_cstart, $3  }
0xc1: {  	[dreg:$0x1] =	wrdreg $0xFFFFFFFF  }
0xc2: {  	_ =	task.clear_ibuf [dreg:s7], $0x2FFFF;
	_ =	strace $0x9FFFFFFF  }
0xc3: {  	(tm) =	ssettm $0x7FFFFFFF  }
tec
execute0_lowered:
.L_overlay_start_1:
0x0: {  	(tag) =	ssettag $0x1  }
0x1: {  	s0 =	rddreg [dreg:$0x0]  }
0x2: {  	s4 =	rddreg [dreg:$0x1]  }
0x3: {  	s1 =	rddreg [dreg:$0x2];
	s2 =	simm.s32 $0x0;
	s23 =	srdreg.scid  }
0x4: {  	s12 =	stileid.u32;
	s16 =	simm.s32 $0x2100;
	s17 =	simm.s32 $0x2  }
0x5: {  	s18 =	simm.s32 $0x1880;
	s19 =	simm.s32 $0x80;
	s20 =	simm.s32 $0x2080  }
0x6: {  	s28 =	simm.s32 $0x1980;
	s29 =	simm.s32 $0x1A00;
	s30 =	simm.s32 $0x1A80  }
0x7: {  	s31 =	simm.s32 $0x1C00;
	s14 =	simm.s32 $0x1D80;
	s21 =	simm.s32 $0x2640  }
0x8: {  	[smem:$0x7FF] =	sst s2;
	s3 =	sadd.s32 $0x4000, s4;
	s5 =	sadd.s32 $0xE00, s4  }
0x9: {  	s6 =	sadd.s32 $0x7200, s4;
	s22 =	sadd.s32 $0xA400, s4;
	s24 =	smul.u32 $0x6200, s12  }
0xa: {  	s7 =	sadd.s32 $0xD600, s4;
	s9 =	sadd.s32 $0x10800, s4;
	s11 =	smul.u32 $0xC40, s12  }
0xb: {  	s26 =	smul.u32 $0x3100, s12;
	_ =	strace $0x80000047;
	[dreg:$0x4] =	wrdreg s6  }
0xc: {  	s13 =	smul.u32 $0x1880, s12;
	s12 =	simm.s32 $0x1F80;
	[dreg:$0x5] =	wrdreg s22  }
0xd: {  	[dreg:$0x6] =	wrdreg s7;
	s6 =	sand.u32 $0x1, s23;
	s23 =	simm.s32 $0x0  }
0xe: {  	[dreg:$0xb] =	wrdreg s3;
	s25 =	ssub.s32 $0x2, s6;
	s8 =	smul.u32 $0xC400, s6  }
0xf: {  	s7 =	sshrl.u32 s24, $0x2;
	s6 =	sshll.u32 s6, $0x1;
	s15 =	sadd.s32 s26, s0  }
0x10: {  	s26 =	simm.s32 $0x1900;
	s24 =	simm.s32 $0x1B00;
	s0 =	simm.s32 $0x1C80  }
0x11: {  	s10 =	sshrl.u32 s25, $0x1;
	[dreg:$0x8] =	wrdreg s6;
	s6 =	simm.s32 $0x1E00  }
0x12: {  	s4 =	ssub.s32 s25, s10;
	s10 =	sadd.s32 s7, s1;
	s8 =	sadd.s32 s11, s8  }
0x13: {  	s25 =	simm.s32 $0x1B80;
	s7 =	simm.s32 $0x1E80;
	[dreg:$0x7] =	wrdreg s8  }
0x14: {  	v2 =	vlaneseq.u32;
	s11 =	simm.s32 $0x1F00;
	s4 =	smax.u32 s4, $0x1;
	[dreg:$0xa] =	wrdreg s10  }
0x15: {  	v0 =	vimm.f32 $1.000000000e+00;
	v1 =	vimm.f32 $0.0e+00;
	v2 =	vmul.u32 $0x10, v2;
	s8 =	simm.s32 $0x1;
	[dreg:$0x9] =	wrdreg s4;
	s4 =	simm.s32 $0x1D00  }
.LBB2_1:
0x16: {  	[tilespmem:$0x2080] =	vst v0  }
0x17: {  	[tilespmem:$0x2090] =	vst v0  }
0x18: {  	[tilespmem:$0x20A0] =	vst v0  }
0x19: {  	[tilespmem:$0x20B0] =	vst v0  }
0x1a: {  	[tilespmem:$0x20C0] =	vst v0  }
0x1b: {  	[tilespmem:$0x20D0] =	vst v0  }
0x1c: {  	[tilespmem:$0x20E0] =	vst v0  }
0x1d: {  	[tilespmem:$0x20F0] =	vst v0  }
0x1e: {  	[tilespmem:$0x2100] =	vst v1  }
0x1f: {  	[tilespmem:$0x2110] =	vst v1  }
0x20: {  	[tilespmem:$0x2120] =	vst v1  }
0x21: {  	[tilespmem:$0x2130] =	vst v1  }
0x22: {  	[tilespmem:$0x2140] =	vst v1  }
0x23: {  	[tilespmem:$0x2150] =	vst v1  }
0x24: {  	[tilespmem:$0x2160] =	vst v1  }
0x25: {  	[tilespmem:$0x2170] =	vst v1  }
0x26: {  	[tilespmem:$0x2180] =	vst v1  }
0x27: {  	[tilespmem:$0x2190] =	vst v1  }
0x28: {  	[tilespmem:$0x21A0] =	vst v1  }
0x29: {  	[tilespmem:$0x21B0] =	vst v1  }
0x2a: {  	[tilespmem:$0x21C0] =	vst v1  }
0x2b: {  	[dreg:$0xc] =	wrdreg s23;
	[tilespmem:$0x21D0] =	vst v1;
	s22 =	sadd.s32 $0x0, s10  }
0x2c: {  	[spmem:s22] =	stream.linear.scatter [tilespmem:s16], [sflag:$0x2], $0xE0, $0x38;
	[tilespmem:$0x3440] =	vst v63  }
0x2d: {  	s22 =	simm.s32 $0x380;
	_ =	swait.ge [sflag:s17], $0xE0  }
.LBB2_2:
0x2e: {  	s23 =	sshra.s32 s22, $0x2;
	[sflag:s17] =	ssyncset.done $0x0;
	p0 =	sne.s32 s22, $0x5E80  }
.Ltmp0:
0x2f: {  	s23 =	sadd.s32 s23, s10;
	[sflag:s17] =	ssyncadd.s32 $0xFFFFFF20;
	(pc) =	sbr.rel @p0 .LBB2_2-.Ltmp0, $3  }
0x30: {  	[spmem:s23] =	stream.linear.scatter [tilespmem:s16], [sflag:$0x2], $0xE0, $0x38;
	[tilespmem:$0x3440] =	vst v63  }
0x31: {  	s22 =	sadd.s32 $0x380, s22;
	_ =	sdelay $0x1  }
0x32: {  	_ =	swait.ge [sflag:s17], $0xE0  }
0x33: {  	[sflag:s17] =	ssyncset.done $0x0  }
0x34: {  	[sflag:s17] =	ssyncadd.s32 $0xFFFFFF20  }
0x35: {  	s22 =	sadd.s32 $0x0, s15;
	[bflag:$0x0] =	sbarrier.arrive $0xFFFF  }
0x36: {  	[tilespmem:s18], [sflag:$0x2] =	stream.linear.gather [hbm4b:s22+s2], $0x800, $0x38;
	[tilespmem:$0x3440] =	vst v63  }
0x37: {  	_ =	swait.ge [sflag:s17], $0x800  }
0x38: {  	[sflag:s17] =	ssyncset.done $0x0  }
0x39: {  	[sflag:s17] =	ssyncadd.s32 $0xFFFFF800  }
0x3a: {  	[spmem:s1] =	stream.indirect.scatter.add.f32 [tilespmem:s20], [sflag:$0x1], $0x1, s18, s19, $0xb8;
	[tilespmem:$0x3440] =	vst v63  }
0x3b: {  	_ = 	snop  }
0x3c: {  	[spmem:s1] =	stream.indirect.scatter.add.f32 [tilespmem:s20], [sflag:$0x1], $0x1, s26, s19, $0xb8;
	[tilespmem:$0x3440] =	vst v63  }
0x3d: {  	_ = 	snop  }
0x3e: {  	[spmem:s1] =	stream.indirect.scatter.add.f32 [tilespmem:s20], [sflag:$0x1], $0x1, s28, s19, $0xb8;
	[tilespmem:$0x3440] =	vst v63  }
0x3f: {  	_ = 	snop  }
0x40: {  	[spmem:s1] =	stream.indirect.scatter.add.f32 [tilespmem:s20], [sflag:$0x1], $0x1, s29, s19, $0xb8;
	[tilespmem:$0x3440] =	vst v63  }
0x41: {  	_ = 	snop  }
0x42: {  	[spmem:s1] =	stream.indirect.scatter.add.f32 [tilespmem:s20], [sflag:$0x1], $0x1, s30, s19, $0xb8;
	[tilespmem:$0x3440] =	vst v63  }
0x43: {  	_ = 	snop  }
0x44: {  	[spmem:s1] =	stream.indirect.scatter.add.f32 [tilespmem:s20], [sflag:$0x1], $0x1, s24, s19, $0xb8;
	[tilespmem:$0x3440] =	vst v63  }
0x45: {  	_ = 	snop  }
0x46: {  	[spmem:s1] =	stream.indirect.scatter.add.f32 [tilespmem:s20], [sflag:$0x1], $0x1, s25, s19, $0xb8;
	[tilespmem:$0x3440] =	vst v63  }
0x47: {  	_ = 	snop  }
0x48: {  	[spmem:s1] =	stream.indirect.scatter.add.f32 [tilespmem:s20], [sflag:$0x1], $0x1, s31, s19, $0xb8;
	[tilespmem:$0x3440] =	vst v63  }
0x49: {  	_ = 	snop  }
0x4a: {  	[spmem:s1] =	stream.indirect.scatter.add.f32 [tilespmem:s20], [sflag:$0x1], $0x1, s0, s19, $0xb8;
	[tilespmem:$0x3440] =	vst v63  }
0x4b: {  	_ = 	snop  }
0x4c: {  	[spmem:s1] =	stream.indirect.scatter.add.f32 [tilespmem:s20], [sflag:$0x1], $0x1, s4, s19, $0xb8;
	[tilespmem:$0x3440] =	vst v63  }
0x4d: {  	_ = 	snop  }
0x4e: {  	[spmem:s1] =	stream.indirect.scatter.add.f32 [tilespmem:s20], [sflag:$0x1], $0x1, s14, s19, $0xb8;
	[tilespmem:$0x3440] =	vst v63  }
0x4f: {  	_ = 	snop  }
0x50: {  	[spmem:s1] =	stream.indirect.scatter.add.f32 [tilespmem:s20], [sflag:$0x1], $0x1, s6, s19, $0xb8;
	[tilespmem:$0x3440] =	vst v63  }
0x51: {  	_ = 	snop  }
0x52: {  	[spmem:s1] =	stream.indirect.scatter.add.f32 [tilespmem:s20], [sflag:$0x1], $0x1, s7, s19, $0xb8;
	[tilespmem:$0x3440] =	vst v63  }
0x53: {  	_ = 	snop  }
0x54: {  	[spmem:s1] =	stream.indirect.scatter.add.f32 [tilespmem:s20], [sflag:$0x1], $0x1, s11, s19, $0xb8;
	[tilespmem:$0x3440] =	vst v63  }
0x55: {  	_ = 	snop  }
0x56: {  	[spmem:s1] =	stream.indirect.scatter.add.f32 [tilespmem:s20], [sflag:$0x1], $0x1, s12, s19, $0xb8;
	[tilespmem:$0x3440] =	vst v63  }
0x57: {  	s3 =	simm.s32 $0x2000  }
0x58: {  	[spmem:s1] =	stream.indirect.scatter.add.f32 [tilespmem:s20], [sflag:$0x1], $0x1, s3, s19, $0xb8;
	[tilespmem:$0x3440] =	vst v63  }
0x59: {  	_ =	swait.ge [sflag:s8], $0x80  }
0x5a: {  	[sflag:s8] =	ssyncset.done $0x0  }
0x5b: {  	[sflag:s8] =	ssyncadd.s32 $0xFFFFFF80  }
0x5c: {  	_ =	swait.ge [sflag:s8], $0x80  }
0x5d: {  	[sflag:s8] =	ssyncset.done $0x0  }
0x5e: {  	[sflag:s8] =	ssyncadd.s32 $0xFFFFFF80  }
0x5f: {  	_ =	swait.ge [sflag:s8], $0x80  }
0x60: {  	[sflag:s8] =	ssyncset.done $0x0  }
0x61: {  	[sflag:s8] =	ssyncadd.s32 $0xFFFFFF80  }
0x62: {  	_ =	swait.ge [sflag:s8], $0x80  }
0x63: {  	[sflag:s8] =	ssyncset.done $0x0  }
0x64: {  	[sflag:s8] =	ssyncadd.s32 $0xFFFFFF80  }
0x65: {  	_ =	swait.ge [sflag:s8], $0x80  }
0x66: {  	[sflag:s8] =	ssyncset.done $0x0  }
0x67: {  	[sflag:s8] =	ssyncadd.s32 $0xFFFFFF80  }
0x68: {  	_ =	swait.ge [sflag:s8], $0x80  }
0x69: {  	[sflag:s8] =	ssyncset.done $0x0  }
0x6a: {  	[sflag:s8] =	ssyncadd.s32 $0xFFFFFF80  }
0x6b: {  	_ =	swait.ge [sflag:s8], $0x80  }
0x6c: {  	[sflag:s8] =	ssyncset.done $0x0  }
0x6d: {  	[sflag:s8] =	ssyncadd.s32 $0xFFFFFF80  }
0x6e: {  	_ =	swait.ge [sflag:s8], $0x80  }
0x6f: {  	[sflag:s8] =	ssyncset.done $0x0  }
0x70: {  	[sflag:s8] =	ssyncadd.s32 $0xFFFFFF80  }
0x71: {  	_ =	swait.ge [sflag:s8], $0x80  }
0x72: {  	[sflag:s8] =	ssyncset.done $0x0  }
0x73: {  	[sflag:s8] =	ssyncadd.s32 $0xFFFFFF80  }
0x74: {  	_ =	swait.ge [sflag:s8], $0x80  }
0x75: {  	[sflag:s8] =	ssyncset.done $0x0  }
0x76: {  	[sflag:s8] =	ssyncadd.s32 $0xFFFFFF80  }
0x77: {  	_ =	swait.ge [sflag:s8], $0x80  }
0x78: {  	[sflag:s8] =	ssyncset.done $0x0  }
0x79: {  	[sflag:s8] =	ssyncadd.s32 $0xFFFFFF80  }
0x7a: {  	_ =	swait.ge [sflag:s8], $0x80  }
0x7b: {  	[sflag:s8] =	ssyncset.done $0x0  }
0x7c: {  	[sflag:s8] =	ssyncadd.s32 $0xFFFFFF80  }
0x7d: {  	_ =	swait.ge [sflag:s8], $0x80  }
0x7e: {  	[sflag:s8] =	ssyncset.done $0x0  }
0x7f: {  	[sflag:s8] =	ssyncadd.s32 $0xFFFFFF80  }
0x80: {  	_ =	swait.ge [sflag:s8], $0x80  }
0x81: {  	[sflag:s8] =	ssyncset.done $0x0  }
0x82: {  	s10 =	simm.s32 $0x0;
	s22 =	simm.s32 $0x100;
	[sflag:s8] =	ssyncadd.s32 $0xFFFFFF80  }
0x83: {  	s2 =	simm.s32 $0x1F80;
	s24 =	simm.s32 $0x200;
	_ =	swait.ge [sflag:s8], $0x80  }
0x84: {  	s31 =	simm.s32 $0x1B80;
	s0 =	simm.s32 $0x1C00;
	[sflag:s8] =	ssyncset.done $0x0  }
0x85: {  	s4 =	simm.s32 $0x1C80;
	s14 =	simm.s32 $0x1D00;
	[sflag:s8] =	ssyncadd.s32 $0xFFFFFF80  }
0x86: {  	s6 =	simm.s32 $0x1D80;
	s7 =	simm.s32 $0x1E00;
	_ =	swait.ge [sflag:s8], $0x80  }
0x87: {  	s11 =	simm.s32 $0x1E80;
	s12 =	simm.s32 $0x1F00;
	[sflag:s8] =	ssyncset.done $0x0  }
.LBB2_4:
0x88: {  	s25 =	sadd.s32 s22, s15  }
0x89: {  	[sflag:s8] =	ssyncadd.s32 $0xFFFFFF80;
	s22 =	smov.u32 s24;
	s23 =	sadd.s32 $0x100, s24  }
0x8a: {  	[tilespmem:s18], [sflag:$0x2] =	stream.linear.gather [hbm4b:s25+s10], $0x800, $0x38;
	[tilespmem:$0x3440] =	vst v63  }
0x8b: {  	s25 =	simm.s32 $0x1B00  }
0x8c: {  	p0 =	sne.s32 s24, $0x3000;
	_ =	swait.ge [sflag:s17], $0x800  }
0x8d: {  	[sflag:s17] =	ssyncset.done $0x0  }
0x8e: {  	[sflag:s17] =	ssyncadd.s32 $0xFFFFF800  }
0x8f: {  	[spmem:s1] =	stream.indirect.scatter.add.f32 [tilespmem:s20], [sflag:$0x1], $0x1, s18, s19, $0xb8;
	[tilespmem:$0x3440] =	vst v63  }
0x90: {  	_ = 	snop  }
0x91: {  	[spmem:s1] =	stream.indirect.scatter.add.f32 [tilespmem:s20], [sflag:$0x1], $0x1, s26, s19, $0xb8;
	[tilespmem:$0x3440] =	vst v63  }
0x92: {  	_ = 	snop  }
0x93: {  	[spmem:s1] =	stream.indirect.scatter.add.f32 [tilespmem:s20], [sflag:$0x1], $0x1, s28, s19, $0xb8;
	[tilespmem:$0x3440] =	vst v63  }
0x94: {  	_ = 	snop  }
0x95: {  	[spmem:s1] =	stream.indirect.scatter.add.f32 [tilespmem:s20], [sflag:$0x1], $0x1, s29, s19, $0xb8;
	[tilespmem:$0x3440] =	vst v63  }
0x96: {  	_ = 	snop  }
0x97: {  	[spmem:s1] =	stream.indirect.scatter.add.f32 [tilespmem:s20], [sflag:$0x1], $0x1, s30, s19, $0xb8;
	[tilespmem:$0x3440] =	vst v63  }
0x98: {  	_ = 	snop  }
0x99: {  	[spmem:s1] =	stream.indirect.scatter.add.f32 [tilespmem:s20], [sflag:$0x1], $0x1, s25, s19, $0xb8;
	[tilespmem:$0x3440] =	vst v63  }
0x9a: {  	_ = 	snop  }
0x9b: {  	[spmem:s1] =	stream.indirect.scatter.add.f32 [tilespmem:s20], [sflag:$0x1], $0x1, s31, s19, $0xb8;
	[tilespmem:$0x3440] =	vst v63  }
0x9c: {  	_ = 	snop  }
0x9d: {  	[spmem:s1] =	stream.indirect.scatter.add.f32 [tilespmem:s20], [sflag:$0x1], $0x1, s0, s19, $0xb8;
	[tilespmem:$0x3440] =	vst v63  }
0x9e: {  	_ = 	snop  }
0x9f: {  	[spmem:s1] =	stream.indirect.scatter.add.f32 [tilespmem:s20], [sflag:$0x1], $0x1, s4, s19, $0xb8;
	[tilespmem:$0x3440] =	vst v63  }
0xa0: {  	_ = 	snop  }
0xa1: {  	[spmem:s1] =	stream.indirect.scatter.add.f32 [tilespmem:s20], [sflag:$0x1], $0x1, s14, s19, $0xb8;
	[tilespmem:$0x3440] =	vst v63  }
0xa2: {  	_ = 	snop  }
0xa3: {  	[spmem:s1] =	stream.indirect.scatter.add.f32 [tilespmem:s20], [sflag:$0x1], $0x1, s6, s19, $0xb8;
	[tilespmem:$0x3440] =	vst v63  }
0xa4: {  	_ = 	snop  }
0xa5: {  	[spmem:s1] =	stream.indirect.scatter.add.f32 [tilespmem:s20], [sflag:$0x1], $0x1, s7, s19, $0xb8;
	[tilespmem:$0x3440] =	vst v63  }
0xa6: {  	_ = 	snop  }
0xa7: {  	[spmem:s1] =	stream.indirect.scatter.add.f32 [tilespmem:s20], [sflag:$0x1], $0x1, s11, s19, $0xb8;
	[tilespmem:$0x3440] =	vst v63  }
0xa8: {  	_ = 	snop  }
0xa9: {  	[spmem:s1] =	stream.indirect.scatter.add.f32 [tilespmem:s20], [sflag:$0x1], $0x1, s12, s19, $0xb8;
	[tilespmem:$0x3440] =	vst v63  }
0xaa: {  	_ = 	snop  }
0xab: {  	[spmem:s1] =	stream.indirect.scatter.add.f32 [tilespmem:s20], [sflag:$0x1], $0x1, s2, s19, $0xb8;
	[tilespmem:$0x3440] =	vst v63  }
0xac: {  	_ = 	snop  }
0xad: {  	[spmem:s1] =	stream.indirect.scatter.add.f32 [tilespmem:s20], [sflag:$0x1], $0x1, s3, s19, $0xb8;
	[tilespmem:$0x3440] =	vst v63  }
0xae: {  	_ =	swait.ge [sflag:s8], $0x80  }
0xaf: {  	[sflag:s8] =	ssyncset.done $0x0  }
0xb0: {  	[sflag:s8] =	ssyncadd.s32 $0xFFFFFF80  }
0xb1: {  	_ =	swait.ge [sflag:s8], $0x80  }
0xb2: {  	[sflag:s8] =	ssyncset.done $0x0  }
0xb3: {  	[sflag:s8] =	ssyncadd.s32 $0xFFFFFF80  }
0xb4: {  	_ =	swait.ge [sflag:s8], $0x80  }
0xb5: {  	[sflag:s8] =	ssyncset.done $0x0  }
0xb6: {  	[sflag:s8] =	ssyncadd.s32 $0xFFFFFF80  }
0xb7: {  	_ =	swait.ge [sflag:s8], $0x80  }
0xb8: {  	[sflag:s8] =	ssyncset.done $0x0  }
0xb9: {  	[sflag:s8] =	ssyncadd.s32 $0xFFFFFF80  }
0xba: {  	_ =	swait.ge [sflag:s8], $0x80  }
0xbb: {  	[sflag:s8] =	ssyncset.done $0x0  }
0xbc: {  	[sflag:s8] =	ssyncadd.s32 $0xFFFFFF80  }
0xbd: {  	_ =	swait.ge [sflag:s8], $0x80  }
0xbe: {  	[sflag:s8] =	ssyncset.done $0x0  }
0xbf: {  	[sflag:s8] =	ssyncadd.s32 $0xFFFFFF80  }
0xc0: {  	_ =	swait.ge [sflag:s8], $0x80  }
0xc1: {  	[sflag:s8] =	ssyncset.done $0x0  }
0xc2: {  	[sflag:s8] =	ssyncadd.s32 $0xFFFFFF80  }
0xc3: {  	_ =	swait.ge [sflag:s8], $0x80  }
0xc4: {  	[sflag:s8] =	ssyncset.done $0x0  }
0xc5: {  	[sflag:s8] =	ssyncadd.s32 $0xFFFFFF80  }
0xc6: {  	_ =	swait.ge [sflag:s8], $0x80  }
0xc7: {  	[sflag:s8] =	ssyncset.done $0x0  }
0xc8: {  	[sflag:s8] =	ssyncadd.s32 $0xFFFFFF80  }
0xc9: {  	_ =	swait.ge [sflag:s8], $0x80  }
0xca: {  	[sflag:s8] =	ssyncset.done $0x0  }
0xcb: {  	[sflag:s8] =	ssyncadd.s32 $0xFFFFFF80  }
0xcc: {  	_ =	swait.ge [sflag:s8], $0x80  }
0xcd: {  	[sflag:s8] =	ssyncset.done $0x0  }
0xce: {  	[sflag:s8] =	ssyncadd.s32 $0xFFFFFF80  }
0xcf: {  	_ =	swait.ge [sflag:s8], $0x80  }
0xd0: {  	[sflag:s8] =	ssyncset.done $0x0  }
0xd1: {  	[sflag:s8] =	ssyncadd.s32 $0xFFFFFF80  }
0xd2: {  	_ =	swait.ge [sflag:s8], $0x80  }
0xd3: {  	[sflag:s8] =	ssyncset.done $0x0  }
0xd4: {  	[sflag:s8] =	ssyncadd.s32 $0xFFFFFF80  }
0xd5: {  	_ =	swait.ge [sflag:s8], $0x80  }
0xd6: {  	[sflag:s8] =	ssyncset.done $0x0  }
0xd7: {  	[sflag:s8] =	ssyncadd.s32 $0xFFFFFF80  }
.Ltmp1:
0xd8: {  	_ =	swait.ge [sflag:s8], $0x80;
	(pc) =	sbr.rel @p0 .LBB2_4-.Ltmp1, $4  }
0xd9: {  	[sflag:s8] =	ssyncset.done $0x0  }
0xda: {  	[sflag:s8] =	ssyncadd.s32 $0xFFFFFF80  }
0xdb: {  	_ =	swait.ge [sflag:s8], $0x80  }
0xdc: {  	s24 =	smov.u32 s23;
	[sflag:s8] =	ssyncset.done $0x0  }
0xdd: {  	s22 =	sadd.s32 s22, s15;
	[sflag:s8] =	ssyncadd.s32 $0xFFFFFF80  }
0xde: {  	[tilespmem:s18], [sflag:$0x2] =	stream.linear.gather [hbm4b:s22+s10], $0x800, $0x38;
	[tilespmem:$0x3440] =	vst v63  }
0xdf: {  	_ =	swait.ge [sflag:s17], $0x800  }
0xe0: {  	[sflag:s17] =	ssyncset.done $0x0  }
0xe1: {  	[sflag:s17] =	ssyncadd.s32 $0xFFFFF800  }
0xe2: {  	[spmem:s1] =	stream.indirect.scatter.add.f32 [tilespmem:s20], [sflag:$0x1], $0x1, s18, s19, $0xb8;
	[tilespmem:$0x3440] =	vst v63  }
0xe3: {  	_ = 	snop  }
0xe4: {  	[spmem:s1] =	stream.indirect.scatter.add.f32 [tilespmem:s20], [sflag:$0x1], $0x1, s26, s19, $0xb8;
	[tilespmem:$0x3440] =	vst v63  }
0xe5: {  	_ = 	snop  }
0xe6: {  	[spmem:s1] =	stream.indirect.scatter.add.f32 [tilespmem:s20], [sflag:$0x1], $0x1, s28, s19, $0xb8;
	[tilespmem:$0x3440] =	vst v63  }
0xe7: {  	_ = 	snop  }
0xe8: {  	[spmem:s1] =	stream.indirect.scatter.add.f32 [tilespmem:s20], [sflag:$0x1], $0x1, s29, s19, $0xb8;
	[tilespmem:$0x3440] =	vst v63  }
0xe9: {  	_ = 	snop  }
0xea: {  	[spmem:s1] =	stream.indirect.scatter.add.f32 [tilespmem:s20], [sflag:$0x1], $0x1, s30, s19, $0xb8;
	[tilespmem:$0x3440] =	vst v63  }
0xeb: {  	_ = 	snop  }
0xec: {  	[spmem:s1] =	stream.indirect.scatter.add.f32 [tilespmem:s20], [sflag:$0x1], $0x1, s25, s19, $0xb8;
	[tilespmem:$0x3440] =	vst v63  }
0xed: {  	_ = 	snop  }
0xee: {  	[spmem:s1] =	stream.indirect.scatter.add.f32 [tilespmem:s20], [sflag:$0x1], $0x1, s31, s19, $0xb8;
	[tilespmem:$0x3440] =	vst v63  }
0xef: {  	_ = 	snop  }
0xf0: {  	[spmem:s1] =	stream.indirect.scatter.add.f32 [tilespmem:s20], [sflag:$0x1], $0x1, s0, s19, $0xb8;
	[tilespmem:$0x3440] =	vst v63  }
0xf1: {  	_ = 	snop  }
0xf2: {  	[spmem:s1] =	stream.indirect.scatter.add.f32 [tilespmem:s20], [sflag:$0x1], $0x1, s4, s19, $0xb8;
	[tilespmem:$0x3440] =	vst v63  }
0xf3: {  	_ = 	snop  }
0xf4: {  	[spmem:s1] =	stream.indirect.scatter.add.f32 [tilespmem:s20], [sflag:$0x1], $0x1, s14, s19, $0xb8;
	[tilespmem:$0x3440] =	vst v63  }
0xf5: {  	_ = 	snop  }
0xf6: {  	[spmem:s1] =	stream.indirect.scatter.add.f32 [tilespmem:s20], [sflag:$0x1], $0x1, s6, s19, $0xb8;
	[tilespmem:$0x3440] =	vst v63  }
0xf7: {  	_ = 	snop  }
0xf8: {  	[spmem:s1] =	stream.indirect.scatter.add.f32 [tilespmem:s20], [sflag:$0x1], $0x1, s7, s19, $0xb8;
	[tilespmem:$0x3440] =	vst v63  }
0xf9: {  	_ = 	snop  }
0xfa: {  	[spmem:s1] =	stream.indirect.scatter.add.f32 [tilespmem:s20], [sflag:$0x1], $0x1, s11, s19, $0xb8;
	[tilespmem:$0x3440] =	vst v63  }
0xfb: {  	_ = 	snop  }
0xfc: {  	[spmem:s1] =	stream.indirect.scatter.add.f32 [tilespmem:s20], [sflag:$0x1], $0x1, s12, s19, $0xb8;
	[tilespmem:$0x3440] =	vst v63  }
0xfd: {  	_ = 	snop  }
0xfe: {  	[spmem:s1] =	stream.indirect.scatter.add.f32 [tilespmem:s20], [sflag:$0x1], $0x1, s2, s19, $0xb8;
	[tilespmem:$0x3440] =	vst v63  }
0xff: {  	_ = 	snop  }
0x100: {  	[spmem:s1] =	stream.indirect.scatter.add.f32 [tilespmem:s20], [sflag:$0x1], $0x1, s3, s19, $0xb8;
	[tilespmem:$0x3440] =	vst v63  }
0x101: {  	_ =	swait.ge [sflag:s8], $0x80  }
0x102: {  	[sflag:s8] =	ssyncset.done $0x0  }
0x103: {  	[sflag:s8] =	ssyncadd.s32 $0xFFFFFF80  }
0x104: {  	_ =	swait.ge [sflag:s8], $0x80  }
0x105: {  	[sflag:s8] =	ssyncset.done $0x0  }
0x106: {  	[sflag:s8] =	ssyncadd.s32 $0xFFFFFF80  }
0x107: {  	_ =	swait.ge [sflag:s8], $0x80  }
0x108: {  	[sflag:s8] =	ssyncset.done $0x0  }
0x109: {  	[sflag:s8] =	ssyncadd.s32 $0xFFFFFF80  }
0x10a: {  	_ =	swait.ge [sflag:s8], $0x80  }
0x10b: {  	[sflag:s8] =	ssyncset.done $0x0  }
0x10c: {  	[sflag:s8] =	ssyncadd.s32 $0xFFFFFF80  }
0x10d: {  	_ =	swait.ge [sflag:s8], $0x80  }
0x10e: {  	[sflag:s8] =	ssyncset.done $0x0  }
0x10f: {  	[sflag:s8] =	ssyncadd.s32 $0xFFFFFF80  }
0x110: {  	_ =	swait.ge [sflag:s8], $0x80  }
0x111: {  	[sflag:s8] =	ssyncset.done $0x0  }
0x112: {  	[sflag:s8] =	ssyncadd.s32 $0xFFFFFF80  }
0x113: {  	_ =	swait.ge [sflag:s8], $0x80  }
0x114: {  	[sflag:s8] =	ssyncset.done $0x0  }
0x115: {  	[sflag:s8] =	ssyncadd.s32 $0xFFFFFF80  }
0x116: {  	_ =	swait.ge [sflag:s8], $0x80  }
0x117: {  	[sflag:s8] =	ssyncset.done $0x0  }
0x118: {  	[sflag:s8] =	ssyncadd.s32 $0xFFFFFF80  }
0x119: {  	_ =	swait.ge [sflag:s8], $0x80  }
0x11a: {  	[sflag:s8] =	ssyncset.done $0x0  }
0x11b: {  	[sflag:s8] =	ssyncadd.s32 $0xFFFFFF80  }
0x11c: {  	_ =	swait.ge [sflag:s8], $0x80  }
0x11d: {  	[sflag:s8] =	ssyncset.done $0x0  }
0x11e: {  	[sflag:s8] =	ssyncadd.s32 $0xFFFFFF80  }
0x11f: {  	_ =	swait.ge [sflag:s8], $0x80  }
0x120: {  	[sflag:s8] =	ssyncset.done $0x0  }
0x121: {  	[sflag:s8] =	ssyncadd.s32 $0xFFFFFF80  }
0x122: {  	_ =	swait.ge [sflag:s8], $0x80  }
0x123: {  	[sflag:s8] =	ssyncset.done $0x0  }
0x124: {  	[sflag:s8] =	ssyncadd.s32 $0xFFFFFF80  }
0x125: {  	_ =	swait.ge [sflag:s8], $0x80  }
0x126: {  	[sflag:s8] =	ssyncset.done $0x0  }
0x127: {  	[sflag:s8] =	ssyncadd.s32 $0xFFFFFF80  }
0x128: {  	_ =	swait.ge [sflag:s8], $0x80  }
0x129: {  	[sflag:s8] =	ssyncset.done $0x0  }
0x12a: {  	[sflag:s8] =	ssyncadd.s32 $0xFFFFFF80  }
0x12b: {  	_ =	swait.ge [sflag:s8], $0x80  }
0x12c: {  	[sflag:s8] =	ssyncset.done $0x0  }
0x12d: {  	[sflag:s8] =	ssyncadd.s32 $0xFFFFFF80  }
0x12e: {  	_ =	swait.ge [sflag:s8], $0x80  }
0x12f: {  	s22 =	simm.s32 $0x0;
	[sflag:s8] =	ssyncset.done $0x0  }
0x130: {  	s0 =	simm.s32 $0x1C80;
	s4 =	simm.s32 $0x1D00;
	[sflag:s8] =	ssyncadd.s32 $0xFFFFFF80  }
0x131: {  	s14 =	simm.s32 $0x1D80;
	s6 =	simm.s32 $0x1E00;
	[bflag:$0x0] =	sbarrier.arrive $0xFFFF  }
0x132: {  	s7 =	simm.s32 $0x1E80;
	s11 =	simm.s32 $0x1F00;
	s10 =	rddreg [dreg:$0xa]  }
0x133: {  	s12 =	simm.s32 $0x1F80;
	s2 =	simm.s32 $0x23A0;
	s3 =	rddreg [dreg:$0xb]  }
.LBB2_6:
0x134: {  	s23 =	smul.u32 $0xE0, s22  }
0x135: {  	s24 =	rddreg [dreg:$0x7]  }
0x136: {  	s23 =	sadd.s32 s23, s24  }
0x137: {  	s31 =	smov.u32 s23;
	s23 =	sadd.s32 s23, s1  }
0x138: {  	[tilespmem:s16], [sflag:$0x2] =	stream.linear.gather [spmem:s23], $0xE0, $0x38;
	[tilespmem:$0x3440] =	vst v63  }
0x139: {  	_ =	swait.ge [sflag:s17], $0xE0  }
0x13a: {  	[sflag:s17] =	ssyncset.done $0x0  }
0x13b: {  	s25 =	simm.s32 $0x0;
	[sflag:s17] =	ssyncadd.s32 $0xFFFFFF20  }
0x13c: {  	v3 =	vld [tilespmem:s25+$0x2100];
	_ =	sdelay $0x3  }
0x13d: {  	s24 =	simm.s32 $0x10  }
0x13e: {  	v8 =	vmax.f32 v3, $1.000000000e+00;
	v3 =	vld [tilespmem:s24+$0x2100]  }
0x13f: {  	(erf) = vrcp.f32 v8;
	v4 =	vshra.s32 v8, $0x1;
	v9 =	vmul.f32 $5.000000000e-01, v8  }
0x140: {  	v5 =	vsub.s32 $0x5F3759DF, v4  }
0x141: {  	v6 =	vmul.f32 v5, v9;
	_ =	sdelay $0x1  }
0x142: {  	s23 =	simm.s32 $0x20;
	v4 =	vmax.f32 v3, $1.000000000e+00;
	v3 =	vmul.f32 v5, v6  }
0x143: {  	v6 =	vld [tilespmem:s23+$0x2100];
	(erf) = vrcp.f32 v4;
	v10 =	vshra.s32 v4, $0x1;
	v7 =	vmul.f32 $5.000000000e-01, v4  }
0x144: {  	v3 =	vsub.f32 $1.500000000e+00, v3;
	v10 =	vsub.s32 $0x5F3759DF, v10  }
0x145: {  	v12 =	vmul.f32 v10, v7  }
0x146: {  	v5 =	vmul.f32 v5, v3  }
0x147: {  	v11 =	vpop (erf);
	v12 =	vmul.f32 v10, v12  }
0x148: {  	v3 =	vmax.f32 v6, $1.000000000e+00;
	v11 =	vmul.f32 $8.999999760e-01, v11;
	v6 =	vmul.f32 v5, v9  }
0x149: {  	(erf) = vrcp.f32 v3  }
0x14a: {  	s26 =	simm.s32 $0x30;
	v12 =	vsub.f32 $1.500000000e+00, v12;
	[tilespmem:s25+$0x23A0] =	vst v11;
	v11 =	vmul.f32 v6, v5  }
0x14b: {  	v13 =	vshra.s32 v3, $0x1;
	v6 =	vmul.f32 $5.000000000e-01, v3;
	v14 =	vld [tilespmem:s26+$0x2100]  }
0x14c: {  	v13 =	vsub.s32 $0x5F3759DF, v13;
	v10 =	vmul.f32 v10, v12;
	v15 =	vpop (erf);
	v11 =	vsub.f32 $1.500000000e+00, v11  }
0x14d: {  	v12 =	vmul.f32 $8.999999760e-01, v15;
	v15 =	vmul.f32 v13, v6  }
0x14e: {  	v16 =	vmul.f32 v11, v5;
	v11 =	vmul.f32 v10, v7  }
0x14f: {  	s28 =	simm.s32 $0x40;
	[tilespmem:s24+$0x23A0] =	vst v12;
	v12 =	vmul.f32 v13, v15  }
0x150: {  	v5 =	vmax.f32 v14, $1.000000000e+00;
	v14 =	vmul.f32 v16, v9;
	v15 =	vld [tilespmem:s28+$0x2100];
	v11 =	vmul.f32 v11, v10  }
0x151: {  	v9 =	vmul.f32 $5.000000000e-01, v5;
	(erf) = vrcp.f32 v5;
	v17 =	vsub.f32 $1.500000000e+00, v12  }
0x152: {  	v18 =	vpop (erf);
	v12 =	vmul.f32 $1.000000010e-01, v8;
	v19 =	vsub.f32 $1.500000000e+00, v11;
	v14 =	vmul.f32 v14, v16  }
0x153: {  	v8 =	vshra.s32 v5, $0x1;
	v20 =	vmul.f32 $8.999999760e-01, v18;
	v11 =	vmul.f32 v13, v17  }
0x154: {  	v13 =	vsub.s32 $0x5F3759DF, v8;
	v10 =	vmul.f32 v19, v10;
	v19 =	vsub.f32 $1.500000000e+00, v14  }
0x155: {  	v18 =	vmul.f32 v13, v9;
	v8 =	vmax.f32 v15, $1.000000000e+00;
	v17 =	vmul.f32 v11, v6  }
0x156: {  	s29 =	simm.s32 $0x140;
	[tilespmem:s23+$0x23A0] =	vst v20;
	v15 =	vshra.s32 v8, $0x1;
	v14 =	vmul.f32 $5.000000000e-01, v8;
	v16 =	vmul.f32 v19, v16  }
.LBB2_7:
0x157: {  	s30 =	sshra.s32 s29, $0x2;
	p0 =	sne.s32 s29, $0x340;
	s29 =	sadd.s32 $0x40, s29;
	v22 =	vmul.f32 v13, v18;
	v19 =	vmul.f32 v10, v7;
	v7 =	vmovc v6;
	v6 =	vmov v9  }
0x158: {  	v17 =	vmul.f32 v17, v11;
	v20 =	vld [tilespmem:s30+$0x2100];
	v21 =	vmul.f32 v16, v12;
	v9 =	vmov v14  }
0x159: {  	v16 =	vmul.f32 $8.999999760e-01, v16;
	(erf) = vrcp.f32 v8;
	v14 =	vsub.f32 $1.500000000e+00, v22  }
.Ltmp2:
0x15a: {  	v12 =	vmul.f32 $1.000000010e-01, v4;
	v17 =	vsub.f32 $1.500000000e+00, v17;
	v19 =	vmul.f32 v19, v10;
	v18 =	vpop (erf);
	[tilespmem:s25+$0x2560] =	vst v21;
	(pc) =	sbr.rel @p0 .LBB2_7-.Ltmp2, $4  }
0x15b: {  	v4 =	vmovc v3;
	v3 =	vmovc v5;
	v5 =	vmov v8;
	v14 =	vmul.f32 v13, v14;
	v21 =	vmul.f32 $8.999999760e-01, v18;
	[tilespmem:s25+$0x2480] =	vst v16;
	s25 =	smov.u32 s24;
	s24 =	smov.u32 s23;
	s23 =	smov.u32 s26  }
0x15c: {  	v13 =	vsub.s32 $0x5F3759DF, v15;
	v22 =	vmul.f32 v17, v11;
	v16 =	vsub.f32 $1.500000000e+00, v19;
	s26 =	smov.u32 s28;
	s28 =	smov.u32 s30  }
0x15d: {  	v18 =	vmul.f32 v13, v9;
	v8 =	vmax.f32 v20, $1.000000000e+00;
	v17 =	vmul.f32 v14, v6;
	[tilespmem:s23+$0x23A0] =	vst v21;
	v11 =	vmovc v14  }
0x15e: {  	v16 =	vmul.f32 v16, v10;
	v10 =	vmovc v22;
	v15 =	vshra.s32 v8, $0x1;
	v14 =	vmul.f32 $5.000000000e-01, v8  }
0x15f: {  	v15 =	vsub.s32 $0x5F3759DF, v15  }
0x160: {  	v18 =	vmul.f32 v13, v18;
	v19 =	vmul.f32 v15, v14;
	_ =	sdelay $0x1  }
0x161: {  	v18 =	vsub.f32 $1.500000000e+00, v18;
	v19 =	vmul.f32 v15, v19;
	_ =	sdelay $0x1  }
0x162: {  	v45 =	vmul.f32 v13, v18;
	v46 =	vsub.f32 $1.500000000e+00, v19  }
0x163: {  	v7 =	vmul.f32 v10, v7;
	v17 =	vmul.f32 v17, v11  }
0x164: {  	v47 =	vmul.f32 v45, v9;
	v15 =	vmul.f32 v15, v46  }
0x165: {  	(erf) = vrcp.f32 v8;
	v4 =	vmul.f32 $1.000000010e-01, v4;
	v17 =	vsub.f32 $1.500000000e+00, v17  }
0x166: {  	v48 =	vmul.f32 v47, v45;
	v49 =	vmul.f32 v15, v14  }
0x167: {  	v7 =	vmul.f32 v7, v10;
	v51 =	vmul.f32 v17, v11  }
0x168: {  	v3 =	vmul.f32 $1.000000010e-01, v3;
	v18 =	vsub.f32 $1.500000000e+00, v48;
	v52 =	vmul.f32 v49, v15  }
0x169: {  	v12 =	vmul.f32 v16, v12;
	v7 =	vsub.f32 $1.500000000e+00, v7;
	v6 =	vmul.f32 v51, v6  }
0x16a: {  	v50 =	vmul.f32 $8.999999760e-01, v16;
	v13 =	vmul.f32 v18, v45;
	v17 =	vsub.f32 $1.500000000e+00, v52  }
0x16b: {  	v7 =	vmul.f32 v7, v10;
	v6 =	vmul.f32 v6, v51  }
0x16c: {  	v53 =	vpop (erf);
	v55 =	vmul.f32 v13, v9;
	v56 =	vmul.f32 v17, v15  }
0x16d: {  	[tilespmem:s25+$0x2560] =	vst v12;
	v54 =	vmul.f32 $8.999999760e-01, v53;
	v4 =	vmul.f32 v7, v4;
	v6 =	vsub.f32 $1.500000000e+00, v6  }
0x16e: {  	[tilespmem:s25+$0x2480] =	vst v50;
	v9 =	vmul.f32 v55, v13;
	v58 =	vmul.f32 v56, v14  }
0x16f: {  	[tilespmem:s26+$0x23A0] =	vst v54;
	v7 =	vmul.f32 $8.999999760e-01, v7;
	v57 =	vpop (erf);
	v6 =	vmul.f32 v6, v51  }
0x170: {  	v12 =	vmul.f32 $8.999999760e-01, v57;
	[tilespmem:s24+$0x2560] =	vst v4;
	v9 =	vsub.f32 $1.500000000e+00, v9;
	v59 =	vmul.f32 v58, v56  }
0x171: {  	[tilespmem:s24+$0x2480] =	vst v7;
	v3 =	vmul.f32 v6, v3  }
0x172: {  	v60 =	vmul.f32 $1.000000010e-01, v5;
	[tilespmem:s28+$0x23A0] =	vst v12;
	v61 =	vmul.f32 v9, v13;
	v62 =	vsub.f32 $1.500000000e+00, v59  }
0x173: {  	v6 =	vmul.f32 $8.999999760e-01, v6;
	[tilespmem:s23+$0x2560] =	vst v3;
	v3 =	vmul.f32 $1.000000010e-01, v8  }
0x174: {  	v4 =	vmul.f32 v61, v60;
	v7 =	vmul.f32 v62, v56  }
0x175: {  	[tilespmem:s23+$0x2480] =	vst v6;
	v5 =	vmul.f32 $8.999999760e-01, v61  }
0x176: {  	[tilespmem:s26+$0x2560] =	vst v4;
	v3 =	vmul.f32 v7, v3  }
0x177: {  	[tilespmem:s26+$0x2480] =	vst v5;
	v63 =	vmul.f32 $8.999999760e-01, v7  }
0x178: {  	s31 =	sshrl.u32 s31, $0x3;
	s25 =	rddreg [dreg:$0x4];
	[tilespmem:s28+$0x2560] =	vst v3  }
0x179: {  	s23 =	simm.s32 $0x0;
	s26 =	sadd.s32 s25, s31;
	[tilespmem:s28+$0x2480] =	vst v63  }
0x17a: {  	[hbm4b:s26+s23] =	stream.linear.scatter [tilespmem:s2], [sflag:$0x2], $0xE0, $0x38;
	[tilespmem:$0x3440] =	vst v63  }
0x17b: {  	_ =	swait.ge [sflag:s17], $0xE0  }
0x17c: {  	[sflag:s17] =	ssyncset.done $0x0;
	s28 =	rddreg [dreg:$0x5]  }
0x17d: {  	s29 =	simm.s32 $0x2480;
	[sflag:s17] =	ssyncadd.s32 $0xFFFFFF20;
	s25 =	sadd.s32 s28, s31  }
0x17e: {  	[hbm4b:s25+s23] =	stream.linear.scatter [tilespmem:s29], [sflag:$0x2], $0xE0, $0x38;
	[tilespmem:$0x3440] =	vst v63  }
0x17f: {  	_ =	swait.ge [sflag:s17], $0xE0  }
0x180: {  	s22 =	sadd.s32 $0x1, s22;
	[sflag:s17] =	ssyncset.done $0x0  }
0x181: {  	p0 =	sne.s32 s22, $0xE;
	s30 =	rddreg [dreg:$0x6];
	[sflag:s17] =	ssyncadd.s32 $0xFFFFFF20  }
.Ltmp3:
0x182: {  	s24 =	sadd.s32 s30, s31;
	s31 =	simm.s32 $0x2560;
	(pc) =	sbr.rel @p0 .LBB2_6-.Ltmp3, $4  }
0x183: {  	[hbm4b:s24+s23] =	stream.linear.scatter [tilespmem:s31], [sflag:$0x2], $0xE0, $0x38;
	[tilespmem:$0x3440] =	vst v63  }
0x184: {  	_ =	swait.ge [sflag:s17], $0xE0  }
0x185: {  	[sflag:s17] =	ssyncset.done $0x0  }
0x186: {  	[sflag:s17] =	ssyncadd.s32 $0xFFFFFF20  }
0x187: {  	p1 =	por $0x1, $0x1;
	s2 =	simm.s32 $0x0  }
.LBB2_10:
0x188: {  	s22 =	rddreg [dreg:$0x8]  }
0x189: {  	s22 =	sor.u32 s22, s23  }
0x18a: {  	s23 =	smul.u32 $0xFFFFFFF6, s22;
	_ =	sdelay $0x1  }
0x18b: {  	p0 =	por p1, p1;
	s22 =	smul.u32 $0x18800, s22;
	v3 =	vmov s23;
	s23 =	simm.s32 $0x0  }
.LBB2_11:
0x18c: {  	s24 =	smul.u32 $0xE0, s23;
	_ =	sdelay $0x1  }
0x18d: {  	s24 =	sadd.s32 s13, s24  }
0x18e: {  	s25 =	sadd.s32 s24, s1  }
0x18f: {  	[tilespmem:s16], [sflag:$0x2] =	stream.linear.gather [spmem:s25], $0xE0, $0x38;
	[tilespmem:$0x3440] =	vst v63  }
0x190: {  	_ =	swait.ge [sflag:s17], $0xE0  }
0x191: {  	s28 =	simm.s32 $0x0;
	s30 =	sshrl.u32 s24, $0x3;
	[sflag:s17] =	ssyncset.done $0x0  }
0x192: {  	s29 =	simm.s32 $0x21E0;
	s26 =	sadd.s32 s3, s30;
	[sflag:s17] =	ssyncadd.s32 $0xFFFFFF20  }
0x193: {  	[tilespmem:s29], [sflag:$0x2] =	stream.linear.gather [hbm4b:s26+s28], $0xE0, $0x38;
	[tilespmem:$0x3440] =	vst v63  }
0x194: {  	_ =	swait.ge [sflag:s17], $0xE0  }
0x195: {  	[sflag:s17] =	ssyncset.done $0x0  }
0x196: {  	s31 =	simm.s32 $0x22C0;
	s25 =	sadd.s32 s5, s30;
	[sflag:s17] =	ssyncadd.s32 $0xFFFFFF20  }
0x197: {  	[tilespmem:s31], [sflag:$0x2] =	stream.linear.gather [hbm4b:s25+s28], $0xE0, $0x38;
	[tilespmem:$0x3440] =	vst v63  }
0x198: {  	_ =	swait.ge [sflag:s17], $0xE0  }
0x199: {  	[sflag:s17] =	ssyncset.done $0x0  }
0x19a: {  	s25 =	simm.s32 $0x0;
	[sflag:s17] =	ssyncadd.s32 $0xFFFFFF20  }
.LBB2_12:
0x19b: {  	p1 =	sne.s32 s25, $0x37C0  }
.Ltmp4:
0x19c: {  	_ = 	snop;
	(pc) =	sbr.rel @p1 .LBB2_12-.Ltmp4, $3  }
0x19d: {  	_ =	sdelay $0x1  }
0x19e: {  	s26 =	sshra.s32 s25, $0x2  }
0x19f: {  	s25 =	sadd.s32 $0x40, s25;
	[tilespmem:s26+$0x2640] =	vst v1  }
0x1a0: {  	s25 =	simm.s32 $0x2100  }
0x1a1: {  	v4 =	vld [tilespmem:s25+$0x0];
	_ =	sdelay $0x4  }
0x1a2: {  	v4 =	vmax.f32 v4, $1.000000000e+00  }
0x1a3: {  	v5 =	vshra.s32 v4, $0x1;
	v4 =	vmul.f32 $5.000000000e-01, v4  }
0x1a4: {  	v5 =	vsub.s32 $0x5F3759DF, v5  }
0x1a5: {  	v6 =	vmul.f32 v5, v4;
	_ =	sdelay $0x1  }
0x1a6: {  	v6 =	vmul.f32 v5, v6;
	_ =	sdelay $0x1  }
0x1a7: {  	v6 =	vsub.f32 $1.500000000e+00, v6;
	_ =	sdelay $0x1  }
0x1a8: {  	v5 =	vmul.f32 v5, v6;
	_ =	sdelay $0x1  }
0x1a9: {  	s26 =	simm.s32 $0x22C0;
	v6 =	vmul.f32 v5, v4  }
0x1aa: {  	s25 =	simm.s32 $0x21E0;
	v7 =	vld [tilespmem:s26+$0x0]  }
0x1ab: {  	v8 =	vld [tilespmem:s25+$0x0];
	v6 =	vmul.f32 v6, v5;
	_ =	sdelay $0x1  }
0x1ac: {  	v6 =	vsub.f32 $1.500000000e+00, v6;
	_ =	sdelay $0x1  }
0x1ad: {  	v5 =	vmul.f32 v6, v5  }
0x1ae: {  	v9 =	vmov s28;
	vm0 =	vne.s32 v7, $0x0;
	v8 =	vadd.s32 v3, v8  }
0x1af: {  	vm1 =	vlt.u32 v8, $0xA;
	v6 =	vshll.u32 v9, $0x4;
	v4 =	vmul.f32 v5, v4  }
0x1b0: {  	v7 =	vand.u32 $0xFFFFFFF8, v8;
	v8 =	vand.u32 $0x7, v8;
	v6 =	vor.u32 v2, v6  }
0x1b1: {  	vm0 =	vmand vm0, vm1;
	v6 =	vadd.s32 v6, v7;
	v4 =	vmul.f32 v4, v5  }
0x1b2: {  	v6 =	vor.u32 v8, v6  }
0x1b3: {  	v4 =	vsub.f32 $1.500000000e+00, v4;
	_ =	sdelay $0x1  }
0x1b4: {  	v4 =	vmul.f32 v4, v5;
	_ =	sdelay $0x1  }
0x1b5: {  	s29 =	simm.s32 $0x2110;
	[tilespmem:v6+s21+$0x0] =	vst.idx.msk vm0, v4  }
0x1b6: {  	s28 =	simm.s32 $0x10;
	s30 =	simm.s32 $0x20;
	v4 =	vld [tilespmem:s29+$0x0]  }
.LBB2_14:
0x1b7: {  	p1 =	sne.s32 s30, $0xD0;
	_ =	sdelay $0x3  }
0x1b8: {  	v4 =	vmax.f32 v4, $1.000000000e+00  }
0x1b9: {  	v5 =	vshra.s32 v4, $0x1;
	v4 =	vmul.f32 $5.000000000e-01, v4  }
0x1ba: {  	v5 =	vsub.s32 $0x5F3759DF, v5  }
0x1bb: {  	v6 =	vmul.f32 v5, v4;
	_ =	sdelay $0x1  }
0x1bc: {  	v6 =	vmul.f32 v5, v6;
	_ =	sdelay $0x1  }
0x1bd: {  	v6 =	vsub.f32 $1.500000000e+00, v6;
	_ =	sdelay $0x1  }
0x1be: {  	v5 =	vmul.f32 v5, v6;
	_ =	sdelay $0x1  }
0x1bf: {  	v6 =	vmul.f32 v5, v4  }
0x1c0: {  	s26 =	sadd.s32 $0x10, s26  }
0x1c1: {  	s25 =	sadd.s32 $0x10, s25;
	v7 =	vld [tilespmem:s26+$0x0];
	v6 =	vmul.f32 v6, v5  }
0x1c2: {  	v8 =	vld [tilespmem:s25+$0x0]  }
0x1c3: {  	v6 =	vsub.f32 $1.500000000e+00, v6  }
0x1c4: {  	v9 =	vmov s28;
	s28 =	smov.u32 s30  }
0x1c5: {  	v5 =	vmul.f32 v6, v5;
	v6 =	vshll.u32 v9, $0x4  }
0x1c6: {  	v6 =	vor.u32 v2, v6  }
0x1c7: {  	vm0 =	vne.s32 v7, $0x0;
	v4 =	vmul.f32 v5, v4;
	v8 =	vadd.s32 v3, v8  }
0x1c8: {  	vm1 =	vlt.u32 v8, $0xA;
	v7 =	vand.u32 $0xFFFFFFF8, v8;
	v8 =	vand.u32 $0x7, v8  }
0x1c9: {  	v4 =	vmul.f32 v4, v5;
	vm0 =	vmand vm0, vm1;
	v6 =	vadd.s32 v6, v7  }
0x1ca: {  	v6 =	vor.u32 v8, v6  }
0x1cb: {  	v4 =	vsub.f32 $1.500000000e+00, v4  }
.Ltmp5:
0x1cc: {  	(pc) =	sbr.rel @p1 .LBB2_14-.Ltmp5, $3  }
0x1cd: {  	v4 =	vmul.f32 v4, v5;
	_ =	sdelay $0x1  }
0x1ce: {  	s29 =	sadd.s32 $0x10, s29;
	[tilespmem:v6+s21+$0x0] =	vst.idx.msk vm0, v4  }
0x1cf: {  	s30 =	sadd.s32 $0x10, s30;
	v4 =	vld [tilespmem:s29+$0x0]  }
0x1d0: {  	_ =	sdelay $0x3  }
0x1d1: {  	v4 =	vmax.f32 v4, $1.000000000e+00  }
0x1d2: {  	v5 =	vshra.s32 v4, $0x1;
	v4 =	vmul.f32 $5.000000000e-01, v4  }
0x1d3: {  	v5 =	vsub.s32 $0x5F3759DF, v5  }
0x1d4: {  	v6 =	vmul.f32 v5, v4;
	_ =	sdelay $0x1  }
0x1d5: {  	v6 =	vmul.f32 v5, v6;
	_ =	sdelay $0x1  }
0x1d6: {  	v6 =	vsub.f32 $1.500000000e+00, v6;
	_ =	sdelay $0x1  }
0x1d7: {  	v5 =	vmul.f32 v5, v6;
	_ =	sdelay $0x1  }
0x1d8: {  	v6 =	vmul.f32 v5, v4  }
0x1d9: {  	s25 =	sadd.s32 $0x10, s25  }
0x1da: {  	s26 =	sadd.s32 $0x10, s26;
	v8 =	vld [tilespmem:s25+$0x0];
	v6 =	vmul.f32 v6, v5  }
0x1db: {  	v7 =	vld [tilespmem:s26+$0x0]  }
0x1dc: {  	v6 =	vsub.f32 $1.500000000e+00, v6;
	_ =	sdelay $0x1  }
0x1dd: {  	v9 =	vmov s28;
	v5 =	vmul.f32 v6, v5  }
0x1de: {  	v62 =	vshll.u32 v9, $0x4;
	v8 =	vadd.s32 v3, v8  }
0x1df: {  	vm0 =	vne.s32 v7, $0x0;
	vm1 =	vlt.u32 v8, $0xA;
	v4 =	vmul.f32 v5, v4  }
0x1e0: {  	v63 =	vand.u32 $0xFFFFFFF8, v8;
	v8 =	vand.u32 $0x7, v8;
	v6 =	vor.u32 v2, v62  }
0x1e1: {  	vm0 =	vmand vm0, vm1;
	v6 =	vadd.s32 v6, v63;
	v4 =	vmul.f32 v4, v5  }
0x1e2: {  	v6 =	vor.u32 v8, v6  }
0x1e3: {  	v4 =	vsub.f32 $1.500000000e+00, v4;
	_ =	sdelay $0x1  }
0x1e4: {  	s24 =	sadd.s32 s22, s24;
	s23 =	sadd.s32 $0x1, s23;
	v4 =	vmul.f32 v4, v5  }
0x1e5: {  	s24 =	sshll.u32 s24, $0x1;
	p1 =	sne.s32 s23, $0x1C  }
.Ltmp6:
0x1e6: {  	s24 =	sadd.s32 s9, s24;
	[tilespmem:v6+s21+$0x0] =	vst.idx.msk vm0, v4;
	(pc) =	sbr.rel @p1 .LBB2_11-.Ltmp6, $4  }
0x1e7: {  	[hbm4b:s24+s2] =	stream.linear.scatter [tilespmem:s21], [sflag:$0x2], $0xE00, $0x38;
	[tilespmem:$0x3440] =	vst v63  }
0x1e8: {  	_ =	swait.ge [sflag:s17], $0xE00  }
0x1e9: {  	[sflag:s17] =	ssyncset.done $0x0  }
0x1ea: {  	[sflag:s17] =	ssyncadd.s32 $0xFFFFF200  }
.Ltmp7:
0x1eb: {  	(pc) =	sbr.rel @p0 .LBB2_10-.Ltmp7, $2  }
0x1ec: {  	_ =	sdelay $0x2  }
0x1ed: {  	s23 =	simm.s32 $0x1;
	p1 =	por $0x0, $0x0  }
0x1ee: {  	s23 =	rddreg [dreg:$0xc]  }
0x1ef: {  	s22 =	rddreg [dreg:$0x9];
	s23 =	sadd.s32 $0x1, s23  }
0x1f0: {  	p0 =	sne.s32 s23, s22  }
.Ltmp8:
0x1f1: {  	_ = 	snop;
	(pc) =	sbr.rel @p0 .LBB2_1-.Ltmp8, $4  }
0x1f2: {  	_ = 	snop  }
0x1f3: {  	s26 =	simm.s32 $0x1900  }
0x1f4: {  	s28 =	simm.s32 $0x1980;
	s29 =	simm.s32 $0x1A00;
	s30 =	simm.s32 $0x1A80  }
0x1f5: {  	s24 =	simm.s32 $0x1B00;
	s25 =	simm.s32 $0x1B80;
	s31 =	simm.s32 $0x1C00  }
0x1f6: {  	_ =	sfence.sel $0x180000  }
0x1f7: {  	[bflag:$0x0] =	sbarrier.arrive $0xFFFF  }
0x1f8: {  	_ =	strace $0x90000047  }
0x1f9: {  	s0 =	stileid.u32;
	[bflag:$0x2] =	sbarrier.arrive $0xFFFF  }
0x1fa: {  	p0 =	sne.s32 s0, $0x0;
	s0 =	rddreg [dreg:$0x3]  }
0x1fb: {  	s0 =	sadd.s32 @!p0 $0x100000, s0  }
0x1fc: {  	[sflag:s0] =	ssyncadd.tile.s32 @!p0 $0x1;
	_ =	shalt  }
.Lfunc_end2:
_tile_overlayer_lowered:
.L_overlay_start_2:
0x1fd: {  	(tag) =	ssettag $0x2  }
0x1fe: {  	s0 =	rddreg [dreg:$0x0];
	s2 =	stileid.u32  }
0x1ff: {  	s1 =	rddreg [dreg:$0x1];
	p0 =	sne.s32 s2, $0x0  }
0x200: {  	s3 =	rddreg [dreg:$0x2];
	[bflag:$0x3] =	sbarrier.arrive $0xFFFF;
	s2 =	simm.s32 @!p0 $0x1C02  }
0x201: {  	[timem:s3], [sflag:s2] =	dma.local @!p0 [hbm:s0], s1  }
0x202: {  	s0 =	simm.s32 @!p0 $0x2  }
0x203: {  	_ =	swait.ge @!p0 [sflag:s0], s1  }
0x204: {  	s1 =	ssub.s32 @!p0 $0x0, s1;
	[sflag:s0] =	ssyncset.done @!p0 $0x0  }
0x205: {  	[sflag:s0] =	ssyncadd.s32 @!p0 s1  }
0x206: {  	[bflag:$0x3] =	sbarrier.arrive $0xFFFF  }
0x207: {  	_ =	shalt  }

// kernel: kernel.7.cloned.1.call-start
scs
__scs_entry_jumppad:
0x0: {  	(pc) =	sbr.rel $0x88, $3  }
0x1: {  	(tag) =	ssettag $0x0;
	lr =	simm.s32 $0x1  }
0x2: {  	[smem:$0x3F9E] =	sst lr;
	_ =	strace $0xD0000000  }
0x3: {  	_ = 	snop  }
0x4: {  	_ = 	snop  }
0x5: {  	_ = 	snop  }
0x6: {  	_ = 	snop  }
0x7: {  	_ = 	snop  }
__scs_overlays_trampoline_lowered:
0x8: {  	[smem:$0x3FAD] =	sst s0  }
0x9: {  	[smem:$0x3FAE] =	sst s1  }
0xa: {  	[smem:$0x3FAF] =	sst s2  }
0xb: {  	[smem:$0x3FB0] =	sst s3  }
0xc: {  	[smem:$0x3FB1] =	sst s4  }
0xd: {  	[smem:$0x3FB2] =	sst s5  }
0xe: {  	[smem:$0x3FB3] =	sst s6  }
0xf: {  	[smem:$0x3FB4] =	sst s7  }
0x10: {  	[smem:$0x3FB5] =	sst s8  }
0x11: {  	[smem:$0x3FB6] =	sst s9;
	s0 =	simm.s32 @!p0 $0x0  }
0x12: {  	s1 =	sld [smem:$0x3F9C];
	s0 =	simm.s32 @p0 $0x1  }
0x13: {  	[smem:$0x3FB7] =	sst s0;
	s0 =	simm.s32 @!p1 $0x0  }
0x14: {  	s2 =	sld [smem:$0x3F9B];
	s0 =	simm.s32 @p1 $0x1  }
0x15: {  	[smem:$0x3FB8] =	sst s0;
	s0 =	simm.s32 @!p2 $0x0  }
0x16: {  	s3 =	sld [smem:$0x3FDB];
	s0 =	simm.s32 @p2 $0x1  }
0x17: {  	s4 =	simm.s32 $0x1BF5;
	[smem:$0x3FBA] =	sst s0  }
0x18: {  	s0 =	sld [smem:$0x3F9D];
	_ =	swait.ge [sflag:s4], $0x0  }
0x19: {  	s7 =	sld [smem:$0x3F9E]  }
0x1a: {  	s8 =	sadd.s32 $0xFFFFE003, lr  }
0x1b: {  	s9 =	sadd.s32 $0xFFFFFEF7, lr;
	s5 =	simm.s32 $0xFFFFFFFF;
	p2 =	slt.u32 s8, $0xFFFFF086  }
0x1c: {  	p1 =	slt.u32 s9, $0xF7A;
	s5 =	simm.s32 @!p2 $0x0  }
0x1d: {  	s5 =	simm.s32 @p1 $0x1;
	p0 =	seq.s32 s7, s2  }
0x1e: {  	s7 =	smul.u32 @!p0 $0xF7A, s2;
	p2 =	seq.s32 @!p0 s5, $0x0  }
0x1f: {  	s9 =	smul.u32 $0xF7A, s1;
	s8 =	simm.s32 @!p0 $0x1BF5;
	p2 =	por !p2, p0  }
0x20: {  	[sflag:s8] =	ssyncset.s32 @!p0 $0xFFFFF086;
	s6 =	sadd.s32 @!p0 s3, s7;
	s7 =	simm.s32 @!p0 $0x108  }
0x21: {  	s3 =	sadd.s32 s3, s9;
	s6 =	sadd.s32 @!p0 $0x88, s6;
	s7 =	simm.s32 @p2 $0x1082  }
0x22: {  	[simem:s7], [sflag:s8] =	dma.local @!p0 [hbm:s6], $0xF7A  }
0x23: {  	s9 =	sor.u32 $0xD0000000, s2;
	s6 =	simm.s32 $0x108;
	_ =	swait.ge @!p0 [sflag:s8], $0x0  }
0x24: {  	s3 =	sadd.s32 $0x88, s3;
	s6 =	simm.s32 @!p1 $0x1082;
	[sflag:s4] =	ssyncset.s32 $0xFFFFF086  }
0x25: {  	[simem:s6], [sflag:s4] =	dma.local [hbm:s3], $0xF7A  }
0x26: {  	[smem:$0x3F9E] =	sst s1;
	(tag) =	ssettag s2;
	_ =	strace s9  }
0x27: {  	s1 =	sld [smem:$0x3FAE]  }
0x28: {  	s2 =	sld [smem:$0x3FAF]  }
0x29: {  	s4 =	sld [smem:$0x3FB1]  }
0x2a: {  	p0 =	seq.s32 s5, $0x0;
	s5 =	sld [smem:$0x3FB2]  }
0x2b: {  	s6 =	sld [smem:$0x3FB3]  }
0x2c: {  	s7 =	sld [smem:$0x3FB4]  }
0x2d: {  	s3 =	simm.s32 $0x108;
	s8 =	sld [smem:$0x3FB5]  }
0x2e: {  	s3 =	simm.s32 @!p0 $0x1082;
	s9 =	sld [smem:$0x3FB6]  }
0x2f: {  	lr =	sadd.s32 s0, s3;
	s0 =	sld [smem:$0x3FAD]  }
0x30: {  	s3 =	sld [smem:$0x3FB0]  }
0x31: {  	[smem:$0x3FB9] =	sst s10  }
0x32: {  	s10 =	sld [smem:$0x3FB7];
	_ =	sdelay $0x3  }
0x33: {  	p0 =	seq.s32 s10, $0x1;
	s10 =	sld [smem:$0x3FB9];
	_ =	sdelay $0x3  }
0x34: {  	[smem:$0x3FB9] =	sst s10  }
0x35: {  	s10 =	sld [smem:$0x3FB8];
	_ =	sdelay $0x3  }
0x36: {  	p1 =	seq.s32 s10, $0x1;
	s10 =	sld [smem:$0x3FB9];
	_ =	sdelay $0x3  }
0x37: {  	[smem:$0x3FB9] =	sst s10  }
0x38: {  	s10 =	sld [smem:$0x3FBA]  }
0x39: {  	_ = 	snop;
	(pc) =	sbr.ind lr, $3  }
0x3a: {  	_ = 	snop  }
0x3b: {  	_ = 	snop  }
0x3c: {  	p2 =	seq.s32 s10, $0x1;
	s10 =	sld [smem:$0x3FB9]  }
0x3d: {  	_ =	shalt  }
0x3e: {  	_ =	shalt  }
0x3f: {  	_ =	shalt  }
0x40: {  	_ =	shalt  }
0x41: {  	_ =	shalt  }
0x42: {  	_ =	shalt  }
0x43: {  	_ =	shalt  }
0x44: {  	_ =	shalt  }
0x45: {  	_ =	shalt  }
0x46: {  	_ =	shalt  }
0x47: {  	_ =	shalt  }
0x48: {  	_ =	shalt  }
0x49: {  	_ =	shalt  }
0x4a: {  	_ =	shalt  }
0x4b: {  	_ =	shalt  }
0x4c: {  	_ =	shalt  }
0x4d: {  	_ =	shalt  }
0x4e: {  	_ =	shalt  }
0x4f: {  	_ =	shalt  }
0x50: {  	_ =	shalt  }
0x51: {  	_ =	shalt  }
0x52: {  	_ =	shalt  }
0x53: {  	_ =	shalt  }
0x54: {  	_ =	shalt  }
0x55: {  	_ =	shalt  }
0x56: {  	_ =	shalt  }
0x57: {  	_ =	shalt  }
0x58: {  	_ =	shalt  }
0x59: {  	_ =	shalt  }
0x5a: {  	_ =	shalt  }
0x5b: {  	_ =	shalt  }
0x5c: {  	_ =	shalt  }
0x5d: {  	_ =	shalt  }
0x5e: {  	_ =	shalt  }
0x5f: {  	_ =	shalt  }
0x60: {  	_ =	shalt  }
0x61: {  	_ =	shalt  }
0x62: {  	_ =	shalt  }
0x63: {  	_ =	shalt  }
0x64: {  	_ =	shalt  }
0x65: {  	_ =	shalt  }
0x66: {  	_ =	shalt  }
0x67: {  	_ =	shalt  }
0x68: {  	_ =	shalt  }
0x69: {  	_ =	shalt  }
0x6a: {  	_ =	shalt  }
0x6b: {  	_ =	shalt  }
0x6c: {  	_ =	shalt  }
0x6d: {  	_ =	shalt  }
0x6e: {  	_ =	shalt  }
0x6f: {  	_ =	shalt  }
0x70: {  	_ =	shalt  }
0x71: {  	_ =	shalt  }
0x72: {  	_ =	shalt  }
0x73: {  	_ =	shalt  }
0x74: {  	_ =	shalt  }
0x75: {  	_ =	shalt  }
0x76: {  	_ =	shalt  }
0x77: {  	_ =	shalt  }
0x78: {  	_ =	shalt  }
0x79: {  	_ =	shalt  }
0x7a: {  	_ =	shalt  }
0x7b: {  	_ =	shalt  }
0x7c: {  	_ =	shalt  }
0x7d: {  	_ =	shalt  }
0x7e: {  	_ =	shalt  }
0x7f: {  	_ =	shalt  }
0x80: {  	_ =	shalt  }
0x81: {  	_ =	shalt  }
0x82: {  	_ =	shalt  }
0x83: {  	_ =	shalt  }
0x84: {  	_ =	shalt  }
0x85: {  	_ =	shalt  }
0x86: {  	_ =	shalt  }
0x87: {  	_ =	shalt  }
.Lfunc_end0:
.L_simem_size_0:
called_computation.1_lowered:
.L_overlay_start_0:
0x88: {  	s2 =	sld [smem:$0x3FD9]  }
0x89: {  	s3 =	sld [smem:$0x3FFE];
	_ =	sdelay $0x1  }
0x8a: {  	s1 =	srdreg.scid  }
0x8b: {  	s0 =	sand.u32 $0x1, s1  }
0x8c: {  	s17 =	sshll.u32 s0, $0xA;
	s2 =	sadd.s32 s3, s2  }
0x8d: {  	s2 =	sadd.s32 s2, s17  }
0x8e: {  	[smem:$0x3FC5] =	sst s2  }
0x8f: {  	_ = 	snop  }
0x90: {  	s2 =	sld [smem:$0x3FD0];
	(tm) =	ssettm $0x1  }
0x91: {  	s18 =	sld [smem:$0x3FFB];
	_ =	sdelay $0x3  }
0x92: {  	_ =	strace s18  }
0x93: {  	s3 =	sld [smem:$0x3FFC];
	_ =	sdelay $0x3  }
0x94: {  	_ =	strace s3  }
0x95: {  	s3 =	sld [smem:$0x3FFD];
	_ =	sdelay $0x3  }
0x96: {  	_ =	strace s3  }
0x97: {  	_ =	strace $0x8FFFFFFF  }
0x98: {  	s19 =	sld [smem:$0x3FDB];
	_ =	sdelay $0x1  }
0x99: {  	s4 =	simm.s32 $_scs_section_size  }
0x9a: {  	s5 =	simm.s32 $_size__tile_overlayer_lowered;
	s6 =	simm.s32 $_tile_overlayer_lowered  }
0x9b: {  	s22 =	simm.s32 $0x1BFF;
	s21 =	sshll.u32 s6, $0x1;
	s3 =	sadd.s32 s4, s19  }
0x9c: {  	s7 =	simm.s32 $0x0;
	s20 =	sshll.u32 s5, $0x1;
	s5 =	sadd.s32 s21, s3  }
0x9d: {  	[timem:s7], [sflag:s22] =	dma.local [hbm:s5], s20  }
0x9e: {  	_ =	swait.ge [sflag:s22], s20  }
0x9f: {  	s4 =	ssub.s32 $0x0, s20;
	[sflag:s22] =	ssyncset.done $0x0  }
0xa0: {  	[sflag:s22] =	ssyncadd.s32 s4;
	_ =	sdelay $0x1  }
0xa1: {  	s23 =	simm.s32 $0x1B8B  }
0xa2: {  	_ =	swait.ge [sflag:s23], $0x1  }
0xa3: {  	[sflag:s23] =	ssyncset.done $0x0  }
0xa4: {  	s25 =	simm.s32 $0x1B8E;
	s24 =	sld [smem:$0x3FFE];
	[sflag:s23] =	ssyncadd.s32 $0xFFFFFFFF  }
0xa5: {  	s26 =	simm.s32 $execute0_lowered;
	[smem:$0x3FD2] =	sst s25  }
0xa6: {  	s5 =	sshll.u32 s26, $0x1;
	_ =	strace $0x80000049;
	[dreg:$0x1] =	wrdreg $0xFFFFFFFF  }
0xa7: {  	s28 =	simm.s32 $_size_execute0_lowered;
	s3 =	sadd.s32 s3, s5;
	[dreg:$0x0] =	wrdreg $0x0  }
0xa8: {  	s5 =	sshll.u32 s28, $0x1;
	[dreg:$0x2] =	wrdreg s3  }
0xa9: {  	[dreg:$0x3] =	wrdreg s5  }
0xaa: {  	[dreg:$0x4] =	wrdreg $0xC0  }
0xab: {  	_ =	task [dreg:s7], $0x5FFFF  }
0xac: {  	[dreg:$0x1] =	wrdreg $0xFFFFFFFF  }
0xad: {  	[dreg:$0x0] =	wrdreg $0x60  }
0xae: {  	[dreg:$0x2] =	wrdreg s24  }
0xaf: {  	[dreg:$0x3] =	wrdreg s2  }
0xb0: {  	[dreg:$0x4] =	wrdreg $0x0  }
0xb1: {  	[dreg:$0x5] =	wrdreg $0x9  }
0xb2: {  	_ =	task.clear_ibuf [dreg:s7], $0x6FFFF;
	_ =	strace $0x90000049  }
0xb3: {  	s29 =	simm.s32 $0x9;
	_ =	strace $0x8000004B  }
0xb4: {  	_ =	swait.ge [sflag:s29], $0x1  }
0xb5: {  	[sflag:s29] =	ssyncadd.s32 $0xFFFFFFFF  }
0xb6: {  	_ =	strace $0x9000004B  }
0xb7: {  	_ =	sfence  }
0xb8: {  	s30 =	sld [smem:$0x0];
	_ =	sdelay $0x2  }
0xb9: {  	s31 =	sshll.u32 s1, $0xD;
	s1 =	sshrl.u32 s1, $0x2  }
0xba: {  	s3 =	sand.u32 $0x4000, s31;
	s1 =	sadd.s32 s1, s30  }
0xbb: {  	s0 =	sor.u32 s3, s0;
	s1 =	sshll.u32 s1, $0x11  }
0xbc: {  	s0 =	sor.u32 s1, s0  }
0xbd: {  	s0 =	sadd.s32 $0x8F2B, s0  }
0xbe: {  	[sflag:s0] =	ssyncadd.remote.s32 $0x1  }
0xbf: {  	_ =	sfence.sel $0xFFFF  }
0xc0: {  	[dreg:$0x0] =	wrdreg $0xFFFFFFFF;
	(pc) =	sbr.abs _section_cstart, $3  }
0xc1: {  	[dreg:$0x1] =	wrdreg $0xFFFFFFFF  }
0xc2: {  	_ =	task.clear_ibuf [dreg:s7], $0x2FFFF;
	_ =	strace $0x9FFFFFFF  }
0xc3: {  	(tm) =	ssettm $0x7FFFFFFF  }
tec
execute0_lowered:
.L_overlay_start_1:
0x0: {  	(tag) =	ssettag $0x1  }
0x1: {  	s0 =	rddreg [dreg:$0x0]  }
0x2: {  	s5 =	rddreg [dreg:$0x1]  }
0x3: {  	s1 =	rddreg [dreg:$0x2]  }
0x4: {  	s2 =	simm.s32 $0x0;
	s9 =	srdreg.scid;
	s15 =	stileid.u32  }
0x5: {  	s29 =	simm.s32 $0x1;
	s30 =	simm.s32 $0x2;
	s31 =	simm.s32 $0x1E200  }
0x6: {  	[smem:$0x7FF] =	sst s2;
	s3 =	sadd.s32 $0xD4800, s0;
	s4 =	sadd.s32 $0x10800, s0  }
0x7: {  	s6 =	sadd.s32 $0x7200, s0;
	s7 =	sadd.s32 $0xA400, s0;
	s8 =	sadd.s32 $0xD600, s0  }
0x8: {  	s9 =	sand.u32 $0x1, s9;
	s11 =	sadd.s32 $0x25C800, s0;
	s16 =	smul.u32 $0x310, s15  }
0x9: {  	s10 =	sadd.s32 $0xE00, s0;
	s13 =	sadd.s32 $0x198800, s0;
	s20 =	smul.u32 $0x3100, s15  }
0xa: {  	s22 =	smul.u32 $0x62000, s15;
	_ =	strace $0x8000004A;
	[dreg:$0x4] =	wrdreg s10  }
0xb: {  	s12 =	ssub.s32 $0x2, s9;
	s10 =	smul.u32 $0x1880, s15;
	s21 =	sshll.u32 s9, $0x1  }
0xc: {  	s9 =	smul.u32 $0x6200, s9;
	s14 =	sshrl.u32 s12, $0x1;
	[dreg:$0x6] =	wrdreg s21  }
0xd: {  	s17 =	sor.u32 $0x4, s16;
	s23 =	sadd.s32 s5, s20;
	[dreg:$0x5] =	wrdreg s16  }
0xe: {  	s25 =	sshrl.u32 s22, $0x2;
	s22 =	simm.s32 $0x1D400;
	[dreg:$0x7] =	wrdreg s17  }
0xf: {  	s19 =	ssub.s32 s12, s14;
	s24 =	sshll.u32 s17, $0x4;
	[dreg:$0x8] =	wrdreg s23  }
0x10: {  	s26 =	sadd.s32 $0x80, s23;
	s28 =	sadd.s32 s16, s9;
	s23 =	simm.s32 $0x3  }
0x11: {  	s12 =	simm.s32 $0x0;
	s5 =	sadd.s32 s5, s24;
	[dreg:$0xb] =	wrdreg s26  }
0x12: {  	s0 =	smax.u32 s19, $0x1;
	s19 =	sadd.s32 s25, s1;
	[dreg:$0x9] =	wrdreg s5  }
0x13: {  	s26 =	simm.s32 $0x80;
	[dreg:$0xa] =	wrdreg s0;
	s0 =	sor.u32 $0x8, s28  }
0x14: {  	s5 =	simm.s32 $0x1F0E0;
	[dreg:$0xc] =	wrdreg s0;
	s0 =	simm.s32 $0x1F000  }
.LBB2_1:
0x15: {  	[dreg:$0xd] =	wrdreg s12;
	p1 =	por $0x1, $0x1;
	s12 =	simm.s32 $0x0  }
.LBB2_2:
0x16: {  	s9 =	simm.s32 $0x0;
	s14 =	rddreg [dreg:$0x4]  }
0x17: {  	[tilespmem:s22], [sflag:$0x3] =	stream.linear.gather [hbm4b:s14+s9], $0xE00, $0x38;
	[tilespmem:$0x1F1C0] =	vst v63  }
0x18: {  	_ =	swait.ge [sflag:s23], $0xE00  }
0x19: {  	[sflag:s23] =	ssyncset.done $0x0  }
0x1a: {  	s28 =	sadd.s32 $0x0, s19;
	[sflag:s23] =	ssyncadd.s32 $0xFFFFF200  }
0x1b: {  	[spmem:s28] =	stream.linear.scatter [tilespmem:s22], [sflag:$0x3], $0xE00, $0x38;
	[tilespmem:$0x1F1C0] =	vst v63  }
0x1c: {  	p0 =	por p1, p1;
	s9 =	simm.s32 $0x3800;
	_ =	swait.ge [sflag:s23], $0xE00  }
.LBB2_3:
0x1d: {  	s14 =	sshra.s32 s9, $0x2;
	[sflag:s23] =	ssyncset.done $0x0;
	p1 =	sne.s32 s9, $0x5E800  }
.Ltmp0:
0x1e: {  	s14 =	sadd.s32 s14, s19;
	[sflag:s23] =	ssyncadd.s32 $0xFFFFF200;
	(pc) =	sbr.rel @p1 .LBB2_3-.Ltmp0, $3  }
0x1f: {  	[spmem:s14] =	stream.linear.scatter [tilespmem:s22], [sflag:$0x3], $0xE00, $0x38;
	[tilespmem:$0x1F1C0] =	vst v63  }
0x20: {  	s9 =	sadd.s32 $0x3800, s9;
	_ =	sdelay $0x1  }
0x21: {  	_ =	swait.ge [sflag:s23], $0xE00  }
0x22: {  	[sflag:s23] =	ssyncset.done $0x0  }
0x23: {  	[sflag:s23] =	ssyncadd.s32 $0xFFFFF200  }
0x24: {  	s9 =	rddreg [dreg:$0x6];
	[bflag:$0x0] =	sbarrier.arrive $0xFFFF  }
0x25: {  	s16 =	simm.s32 $0x18E00;
	s9 =	sor.u32 s9, s12;
	s15 =	rddreg [dreg:$0x8]  }
0x26: {  	[tilespmem:s16], [sflag:$0x3] =	stream.linear.gather [hbm4b:s15+s2], $0x200, $0x38;
	[tilespmem:$0x1F1C0] =	vst v63  }
0x27: {  	s14 =	smul.u32 $0x3100, s9;
	_ =	swait.ge [sflag:s23], $0x200  }
0x28: {  	s17 =	rddreg [dreg:$0x5]  }
0x29: {  	s15 =	sadd.s32 s17, s14  }
0x2a: {  	[sflag:s23] =	ssyncset.done $0x0;
	s15 =	sshll.u32 s15, $0x4  }
0x2b: {  	s18 =	simm.s32 $0x18800;
	[sflag:s23] =	ssyncadd.s32 $0xFFFFFE00;
	s15 =	sadd.s32 s3, s15  }
0x2c: {  	[tilespmem:s18], [sflag:$0x3] =	stream.linear.gather [hbm4b:s15+s2], $0x200, $0x38;
	[tilespmem:$0x1F1C0] =	vst v63  }
0x2d: {  	_ =	swait.ge [sflag:s23], $0x200  }
0x2e: {  	[sflag:s23] =	ssyncset.done $0x0  }
0x2f: {  	s20 =	simm.s32 $0x19400;
	[sflag:s23] =	ssyncadd.s32 $0xFFFFFE00  }
0x30: {  	[tilespmem:s20], [sflag:$0x1] =	stream.indirect.gather [hbm4b:s4+s26], $0x10, s18, s26, $0xb8;
	[tilespmem:$0x1F1C0] =	vst v63  }
0x31: {  	s21 =	simm.s32 $0x18880;
	s24 =	simm.s32 $0x19C00  }
0x32: {  	[tilespmem:s24], [sflag:$0x1] =	stream.indirect.gather [hbm4b:s4+s26], $0x10, s21, s26, $0xb8;
	[tilespmem:$0x1F1C0] =	vst v63  }
0x33: {  	s25 =	simm.s32 $0x18900;
	s28 =	simm.s32 $0x1A400;
	s18 =	rddreg [dreg:$0x9]  }
0x34: {  	[tilespmem:s28], [sflag:$0x1] =	stream.indirect.gather [hbm4b:s4+s26], $0x10, s25, s26, $0xb8;
	[tilespmem:$0x1F1C0] =	vst v63  }
0x35: {  	s16 =	simm.s32 $0x18980;
	s17 =	simm.s32 $0x1AC00;
	s21 =	rddreg [dreg:$0x7]  }
0x36: {  	[tilespmem:s17], [sflag:$0x1] =	stream.indirect.gather [hbm4b:s4+s26], $0x10, s16, s26, $0xb8;
	[tilespmem:$0x1F1C0] =	vst v63  }
0x37: {  	s20 =	simm.s32 $0x19000;
	s24 =	smul.u32 $0x3100, s12;
	s14 =	sadd.s32 s21, s14  }
0x38: {  	[tilespmem:s20], [sflag:$0x3] =	stream.linear.gather [hbm4b:s18+s2], $0x200, $0x38;
	[tilespmem:$0x1F1C0] =	vst v63  }
0x39: {  	s14 =	sshll.u32 s14, $0x4;
	s25 =	simm.s32 $0x18A00;
	_ =	swait.ge [sflag:s23], $0x200  }
0x3a: {  	s14 =	sand.u32 $0x1FFFFF40, s14;
	[sflag:s23] =	ssyncset.done $0x0;
	s28 =	rddreg [dreg:$0xc]  }
0x3b: {  	s14 =	sadd.s32 s3, s14;
	[sflag:s23] =	ssyncadd.s32 $0xFFFFFE00;
	s12 =	sadd.s32 s24, s28  }
0x3c: {  	[tilespmem:s25], [sflag:$0x3] =	stream.linear.gather [hbm4b:s14+s2], $0x200, $0x38;
	[tilespmem:$0x1F1C0] =	vst v63  }
0x3d: {  	s12 =	sshll.u32 s12, $0x4;
	_ =	swait.ge [sflag:s23], $0x200  }
0x3e: {  	s14 =	simm.s32 $0x2;
	s12 =	sand.u32 $0xFFFFFFC0, s12;
	[sflag:s23] =	ssyncset.done $0x0  }
0x3f: {  	s12 =	sadd.s32 s12, s3;
	s15 =	rddreg [dreg:$0xb];
	[sflag:s23] =	ssyncadd.s32 $0xFFFFFE00  }
.LBB2_5:
0x40: {  	p1 =	seq.s32 s14, $0x2  }
0x41: {  	s16 =	simm.s32 @!p1 $0x2  }
0x42: {  	_ =	swait.ge @!p1 [sflag:s16], $0x800  }
0x43: {  	[sflag:s16] =	ssyncset.done @!p1 $0x0  }
0x44: {  	[sflag:s16] =	ssyncadd.s32 @!p1 $0xFFFFF800  }
0x45: {  	_ =	swait.ge @!p1 [sflag:s16], $0x800  }
0x46: {  	s17 =	sadd.s32 $0xFFFFFFFE, s14;
	[sflag:s16] =	ssyncset.done @!p1 $0x0  }
0x47: {  	s18 =	smul.u32 $0xAB, s17;
	[sflag:s16] =	ssyncadd.s32 @!p1 $0xFFFFF800  }
0x48: {  	_ =	swait.ge @!p1 [sflag:s16], $0x800  }
0x49: {  	s18 =	sshrl.u32 s18, $0x9;
	[sflag:s16] =	ssyncset.done @!p1 $0x0  }
0x4a: {  	s18 =	sand.u32 $0x7F, s18;
	[sflag:s16] =	ssyncadd.s32 @!p1 $0xFFFFF800  }
0x4b: {  	s18 =	smul.u32 $0x3, s18;
	_ =	swait.ge @!p1 [sflag:s16], $0x800  }
0x4c: {  	[sflag:s16] =	ssyncset.done @!p1 $0x0  }
0x4d: {  	s24 =	sand.u32 $0x1, s17;
	s18 =	ssub.s32 s17, s18;
	[sflag:s16] =	ssyncadd.s32 @!p1 $0xFFFFF800  }
0x4e: {  	s21 =	sand.u32 $0xFF, s18;
	s18 =	sshll.u32 s24, $0xF;
	_ =	swait.ge [sflag:s29], $0x800  }
0x4f: {  	s28 =	sshrl.u32 s18, $0x2;
	s16 =	sshll.u32 s21, $0x9;
	[sflag:s29] =	ssyncset.done $0x0  }
0x50: {  	s21 =	sor.u32 $0x19400, s28;
	s25 =	sadd.s32 $0x18E00, s16;
	[sflag:s29] =	ssyncadd.s32 $0xFFFFF800  }
0x51: {  	[spmem:s1] =	stream.indirect.scatter.add.f32 [tilespmem:s21], [sflag:$0x2], $0x10, s25, s26, $0xb8;
	[tilespmem:$0x1F1C0] =	vst v63  }
0x52: {  	_ =	swait.ge [sflag:s29], $0x800  }
0x53: {  	[sflag:s29] =	ssyncset.done $0x0  }
0x54: {  	s20 =	sadd.s32 $0x18E80, s16;
	s25 =	sor.u32 $0x19C00, s28;
	[sflag:s29] =	ssyncadd.s32 $0xFFFFF800  }
0x55: {  	[spmem:s1] =	stream.indirect.scatter.add.f32 [tilespmem:s25], [sflag:$0x2], $0x10, s20, s26, $0xb8;
	[tilespmem:$0x1F1C0] =	vst v63  }
0x56: {  	p1 =	seq.s32 s14, $0xC5;
	_ =	swait.ge [sflag:s29], $0x800  }
0x57: {  	s21 =	sadd.s32 @!p1 $0x1, s17;
	[sflag:s29] =	ssyncset.done $0x0  }
0x58: {  	s25 =	sadd.s32 $0x1A400, s28;
	s20 =	sadd.s32 $0x18F00, s16;
	[sflag:s29] =	ssyncadd.s32 $0xFFFFF800  }
0x59: {  	[spmem:s1] =	stream.indirect.scatter.add.f32 [tilespmem:s25], [sflag:$0x2], $0x10, s20, s26, $0xb8;
	[tilespmem:$0x1F1C0] =	vst v63  }
0x5a: {  	s25 =	sand.u32 @!p1 $0xFF, s21  }
0x5b: {  	s25 =	smul.u32 @!p1 $0xAB, s25  }
0x5c: {  	_ =	swait.ge [sflag:s29], $0x800  }
0x5d: {  	s28 =	sadd.s32 $0x1AC00, s28;
	[sflag:s29] =	ssyncset.done $0x0;
	s25 =	sshrl.u32 @!p1 s25, $0x9  }
0x5e: {  	s16 =	sadd.s32 $0x18F80, s16;
	[sflag:s29] =	ssyncadd.s32 $0xFFFFF800;
	s25 =	smul.u32 @!p1 $0x3, s25  }
0x5f: {  	[spmem:s1] =	stream.indirect.scatter.add.f32 [tilespmem:s28], [sflag:$0x2], $0x10, s16, s26, $0xb8;
	[tilespmem:$0x1F1C0] =	vst v63  }
0x60: {  	s18 =	sxor.u32 @!p1 $0x8000, s18;
	s16 =	ssub.s32 @!p1 s21, s25  }
0x61: {  	s18 =	sshrl.u32 @!p1 s18, $0x2;
	s16 =	sand.u32 @!p1 $0xFF, s16  }
0x62: {  	p2 =	sgt.u32 @!p1 s17, $0xC1;
	s18 =	sadd.s32 @!p1 $0x19400, s18;
	s16 =	sshll.u32 @!p1 s16, $0x9  }
0x63: {  	s21 =	sshll.u32 @!p1 s24, $0xD;
	s25 =	simm.s32 @!p1 $0x80;
	s24 =	sor.u32 @!p1 $0x18800, s16  }
0x64: {  	[tilespmem:s18], [sflag:$0x1] =	stream.indirect.gather @!p1 [hbm4b:s4+s25], $0x10, s24, s25, $0xb8;
	[tilespmem:$0x1F1C0] =	vst v63  }
0x65: {  	p2 =	por p2, p1;
	s18 =	sxor.u32 @!p1 $0x1BC00, s21;
	s24 =	sor.u32 @!p1 $0x18880, s16  }
0x66: {  	[tilespmem:s18], [sflag:$0x1] =	stream.indirect.gather @!p1 [hbm4b:s4+s25], $0x10, s24, s25, $0xb8;
	[tilespmem:$0x1F1C0] =	vst v63  }
0x67: {  	s17 =	ssub.s32 @!p1 $0x1C400, s21;
	s18 =	sor.u32 @!p1 $0x18900, s16;
	s24 =	smul.u32 @!p2 $0xAB, s14  }
0x68: {  	[tilespmem:s17], [sflag:$0x1] =	stream.indirect.gather @!p1 [hbm4b:s4+s25], $0x10, s18, s25, $0xb8;
	[tilespmem:$0x1F1C0] =	vst v63  }
0x69: {  	s17 =	sshrl.u32 @!p2 s24, $0x9  }
0x6a: {  	s18 =	sxor.u32 @!p1 $0x3800, s21;
	s17 =	sand.u32 @!p2 $0x7F, s17  }
0x6b: {  	s16 =	sor.u32 @!p1 $0x18980, s16;
	s18 =	sadd.s32 @!p1 $0x19400, s18;
	s17 =	smul.u32 @!p2 $0x3, s17  }
0x6c: {  	[tilespmem:s18], [sflag:$0x1] =	stream.indirect.gather @!p1 [hbm4b:s4+s25], $0x10, s16, s25, $0xb8;
	[tilespmem:$0x1F1C0] =	vst v63  }
0x6d: {  	s16 =	ssub.s32 @!p2 s14, s17  }
0x6e: {  	s16 =	sand.u32 @!p2 $0xFF, s16  }
0x6f: {  	s16 =	sshll.u32 @!p2 s16, $0x9  }
0x70: {  	s18 =	simm.s32 @!p2 $0x0;
	s17 =	sadd.s32 @!p2 $0x18E00, s16  }
0x71: {  	[tilespmem:s17], [sflag:$0x4] =	stream.linear.gather @!p2 [hbm4b:s15+s18], $0x200, $0x38;
	[tilespmem:$0x1F1C0] =	vst v63  }
0x72: {  	s17 =	simm.s32 @!p2 $0x4  }
0x73: {  	s14 =	sadd.s32 @!p1 $0x1, s14;
	_ =	swait.ge @!p2 [sflag:s17], $0x200  }
0x74: {  	p3 =	sne.s32 @!p1 s14, $0xC6;
	[sflag:s17] =	ssyncset.done @!p2 $0x0  }
0x75: {  	p3 =	por p1, !p3;
	s16 =	sor.u32 @!p2 $0x18800, s16;
	[sflag:s17] =	ssyncadd.s32 @!p2 $0xFFFFFE00  }
0x76: {  	[tilespmem:s16], [sflag:$0x3] =	stream.linear.gather @!p2 [hbm4b:s12+s18], $0x200, $0x38;
	[tilespmem:$0x1F1C0] =	vst v63  }
.Ltmp1:
0x77: {  	_ = 	snop;
	(pc) =	sbr.rel @!p3 .LBB2_5-.Ltmp1, $4  }
0x78: {  	s16 =	simm.s32 @!p2 $0x3  }
0x79: {  	_ =	swait.ge @!p2 [sflag:s16], $0x200  }
0x7a: {  	[sflag:s16] =	ssyncset.done @!p2 $0x0  }
0x7b: {  	s15 =	sadd.s32 @!p1 $0x40, s15;
	s12 =	sadd.s32 @!p1 $0x40, s12;
	[sflag:s16] =	ssyncadd.s32 @!p2 $0xFFFFFE00  }
0x7c: {  	_ =	swait.ge [sflag:s30], $0x800  }
0x7d: {  	[sflag:s30] =	ssyncset.done $0x0  }
0x7e: {  	[sflag:s30] =	ssyncadd.s32 $0xFFFFF800  }
0x7f: {  	_ =	swait.ge [sflag:s30], $0x800  }
0x80: {  	[sflag:s30] =	ssyncset.done $0x0  }
0x81: {  	[sflag:s30] =	ssyncadd.s32 $0xFFFFF800  }
0x82: {  	_ =	swait.ge [sflag:s30], $0x800  }
0x83: {  	[sflag:s30] =	ssyncset.done $0x0  }
0x84: {  	[sflag:s30] =	ssyncadd.s32 $0xFFFFF800  }
0x85: {  	_ =	swait.ge [sflag:s30], $0x800  }
0x86: {  	[sflag:s30] =	ssyncset.done $0x0  }
0x87: {  	s9 =	smul.u32 $0x18800, s9;
	[sflag:s30] =	ssyncadd.s32 $0xFFFFF800  }
0x88: {  	s12 =	simm.s32 $0x0;
	s14 =	simm.s32 $0x0;
	[bflag:$0x0] =	sbarrier.arrive $0xFFFF  }
.LBB2_7:
0x89: {  	s15 =	smul.u32 $0xE0, s14;
	_ =	sdelay $0x1  }
0x8a: {  	s16 =	sadd.s32 s10, s15  }
0x8b: {  	s15 =	sadd.s32 s9, s16  }
0x8c: {  	s15 =	sshll.u32 s15, $0x1  }
0x8d: {  	s28 =	sshrl.u32 s16, $0x3;
	s16 =	sshll.u32 s16, $0x4;
	s17 =	sadd.s32 s4, s15  }
0x8e: {  	[tilespmem:s31], [sflag:$0x1] =	stream.linear.gather [hbm4b:s17+s12], $0xE00, $0x38;
	[tilespmem:$0x1F1C0] =	vst v63  }
0x8f: {  	s18 =	sadd.s32 s6, s28;
	s16 =	sand.u32 $0x3FFFFFF0, s16;
	s17 =	simm.s32 $0x1F000  }
0x90: {  	[tilespmem:s17], [sflag:$0x1] =	stream.linear.gather [hbm4b:s18+s12], $0xE0, $0x38;
	[tilespmem:$0x1F1C0] =	vst v63  }
0x91: {  	s16 =	sadd.s32 s16, s1  }
0x92: {  	[tilespmem:s22], [sflag:$0x3] =	stream.linear.gather [spmem:s16], $0xE00, $0x38;
	[tilespmem:$0x1F1C0] =	vst v63  }
0x93: {  	_ =	swait.ge [sflag:s23], $0xE00  }
0x94: {  	[sflag:s23] =	ssyncset.done $0x0  }
0x95: {  	[sflag:s23] =	ssyncadd.s32 $0xFFFFF200  }
0x96: {  	_ =	swait.ge [sflag:s29], $0xE00  }
0x97: {  	[sflag:s29] =	ssyncset.done $0x0  }
0x98: {  	[sflag:s29] =	ssyncadd.s32 $0xFFFFF200  }
0x99: {  	_ =	swait.ge [sflag:s29], $0xE0  }
0x9a: {  	[sflag:s29] =	ssyncset.done $0x0  }
0x9b: {  	s16 =	simm.s32 $0x0;
	[sflag:s29] =	ssyncadd.s32 $0xFFFFFF20  }
0x9c: {  	v0 =	vld [tilespmem:s16+$0x1E200]  }
0x9d: {  	v1 =	vld [tilespmem:s16+$0x1E210]  }
0x9e: {  	v2 =	vld [tilespmem:s16+$0x1E220]  }
0x9f: {  	v6 =	vld [tilespmem:s16+$0x1E230]  }
0xa0: {  	v16 =	vld [tilespmem:s16+$0x1E240]  }
0xa1: {  	v17 =	vld [tilespmem:s16+$0x1E250]  }
0xa2: {  	v13 =	vld [tilespmem:s16+$0x1E260]  }
0xa3: {  	v10 =	vld [tilespmem:s16+$0x1E270]  }
0xa4: {  	v11 =	vld [tilespmem:s16+$0x1E280]  }
0xa5: {  	v9 =	vld [tilespmem:s16+$0x1E290]  }
0xa6: {  	v8 =	vld [tilespmem:s16+$0x1E2A0]  }
0xa7: {  	v3 =	vld [tilespmem:s16+$0x1E2B0]  }
0xa8: {  	v4 =	vld [tilespmem:s16+$0x1E2C0]  }
0xa9: {  	v5 =	vld [tilespmem:s16+$0x1E2D0];
	v14 =	vmul.f32 $1.000000010e-01, v0;
	v12 =	vmul.f32 $1.000000010e-01, v1  }
0xaa: {  	v15 =	vld [tilespmem:s16+$0x1D430];
	v7 =	vmul.f32 $1.000000010e-01, v2;
	v6 =	vmul.f32 $1.000000010e-01, v6  }
0xab: {  	s18 =	simm.s32 $0x400;
	v0 =	vld [tilespmem:s17+$0x0];
	v2 =	vmul.f32 $1.000000010e-01, v16;
	v1 =	vmul.f32 $1.000000010e-01, v17  }
.LBB2_8:
0xac: {  	p1 =	sne.s32 s18, $0x3400;
	v16 =	vld [tilespmem:s16+$0x1D410];
	v13 =	vmul.f32 $1.000000010e-01, v13;
	v10 =	vmul.f32 $1.000000010e-01, v10  }
0xad: {  	v11 =	vmul.f32 $1.000000010e-01, v11;
	v9 =	vmul.f32 $1.000000010e-01, v9;
	v17 =	vld [tilespmem:s16+$0x1D400]  }
0xae: {  	v8 =	vmul.f32 $1.000000010e-01, v8;
	v3 =	vmul.f32 $1.000000010e-01, v3;
	v18 =	vld [tilespmem:s16+$0x1D420]  }
0xaf: {  	v4 =	vmul.f32 $1.000000010e-01, v4;
	v5 =	vmul.f32 $1.000000010e-01, v5;
	v19 =	vld [tilespmem:s16+$0x1E2E0]  }
0xb0: {  	v20 =	vbroadcast v0, $0x0;
	v21 =	vbroadcast v0, $0x1;
	v22 =	vld [tilespmem:s16+$0x1E2F0]  }
0xb1: {  	v23 =	vbroadcast v0, $0x2;
	v24 =	vbroadcast v0, $0x3;
	v25 =	vld [tilespmem:s16+$0x1D440]  }
0xb2: {  	v17 =	vmul.f32 v17, v20;
	v16 =	vmul.f32 v16, v21;
	v20 =	vld [tilespmem:s16+$0x1D450]  }
0xb3: {  	v15 =	vmul.f32 v15, v24;
	v18 =	vmul.f32 v18, v23;
	v21 =	vld [tilespmem:s16+$0x1D460]  }
0xb4: {  	v14 =	vadd.f32 v14, v17;
	v12 =	vadd.f32 v12, v16;
	v16 =	vbroadcast v0, $0x4;
	v17 =	vld [tilespmem:s16+$0x1D470]  }
0xb5: {  	v6 =	vadd.f32 v6, v15;
	v15 =	vbroadcast v0, $0x5;
	v7 =	vadd.f32 v7, v18;
	v18 =	vld [tilespmem:s16+$0x1D480]  }
0xb6: {  	[tilespmem:s16+$0x1D400] =	vst v14;
	v14 =	vmul.f32 v25, v16;
	v16 =	vbroadcast v0, $0x6;
	v23 =	vld [tilespmem:s16+$0x1D490]  }
0xb7: {  	[tilespmem:s16+$0x1D410] =	vst v12;
	v12 =	vmul.f32 v20, v15;
	v15 =	vbroadcast v0, $0x7;
	v20 =	vld [tilespmem:s16+$0x1D4A0]  }
0xb8: {  	[tilespmem:s16+$0x1D420] =	vst v7;
	v2 =	vadd.f32 v2, v14;
	v7 =	vmul.f32 v21, v16;
	v14 =	vbroadcast v0, $0x8;
	v16 =	vld [tilespmem:s16+$0x1D4B0]  }
0xb9: {  	[tilespmem:s16+$0x1D430] =	vst v6;
	v1 =	vadd.f32 v1, v12;
	v6 =	vmul.f32 v17, v15;
	v12 =	vbroadcast v0, $0x9;
	v15 =	vld [tilespmem:s16+$0x1D4C0]  }
0xba: {  	[tilespmem:s16+$0x1D440] =	vst v2;
	v2 =	vadd.f32 v13, v7;
	v7 =	vmul.f32 v18, v14;
	v13 =	vbroadcast v0, $0xA;
	v14 =	vld [tilespmem:s16+$0x1D4D0]  }
0xbb: {  	[tilespmem:s16+$0x1D450] =	vst v1;
	v1 =	vadd.f32 v10, v6;
	v6 =	vmul.f32 v23, v12;
	v10 =	vbroadcast v0, $0xB;
	v12 =	vld [tilespmem:s16+$0x1D4E0]  }
0xbc: {  	s21 =	sshra.s32 s18, $0x2;
	[tilespmem:s16+$0x1D460] =	vst v2;
	v2 =	vadd.f32 v11, v7;
	v7 =	vmul.f32 v20, v13;
	v11 =	vbroadcast v0, $0xC;
	v13 =	vld [tilespmem:s16+$0x1D4F0]  }
0xbd: {  	v17 =	vld [tilespmem:s21+$0x1E200];
	[tilespmem:s16+$0x1D470] =	vst v1;
	v1 =	vadd.f32 v9, v6;
	v6 =	vmul.f32 v16, v10;
	v9 =	vbroadcast v0, $0xD  }
0xbe: {  	v16 =	vld [tilespmem:s21+$0x1E210];
	[tilespmem:s16+$0x1D480] =	vst v2;
	v2 =	vadd.f32 v8, v7;
	v7 =	vmul.f32 v15, v11;
	v8 =	vbroadcast v0, $0xE  }
0xbf: {  	v0 =	vbroadcast v0, $0xF;
	v15 =	vld [tilespmem:s21+$0x1E220];
	[tilespmem:s16+$0x1D490] =	vst v1;
	v1 =	vadd.f32 v3, v6;
	v3 =	vmul.f32 v14, v9  }
0xc0: {  	v6 =	vld [tilespmem:s21+$0x1E230];
	[tilespmem:s16+$0x1D4A0] =	vst v2;
	v2 =	vadd.f32 v4, v7;
	v4 =	vmul.f32 v12, v8;
	v7 =	vmul.f32 $1.000000010e-01, v19  }
0xc1: {  	v18 =	vld [tilespmem:s21+$0x1E240];
	[tilespmem:s16+$0x1D4B0] =	vst v1;
	v1 =	vadd.f32 v5, v3;
	v0 =	vmul.f32 v13, v0;
	v3 =	vmul.f32 $1.000000010e-01, v22  }
0xc2: {  	v19 =	vld [tilespmem:s21+$0x1E250];
	[tilespmem:s16+$0x1D4C0] =	vst v2;
	v2 =	vadd.f32 v7, v4  }
0xc3: {  	v13 =	vld [tilespmem:s21+$0x1E260];
	[tilespmem:s16+$0x1D4D0] =	vst v1;
	v0 =	vadd.f32 v3, v0  }
0xc4: {  	v10 =	vld [tilespmem:s21+$0x1E270];
	[tilespmem:s16+$0x1D4E0] =	vst v2  }
0xc5: {  	v11 =	vld [tilespmem:s21+$0x1E280];
	[tilespmem:s16+$0x1D4F0] =	vst v0;
	s16 =	smov.u32 s21  }
0xc6: {  	v9 =	vld [tilespmem:s16+$0x1E290]  }
0xc7: {  	v8 =	vld [tilespmem:s16+$0x1E2A0]  }
.Ltmp2:
0xc8: {  	v3 =	vld [tilespmem:s16+$0x1E2B0];
	(pc) =	sbr.rel @p1 .LBB2_8-.Ltmp2, $4  }
0xc9: {  	v4 =	vld [tilespmem:s16+$0x1E2C0]  }
0xca: {  	v14 =	vmul.f32 $1.000000010e-01, v17;
	v12 =	vmul.f32 $1.000000010e-01, v16;
	v5 =	vld [tilespmem:s16+$0x1E2D0]  }
0xcb: {  	s17 =	sadd.s32 $0x10, s17;
	v7 =	vmul.f32 $1.000000010e-01, v15;
	v6 =	vmul.f32 $1.000000010e-01, v6;
	v15 =	vld [tilespmem:s16+$0x1D430]  }
0xcc: {  	s18 =	sadd.s32 $0x400, s18;
	v2 =	vmul.f32 $1.000000010e-01, v18;
	v1 =	vmul.f32 $1.000000010e-01, v19;
	v0 =	vld [tilespmem:s17+$0x0]  }
0xcd: {  	_ =	sdelay $0x1  }
0xce: {  	v38 =	vmul.f32 $1.000000010e-01, v9;
	v8 =	vmul.f32 $1.000000010e-01, v8  }
0xcf: {  	v16 =	vld [tilespmem:s16+$0x1D410];
	v3 =	vmul.f32 $1.000000010e-01, v3;
	v4 =	vmul.f32 $1.000000010e-01, v4  }
0xd0: {  	v17 =	vld [tilespmem:s16+$0x1D400];
	v43 =	vmul.f32 $1.000000010e-01, v5;
	v20 =	vbroadcast v0, $0x0  }
0xd1: {  	v18 =	vld [tilespmem:s16+$0x1D420];
	v23 =	vbroadcast v0, $0x1;
	v25 =	vbroadcast v0, $0x2  }
0xd2: {  	v19 =	vld [tilespmem:s16+$0x1E2E0];
	v33 =	vbroadcast v0, $0x3;
	v35 =	vbroadcast v0, $0x4  }
0xd3: {  	v21 =	vld [tilespmem:s16+$0x1E2F0];
	v37 =	vbroadcast v0, $0x5;
	v40 =	vbroadcast v0, $0x6  }
0xd4: {  	v36 =	vld [tilespmem:s16+$0x1D4A0];
	v42 =	vbroadcast v0, $0x7;
	v44 =	vbroadcast v0, $0x8  }
0xd5: {  	v39 =	vld [tilespmem:s16+$0x1D4B0];
	v46 =	vbroadcast v0, $0x9;
	v17 =	vmul.f32 v17, v20  }
0xd6: {  	v41 =	vld [tilespmem:s16+$0x1D4C0];
	v48 =	vbroadcast v0, $0xA;
	v16 =	vmul.f32 v16, v23  }
0xd7: {  	v49 =	vld [tilespmem:s16+$0x1D4E0];
	v50 =	vbroadcast v0, $0xB;
	v18 =	vmul.f32 v18, v25;
	v14 =	vadd.f32 v14, v17  }
0xd8: {  	v52 =	vld [tilespmem:s16+$0x1D4F0];
	v51 =	vbroadcast v0, $0xC;
	v15 =	vmul.f32 v15, v33;
	v12 =	vadd.f32 v12, v16  }
0xd9: {  	v22 =	vld [tilespmem:s16+$0x1D440];
	v53 =	vbroadcast v0, $0xD;
	v5 =	vmul.f32 v36, v48;
	v7 =	vadd.f32 v7, v18;
	[tilespmem:s16+$0x1D400] =	vst v14  }
0xda: {  	v30 =	vld [tilespmem:s16+$0x1D450];
	v56 =	vbroadcast v0, $0xE;
	v9 =	vmul.f32 v39, v50;
	v6 =	vadd.f32 v6, v15;
	[tilespmem:s16+$0x1D410] =	vst v12  }
0xdb: {  	v24 =	vld [tilespmem:s16+$0x1D460];
	v58 =	vbroadcast v0, $0xF;
	v55 =	vmul.f32 v41, v51;
	v54 =	vadd.f32 v8, v5;
	[tilespmem:s16+$0x1D420] =	vst v7  }
0xdc: {  	v31 =	vld [tilespmem:s16+$0x1D470];
	v61 =	vmul.f32 $1.000000010e-01, v19;
	v60 =	vmul.f32 v49, v56;
	v3 =	vadd.f32 v3, v9;
	[tilespmem:s16+$0x1D430] =	vst v6  }
0xdd: {  	v32 =	vld [tilespmem:s16+$0x1D480];
	v62 =	vmul.f32 $1.000000010e-01, v21;
	v0 =	vmul.f32 v52, v58;
	v59 =	vadd.f32 v4, v55;
	[tilespmem:s16+$0x1D4A0] =	vst v54  }
0xde: {  	v34 =	vld [tilespmem:s16+$0x1D490];
	v16 =	vmul.f32 v22, v35;
	v63 =	vadd.f32 v61, v60;
	[tilespmem:s16+$0x1D4B0] =	vst v3  }
0xdf: {  	v45 =	vld [tilespmem:s16+$0x1D4D0];
	v15 =	vmul.f32 v30, v37;
	v0 =	vadd.f32 v62, v0;
	[tilespmem:s16+$0x1D4C0] =	vst v59  }
0xe0: {  	v13 =	vmul.f32 $1.000000010e-01, v13;
	v18 =	vmul.f32 v24, v40;
	v2 =	vadd.f32 v2, v16;
	[tilespmem:s16+$0x1D4E0] =	vst v63  }
0xe1: {  	v10 =	vmul.f32 $1.000000010e-01, v10;
	v1 =	vadd.f32 v1, v15;
	v16 =	vmul.f32 v31, v42;
	[tilespmem:s16+$0x1D4F0] =	vst v0  }
0xe2: {  	v11 =	vmul.f32 $1.000000010e-01, v11;
	v47 =	vmul.f32 v32, v44;
	v13 =	vadd.f32 v13, v18;
	[tilespmem:s16+$0x1D440] =	vst v2  }
0xe3: {  	v14 =	vmul.f32 v34, v46;
	[tilespmem:s16+$0x1D450] =	vst v1;
	v10 =	vadd.f32 v10, v16  }
0xe4: {  	v57 =	vmul.f32 v45, v53;
	[tilespmem:s16+$0x1D460] =	vst v13;
	v1 =	vadd.f32 v11, v47  }
0xe5: {  	v7 =	vadd.f32 v38, v14;
	[tilespmem:s16+$0x1D470] =	vst v10  }
0xe6: {  	s14 =	sadd.s32 $0x1, s14;
	v2 =	vadd.f32 v43, v57;
	[tilespmem:s16+$0x1D480] =	vst v1  }
0xe7: {  	p1 =	sne.s32 s14, $0x1C;
	[tilespmem:s16+$0x1D490] =	vst v7  }
.Ltmp3:
0xe8: {  	s15 =	sadd.s32 s13, s15;
	[tilespmem:s16+$0x1D4D0] =	vst v2;
	(pc) =	sbr.rel @p1 .LBB2_7-.Ltmp3, $4  }
0xe9: {  	[hbm4b:s15+s2] =	stream.linear.scatter [tilespmem:s22], [sflag:$0x3], $0xE00, $0x38;
	[tilespmem:$0x1F1C0] =	vst v63  }
0xea: {  	_ =	swait.ge [sflag:s23], $0xE00  }
0xeb: {  	[sflag:s23] =	ssyncset.done $0x0  }
0xec: {  	[sflag:s23] =	ssyncadd.s32 $0xFFFFF200  }
.Ltmp4:
0xed: {  	(pc) =	sbr.rel @p0 .LBB2_2-.Ltmp4, $3  }
0xee: {  	_ =	sdelay $0x1  }
0xef: {  	[bflag:$0x0] =	sbarrier.arrive $0xFFFF;
	s24 =	simm.s32 $0x0  }
0xf0: {  	p2 =	por $0x1, $0x1;
	s12 =	simm.s32 $0x1;
	p1 =	por $0x0, $0x0  }
0xf1: {  	s12 =	simm.s32 $0x0  }
.LBB2_12:
0xf2: {  	s9 =	rddreg [dreg:$0x4]  }
0xf3: {  	[tilespmem:s22], [sflag:$0x3] =	stream.linear.gather [hbm4b:s9+s24], $0xE00, $0x38;
	[tilespmem:$0x1F1C0] =	vst v63  }
0xf4: {  	_ =	swait.ge [sflag:s23], $0xE00  }
0xf5: {  	[sflag:s23] =	ssyncset.done $0x0  }
0xf6: {  	s28 =	sadd.s32 $0x0, s19;
	[sflag:s23] =	ssyncadd.s32 $0xFFFFF200  }
0xf7: {  	[spmem:s28] =	stream.linear.scatter [tilespmem:s22], [sflag:$0x3], $0xE00, $0x38;
	[tilespmem:$0x1F1C0] =	vst v63  }
0xf8: {  	p0 =	por p2, p2;
	s9 =	simm.s32 $0x3800;
	_ =	swait.ge [sflag:s23], $0xE00  }
.LBB2_13:
0xf9: {  	s14 =	sshra.s32 s9, $0x2;
	[sflag:s23] =	ssyncset.done $0x0;
	p1 =	sne.s32 s9, $0x5E800  }
.Ltmp5:
0xfa: {  	s14 =	sadd.s32 s14, s19;
	[sflag:s23] =	ssyncadd.s32 $0xFFFFF200;
	(pc) =	sbr.rel @p1 .LBB2_13-.Ltmp5, $3  }
0xfb: {  	[spmem:s14] =	stream.linear.scatter [tilespmem:s22], [sflag:$0x3], $0xE00, $0x38;
	[tilespmem:$0x1F1C0] =	vst v63  }
0xfc: {  	s9 =	sadd.s32 $0x3800, s9;
	_ =	sdelay $0x1  }
0xfd: {  	_ =	swait.ge [sflag:s23], $0xE00  }
0xfe: {  	[sflag:s23] =	ssyncset.done $0x0  }
0xff: {  	[sflag:s23] =	ssyncadd.s32 $0xFFFFF200  }
0x100: {  	s9 =	rddreg [dreg:$0x6];
	[bflag:$0x0] =	sbarrier.arrive $0xFFFF  }
0x101: {  	s16 =	simm.s32 $0x18E00;
	s9 =	sor.u32 s9, s12;
	s15 =	rddreg [dreg:$0x8]  }
0x102: {  	[tilespmem:s16], [sflag:$0x3] =	stream.linear.gather [hbm4b:s15+s2], $0x200, $0x38;
	[tilespmem:$0x1F1C0] =	vst v63  }
0x103: {  	s14 =	smul.u32 $0x3100, s9;
	_ =	swait.ge [sflag:s23], $0x200  }
0x104: {  	s21 =	rddreg [dreg:$0x5]  }
0x105: {  	s15 =	sadd.s32 s21, s14  }
0x106: {  	[sflag:s23] =	ssyncset.done $0x0;
	s15 =	sshll.u32 s15, $0x4  }
0x107: {  	s25 =	simm.s32 $0x18800;
	[sflag:s23] =	ssyncadd.s32 $0xFFFFFE00;
	s15 =	sadd.s32 s3, s15  }
0x108: {  	[tilespmem:s25], [sflag:$0x3] =	stream.linear.gather [hbm4b:s15+s2], $0x200, $0x38;
	[tilespmem:$0x1F1C0] =	vst v63  }
0x109: {  	_ =	swait.ge [sflag:s23], $0x200  }
0x10a: {  	[sflag:s23] =	ssyncset.done $0x0  }
0x10b: {  	s28 =	simm.s32 $0x19400;
	[sflag:s23] =	ssyncadd.s32 $0xFFFFFE00  }
0x10c: {  	[tilespmem:s28], [sflag:$0x1] =	stream.indirect.gather [hbm4b:s13+s26], $0x10, s25, s26, $0xb8;
	[tilespmem:$0x1F1C0] =	vst v63  }
0x10d: {  	s17 =	simm.s32 $0x18880;
	s18 =	simm.s32 $0x19C00  }
0x10e: {  	[tilespmem:s18], [sflag:$0x1] =	stream.indirect.gather [hbm4b:s13+s26], $0x10, s17, s26, $0xb8;
	[tilespmem:$0x1F1C0] =	vst v63  }
0x10f: {  	s20 =	simm.s32 $0x18900;
	s21 =	simm.s32 $0x1A400;
	s17 =	rddreg [dreg:$0x9]  }
0x110: {  	[tilespmem:s21], [sflag:$0x1] =	stream.indirect.gather [hbm4b:s13+s26], $0x10, s20, s26, $0xb8;
	[tilespmem:$0x1F1C0] =	vst v63  }
0x111: {  	s25 =	simm.s32 $0x18980;
	s28 =	simm.s32 $0x1AC00;
	s20 =	rddreg [dreg:$0x7]  }
0x112: {  	[tilespmem:s28], [sflag:$0x1] =	stream.indirect.gather [hbm4b:s13+s26], $0x10, s25, s26, $0xb8;
	[tilespmem:$0x1F1C0] =	vst v63  }
0x113: {  	s18 =	simm.s32 $0x19000;
	s21 =	smul.u32 $0x3100, s12;
	s14 =	sadd.s32 s20, s14  }
0x114: {  	[tilespmem:s18], [sflag:$0x3] =	stream.linear.gather [hbm4b:s17+s2], $0x200, $0x38;
	[tilespmem:$0x1F1C0] =	vst v63  }
0x115: {  	s14 =	sshll.u32 s14, $0x4;
	s25 =	simm.s32 $0x18A00;
	_ =	swait.ge [sflag:s23], $0x200  }
0x116: {  	s14 =	sand.u32 $0x1FFFFF40, s14;
	[sflag:s23] =	ssyncset.done $0x0;
	s28 =	rddreg [dreg:$0xc]  }
0x117: {  	s14 =	sadd.s32 s3, s14;
	[sflag:s23] =	ssyncadd.s32 $0xFFFFFE00;
	s12 =	sadd.s32 s21, s28  }
0x118: {  	[tilespmem:s25], [sflag:$0x3] =	stream.linear.gather [hbm4b:s14+s2], $0x200, $0x38;
	[tilespmem:$0x1F1C0] =	vst v63  }
0x119: {  	s12 =	sshll.u32 s12, $0x4;
	_ =	swait.ge [sflag:s23], $0x200  }
0x11a: {  	s14 =	simm.s32 $0x2;
	s12 =	sand.u32 $0xFFFFFFC0, s12;
	[sflag:s23] =	ssyncset.done $0x0  }
0x11b: {  	s12 =	sadd.s32 s12, s3;
	s15 =	rddreg [dreg:$0xb];
	[sflag:s23] =	ssyncadd.s32 $0xFFFFFE00  }
.LBB2_15:
0x11c: {  	p1 =	seq.s32 s14, $0x2  }
0x11d: {  	s16 =	simm.s32 @!p1 $0x2  }
0x11e: {  	_ =	swait.ge @!p1 [sflag:s16], $0x800  }
0x11f: {  	[sflag:s16] =	ssyncset.done @!p1 $0x0  }
0x120: {  	[sflag:s16] =	ssyncadd.s32 @!p1 $0xFFFFF800  }
0x121: {  	_ =	swait.ge @!p1 [sflag:s16], $0x800  }
0x122: {  	s17 =	sadd.s32 $0xFFFFFFFE, s14;
	[sflag:s16] =	ssyncset.done @!p1 $0x0  }
0x123: {  	s18 =	smul.u32 $0xAB, s17;
	[sflag:s16] =	ssyncadd.s32 @!p1 $0xFFFFF800  }
0x124: {  	_ =	swait.ge @!p1 [sflag:s16], $0x800  }
0x125: {  	s18 =	sshrl.u32 s18, $0x9;
	[sflag:s16] =	ssyncset.done @!p1 $0x0  }
0x126: {  	s18 =	sand.u32 $0x7F, s18;
	[sflag:s16] =	ssyncadd.s32 @!p1 $0xFFFFF800  }
0x127: {  	s18 =	smul.u32 $0x3, s18;
	_ =	swait.ge @!p1 [sflag:s16], $0x800  }
0x128: {  	[sflag:s16] =	ssyncset.done @!p1 $0x0  }
0x129: {  	s21 =	sand.u32 $0x1, s17;
	s18 =	ssub.s32 s17, s18;
	[sflag:s16] =	ssyncadd.s32 @!p1 $0xFFFFF800  }
0x12a: {  	s28 =	sand.u32 $0xFF, s18;
	s18 =	sshll.u32 s21, $0xF;
	_ =	swait.ge [sflag:s29], $0x800  }
0x12b: {  	s25 =	sshrl.u32 s18, $0x2;
	s16 =	sshll.u32 s28, $0x9;
	[sflag:s29] =	ssyncset.done $0x0  }
0x12c: {  	s28 =	sor.u32 $0x19400, s25;
	s20 =	sadd.s32 $0x18E00, s16;
	[sflag:s29] =	ssyncadd.s32 $0xFFFFF800  }
0x12d: {  	[spmem:s1] =	stream.indirect.scatter.add.f32 [tilespmem:s28], [sflag:$0x2], $0x10, s20, s26, $0xb8;
	[tilespmem:$0x1F1C0] =	vst v63  }
0x12e: {  	_ =	swait.ge [sflag:s29], $0x800  }
0x12f: {  	[sflag:s29] =	ssyncset.done $0x0  }
0x130: {  	s20 =	sor.u32 $0x19C00, s25;
	s28 =	sadd.s32 $0x18E80, s16;
	[sflag:s29] =	ssyncadd.s32 $0xFFFFF800  }
0x131: {  	[spmem:s1] =	stream.indirect.scatter.add.f32 [tilespmem:s20], [sflag:$0x2], $0x10, s28, s26, $0xb8;
	[tilespmem:$0x1F1C0] =	vst v63  }
0x132: {  	_ =	swait.ge [sflag:s29], $0x800  }
0x133: {  	p1 =	seq.s32 s14, $0xC5;
	[sflag:s29] =	ssyncset.done $0x0  }
0x134: {  	s20 =	sadd.s32 $0x1A400, s25;
	s28 =	sadd.s32 $0x18F00, s16;
	[sflag:s29] =	ssyncadd.s32 $0xFFFFF800  }
0x135: {  	[spmem:s1] =	stream.indirect.scatter.add.f32 [tilespmem:s20], [sflag:$0x2], $0x10, s28, s26, $0xb8;
	[tilespmem:$0x1F1C0] =	vst v63  }
0x136: {  	s20 =	sadd.s32 @!p1 $0x1, s17  }
0x137: {  	s28 =	sand.u32 @!p1 $0xFF, s20  }
0x138: {  	s28 =	smul.u32 @!p1 $0xAB, s28  }
0x139: {  	_ =	swait.ge [sflag:s29], $0x800  }
0x13a: {  	s25 =	sadd.s32 $0x1AC00, s25;
	[sflag:s29] =	ssyncset.done $0x0;
	s28 =	sshrl.u32 @!p1 s28, $0x9  }
0x13b: {  	s16 =	sadd.s32 $0x18F80, s16;
	[sflag:s29] =	ssyncadd.s32 $0xFFFFF800;
	s28 =	smul.u32 @!p1 $0x3, s28  }
0x13c: {  	[spmem:s1] =	stream.indirect.scatter.add.f32 [tilespmem:s25], [sflag:$0x2], $0x10, s16, s26, $0xb8;
	[tilespmem:$0x1F1C0] =	vst v63  }
0x13d: {  	s18 =	sxor.u32 @!p1 $0x8000, s18;
	s16 =	ssub.s32 @!p1 s20, s28  }
0x13e: {  	s18 =	sshrl.u32 @!p1 s18, $0x2;
	s16 =	sand.u32 @!p1 $0xFF, s16  }
0x13f: {  	p2 =	sgt.u32 @!p1 s17, $0xC1;
	s18 =	sadd.s32 @!p1 $0x19400, s18;
	s16 =	sshll.u32 @!p1 s16, $0x9  }
0x140: {  	s25 =	simm.s32 @!p1 $0x80;
	s20 =	sshll.u32 @!p1 s21, $0xD;
	s21 =	sor.u32 @!p1 $0x18800, s16  }
0x141: {  	[tilespmem:s18], [sflag:$0x1] =	stream.indirect.gather @!p1 [hbm4b:s13+s25], $0x10, s21, s25, $0xb8;
	[tilespmem:$0x1F1C0] =	vst v63  }
0x142: {  	p2 =	por p2, p1;
	s18 =	sxor.u32 @!p1 $0x1BC00, s20;
	s21 =	sor.u32 @!p1 $0x18880, s16  }
0x143: {  	[tilespmem:s18], [sflag:$0x1] =	stream.indirect.gather @!p1 [hbm4b:s13+s25], $0x10, s21, s25, $0xb8;
	[tilespmem:$0x1F1C0] =	vst v63  }
0x144: {  	s17 =	ssub.s32 @!p1 $0x1C400, s20;
	s18 =	sor.u32 @!p1 $0x18900, s16;
	s21 =	smul.u32 @!p2 $0xAB, s14  }
0x145: {  	[tilespmem:s17], [sflag:$0x1] =	stream.indirect.gather @!p1 [hbm4b:s13+s25], $0x10, s18, s25, $0xb8;
	[tilespmem:$0x1F1C0] =	vst v63  }
0x146: {  	s17 =	sshrl.u32 @!p2 s21, $0x9  }
0x147: {  	s18 =	sxor.u32 @!p1 $0x3800, s20;
	s17 =	sand.u32 @!p2 $0x7F, s17  }
0x148: {  	s16 =	sor.u32 @!p1 $0x18980, s16;
	s18 =	sadd.s32 @!p1 $0x19400, s18;
	s17 =	smul.u32 @!p2 $0x3, s17  }
0x149: {  	[tilespmem:s18], [sflag:$0x1] =	stream.indirect.gather @!p1 [hbm4b:s13+s25], $0x10, s16, s25, $0xb8;
	[tilespmem:$0x1F1C0] =	vst v63  }
0x14a: {  	s16 =	ssub.s32 @!p2 s14, s17  }
0x14b: {  	s16 =	sand.u32 @!p2 $0xFF, s16  }
0x14c: {  	s16 =	sshll.u32 @!p2 s16, $0x9  }
0x14d: {  	s18 =	simm.s32 @!p2 $0x0;
	s17 =	sadd.s32 @!p2 $0x18E00, s16  }
0x14e: {  	[tilespmem:s17], [sflag:$0x4] =	stream.linear.gather @!p2 [hbm4b:s15+s18], $0x200, $0x38;
	[tilespmem:$0x1F1C0] =	vst v63  }
0x14f: {  	s17 =	simm.s32 @!p2 $0x4  }
0x150: {  	s14 =	sadd.s32 @!p1 $0x1, s14;
	_ =	swait.ge @!p2 [sflag:s17], $0x200  }
0x151: {  	p3 =	sne.s32 @!p1 s14, $0xC6;
	[sflag:s17] =	ssyncset.done @!p2 $0x0  }
0x152: {  	p3 =	por p1, !p3;
	s16 =	sor.u32 @!p2 $0x18800, s16;
	[sflag:s17] =	ssyncadd.s32 @!p2 $0xFFFFFE00  }
0x153: {  	[tilespmem:s16], [sflag:$0x3] =	stream.linear.gather @!p2 [hbm4b:s12+s18], $0x200, $0x38;
	[tilespmem:$0x1F1C0] =	vst v63  }
.Ltmp6:
0x154: {  	_ = 	snop;
	(pc) =	sbr.rel @!p3 .LBB2_15-.Ltmp6, $4  }
0x155: {  	s16 =	simm.s32 @!p2 $0x3  }
0x156: {  	_ =	swait.ge @!p2 [sflag:s16], $0x200  }
0x157: {  	[sflag:s16] =	ssyncset.done @!p2 $0x0  }
0x158: {  	s15 =	sadd.s32 @!p1 $0x40, s15;
	s12 =	sadd.s32 @!p1 $0x40, s12;
	[sflag:s16] =	ssyncadd.s32 @!p2 $0xFFFFFE00  }
0x159: {  	_ =	swait.ge [sflag:s30], $0x800  }
0x15a: {  	[sflag:s30] =	ssyncset.done $0x0  }
0x15b: {  	[sflag:s30] =	ssyncadd.s32 $0xFFFFF800  }
0x15c: {  	_ =	swait.ge [sflag:s30], $0x800  }
0x15d: {  	[sflag:s30] =	ssyncset.done $0x0  }
0x15e: {  	[sflag:s30] =	ssyncadd.s32 $0xFFFFF800  }
0x15f: {  	_ =	swait.ge [sflag:s30], $0x800  }
0x160: {  	[sflag:s30] =	ssyncset.done $0x0  }
0x161: {  	[sflag:s30] =	ssyncadd.s32 $0xFFFFF800  }
0x162: {  	_ =	swait.ge [sflag:s30], $0x800  }
0x163: {  	[sflag:s30] =	ssyncset.done $0x0  }
0x164: {  	s9 =	smul.u32 $0x18800, s9;
	[sflag:s30] =	ssyncadd.s32 $0xFFFFF800  }
0x165: {  	s12 =	simm.s32 $0x0;
	s14 =	simm.s32 $0x0;
	[bflag:$0x0] =	sbarrier.arrive $0xFFFF  }
.LBB2_17:
0x166: {  	s15 =	smul.u32 $0xE0, s14;
	_ =	sdelay $0x1  }
0x167: {  	s16 =	sadd.s32 s10, s15  }
0x168: {  	s15 =	sadd.s32 s9, s16  }
0x169: {  	s15 =	sshll.u32 s15, $0x1  }
0x16a: {  	s17 =	sshrl.u32 s16, $0x3;
	s16 =	sshll.u32 s16, $0x4;
	s15 =	sadd.s32 s13, s15  }
0x16b: {  	[tilespmem:s31], [sflag:$0x1] =	stream.linear.gather [hbm4b:s15+s12], $0xE00, $0x38;
	[tilespmem:$0x1F1C0] =	vst v63  }
0x16c: {  	s18 =	sadd.s32 s6, s17;
	s17 =	simm.s32 $0x1F000;
	s16 =	sand.u32 $0x3FFFFFF0, s16  }
0x16d: {  	[tilespmem:s17], [sflag:$0x1] =	stream.linear.gather [hbm4b:s18+s12], $0xE0, $0x38;
	[tilespmem:$0x1F1C0] =	vst v63  }
0x16e: {  	s16 =	sadd.s32 s16, s1  }
0x16f: {  	[tilespmem:s22], [sflag:$0x3] =	stream.linear.gather [spmem:s16], $0xE00, $0x38;
	[tilespmem:$0x1F1C0] =	vst v63  }
0x170: {  	_ =	swait.ge [sflag:s23], $0xE00  }
0x171: {  	[sflag:s23] =	ssyncset.done $0x0  }
0x172: {  	[sflag:s23] =	ssyncadd.s32 $0xFFFFF200  }
0x173: {  	_ =	swait.ge [sflag:s29], $0xE00  }
0x174: {  	[sflag:s29] =	ssyncset.done $0x0  }
0x175: {  	[sflag:s29] =	ssyncadd.s32 $0xFFFFF200  }
0x176: {  	_ =	swait.ge [sflag:s29], $0xE0  }
0x177: {  	[sflag:s29] =	ssyncset.done $0x0  }
0x178: {  	s16 =	simm.s32 $0x0;
	[sflag:s29] =	ssyncadd.s32 $0xFFFFFF20  }
0x179: {  	v0 =	vld [tilespmem:s16+$0x1E200]  }
0x17a: {  	v1 =	vld [tilespmem:s16+$0x1E210]  }
0x17b: {  	v2 =	vld [tilespmem:s16+$0x1E220]  }
0x17c: {  	v6 =	vld [tilespmem:s16+$0x1E230]  }
0x17d: {  	v16 =	vld [tilespmem:s16+$0x1E240]  }
0x17e: {  	v17 =	vld [tilespmem:s16+$0x1E250]  }
0x17f: {  	v13 =	vld [tilespmem:s16+$0x1E260]  }
0x180: {  	v10 =	vld [tilespmem:s16+$0x1E270]  }
0x181: {  	v11 =	vld [tilespmem:s16+$0x1E280]  }
0x182: {  	v9 =	vld [tilespmem:s16+$0x1E290]  }
0x183: {  	v8 =	vld [tilespmem:s16+$0x1E2A0]  }
0x184: {  	v3 =	vld [tilespmem:s16+$0x1E2B0]  }
0x185: {  	v4 =	vld [tilespmem:s16+$0x1E2C0]  }
0x186: {  	v5 =	vld [tilespmem:s16+$0x1E2D0];
	v14 =	vmul.f32 $1.000000010e-01, v0;
	v12 =	vmul.f32 $1.000000010e-01, v1  }
0x187: {  	v15 =	vld [tilespmem:s16+$0x1D430];
	v7 =	vmul.f32 $1.000000010e-01, v2;
	v6 =	vmul.f32 $1.000000010e-01, v6  }
0x188: {  	s18 =	simm.s32 $0x400;
	v0 =	vld [tilespmem:s17+$0x0];
	v2 =	vmul.f32 $1.000000010e-01, v16;
	v1 =	vmul.f32 $1.000000010e-01, v17  }
.LBB2_18:
0x189: {  	p1 =	sne.s32 s18, $0x3400;
	v16 =	vld [tilespmem:s16+$0x1D410];
	v13 =	vmul.f32 $1.000000010e-01, v13;
	v10 =	vmul.f32 $1.000000010e-01, v10  }
0x18a: {  	v11 =	vmul.f32 $1.000000010e-01, v11;
	v9 =	vmul.f32 $1.000000010e-01, v9;
	v17 =	vld [tilespmem:s16+$0x1D400]  }
0x18b: {  	v8 =	vmul.f32 $1.000000010e-01, v8;
	v3 =	vmul.f32 $1.000000010e-01, v3;
	v18 =	vld [tilespmem:s16+$0x1D420]  }
0x18c: {  	v4 =	vmul.f32 $1.000000010e-01, v4;
	v5 =	vmul.f32 $1.000000010e-01, v5;
	v19 =	vld [tilespmem:s16+$0x1E2E0]  }
0x18d: {  	v20 =	vbroadcast v0, $0x0;
	v21 =	vbroadcast v0, $0x1;
	v22 =	vld [tilespmem:s16+$0x1E2F0]  }
0x18e: {  	v23 =	vbroadcast v0, $0x2;
	v24 =	vbroadcast v0, $0x3;
	v25 =	vld [tilespmem:s16+$0x1D440]  }
0x18f: {  	v17 =	vmul.f32 v17, v20;
	v16 =	vmul.f32 v16, v21;
	v20 =	vld [tilespmem:s16+$0x1D450]  }
0x190: {  	v15 =	vmul.f32 v15, v24;
	v18 =	vmul.f32 v18, v23;
	v21 =	vld [tilespmem:s16+$0x1D460]  }
0x191: {  	v14 =	vadd.f32 v14, v17;
	v12 =	vadd.f32 v12, v16;
	v16 =	vbroadcast v0, $0x4;
	v17 =	vld [tilespmem:s16+$0x1D470]  }
0x192: {  	v6 =	vadd.f32 v6, v15;
	v15 =	vbroadcast v0, $0x5;
	v7 =	vadd.f32 v7, v18;
	v18 =	vld [tilespmem:s16+$0x1D480]  }
0x193: {  	[tilespmem:s16+$0x1D400] =	vst v14;
	v14 =	vmul.f32 v25, v16;
	v16 =	vbroadcast v0, $0x6;
	v23 =	vld [tilespmem:s16+$0x1D490]  }
0x194: {  	[tilespmem:s16+$0x1D410] =	vst v12;
	v12 =	vmul.f32 v20, v15;
	v15 =	vbroadcast v0, $0x7;
	v20 =	vld [tilespmem:s16+$0x1D4A0]  }
0x195: {  	[tilespmem:s16+$0x1D420] =	vst v7;
	v2 =	vadd.f32 v2, v14;
	v7 =	vmul.f32 v21, v16;
	v14 =	vbroadcast v0, $0x8;
	v16 =	vld [tilespmem:s16+$0x1D4B0]  }
0x196: {  	[tilespmem:s16+$0x1D430] =	vst v6;
	v1 =	vadd.f32 v1, v12;
	v6 =	vmul.f32 v17, v15;
	v12 =	vbroadcast v0, $0x9;
	v15 =	vld [tilespmem:s16+$0x1D4C0]  }
0x197: {  	[tilespmem:s16+$0x1D440] =	vst v2;
	v2 =	vadd.f32 v13, v7;
	v7 =	vmul.f32 v18, v14;
	v13 =	vbroadcast v0, $0xA;
	v14 =	vld [tilespmem:s16+$0x1D4D0]  }
0x198: {  	[tilespmem:s16+$0x1D450] =	vst v1;
	v1 =	vadd.f32 v10, v6;
	v6 =	vmul.f32 v23, v12;
	v10 =	vbroadcast v0, $0xB;
	v12 =	vld [tilespmem:s16+$0x1D4E0]  }
0x199: {  	s20 =	sshra.s32 s18, $0x2;
	[tilespmem:s16+$0x1D460] =	vst v2;
	v2 =	vadd.f32 v11, v7;
	v7 =	vmul.f32 v20, v13;
	v11 =	vbroadcast v0, $0xC;
	v13 =	vld [tilespmem:s16+$0x1D4F0]  }
0x19a: {  	v17 =	vld [tilespmem:s20+$0x1E200];
	[tilespmem:s16+$0x1D470] =	vst v1;
	v1 =	vadd.f32 v9, v6;
	v6 =	vmul.f32 v16, v10;
	v9 =	vbroadcast v0, $0xD  }
0x19b: {  	v16 =	vld [tilespmem:s20+$0x1E210];
	[tilespmem:s16+$0x1D480] =	vst v2;
	v2 =	vadd.f32 v8, v7;
	v7 =	vmul.f32 v15, v11;
	v8 =	vbroadcast v0, $0xE  }
0x19c: {  	v0 =	vbroadcast v0, $0xF;
	v15 =	vld [tilespmem:s20+$0x1E220];
	[tilespmem:s16+$0x1D490] =	vst v1;
	v1 =	vadd.f32 v3, v6;
	v3 =	vmul.f32 v14, v9  }
0x19d: {  	v6 =	vld [tilespmem:s20+$0x1E230];
	[tilespmem:s16+$0x1D4A0] =	vst v2;
	v2 =	vadd.f32 v4, v7;
	v4 =	vmul.f32 v12, v8;
	v7 =	vmul.f32 $1.000000010e-01, v19  }
0x19e: {  	v18 =	vld [tilespmem:s20+$0x1E240];
	[tilespmem:s16+$0x1D4B0] =	vst v1;
	v1 =	vadd.f32 v5, v3;
	v0 =	vmul.f32 v13, v0;
	v3 =	vmul.f32 $1.000000010e-01, v22  }
0x19f: {  	v19 =	vld [tilespmem:s20+$0x1E250];
	[tilespmem:s16+$0x1D4C0] =	vst v2;
	v2 =	vadd.f32 v7, v4  }
0x1a0: {  	v13 =	vld [tilespmem:s20+$0x1E260];
	[tilespmem:s16+$0x1D4D0] =	vst v1;
	v0 =	vadd.f32 v3, v0  }
0x1a1: {  	v10 =	vld [tilespmem:s20+$0x1E270];
	[tilespmem:s16+$0x1D4E0] =	vst v2  }
0x1a2: {  	v11 =	vld [tilespmem:s20+$0x1E280];
	[tilespmem:s16+$0x1D4F0] =	vst v0;
	s16 =	smov.u32 s20  }
0x1a3: {  	v9 =	vld [tilespmem:s16+$0x1E290]  }
0x1a4: {  	v8 =	vld [tilespmem:s16+$0x1E2A0]  }
.Ltmp7:
0x1a5: {  	v3 =	vld [tilespmem:s16+$0x1E2B0];
	(pc) =	sbr.rel @p1 .LBB2_18-.Ltmp7, $4  }
0x1a6: {  	v4 =	vld [tilespmem:s16+$0x1E2C0]  }
0x1a7: {  	v14 =	vmul.f32 $1.000000010e-01, v17;
	v12 =	vmul.f32 $1.000000010e-01, v16;
	v5 =	vld [tilespmem:s16+$0x1E2D0]  }
0x1a8: {  	s17 =	sadd.s32 $0x10, s17;
	v7 =	vmul.f32 $1.000000010e-01, v15;
	v6 =	vmul.f32 $1.000000010e-01, v6;
	v15 =	vld [tilespmem:s16+$0x1D430]  }
0x1a9: {  	s18 =	sadd.s32 $0x400, s18;
	v2 =	vmul.f32 $1.000000010e-01, v18;
	v1 =	vmul.f32 $1.000000010e-01, v19;
	v0 =	vld [tilespmem:s17+$0x0]  }
0x1aa: {  	_ =	sdelay $0x1  }
0x1ab: {  	v38 =	vmul.f32 $1.000000010e-01, v9;
	v8 =	vmul.f32 $1.000000010e-01, v8  }
0x1ac: {  	v16 =	vld [tilespmem:s16+$0x1D410];
	v3 =	vmul.f32 $1.000000010e-01, v3;
	v4 =	vmul.f32 $1.000000010e-01, v4  }
0x1ad: {  	v17 =	vld [tilespmem:s16+$0x1D400];
	v43 =	vmul.f32 $1.000000010e-01, v5;
	v20 =	vbroadcast v0, $0x0  }
0x1ae: {  	v18 =	vld [tilespmem:s16+$0x1D420];
	v23 =	vbroadcast v0, $0x1;
	v25 =	vbroadcast v0, $0x2  }
0x1af: {  	v19 =	vld [tilespmem:s16+$0x1E2E0];
	v33 =	vbroadcast v0, $0x3;
	v35 =	vbroadcast v0, $0x4  }
0x1b0: {  	v21 =	vld [tilespmem:s16+$0x1E2F0];
	v37 =	vbroadcast v0, $0x5;
	v40 =	vbroadcast v0, $0x6  }
0x1b1: {  	v36 =	vld [tilespmem:s16+$0x1D4A0];
	v42 =	vbroadcast v0, $0x7;
	v44 =	vbroadcast v0, $0x8  }
0x1b2: {  	v39 =	vld [tilespmem:s16+$0x1D4B0];
	v46 =	vbroadcast v0, $0x9;
	v17 =	vmul.f32 v17, v20  }
0x1b3: {  	v41 =	vld [tilespmem:s16+$0x1D4C0];
	v48 =	vbroadcast v0, $0xA;
	v16 =	vmul.f32 v16, v23  }
0x1b4: {  	v49 =	vld [tilespmem:s16+$0x1D4E0];
	v50 =	vbroadcast v0, $0xB;
	v18 =	vmul.f32 v18, v25;
	v14 =	vadd.f32 v14, v17  }
0x1b5: {  	v52 =	vld [tilespmem:s16+$0x1D4F0];
	v51 =	vbroadcast v0, $0xC;
	v15 =	vmul.f32 v15, v33;
	v12 =	vadd.f32 v12, v16  }
0x1b6: {  	v22 =	vld [tilespmem:s16+$0x1D440];
	v53 =	vbroadcast v0, $0xD;
	v5 =	vmul.f32 v36, v48;
	v7 =	vadd.f32 v7, v18;
	[tilespmem:s16+$0x1D400] =	vst v14  }
0x1b7: {  	v30 =	vld [tilespmem:s16+$0x1D450];
	v56 =	vbroadcast v0, $0xE;
	v9 =	vmul.f32 v39, v50;
	v6 =	vadd.f32 v6, v15;
	[tilespmem:s16+$0x1D410] =	vst v12  }
0x1b8: {  	v24 =	vld [tilespmem:s16+$0x1D460];
	v58 =	vbroadcast v0, $0xF;
	v55 =	vmul.f32 v41, v51;
	v54 =	vadd.f32 v8, v5;
	[tilespmem:s16+$0x1D420] =	vst v7  }
0x1b9: {  	v31 =	vld [tilespmem:s16+$0x1D470];
	v61 =	vmul.f32 $1.000000010e-01, v19;
	v60 =	vmul.f32 v49, v56;
	v3 =	vadd.f32 v3, v9;
	[tilespmem:s16+$0x1D430] =	vst v6  }
0x1ba: {  	v32 =	vld [tilespmem:s16+$0x1D480];
	v62 =	vmul.f32 $1.000000010e-01, v21;
	v0 =	vmul.f32 v52, v58;
	v59 =	vadd.f32 v4, v55;
	[tilespmem:s16+$0x1D4A0] =	vst v54  }
0x1bb: {  	v34 =	vld [tilespmem:s16+$0x1D490];
	v16 =	vmul.f32 v22, v35;
	v63 =	vadd.f32 v61, v60;
	[tilespmem:s16+$0x1D4B0] =	vst v3  }
0x1bc: {  	v45 =	vld [tilespmem:s16+$0x1D4D0];
	v15 =	vmul.f32 v30, v37;
	v0 =	vadd.f32 v62, v0;
	[tilespmem:s16+$0x1D4C0] =	vst v59  }
0x1bd: {  	v13 =	vmul.f32 $1.000000010e-01, v13;
	v18 =	vmul.f32 v24, v40;
	v2 =	vadd.f32 v2, v16;
	[tilespmem:s16+$0x1D4E0] =	vst v63  }
0x1be: {  	v10 =	vmul.f32 $1.000000010e-01, v10;
	v1 =	vadd.f32 v1, v15;
	v16 =	vmul.f32 v31, v42;
	[tilespmem:s16+$0x1D4F0] =	vst v0  }
0x1bf: {  	v11 =	vmul.f32 $1.000000010e-01, v11;
	v47 =	vmul.f32 v32, v44;
	v13 =	vadd.f32 v13, v18;
	[tilespmem:s16+$0x1D440] =	vst v2  }
0x1c0: {  	v14 =	vmul.f32 v34, v46;
	[tilespmem:s16+$0x1D450] =	vst v1;
	v10 =	vadd.f32 v10, v16  }
0x1c1: {  	v57 =	vmul.f32 v45, v53;
	[tilespmem:s16+$0x1D460] =	vst v13;
	v1 =	vadd.f32 v11, v47  }
0x1c2: {  	v7 =	vadd.f32 v38, v14;
	[tilespmem:s16+$0x1D470] =	vst v10  }
0x1c3: {  	s14 =	sadd.s32 $0x1, s14;
	v2 =	vadd.f32 v43, v57;
	[tilespmem:s16+$0x1D480] =	vst v1  }
0x1c4: {  	p1 =	sne.s32 s14, $0x1C;
	[tilespmem:s16+$0x1D490] =	vst v7  }
.Ltmp8:
0x1c5: {  	[tilespmem:s16+$0x1D4D0] =	vst v2;
	(pc) =	sbr.rel @p1 .LBB2_17-.Ltmp8, $4  }
0x1c6: {  	[hbm4b:s15+s2] =	stream.linear.scatter [tilespmem:s22], [sflag:$0x3], $0xE00, $0x38;
	[tilespmem:$0x1F1C0] =	vst v63  }
0x1c7: {  	_ =	swait.ge [sflag:s23], $0xE00  }
0x1c8: {  	[sflag:s23] =	ssyncset.done $0x0  }
0x1c9: {  	[sflag:s23] =	ssyncadd.s32 $0xFFFFF200  }
.Ltmp9:
0x1ca: {  	(pc) =	sbr.rel @p0 .LBB2_12-.Ltmp9, $3  }
0x1cb: {  	_ =	sdelay $0x1  }
0x1cc: {  	[bflag:$0x0] =	sbarrier.arrive $0xFFFF;
	s18 =	simm.s32 $0x0  }
0x1cd: {  	p1 =	por $0x1, $0x1;
	s12 =	simm.s32 $0x1;
	p2 =	por $0x0, $0x0  }
0x1ce: {  	s12 =	simm.s32 $0x0  }
.LBB2_22:
0x1cf: {  	s9 =	rddreg [dreg:$0x4]  }
0x1d0: {  	[tilespmem:s22], [sflag:$0x3] =	stream.linear.gather [hbm4b:s9+s18], $0xE00, $0x38;
	[tilespmem:$0x1F1C0] =	vst v63  }
0x1d1: {  	_ =	swait.ge [sflag:s23], $0xE00  }
0x1d2: {  	[sflag:s23] =	ssyncset.done $0x0  }
0x1d3: {  	s28 =	sadd.s32 $0x0, s19;
	[sflag:s23] =	ssyncadd.s32 $0xFFFFF200  }
0x1d4: {  	[spmem:s28] =	stream.linear.scatter [tilespmem:s22], [sflag:$0x3], $0xE00, $0x38;
	[tilespmem:$0x1F1C0] =	vst v63  }
0x1d5: {  	p0 =	por p1, p1;
	s9 =	simm.s32 $0x3800;
	_ =	swait.ge [sflag:s23], $0xE00  }
.LBB2_23:
0x1d6: {  	s14 =	sshra.s32 s9, $0x2;
	[sflag:s23] =	ssyncset.done $0x0;
	p1 =	sne.s32 s9, $0x5E800  }
.Ltmp10:
0x1d7: {  	s14 =	sadd.s32 s14, s19;
	[sflag:s23] =	ssyncadd.s32 $0xFFFFF200;
	(pc) =	sbr.rel @p1 .LBB2_23-.Ltmp10, $3  }
0x1d8: {  	[spmem:s14] =	stream.linear.scatter [tilespmem:s22], [sflag:$0x3], $0xE00, $0x38;
	[tilespmem:$0x1F1C0] =	vst v63  }
0x1d9: {  	s9 =	sadd.s32 $0x3800, s9;
	_ =	sdelay $0x1  }
0x1da: {  	_ =	swait.ge [sflag:s23], $0xE00  }
0x1db: {  	[sflag:s23] =	ssyncset.done $0x0  }
0x1dc: {  	[sflag:s23] =	ssyncadd.s32 $0xFFFFF200  }
0x1dd: {  	s9 =	rddreg [dreg:$0x6];
	[bflag:$0x0] =	sbarrier.arrive $0xFFFF  }
0x1de: {  	s16 =	simm.s32 $0x18E00;
	s9 =	sor.u32 s9, s12;
	s15 =	rddreg [dreg:$0x8]  }
0x1df: {  	[tilespmem:s16], [sflag:$0x3] =	stream.linear.gather [hbm4b:s15+s2], $0x200, $0x38;
	[tilespmem:$0x1F1C0] =	vst v63  }
0x1e0: {  	s14 =	smul.u32 $0x3100, s9;
	_ =	swait.ge [sflag:s23], $0x200  }
0x1e1: {  	s24 =	rddreg [dreg:$0x5]  }
0x1e2: {  	s15 =	sadd.s32 s24, s14  }
0x1e3: {  	[sflag:s23] =	ssyncset.done $0x0;
	s15 =	sshll.u32 s15, $0x4  }
0x1e4: {  	s25 =	simm.s32 $0x18800;
	[sflag:s23] =	ssyncadd.s32 $0xFFFFFE00;
	s15 =	sadd.s32 s3, s15  }
0x1e5: {  	[tilespmem:s25], [sflag:$0x3] =	stream.linear.gather [hbm4b:s15+s2], $0x200, $0x38;
	[tilespmem:$0x1F1C0] =	vst v63  }
0x1e6: {  	_ =	swait.ge [sflag:s23], $0x200  }
0x1e7: {  	[sflag:s23] =	ssyncset.done $0x0  }
0x1e8: {  	s28 =	simm.s32 $0x19400;
	[sflag:s23] =	ssyncadd.s32 $0xFFFFFE00  }
0x1e9: {  	[tilespmem:s28], [sflag:$0x1] =	stream.indirect.gather [hbm4b:s13+s26], $0x10, s25, s26, $0xb8;
	[tilespmem:$0x1F1C0] =	vst v63  }
0x1ea: {  	s17 =	simm.s32 $0x18880;
	s20 =	simm.s32 $0x19C00  }
0x1eb: {  	[tilespmem:s20], [sflag:$0x1] =	stream.indirect.gather [hbm4b:s13+s26], $0x10, s17, s26, $0xb8;
	[tilespmem:$0x1F1C0] =	vst v63  }
0x1ec: {  	s21 =	simm.s32 $0x18900;
	s24 =	simm.s32 $0x1A400;
	s17 =	rddreg [dreg:$0x9]  }
0x1ed: {  	[tilespmem:s24], [sflag:$0x1] =	stream.indirect.gather [hbm4b:s13+s26], $0x10, s21, s26, $0xb8;
	[tilespmem:$0x1F1C0] =	vst v63  }
0x1ee: {  	s25 =	simm.s32 $0x18980;
	s28 =	simm.s32 $0x1AC00;
	s21 =	rddreg [dreg:$0x7]  }
0x1ef: {  	[tilespmem:s28], [sflag:$0x1] =	stream.indirect.gather [hbm4b:s13+s26], $0x10, s25, s26, $0xb8;
	[tilespmem:$0x1F1C0] =	vst v63  }
0x1f0: {  	s20 =	simm.s32 $0x19000;
	s24 =	smul.u32 $0x3100, s12;
	s14 =	sadd.s32 s21, s14  }
0x1f1: {  	[tilespmem:s20], [sflag:$0x3] =	stream.linear.gather [hbm4b:s17+s2], $0x200, $0x38;
	[tilespmem:$0x1F1C0] =	vst v63  }
0x1f2: {  	s14 =	sshll.u32 s14, $0x4;
	s25 =	simm.s32 $0x18A00;
	_ =	swait.ge [sflag:s23], $0x200  }
0x1f3: {  	s14 =	sand.u32 $0x1FFFFF40, s14;
	[sflag:s23] =	ssyncset.done $0x0;
	s28 =	rddreg [dreg:$0xc]  }
0x1f4: {  	s14 =	sadd.s32 s3, s14;
	[sflag:s23] =	ssyncadd.s32 $0xFFFFFE00;
	s12 =	sadd.s32 s24, s28  }
0x1f5: {  	[tilespmem:s25], [sflag:$0x3] =	stream.linear.gather [hbm4b:s14+s2], $0x200, $0x38;
	[tilespmem:$0x1F1C0] =	vst v63  }
0x1f6: {  	s12 =	sshll.u32 s12, $0x4;
	_ =	swait.ge [sflag:s23], $0x200  }
0x1f7: {  	s14 =	simm.s32 $0x2;
	s12 =	sand.u32 $0xFFFFFFC0, s12;
	[sflag:s23] =	ssyncset.done $0x0  }
0x1f8: {  	s12 =	sadd.s32 s12, s3;
	s15 =	rddreg [dreg:$0xb];
	[sflag:s23] =	ssyncadd.s32 $0xFFFFFE00  }
.LBB2_25:
0x1f9: {  	p1 =	seq.s32 s14, $0x2  }
0x1fa: {  	s16 =	simm.s32 @!p1 $0x2  }
0x1fb: {  	_ =	swait.ge @!p1 [sflag:s16], $0x800  }
0x1fc: {  	[sflag:s16] =	ssyncset.done @!p1 $0x0  }
0x1fd: {  	[sflag:s16] =	ssyncadd.s32 @!p1 $0xFFFFF800  }
0x1fe: {  	_ =	swait.ge @!p1 [sflag:s16], $0x800  }
0x1ff: {  	s17 =	sadd.s32 $0xFFFFFFFE, s14;
	[sflag:s16] =	ssyncset.done @!p1 $0x0  }
0x200: {  	s20 =	smul.u32 $0xAB, s17;
	[sflag:s16] =	ssyncadd.s32 @!p1 $0xFFFFF800  }
0x201: {  	_ =	swait.ge @!p1 [sflag:s16], $0x800  }
0x202: {  	s20 =	sshrl.u32 s20, $0x9;
	[sflag:s16] =	ssyncset.done @!p1 $0x0  }
0x203: {  	s20 =	sand.u32 $0x7F, s20;
	[sflag:s16] =	ssyncadd.s32 @!p1 $0xFFFFF800  }
0x204: {  	s20 =	smul.u32 $0x3, s20;
	_ =	swait.ge @!p1 [sflag:s16], $0x800  }
0x205: {  	[sflag:s16] =	ssyncset.done @!p1 $0x0  }
0x206: {  	s21 =	sand.u32 $0x1, s17;
	s20 =	ssub.s32 s17, s20;
	[sflag:s16] =	ssyncadd.s32 @!p1 $0xFFFFF800  }
0x207: {  	s28 =	sand.u32 $0xFF, s20;
	s20 =	sshll.u32 s21, $0xF;
	_ =	swait.ge [sflag:s29], $0x800  }
0x208: {  	s24 =	sshrl.u32 s20, $0x2;
	s16 =	sshll.u32 s28, $0x9;
	[sflag:s29] =	ssyncset.done $0x0  }
0x209: {  	s25 =	sor.u32 $0x19400, s24;
	s28 =	sadd.s32 $0x18E00, s16;
	[sflag:s29] =	ssyncadd.s32 $0xFFFFF800  }
0x20a: {  	[spmem:s1] =	stream.indirect.scatter.add.f32 [tilespmem:s25], [sflag:$0x2], $0x10, s28, s26, $0xb8;
	[tilespmem:$0x1F1C0] =	vst v63  }
0x20b: {  	_ =	swait.ge [sflag:s29], $0x800  }
0x20c: {  	[sflag:s29] =	ssyncset.done $0x0  }
0x20d: {  	s25 =	sor.u32 $0x19C00, s24;
	s28 =	sadd.s32 $0x18E80, s16;
	[sflag:s29] =	ssyncadd.s32 $0xFFFFF800  }
0x20e: {  	[spmem:s1] =	stream.indirect.scatter.add.f32 [tilespmem:s25], [sflag:$0x2], $0x10, s28, s26, $0xb8;
	[tilespmem:$0x1F1C0] =	vst v63  }
0x20f: {  	_ =	swait.ge [sflag:s29], $0x800  }
0x210: {  	p1 =	seq.s32 s14, $0xC5;
	[sflag:s29] =	ssyncset.done $0x0  }
0x211: {  	s25 =	sadd.s32 $0x1A400, s24;
	s28 =	sadd.s32 $0x18F00, s16;
	[sflag:s29] =	ssyncadd.s32 $0xFFFFF800  }
0x212: {  	[spmem:s1] =	stream.indirect.scatter.add.f32 [tilespmem:s25], [sflag:$0x2], $0x10, s28, s26, $0xb8;
	[tilespmem:$0x1F1C0] =	vst v63  }
0x213: {  	s25 =	sadd.s32 @!p1 $0x1, s17  }
0x214: {  	s28 =	sand.u32 @!p1 $0xFF, s25  }
0x215: {  	s28 =	smul.u32 @!p1 $0xAB, s28  }
0x216: {  	_ =	swait.ge [sflag:s29], $0x800  }
0x217: {  	s24 =	sadd.s32 $0x1AC00, s24;
	[sflag:s29] =	ssyncset.done $0x0;
	s28 =	sshrl.u32 @!p1 s28, $0x9  }
0x218: {  	s16 =	sadd.s32 $0x18F80, s16;
	[sflag:s29] =	ssyncadd.s32 $0xFFFFF800;
	s28 =	smul.u32 @!p1 $0x3, s28  }
0x219: {  	[spmem:s1] =	stream.indirect.scatter.add.f32 [tilespmem:s24], [sflag:$0x2], $0x10, s16, s26, $0xb8;
	[tilespmem:$0x1F1C0] =	vst v63  }
0x21a: {  	s16 =	ssub.s32 @!p1 s25, s28  }
0x21b: {  	s20 =	sxor.u32 @!p1 $0x8000, s20;
	s21 =	sshll.u32 @!p1 s21, $0xD;
	s16 =	sand.u32 @!p1 $0xFF, s16  }
0x21c: {  	p2 =	sgt.u32 @!p1 s17, $0xC1;
	s20 =	sshrl.u32 @!p1 s20, $0x2;
	s16 =	sshll.u32 @!p1 s16, $0x9  }
0x21d: {  	s20 =	sadd.s32 @!p1 $0x19400, s20;
	s25 =	simm.s32 @!p1 $0x80;
	s24 =	sor.u32 @!p1 $0x18800, s16  }
0x21e: {  	[tilespmem:s20], [sflag:$0x1] =	stream.indirect.gather @!p1 [hbm4b:s13+s25], $0x10, s24, s25, $0xb8;
	[tilespmem:$0x1F1C0] =	vst v63  }
0x21f: {  	p2 =	por p2, p1;
	s20 =	sxor.u32 @!p1 $0x1BC00, s21;
	s24 =	sor.u32 @!p1 $0x18880, s16  }
0x220: {  	[tilespmem:s20], [sflag:$0x1] =	stream.indirect.gather @!p1 [hbm4b:s13+s25], $0x10, s24, s25, $0xb8;
	[tilespmem:$0x1F1C0] =	vst v63  }
0x221: {  	s17 =	ssub.s32 @!p1 $0x1C400, s21;
	s20 =	sor.u32 @!p1 $0x18900, s16;
	s24 =	smul.u32 @!p2 $0xAB, s14  }
0x222: {  	[tilespmem:s17], [sflag:$0x1] =	stream.indirect.gather @!p1 [hbm4b:s13+s25], $0x10, s20, s25, $0xb8;
	[tilespmem:$0x1F1C0] =	vst v63  }
0x223: {  	s17 =	sshrl.u32 @!p2 s24, $0x9  }
0x224: {  	s20 =	sxor.u32 @!p1 $0x3800, s21;
	s17 =	sand.u32 @!p2 $0x7F, s17  }
0x225: {  	s16 =	sor.u32 @!p1 $0x18980, s16;
	s20 =	sadd.s32 @!p1 $0x19400, s20;
	s17 =	smul.u32 @!p2 $0x3, s17  }
0x226: {  	[tilespmem:s20], [sflag:$0x1] =	stream.indirect.gather @!p1 [hbm4b:s13+s25], $0x10, s16, s25, $0xb8;
	[tilespmem:$0x1F1C0] =	vst v63  }
0x227: {  	s16 =	ssub.s32 @!p2 s14, s17  }
0x228: {  	s16 =	sand.u32 @!p2 $0xFF, s16  }
0x229: {  	s16 =	sshll.u32 @!p2 s16, $0x9  }
0x22a: {  	s20 =	simm.s32 @!p2 $0x0;
	s17 =	sadd.s32 @!p2 $0x18E00, s16  }
0x22b: {  	[tilespmem:s17], [sflag:$0x4] =	stream.linear.gather @!p2 [hbm4b:s15+s20], $0x200, $0x38;
	[tilespmem:$0x1F1C0] =	vst v63  }
0x22c: {  	s17 =	simm.s32 @!p2 $0x4  }
0x22d: {  	s14 =	sadd.s32 @!p1 $0x1, s14;
	_ =	swait.ge @!p2 [sflag:s17], $0x200  }
0x22e: {  	p3 =	sne.s32 @!p1 s14, $0xC6;
	[sflag:s17] =	ssyncset.done @!p2 $0x0  }
0x22f: {  	p3 =	por p1, !p3;
	s16 =	sor.u32 @!p2 $0x18800, s16;
	[sflag:s17] =	ssyncadd.s32 @!p2 $0xFFFFFE00  }
0x230: {  	[tilespmem:s16], [sflag:$0x3] =	stream.linear.gather @!p2 [hbm4b:s12+s20], $0x200, $0x38;
	[tilespmem:$0x1F1C0] =	vst v63  }
.Ltmp11:
0x231: {  	_ = 	snop;
	(pc) =	sbr.rel @!p3 .LBB2_25-.Ltmp11, $4  }
0x232: {  	s16 =	simm.s32 @!p2 $0x3  }
0x233: {  	_ =	swait.ge @!p2 [sflag:s16], $0x200  }
0x234: {  	[sflag:s16] =	ssyncset.done @!p2 $0x0  }
0x235: {  	s15 =	sadd.s32 @!p1 $0x40, s15;
	s12 =	sadd.s32 @!p1 $0x40, s12;
	[sflag:s16] =	ssyncadd.s32 @!p2 $0xFFFFFE00  }
0x236: {  	_ =	swait.ge [sflag:s30], $0x800  }
0x237: {  	[sflag:s30] =	ssyncset.done $0x0  }
0x238: {  	[sflag:s30] =	ssyncadd.s32 $0xFFFFF800  }
0x239: {  	_ =	swait.ge [sflag:s30], $0x800  }
0x23a: {  	[sflag:s30] =	ssyncset.done $0x0  }
0x23b: {  	[sflag:s30] =	ssyncadd.s32 $0xFFFFF800  }
0x23c: {  	_ =	swait.ge [sflag:s30], $0x800  }
0x23d: {  	[sflag:s30] =	ssyncset.done $0x0  }
0x23e: {  	[sflag:s30] =	ssyncadd.s32 $0xFFFFF800  }
0x23f: {  	_ =	swait.ge [sflag:s30], $0x800  }
0x240: {  	[sflag:s30] =	ssyncset.done $0x0  }
0x241: {  	s24 =	smul.u32 $0x18800, s9;
	[sflag:s30] =	ssyncadd.s32 $0xFFFFF800  }
0x242: {  	s28 =	simm.s32 $0x0;
	s9 =	simm.s32 $0x0;
	[bflag:$0x0] =	sbarrier.arrive $0xFFFF  }
.LBB2_27:
0x243: {  	s12 =	smul.u32 $0xE0, s9;
	_ =	sdelay $0x1  }
0x244: {  	s14 =	sadd.s32 s10, s12  }
0x245: {  	s12 =	sadd.s32 s24, s14  }
0x246: {  	s12 =	sshll.u32 s12, $0x1  }
0x247: {  	s21 =	sshrl.u32 s14, $0x3;
	s15 =	sadd.s32 s13, s12  }
0x248: {  	[tilespmem:s31], [sflag:$0x1] =	stream.linear.gather [hbm4b:s15+s28], $0xE00, $0x38;
	[tilespmem:$0x1F1C0] =	vst v63  }
0x249: {  	s14 =	sshll.u32 s14, $0x4;
	s16 =	sadd.s32 s7, s21  }
0x24a: {  	[tilespmem:s0], [sflag:$0x1] =	stream.linear.gather [hbm4b:s16+s28], $0xE0, $0x38;
	[tilespmem:$0x1F1C0] =	vst v63  }
0x24b: {  	s14 =	sand.u32 $0x3FFFFFF0, s14;
	s15 =	sadd.s32 s8, s21  }
0x24c: {  	[tilespmem:s5], [sflag:$0x1] =	stream.linear.gather [hbm4b:s15+s28], $0xE0, $0x38;
	[tilespmem:$0x1F1C0] =	vst v63  }
0x24d: {  	s14 =	sadd.s32 s14, s1  }
0x24e: {  	[tilespmem:s22], [sflag:$0x3] =	stream.linear.gather [spmem:s14], $0xE00, $0x38;
	[tilespmem:$0x1F1C0] =	vst v63  }
0x24f: {  	_ =	swait.ge [sflag:s23], $0xE00  }
0x250: {  	[sflag:s23] =	ssyncset.done $0x0  }
0x251: {  	[sflag:s23] =	ssyncadd.s32 $0xFFFFF200  }
0x252: {  	_ =	swait.ge [sflag:s29], $0xE00  }
0x253: {  	[sflag:s29] =	ssyncset.done $0x0  }
0x254: {  	[sflag:s29] =	ssyncadd.s32 $0xFFFFF200  }
0x255: {  	_ =	swait.ge [sflag:s29], $0xE0  }
0x256: {  	[sflag:s29] =	ssyncset.done $0x0  }
0x257: {  	[sflag:s29] =	ssyncadd.s32 $0xFFFFFF20  }
0x258: {  	_ =	swait.ge [sflag:s29], $0xE0  }
0x259: {  	[sflag:s29] =	ssyncset.done $0x0  }
0x25a: {  	s25 =	simm.s32 $0x0;
	[sflag:s29] =	ssyncadd.s32 $0xFFFFFF20  }
0x25b: {  	v0 =	vld [tilespmem:s25+$0x1F000]  }
0x25c: {  	s14 =	simm.s32 $0x1D480;
	v1 =	vld [tilespmem:s25+$0x1F0E0]  }
0x25d: {  	s15 =	simm.s32 $0x1E280;
	v2 =	vld [tilespmem:s14+$0xFFFFFF80]  }
0x25e: {  	v3 =	vld [tilespmem:s15+$0xFFFFFF80];
	_ =	sdelay $0x2  }
0x25f: {  	v4 =	vbroadcast v0, $0x0;
	v5 =	vbroadcast v1, $0x0;
	_ =	sdelay $0x1  }
0x260: {  	v2 =	vmul.f32 v2, v4;
	v3 =	vmul.f32 v3, v5;
	_ =	sdelay $0x1  }
0x261: {  	v2 =	vadd.f32 v3, v2;
	_ =	sdelay $0x1  }
0x262: {  	[tilespmem:s14+$0xFFFFFF80] =	vst v2;
	v2 =	vld [tilespmem:s14+$0xFFFFFF90]  }
0x263: {  	v3 =	vld [tilespmem:s15+$0xFFFFFF90];
	_ =	sdelay $0x2  }
0x264: {  	v36 =	vbroadcast v0, $0x1;
	v37 =	vbroadcast v1, $0x1;
	_ =	sdelay $0x1  }
0x265: {  	v2 =	vmul.f32 v2, v36;
	v3 =	vmul.f32 v3, v37;
	_ =	sdelay $0x1  }
0x266: {  	v2 =	vadd.f32 v3, v2;
	_ =	sdelay $0x1  }
0x267: {  	[tilespmem:s14+$0xFFFFFF90] =	vst v2;
	v2 =	vld [tilespmem:s14+$0xFFFFFFA0]  }
0x268: {  	v3 =	vld [tilespmem:s15+$0xFFFFFFA0];
	_ =	sdelay $0x2  }
0x269: {  	v38 =	vbroadcast v0, $0x2;
	v39 =	vbroadcast v1, $0x2;
	_ =	sdelay $0x1  }
0x26a: {  	v2 =	vmul.f32 v2, v38;
	v3 =	vmul.f32 v3, v39;
	_ =	sdelay $0x1  }
0x26b: {  	v2 =	vadd.f32 v3, v2;
	_ =	sdelay $0x1  }
0x26c: {  	[tilespmem:s14+$0xFFFFFFA0] =	vst v2;
	v2 =	vld [tilespmem:s14+$0xFFFFFFB0]  }
0x26d: {  	v3 =	vld [tilespmem:s15+$0xFFFFFFB0];
	_ =	sdelay $0x2  }
0x26e: {  	v40 =	vbroadcast v0, $0x3;
	v41 =	vbroadcast v1, $0x3;
	_ =	sdelay $0x1  }
0x26f: {  	v2 =	vmul.f32 v2, v40;
	v3 =	vmul.f32 v3, v41;
	_ =	sdelay $0x1  }
0x270: {  	v2 =	vadd.f32 v3, v2;
	_ =	sdelay $0x1  }
0x271: {  	[tilespmem:s14+$0xFFFFFFB0] =	vst v2;
	v2 =	vld [tilespmem:s14+$0xFFFFFFC0]  }
0x272: {  	v3 =	vld [tilespmem:s15+$0xFFFFFFC0];
	_ =	sdelay $0x2  }
0x273: {  	v42 =	vbroadcast v0, $0x4;
	v43 =	vbroadcast v1, $0x4;
	_ =	sdelay $0x1  }
0x274: {  	v2 =	vmul.f32 v2, v42;
	v3 =	vmul.f32 v3, v43;
	_ =	sdelay $0x1  }
0x275: {  	v2 =	vadd.f32 v3, v2;
	_ =	sdelay $0x1  }
0x276: {  	[tilespmem:s14+$0xFFFFFFC0] =	vst v2;
	v2 =	vld [tilespmem:s14+$0xFFFFFFD0]  }
0x277: {  	v3 =	vld [tilespmem:s15+$0xFFFFFFD0];
	_ =	sdelay $0x2  }
0x278: {  	v44 =	vbroadcast v0, $0x5;
	v45 =	vbroadcast v1, $0x5;
	_ =	sdelay $0x1  }
0x279: {  	v2 =	vmul.f32 v2, v44;
	v3 =	vmul.f32 v3, v45;
	_ =	sdelay $0x1  }
0x27a: {  	v2 =	vadd.f32 v3, v2;
	_ =	sdelay $0x1  }
0x27b: {  	[tilespmem:s14+$0xFFFFFFD0] =	vst v2;
	v2 =	vld [tilespmem:s14+$0xFFFFFFE0]  }
0x27c: {  	v3 =	vld [tilespmem:s15+$0xFFFFFFE0];
	_ =	sdelay $0x2  }
0x27d: {  	v46 =	vbroadcast v0, $0x6;
	v47 =	vbroadcast v1, $0x6;
	_ =	sdelay $0x1  }
0x27e: {  	v2 =	vmul.f32 v2, v46;
	v3 =	vmul.f32 v3, v47;
	_ =	sdelay $0x1  }
0x27f: {  	v2 =	vadd.f32 v3, v2;
	_ =	sdelay $0x1  }
0x280: {  	[tilespmem:s14+$0xFFFFFFE0] =	vst v2;
	v2 =	vld [tilespmem:s14+$0xFFFFFFF0]  }
0x281: {  	v3 =	vld [tilespmem:s15+$0xFFFFFFF0];
	_ =	sdelay $0x2  }
0x282: {  	v48 =	vbroadcast v0, $0x7;
	v49 =	vbroadcast v1, $0x7;
	_ =	sdelay $0x1  }
0x283: {  	v2 =	vmul.f32 v2, v48;
	v3 =	vmul.f32 v3, v49;
	_ =	sdelay $0x1  }
0x284: {  	v2 =	vadd.f32 v3, v2;
	_ =	sdelay $0x1  }
0x285: {  	[tilespmem:s14+$0xFFFFFFF0] =	vst v2;
	v2 =	vld [tilespmem:s14+$0x0]  }
0x286: {  	v3 =	vld [tilespmem:s15+$0x0];
	_ =	sdelay $0x2  }
0x287: {  	v50 =	vbroadcast v0, $0x8;
	v51 =	vbroadcast v1, $0x8;
	_ =	sdelay $0x1  }
0x288: {  	v2 =	vmul.f32 v2, v50;
	v3 =	vmul.f32 v3, v51;
	_ =	sdelay $0x1  }
0x289: {  	v2 =	vadd.f32 v3, v2;
	_ =	sdelay $0x1  }
0x28a: {  	[tilespmem:s14+$0x0] =	vst v2;
	v2 =	vld [tilespmem:s14+$0x10]  }
0x28b: {  	v3 =	vld [tilespmem:s15+$0x10];
	_ =	sdelay $0x2  }
0x28c: {  	v52 =	vbroadcast v0, $0x9;
	v53 =	vbroadcast v1, $0x9;
	_ =	sdelay $0x1  }
0x28d: {  	v2 =	vmul.f32 v2, v52;
	v3 =	vmul.f32 v3, v53;
	_ =	sdelay $0x1  }
0x28e: {  	v2 =	vadd.f32 v3, v2;
	_ =	sdelay $0x1  }
0x28f: {  	[tilespmem:s14+$0x10] =	vst v2;
	v2 =	vld [tilespmem:s14+$0x20]  }
0x290: {  	v3 =	vld [tilespmem:s15+$0x20];
	_ =	sdelay $0x2  }
0x291: {  	v54 =	vbroadcast v0, $0xA;
	v55 =	vbroadcast v1, $0xA;
	_ =	sdelay $0x1  }
0x292: {  	v2 =	vmul.f32 v2, v54;
	v3 =	vmul.f32 v3, v55;
	_ =	sdelay $0x1  }
0x293: {  	v2 =	vadd.f32 v3, v2;
	_ =	sdelay $0x1  }
0x294: {  	[tilespmem:s14+$0x20] =	vst v2;
	v2 =	vld [tilespmem:s14+$0x30]  }
0x295: {  	v3 =	vld [tilespmem:s15+$0x30];
	_ =	sdelay $0x2  }
0x296: {  	v56 =	vbroadcast v0, $0xB;
	v57 =	vbroadcast v1, $0xB;
	_ =	sdelay $0x1  }
0x297: {  	v2 =	vmul.f32 v2, v56;
	v3 =	vmul.f32 v3, v57;
	_ =	sdelay $0x1  }
0x298: {  	v2 =	vadd.f32 v3, v2;
	_ =	sdelay $0x1  }
0x299: {  	[tilespmem:s14+$0x30] =	vst v2;
	v2 =	vld [tilespmem:s14+$0x40]  }
0x29a: {  	v3 =	vld [tilespmem:s15+$0x40];
	_ =	sdelay $0x2  }
0x29b: {  	v58 =	vbroadcast v0, $0xC;
	v59 =	vbroadcast v1, $0xC;
	_ =	sdelay $0x1  }
0x29c: {  	v2 =	vmul.f32 v2, v58;
	v3 =	vmul.f32 v3, v59;
	_ =	sdelay $0x1  }
0x29d: {  	v2 =	vadd.f32 v3, v2;
	_ =	sdelay $0x1  }
0x29e: {  	[tilespmem:s14+$0x40] =	vst v2;
	v2 =	vld [tilespmem:s14+$0x50]  }
0x29f: {  	v3 =	vld [tilespmem:s15+$0x50];
	_ =	sdelay $0x2  }
0x2a0: {  	v60 =	vbroadcast v0, $0xD;
	v61 =	vbroadcast v1, $0xD;
	_ =	sdelay $0x1  }
0x2a1: {  	v2 =	vmul.f32 v2, v60;
	v3 =	vmul.f32 v3, v61;
	_ =	sdelay $0x1  }
0x2a2: {  	v2 =	vadd.f32 v3, v2;
	_ =	sdelay $0x1  }
0x2a3: {  	[tilespmem:s14+$0x50] =	vst v2;
	v2 =	vld [tilespmem:s14+$0x60]  }
0x2a4: {  	v3 =	vld [tilespmem:s15+$0x60];
	_ =	sdelay $0x2  }
0x2a5: {  	v62 =	vbroadcast v0, $0xE;
	v63 =	vbroadcast v1, $0xE;
	_ =	sdelay $0x1  }
0x2a6: {  	v2 =	vmul.f32 v2, v62;
	v3 =	vmul.f32 v3, v63;
	_ =	sdelay $0x1  }
0x2a7: {  	v2 =	vadd.f32 v3, v2;
	_ =	sdelay $0x1  }
0x2a8: {  	[tilespmem:s14+$0x60] =	vst v2;
	v2 =	vld [tilespmem:s14+$0x70]  }
0x2a9: {  	v3 =	vld [tilespmem:s15+$0x70];
	_ =	sdelay $0x2  }
0x2aa: {  	v0 =	vbroadcast v0, $0xF;
	v1 =	vbroadcast v1, $0xF;
	_ =	sdelay $0x1  }
0x2ab: {  	v0 =	vmul.f32 v2, v0;
	v1 =	vmul.f32 v3, v1;
	_ =	sdelay $0x1  }
0x2ac: {  	s17 =	simm.s32 $0x1D480;
	s16 =	simm.s32 $0x40;
	v0 =	vadd.f32 v1, v0  }
.LBB2_28:
0x2ad: {  	p1 =	sne.s32 s16, $0x340;
	s14 =	sadd.s32 $0x100, s14;
	s15 =	sadd.s32 $0x100, s15  }
0x2ae: {  	s20 =	sshra.s32 s16, $0x2;
	s16 =	sadd.s32 $0x40, s16;
	v1 =	vld [tilespmem:s14+$0xFFFFFF80];
	[tilespmem:s17+$0x70] =	vst v0;
	s17 =	smov.u32 s14  }
0x2af: {  	v9 =	vld [tilespmem:s20+$0x1F000]  }
0x2b0: {  	v0 =	vld [tilespmem:s20+$0x1F0E0]  }
0x2b1: {  	v2 =	vld [tilespmem:s15+$0xFFFFFF80];
	_ =	sdelay $0x2  }
0x2b2: {  	v3 =	vbroadcast v9, $0x0;
	v10 =	vbroadcast v9, $0x1  }
0x2b3: {  	v11 =	vbroadcast v9, $0x2;
	v4 =	vbroadcast v0, $0x0  }
0x2b4: {  	v12 =	vbroadcast v9, $0x3;
	v1 =	vmul.f32 v1, v3  }
0x2b5: {  	v13 =	vbroadcast v9, $0x4;
	v2 =	vmul.f32 v2, v4  }
0x2b6: {  	v14 =	vbroadcast v9, $0x5;
	v15 =	vbroadcast v9, $0x6  }
0x2b7: {  	v16 =	vbroadcast v9, $0x7;
	v8 =	vbroadcast v9, $0x8;
	v1 =	vadd.f32 v2, v1  }
0x2b8: {  	v7 =	vbroadcast v9, $0x9;
	v6 =	vbroadcast v9, $0xA  }
0x2b9: {  	v5 =	vbroadcast v9, $0xB;
	v4 =	vbroadcast v9, $0xC;
	[tilespmem:s14+$0xFFFFFF80] =	vst v1;
	v17 =	vld [tilespmem:s14+$0xFFFFFF90]  }
0x2ba: {  	v3 =	vbroadcast v9, $0xD;
	v2 =	vbroadcast v9, $0xE;
	v18 =	vld [tilespmem:s15+$0xFFFFFF90]  }
0x2bb: {  	v1 =	vbroadcast v9, $0xF  }
0x2bc: {  	v9 =	vbroadcast v0, $0x1;
	_ =	sdelay $0x1  }
0x2bd: {  	v10 =	vmul.f32 v17, v10  }
0x2be: {  	v9 =	vmul.f32 v18, v9;
	_ =	sdelay $0x1  }
0x2bf: {  	v9 =	vadd.f32 v9, v10;
	_ =	sdelay $0x1  }
0x2c0: {  	[tilespmem:s14+$0xFFFFFF90] =	vst v9;
	v9 =	vld [tilespmem:s14+$0xFFFFFFA0]  }
0x2c1: {  	v10 =	vld [tilespmem:s15+$0xFFFFFFA0];
	_ =	sdelay $0x1  }
0x2c2: {  	v17 =	vbroadcast v0, $0x2;
	_ =	sdelay $0x1  }
0x2c3: {  	v9 =	vmul.f32 v9, v11  }
0x2c4: {  	v10 =	vmul.f32 v10, v17;
	_ =	sdelay $0x1  }
0x2c5: {  	v9 =	vadd.f32 v10, v9;
	_ =	sdelay $0x1  }
0x2c6: {  	[tilespmem:s14+$0xFFFFFFA0] =	vst v9;
	v9 =	vld [tilespmem:s14+$0xFFFFFFB0]  }
0x2c7: {  	v10 =	vld [tilespmem:s15+$0xFFFFFFB0];
	_ =	sdelay $0x1  }
0x2c8: {  	v11 =	vbroadcast v0, $0x3;
	_ =	sdelay $0x1  }
0x2c9: {  	v9 =	vmul.f32 v9, v12  }
0x2ca: {  	v10 =	vmul.f32 v10, v11;
	_ =	sdelay $0x1  }
0x2cb: {  	v9 =	vadd.f32 v10, v9;
	_ =	sdelay $0x1  }
0x2cc: {  	[tilespmem:s14+$0xFFFFFFB0] =	vst v9;
	v9 =	vld [tilespmem:s14+$0xFFFFFFC0]  }
0x2cd: {  	v10 =	vld [tilespmem:s15+$0xFFFFFFC0];
	_ =	sdelay $0x1  }
0x2ce: {  	v11 =	vbroadcast v0, $0x4;
	_ =	sdelay $0x1  }
0x2cf: {  	v9 =	vmul.f32 v9, v13  }
0x2d0: {  	v10 =	vmul.f32 v10, v11;
	_ =	sdelay $0x1  }
0x2d1: {  	v9 =	vadd.f32 v10, v9;
	_ =	sdelay $0x1  }
0x2d2: {  	[tilespmem:s14+$0xFFFFFFC0] =	vst v9;
	v9 =	vld [tilespmem:s14+$0xFFFFFFD0]  }
0x2d3: {  	v10 =	vld [tilespmem:s15+$0xFFFFFFD0];
	_ =	sdelay $0x1  }
0x2d4: {  	v11 =	vbroadcast v0, $0x5;
	_ =	sdelay $0x1  }
0x2d5: {  	v9 =	vmul.f32 v9, v14  }
0x2d6: {  	v10 =	vmul.f32 v10, v11;
	_ =	sdelay $0x1  }
0x2d7: {  	v9 =	vadd.f32 v10, v9;
	_ =	sdelay $0x1  }
0x2d8: {  	[tilespmem:s14+$0xFFFFFFD0] =	vst v9;
	v9 =	vld [tilespmem:s14+$0xFFFFFFE0]  }
0x2d9: {  	v10 =	vld [tilespmem:s15+$0xFFFFFFE0];
	_ =	sdelay $0x1  }
0x2da: {  	v11 =	vbroadcast v0, $0x6;
	_ =	sdelay $0x1  }
0x2db: {  	v9 =	vmul.f32 v9, v15  }
0x2dc: {  	v10 =	vmul.f32 v10, v11;
	_ =	sdelay $0x1  }
0x2dd: {  	v9 =	vadd.f32 v10, v9;
	_ =	sdelay $0x1  }
0x2de: {  	[tilespmem:s14+$0xFFFFFFE0] =	vst v9;
	v9 =	vld [tilespmem:s14+$0xFFFFFFF0]  }
0x2df: {  	v10 =	vld [tilespmem:s15+$0xFFFFFFF0];
	_ =	sdelay $0x1  }
0x2e0: {  	v11 =	vbroadcast v0, $0x7;
	_ =	sdelay $0x1  }
0x2e1: {  	v9 =	vmul.f32 v9, v16  }
0x2e2: {  	v10 =	vmul.f32 v10, v11;
	_ =	sdelay $0x1  }
0x2e3: {  	v9 =	vadd.f32 v10, v9;
	_ =	sdelay $0x1  }
0x2e4: {  	[tilespmem:s14+$0xFFFFFFF0] =	vst v9;
	v9 =	vld [tilespmem:s14+$0x0]  }
0x2e5: {  	v10 =	vld [tilespmem:s15+$0x0];
	_ =	sdelay $0x1  }
0x2e6: {  	v11 =	vbroadcast v0, $0x8;
	_ =	sdelay $0x1  }
0x2e7: {  	v8 =	vmul.f32 v9, v8  }
0x2e8: {  	v9 =	vmul.f32 v10, v11;
	_ =	sdelay $0x1  }
0x2e9: {  	v8 =	vadd.f32 v9, v8;
	_ =	sdelay $0x1  }
0x2ea: {  	[tilespmem:s14+$0x0] =	vst v8;
	v8 =	vld [tilespmem:s14+$0x10]  }
0x2eb: {  	v9 =	vld [tilespmem:s15+$0x10];
	_ =	sdelay $0x1  }
0x2ec: {  	v10 =	vbroadcast v0, $0x9;
	_ =	sdelay $0x1  }
0x2ed: {  	v7 =	vmul.f32 v8, v7  }
0x2ee: {  	v8 =	vmul.f32 v9, v10;
	_ =	sdelay $0x1  }
0x2ef: {  	v7 =	vadd.f32 v8, v7;
	_ =	sdelay $0x1  }
0x2f0: {  	[tilespmem:s14+$0x10] =	vst v7;
	v7 =	vld [tilespmem:s14+$0x20]  }
0x2f1: {  	v8 =	vld [tilespmem:s15+$0x20];
	_ =	sdelay $0x1  }
0x2f2: {  	v9 =	vbroadcast v0, $0xA;
	_ =	sdelay $0x1  }
0x2f3: {  	v6 =	vmul.f32 v7, v6  }
0x2f4: {  	v7 =	vmul.f32 v8, v9;
	_ =	sdelay $0x1  }
0x2f5: {  	v6 =	vadd.f32 v7, v6;
	_ =	sdelay $0x1  }
0x2f6: {  	[tilespmem:s14+$0x20] =	vst v6;
	v6 =	vld [tilespmem:s14+$0x30]  }
0x2f7: {  	v7 =	vld [tilespmem:s15+$0x30];
	_ =	sdelay $0x1  }
0x2f8: {  	v8 =	vbroadcast v0, $0xB;
	_ =	sdelay $0x1  }
0x2f9: {  	v5 =	vmul.f32 v6, v5  }
0x2fa: {  	v6 =	vmul.f32 v7, v8;
	_ =	sdelay $0x1  }
0x2fb: {  	v5 =	vadd.f32 v6, v5;
	_ =	sdelay $0x1  }
0x2fc: {  	[tilespmem:s14+$0x30] =	vst v5;
	v5 =	vld [tilespmem:s14+$0x40]  }
0x2fd: {  	v6 =	vld [tilespmem:s15+$0x40];
	_ =	sdelay $0x1  }
0x2fe: {  	v7 =	vbroadcast v0, $0xC;
	_ =	sdelay $0x1  }
0x2ff: {  	v4 =	vmul.f32 v5, v4  }
0x300: {  	v5 =	vmul.f32 v6, v7;
	_ =	sdelay $0x1  }
0x301: {  	v4 =	vadd.f32 v5, v4;
	_ =	sdelay $0x1  }
0x302: {  	[tilespmem:s14+$0x40] =	vst v4;
	v4 =	vld [tilespmem:s14+$0x50]  }
0x303: {  	v5 =	vld [tilespmem:s15+$0x50];
	_ =	sdelay $0x1  }
0x304: {  	v6 =	vbroadcast v0, $0xD;
	_ =	sdelay $0x1  }
0x305: {  	v3 =	vmul.f32 v4, v3  }
0x306: {  	v4 =	vmul.f32 v5, v6;
	_ =	sdelay $0x1  }
0x307: {  	v3 =	vadd.f32 v4, v3;
	_ =	sdelay $0x1  }
0x308: {  	[tilespmem:s14+$0x50] =	vst v3;
	v3 =	vld [tilespmem:s14+$0x60]  }
0x309: {  	v4 =	vld [tilespmem:s15+$0x60];
	_ =	sdelay $0x1  }
0x30a: {  	v5 =	vbroadcast v0, $0xE;
	_ =	sdelay $0x1  }
0x30b: {  	v2 =	vmul.f32 v3, v2  }
0x30c: {  	v3 =	vmul.f32 v4, v5;
	_ =	sdelay $0x1  }
0x30d: {  	v2 =	vadd.f32 v3, v2;
	_ =	sdelay $0x1  }
0x30e: {  	[tilespmem:s14+$0x60] =	vst v2;
	v2 =	vld [tilespmem:s14+$0x70]  }
0x30f: {  	v3 =	vld [tilespmem:s15+$0x70];
	_ =	sdelay $0x1  }
0x310: {  	v0 =	vbroadcast v0, $0xF  }
.Ltmp12:
0x311: {  	(pc) =	sbr.rel @p1 .LBB2_28-.Ltmp12, $3  }
0x312: {  	v1 =	vmul.f32 v2, v1  }
0x313: {  	v0 =	vmul.f32 v3, v0;
	_ =	sdelay $0x1  }
0x314: {  	v0 =	vadd.f32 v0, v1  }
0x315: {  	s9 =	sadd.s32 $0x1, s9  }
0x316: {  	p1 =	sne.s32 s9, $0x1C  }
.Ltmp13:
0x317: {  	s12 =	sadd.s32 s11, s12;
	[tilespmem:s17+$0x70] =	vst v0;
	(pc) =	sbr.rel @p1 .LBB2_27-.Ltmp13, $4  }
0x318: {  	[hbm4b:s12+s2] =	stream.linear.scatter [tilespmem:s22], [sflag:$0x3], $0xE00, $0x38;
	[tilespmem:$0x1F1C0] =	vst v63  }
0x319: {  	_ =	swait.ge [sflag:s23], $0xE00  }
0x31a: {  	[sflag:s23] =	ssyncset.done $0x0  }
0x31b: {  	[sflag:s23] =	ssyncadd.s32 $0xFFFFF200  }
.Ltmp14:
0x31c: {  	(pc) =	sbr.rel @p0 .LBB2_22-.Ltmp14, $3  }
0x31d: {  	_ =	sdelay $0x1  }
0x31e: {  	[bflag:$0x0] =	sbarrier.arrive $0xFFFF  }
0x31f: {  	s12 =	simm.s32 $0x1;
	p1 =	por $0x0, $0x0  }
0x320: {  	s12 =	rddreg [dreg:$0xd]  }
0x321: {  	s9 =	rddreg [dreg:$0xa];
	s12 =	sadd.s32 $0x1, s12  }
0x322: {  	p0 =	sne.s32 s12, s9  }
.Ltmp15:
0x323: {  	_ = 	snop;
	(pc) =	sbr.rel @p0 .LBB2_1-.Ltmp15, $1  }
0x324: {  	_ =	sdelay $0x3  }
0x325: {  	_ =	sfence.sel $0x180000  }
0x326: {  	[bflag:$0x0] =	sbarrier.arrive $0xFFFF  }
0x327: {  	_ =	strace $0x9000004A  }
0x328: {  	s0 =	stileid.u32;
	[bflag:$0x2] =	sbarrier.arrive $0xFFFF  }
0x329: {  	p0 =	sne.s32 s0, $0x0;
	s0 =	rddreg [dreg:$0x3]  }
0x32a: {  	s0 =	sadd.s32 @!p0 $0x100000, s0  }
0x32b: {  	[sflag:s0] =	ssyncadd.tile.s32 @!p0 $0x1;
	_ =	shalt  }
.Lfunc_end2:
_tile_overlayer_lowered:
.L_overlay_start_2:
0x32c: {  	(tag) =	ssettag $0x2  }
0x32d: {  	s0 =	rddreg [dreg:$0x0];
	s2 =	stileid.u32  }
0x32e: {  	s1 =	rddreg [dreg:$0x1];
	p0 =	sne.s32 s2, $0x0  }
0x32f: {  	s3 =	rddreg [dreg:$0x2];
	[bflag:$0x3] =	sbarrier.arrive $0xFFFF;
	s2 =	simm.s32 @!p0 $0x1C03  }
0x330: {  	[timem:s3], [sflag:s2] =	dma.local @!p0 [hbm:s0], s1  }
0x331: {  	s0 =	simm.s32 @!p0 $0x3  }
0x332: {  	_ =	swait.ge @!p0 [sflag:s0], s1  }
0x333: {  	s1 =	ssub.s32 @!p0 $0x0, s1;
	[sflag:s0] =	ssyncset.done @!p0 $0x0  }
0x334: {  	[sflag:s0] =	ssyncadd.s32 @!p0 s1  }
0x335: {  	[bflag:$0x3] =	sbarrier.arrive $0xFFFF  }
0x336: {  	_ =	shalt  }

</sc_bundles>
